<compile_context>
chip_gen: v7x
topology: tpu7x:2x2x1
jax: 0.10.2.dev20260603
libtpu: 0.0.44.dev20260713+nightly
codegen_flags: <defaults>
</compile_context>

<pallas_src>
import functools

import jax
import jax.numpy as jnp
from jax import lax
from jax.experimental import pallas as pl
from jax.experimental.pallas import tpu as pltpu
from jax.experimental.pallas import tpu_sc as plsc

Q = 1024
D = 256
K = 65536
TK = 32
CH = 128
NCH = K // CH
BN = 1024
CPB = BN // CH
GRID = K // BN
CAP = 128
NEG = -3.0e38
SLICES = (512, 512)



def _k1a_body(x_ref, c_ref, sims_ref, m3_ref):
    s = lax.dot_general(
        x_ref[...], c_ref[...], (((1,), (1,)), ((), ())),
        preferred_element_type=jnp.float32,
    )
    cms = []
    for c in range(CPB):
        sc_ = s[:, c * CH:(c + 1) * CH]
        sims_ref[:, c, :] = sc_
        cms.append(jnp.max(sc_, axis=1, keepdims=True))
    m3_ref[0] = jnp.concatenate(cms, axis=1)


def _k1a(x, centers):
    q = x.shape[0]
    return pl.pallas_call(
        _k1a_body,
        grid=(GRID,),
        in_specs=[
            pl.BlockSpec((q, D), lambda i: (0, 0)),
            pl.BlockSpec((BN, D), lambda i: (i, 0)),
        ],
        out_specs=[
            pl.BlockSpec((q, CPB, CH), lambda i: (0, i, 0)),
            pl.BlockSpec((1, q, CPB), lambda i: (i, 0, 0)),
        ],
        out_shape=[
            jax.ShapeDtypeStruct((q, NCH, CH), jnp.float32),
            jax.ShapeDtypeStruct((GRID, q, CPB), jnp.float32),
        ],
    )(x, centers)




def _k1c_body(q, m_ref, cids_ref, vals_ref, ms_ref):
    ms_ref[...] = m_ref[...]
    lane = lax.broadcasted_iota(jnp.int32, (q, NCH), 1)
    col = lax.broadcasted_iota(jnp.int32, (q, TK), 1)

    def body(t, carry):
        cv, vv = carry
        m = ms_ref[...]
        mx = jnp.max(m, axis=1, keepdims=True)
        arg = jnp.min(jnp.where(m == mx, lane, NCH), axis=1, keepdims=True)
        cv = jnp.where(col == t, arg, cv)
        vv = jnp.where(col == t, mx, vv)
        ms_ref[...] = jnp.where(lane == arg, NEG, m)
        return cv, vv

    cv0 = jnp.zeros((q, TK), jnp.int32)
    vv0 = jnp.zeros((q, TK), jnp.float32)
    cv, vv = lax.fori_loop(0, TK, body, (cv0, vv0))
    cids_ref[...] = cv
    vals_ref[...] = vv


def _k1c(m):
    q = m.shape[0]
    return pl.pallas_call(
        functools.partial(_k1c_body, q),
        out_shape=[
            jax.ShapeDtypeStruct((q, TK), jnp.int32),
            jax.ShapeDtypeStruct((q, TK), jnp.float32),
        ],
        scratch_shapes=[pltpu.VMEM((q, NCH), jnp.float32)],
    )(m)



NC = 2
NS = 16
NW = NC * NS
NVB = CAP // 16


def _splat(v):
    return jnp.full((16,), v, jnp.int32)


def _k2_body(rpw, sims_ref, cids_ref, vals_ref, cent_ref, x_ref, out_ref,
             cids_v, vals_v, gidxa_v, gidxb_v, chunka_v, chunkb_v,
             bufv_v, bufp_v, tmpv_v, tmpp_v, winv_v, winp_v, winw_v,
             jidx_v, cbuf_v, xbuf_v, obuf_v, sema, semb, semc):
    wid = lax.axis_index("s") * NC + lax.axis_index("c")
    base = wid * rpw
    pltpu.sync_copy(cids_ref.at[pl.ds(base, rpw)], cids_v)
    pltpu.sync_copy(vals_ref.at[pl.ds(base, rpw)], vals_v)
    pltpu.sync_copy(x_ref.at[pl.ds(base, rpw)], xbuf_v)

    iota = lax.iota(jnp.int32, 16)
    lane0 = iota == 0

    def stage_gather(r, gidx_ref):
        rr = jnp.minimum(r, rpw - 1)
        rs = _splat(rr)
        off = _splat((base + rr) * NCH)
        gidx_ref[pl.ds(0, 16)] = plsc.load_gather(cids_v, [rs, iota]) + off
        gidx_ref[pl.ds(16, 16)] = plsc.load_gather(cids_v, [rs, iota + 16]) + off

    def process_row(r, chunk_ref):
        rs = _splat(r)
        t_spl = plsc.load_gather(vals_v, [rs, _splat(TK - 1)])
        m_spl = plsc.load_gather(vals_v, [rs, _splat(0)])

        for j in range(NVB):
            bufv_v[pl.ds(16 * j, 16)] = jnp.full((16,), NEG, jnp.float32)

        def filt_body(c, off):
            cs_ = _splat(c)
            for p in range(CH // 16):
                v = plsc.load_gather(chunk_ref, [cs_, iota + 16 * p])
                msk = v >= t_spl
                cs = plsc.cumsum(jnp.where(msk, 1, 0).astype(jnp.int32))
                pos = off + cs - 1
                ok = msk & (pos < CAP)
                gpos = cs_ * CH + (iota + 16 * p)
                plsc.store_scatter(bufv_v, [pos], v, mask=ok)
                plsc.store_scatter(bufp_v, [pos], gpos, mask=ok)
                off = off + plsc.all_reduce_population_count(msk)
            return off

        offf = lax.fori_loop(0, TK, filt_body, _splat(0))
        surv = jnp.minimum(lax.reduce_max(offf, (0,)), CAP)
        nv = (surv + 15) // 16

        def ext_body(t, _):
            def tb(j, carry):
                val, pay = carry
                jj = j * 16 + iota
                v = plsc.load_gather(bufv_v, [jj])
                p = plsc.load_gather(bufp_v, [jj])
                better = v > val
                val = jnp.where(better, v, val)
                pay = jnp.where(better, jj * 4096 + p, pay)
                return val, pay

            val0 = jnp.full((16,), NEG, jnp.float32)
            val, pay = lax.fori_loop(0, nv, tb, (val0, _splat(0)))
            sv, sp = plsc.sort_key_val(val, pay, descending=True)
            tmpv_v[pl.ds(0, 16)] = sv
            tmpp_v[pl.ds(0, 16)] = sp
            mxv = plsc.load_gather(tmpv_v, [_splat(0)])
            mxp = plsc.load_gather(tmpp_v, [_splat(0)])
            slot = lax.shift_right_logical(mxp, 12)
            gpos = mxp & 4095
            ts = _splat(t)
            plsc.store_scatter(winv_v, [ts], mxv, mask=lane0)
            plsc.store_scatter(winp_v, [ts], gpos, mask=lane0)
            plsc.store_scatter(bufv_v, [slot], jnp.full((16,), NEG, jnp.float32),
                               mask=lane0)
            return 0

        lax.fori_loop(0, TK, ext_body, 0)

        wv0 = jnp.exp(winv_v[pl.ds(0, 16)] - m_spl)
        wv1 = jnp.exp(winv_v[pl.ds(16, 16)] - m_spl)
        csum = plsc.cumsum(wv0 + wv1)
        tmpv_v[pl.ds(0, 16)] = csum
        ssum = plsc.load_gather(tmpv_v, [_splat(15)])
        scale = jnp.full((16,), 0.5, jnp.float32) / ssum
        winw_v[pl.ds(0, 16)] = wv0 * scale
        winw_v[pl.ds(16, 16)] = wv1 * scale

        for h in range(2):
            gp = winp_v[pl.ds(16 * h, 16)]
            cid = plsc.load_gather(cids_v, [rs, lax.shift_right_logical(gp, 7)])
            jidx_v[pl.ds(16 * h, 16)] = cid * CH + (gp & (CH - 1))
        pltpu.async_copy(cent_ref.at[jidx_v], cbuf_v, semc).wait()

        acc = [plsc.load_gather(xbuf_v, [rs, iota + 16 * d])
               for d in range(D // 16)]

        def acc_body(t, acc):
            ts16 = _splat(t)
            wt = plsc.load_gather(winw_v, [ts16])
            new = []
            for d in range(D // 16):
                c = plsc.load_gather(cbuf_v, [ts16, iota + 16 * d])
                new.append(acc[d] + wt * c)
            return tuple(new)

        acc = lax.fori_loop(0, TK, acc_body, tuple(acc))
        for d in range(D // 16):
            plsc.store_scatter(obuf_v, [rs, iota + 16 * d], acc[d])

    stage_gather(0, gidxa_v)
    pltpu.async_copy(sims_ref.at[gidxa_v], chunka_v, sema)

    def pair_body(i, _):
        r0 = 2 * i
        stage_gather(r0 + 1, gidxb_v)
        pltpu.async_copy(sims_ref.at[gidxb_v], chunkb_v, semb)
        pltpu.make_async_copy(sims_ref.at[gidxa_v], chunka_v, sema).wait()
        process_row(r0, chunka_v)
        stage_gather(r0 + 2, gidxa_v)
        pltpu.async_copy(sims_ref.at[gidxa_v], chunka_v, sema)
        pltpu.make_async_copy(sims_ref.at[gidxb_v], chunkb_v, semb).wait()
        process_row(r0 + 1, chunkb_v)
        return 0

    lax.fori_loop(0, rpw // 2, pair_body, 0)
    pltpu.make_async_copy(sims_ref.at[gidxa_v], chunka_v, sema).wait()
    pltpu.sync_copy(obuf_v, out_ref.at[pl.ds(base, rpw)])


def _k2(sims2d, cids, vals, centers, x):
    q = x.shape[0]
    rpw = q // NW
    mesh = plsc.VectorSubcoreMesh(core_axis_name="c", subcore_axis_name="s")
    f = functools.partial(
        pl.kernel,
        out_type=jax.ShapeDtypeStruct((q, D), jnp.float32),
        mesh=mesh,
        compiler_params=pltpu.CompilerParams(needs_layout_passes=False),
        scratch_types=[
            pltpu.VMEM((rpw, TK), jnp.int32),
            pltpu.VMEM((rpw, TK), jnp.float32),
            pltpu.VMEM((TK,), jnp.int32),
            pltpu.VMEM((TK,), jnp.int32),
            pltpu.VMEM((TK, CH), jnp.float32),
            pltpu.VMEM((TK, CH), jnp.float32),
            pltpu.VMEM((CAP,), jnp.float32),
            pltpu.VMEM((CAP,), jnp.int32),
            pltpu.VMEM((16,), jnp.float32),
            pltpu.VMEM((16,), jnp.int32),
            pltpu.VMEM((TK,), jnp.float32),
            pltpu.VMEM((TK,), jnp.int32),
            pltpu.VMEM((TK,), jnp.float32),
            pltpu.VMEM((TK,), jnp.int32),
            pltpu.VMEM((TK, D), jnp.float32),
            pltpu.VMEM((rpw, D), jnp.float32),
            pltpu.VMEM((rpw, D), jnp.float32),
            pltpu.SemaphoreType.DMA,
            pltpu.SemaphoreType.DMA,
            pltpu.SemaphoreType.DMA,
        ],
    )(functools.partial(_k2_body, rpw))
    return f(sims2d, cids, vals, centers, x)


def kernel(x, cluster_centers):
    outs = []
    lo = 0
    for qs in SLICES:
        xs = lax.slice_in_dim(x, lo, lo + qs, axis=0)
        lo += qs
        sims3, m3 = _k1a(xs, cluster_centers)
        m = m3.transpose(1, 0, 2).reshape(qs, NCH)
        cids, vals = _k1c(m)
        sims2d = sims3.reshape(qs * NCH, CH)
        outs.append(_k2(sims2d, cids, vals, cluster_centers, xs))
    return jnp.concatenate(outs, axis=0)

# --- scband reference (transcript-rebuilt; emitter-appended) ---
"""Pipeline reference for scband-text-semantic-enrichment-42039139893959 (READ-ONLY COPY).

The authoritative reference and input builder live on the scoring server;
editing this copy changes nothing except your own understanding.
"""

import jax, jax.numpy as jnp
import numpy as np

TOPK = 32
LAMBDA = 0.5


def setup_inputs(seed: int = 0) -> dict:
    key = jax.random.key(seed)
    k1, k2 = jax.random.split(key)
    x = jax.random.normal(k1, (1024, 256), dtype=jnp.float32)
    cluster_centers = jax.random.normal(k2, (65536, 256), dtype=jnp.float32)
    return {"x": x, "cluster_centers": cluster_centers}


def reference(x, cluster_centers):
    # sims[i, j] = <x_i, center_j>
    sims = x @ cluster_centers.T  # [Q, K]
    topk_vals, topk_idx = jax.lax.top_k(sims, TOPK)  # [Q, topk]
    # Gather the top-k cluster centers per query: Ac[i, t, :] = centers[idx[i, t]]
    Ac = jnp.take(cluster_centers, topk_idx, axis=0)  # [Q, topk, d]
    # scores = softmax over re-computed inner products einsum('ijk,ik->ij')
    logits = jnp.einsum('ijk,ik->ij', Ac, x)  # [Q, topk]
    scores = jax.nn.softmax(logits, axis=-1)
    Tc = LAMBDA * jnp.sum(scores[..., None] * Ac, axis=1)  # [Q, d]
    return Tc + x

if __name__ == "__main__":
    import jax
    _d = setup_inputs()
    print(jax.jit(kernel)(*tuple(_d.values())))

</pallas_src>

<mosaic_0001>
#map = affine_map<(d0, d1) -> (0, 0)>
module attributes {stable_mosaic.version = 14 : i64} {
  func.func @_k2_body(%arg0: i32, %arg1: i32, %arg2: memref<262144x128xf32, #tpu.memory_space<hbm>>, %arg3: memref<512x32xi32, #tpu.memory_space<hbm>>, %arg4: memref<512x32xf32, #tpu.memory_space<hbm>>, %arg5: memref<65536x256xf32, #tpu.memory_space<hbm>>, %arg6: memref<512x256xf32, #tpu.memory_space<hbm>>, %arg7: memref<512x256xf32, #tpu.memory_space<hbm>>, %arg8: memref<16x32xi32, #tpu.memory_space<vmem>>, %arg9: memref<16x32xf32, #tpu.memory_space<vmem>>, %arg10: memref<32xi32, #tpu.memory_space<vmem>>, %arg11: memref<32xi32, #tpu.memory_space<vmem>>, %arg12: memref<32x128xf32, #tpu.memory_space<vmem>>, %arg13: memref<32x128xf32, #tpu.memory_space<vmem>>, %arg14: memref<128xf32, #tpu.memory_space<vmem>>, %arg15: memref<128xi32, #tpu.memory_space<vmem>>, %arg16: memref<16xf32, #tpu.memory_space<vmem>>, %arg17: memref<16xi32, #tpu.memory_space<vmem>>, %arg18: memref<32xf32, #tpu.memory_space<vmem>>, %arg19: memref<32xi32, #tpu.memory_space<vmem>>, %arg20: memref<32xf32, #tpu.memory_space<vmem>>, %arg21: memref<32xi32, #tpu.memory_space<vmem>>, %arg22: memref<32x256xf32, #tpu.memory_space<vmem>>, %arg23: memref<16x256xf32, #tpu.memory_space<vmem>>, %arg24: memref<16x256xf32, #tpu.memory_space<vmem>>, %arg25: memref<!tpu.dma_semaphore, #tpu.memory_space<semaphore_mem>>, %arg26: memref<!tpu.dma_semaphore, #tpu.memory_space<semaphore_mem>>, %arg27: memref<!tpu.dma_semaphore, #tpu.memory_space<semaphore_mem>>) attributes {dimension_semantics = [#tpu.dimension_semantics<core_parallel>, #tpu.dimension_semantics<subcore_parallel>], iteration_bounds = array<i64: 2, 16>, scalar_prefetch = 0 : i64, scratch_operands = 20 : i64, tpu.core_type = #tpu.core_type<sc_vector_subcore>, window_params = [{transform_indices = #map}, {transform_indices = #map}, {transform_indices = #map}, {transform_indices = #map}, {transform_indices = #map}, {transform_indices = #map}]} {
    %mul3A = arith.constant 2 : i32
    %mul3A_0 = arith.muli %arg1, %mul3A : i32
    %add3A = arith.addi %mul3A_0, %arg0 : i32
    %mul3A_1 = arith.constant 16 : i32
    %mul3A_2 = arith.muli %add3A, %mul3A_1 : i32
    "tpu.region"() ({
      %run_scoped3A = tpu.sem_alloc : memref<!tpu.dma_semaphore, #tpu.memory_space<semaphore_mem>>
      %dma_start3A_30 = arith.constant 0 : i32
      %dma_start3A_31 = tpu.memref_slice %arg3[%mul3A_2, %dma_start3A_30] : memref<512x32xi32, #tpu.memory_space<hbm>> -> memref<16x32xi32, #tpu.memory_space<hbm>>
      %dma_start3A_32 = arith.constant 0 : i32
      %dma_start3A_33 = tpu.memref_slice %arg3[%mul3A_2, %dma_start3A_32] : memref<512x32xi32, #tpu.memory_space<hbm>> -> memref<16x32xi32, #tpu.memory_space<hbm>>
      tpu.enqueue_dma source(%dma_start3A_33 : memref<16x32xi32, #tpu.memory_space<hbm>>) target(%arg8 : memref<16x32xi32, #tpu.memory_space<vmem>>) target_semaphore(%run_scoped3A : memref<!tpu.dma_semaphore, #tpu.memory_space<semaphore_mem>>)
      %dma_wait3A_34 = arith.constant 0 : i32
      %dma_wait3A_35 = tpu.memref_slice %arg3[%mul3A_2, %dma_wait3A_34] : memref<512x32xi32, #tpu.memory_space<hbm>> -> memref<16x32xi32, #tpu.memory_space<hbm>>
      %dma_wait3A_36 = arith.constant 0 : i32
      %dma_wait3A_37 = tpu.memref_slice %arg3[%mul3A_2, %dma_wait3A_36] : memref<512x32xi32, #tpu.memory_space<hbm>> -> memref<16x32xi32, #tpu.memory_space<hbm>>
      tpu.wait_dma2 semaphore(%run_scoped3A : memref<!tpu.dma_semaphore, #tpu.memory_space<semaphore_mem>>) src(%dma_wait3A_37 : memref<16x32xi32, #tpu.memory_space<hbm>>) dst(%arg8 : memref<16x32xi32, #tpu.memory_space<vmem>>)
      tpu.yield
    }) : () -> ()
    "tpu.region"() ({
      %run_scoped3A = tpu.sem_alloc : memref<!tpu.dma_semaphore, #tpu.memory_space<semaphore_mem>>
      %dma_start3A_30 = arith.constant 0 : i32
      %dma_start3A_31 = tpu.memref_slice %arg4[%mul3A_2, %dma_start3A_30] : memref<512x32xf32, #tpu.memory_space<hbm>> -> memref<16x32xf32, #tpu.memory_space<hbm>>
      %dma_start3A_32 = arith.constant 0 : i32
      %dma_start3A_33 = tpu.memref_slice %arg4[%mul3A_2, %dma_start3A_32] : memref<512x32xf32, #tpu.memory_space<hbm>> -> memref<16x32xf32, #tpu.memory_space<hbm>>
      tpu.enqueue_dma source(%dma_start3A_33 : memref<16x32xf32, #tpu.memory_space<hbm>>) target(%arg9 : memref<16x32xf32, #tpu.memory_space<vmem>>) target_semaphore(%run_scoped3A : memref<!tpu.dma_semaphore, #tpu.memory_space<semaphore_mem>>)
      %dma_wait3A_34 = arith.constant 0 : i32
      %dma_wait3A_35 = tpu.memref_slice %arg4[%mul3A_2, %dma_wait3A_34] : memref<512x32xf32, #tpu.memory_space<hbm>> -> memref<16x32xf32, #tpu.memory_space<hbm>>
      %dma_wait3A_36 = arith.constant 0 : i32
      %dma_wait3A_37 = tpu.memref_slice %arg4[%mul3A_2, %dma_wait3A_36] : memref<512x32xf32, #tpu.memory_space<hbm>> -> memref<16x32xf32, #tpu.memory_space<hbm>>
      tpu.wait_dma2 semaphore(%run_scoped3A : memref<!tpu.dma_semaphore, #tpu.memory_space<semaphore_mem>>) src(%dma_wait3A_37 : memref<16x32xf32, #tpu.memory_space<hbm>>) dst(%arg9 : memref<16x32xf32, #tpu.memory_space<vmem>>)
      tpu.yield
    }) : () -> ()
    "tpu.region"() ({
      %run_scoped3A = tpu.sem_alloc : memref<!tpu.dma_semaphore, #tpu.memory_space<semaphore_mem>>
      %dma_start3A_30 = arith.constant 0 : i32
      %dma_start3A_31 = tpu.memref_slice %arg6[%mul3A_2, %dma_start3A_30] : memref<512x256xf32, #tpu.memory_space<hbm>> -> memref<16x256xf32, #tpu.memory_space<hbm>>
      %dma_start3A_32 = arith.constant 0 : i32
      %dma_start3A_33 = tpu.memref_slice %arg6[%mul3A_2, %dma_start3A_32] : memref<512x256xf32, #tpu.memory_space<hbm>> -> memref<16x256xf32, #tpu.memory_space<hbm>>
      tpu.enqueue_dma source(%dma_start3A_33 : memref<16x256xf32, #tpu.memory_space<hbm>>) target(%arg23 : memref<16x256xf32, #tpu.memory_space<vmem>>) target_semaphore(%run_scoped3A : memref<!tpu.dma_semaphore, #tpu.memory_space<semaphore_mem>>)
      %dma_wait3A_34 = arith.constant 0 : i32
      %dma_wait3A_35 = tpu.memref_slice %arg6[%mul3A_2, %dma_wait3A_34] : memref<512x256xf32, #tpu.memory_space<hbm>> -> memref<16x256xf32, #tpu.memory_space<hbm>>
      %dma_wait3A_36 = arith.constant 0 : i32
      %dma_wait3A_37 = tpu.memref_slice %arg6[%mul3A_2, %dma_wait3A_36] : memref<512x256xf32, #tpu.memory_space<hbm>> -> memref<16x256xf32, #tpu.memory_space<hbm>>
      tpu.wait_dma2 semaphore(%run_scoped3A : memref<!tpu.dma_semaphore, #tpu.memory_space<semaphore_mem>>) src(%dma_wait3A_37 : memref<16x256xf32, #tpu.memory_space<hbm>>) dst(%arg23 : memref<16x256xf32, #tpu.memory_space<vmem>>)
      tpu.yield
    }) : () -> ()
    %iota3A = tpu.iota {dimensions = array<i32: 0>} : vector<16xi32>
    %eq3A = arith.constant 0 : i32
    %eq3A_3 = vector.broadcast %eq3A : i32 to vector<16xi32>
    %eq3A_4 = arith.cmpi eq, %iota3A, %eq3A_3 : vector<16xi32>
    %min3A = arith.constant 0 : i32
    %min3A_5 = arith.constant 15 : i32
    %min3A_6 = arith.minsi %min3A, %min3A_5 : i32
    %broadcast_in_dim3A = vector.broadcast %min3A_6 : i32 to vector<16xi32>
    %add3A_7 = arith.addi %mul3A_2, %min3A_6 : i32
    %mul3A_8 = arith.constant 512 : i32
    %mul3A_9 = arith.muli %add3A_7, %mul3A_8 : i32
    %broadcast_in_dim3A_10 = vector.broadcast %mul3A_9 : i32 to vector<16xi32>
    %gather3A = tpu.vector_load_idx %arg8[%broadcast_in_dim3A, %iota3A] : memref<16x32xi32, #tpu.memory_space<vmem>>[vector<16xi32>, vector<16xi32>], vector<16xi32>,
    %add3A_11 = arith.addi %gather3A, %broadcast_in_dim3A_10 : vector<16xi32>
    %swap3A = arith.constant 0 : index
    %swap3A_12 = tpu.vector_load %arg10[%swap3A] {strides = array<i32>} : memref<32xi32, #tpu.memory_space<vmem>>, vector<16xi32>,
    tpu.vector_store %arg10[%swap3A], %add3A_11 {strides = array<i32>} : memref<32xi32, #tpu.memory_space<vmem>>, vector<16xi32>,
    %add3A_13 = arith.constant 16 : i32
    %add3A_14 = vector.broadcast %add3A_13 : i32 to vector<16xi32>
    %add3A_15 = arith.addi %iota3A, %add3A_14 : vector<16xi32>
    %gather3A_16 = tpu.vector_load_idx %arg8[%broadcast_in_dim3A, %add3A_15] : memref<16x32xi32, #tpu.memory_space<vmem>>[vector<16xi32>, vector<16xi32>], vector<16xi32>,
    %add3A_17 = arith.addi %gather3A_16, %broadcast_in_dim3A_10 : vector<16xi32>
    %swap3A_18 = arith.constant 16 : index
    %swap3A_19 = tpu.vector_load %arg10[%swap3A_18] {strides = array<i32>} : memref<32xi32, #tpu.memory_space<vmem>>, vector<16xi32>,
    tpu.vector_store %arg10[%swap3A_18], %add3A_17 {strides = array<i32>} : memref<32xi32, #tpu.memory_space<vmem>>, vector<16xi32>,
    %dma_start3A = arith.constant 0 : i32
    %dma_start3A_20 = arith.constant 0 : i32
    %dma_start3A_21 = tpu.memref_slice %arg2[%dma_start3A, %dma_start3A_20] : memref<262144x128xf32, #tpu.memory_space<hbm>> -> memref<262144x128xf32, #tpu.memory_space<hbm>>
    tpu.enqueue_indirect_dma source(%dma_start3A_21 : memref<262144x128xf32, #tpu.memory_space<hbm>>) target(%arg12 : memref<32x128xf32, #tpu.memory_space<vmem>>) offsets(%arg10 : memref<32xi32, #tpu.memory_space<vmem>>) semaphore(%arg25 : memref<!tpu.dma_semaphore, #tpu.memory_space<semaphore_mem>>)
    %scan3A = arith.constant 0 : i32
    %scan3A_22 = arith.constant 0 : i32
    %scan3A_23 = arith.constant 8 : i32
    %scan3A_24 = arith.addi %scan3A_22, %scan3A_23 : i32
    %scan3A_25 = arith.constant 1 : i32
    %scan3A_26 = scf.for %scan3A_30 = %scan3A_22 to %scan3A_24 step %scan3A_25 iter_args(%scan3A_31 = %scan3A) -> (i32)  : i32 {
      %mul3A_32 = arith.constant 2 : i32
      %mul3A_33 = arith.muli %mul3A_32, %scan3A_30 : i32
      %add3A_34 = arith.constant 1 : i32
      %add3A_35 = arith.addi %mul3A_33, %add3A_34 : i32
      %min3A_36 = arith.constant 15 : i32
      %min3A_37 = arith.minsi %add3A_35, %min3A_36 : i32
      %broadcast_in_dim3A_38 = vector.broadcast %min3A_37 : i32 to vector<16xi32>
      %add3A_39 = arith.addi %mul3A_2, %min3A_37 : i32
      %mul3A_40 = arith.constant 512 : i32
      %mul3A_41 = arith.muli %add3A_39, %mul3A_40 : i32
      %broadcast_in_dim3A_42 = vector.broadcast %mul3A_41 : i32 to vector<16xi32>
      %gather3A_43 = tpu.vector_load_idx %arg8[%broadcast_in_dim3A_38, %iota3A] : memref<16x32xi32, #tpu.memory_space<vmem>>[vector<16xi32>, vector<16xi32>], vector<16xi32>,
      %add3A_44 = arith.addi %gather3A_43, %broadcast_in_dim3A_42 : vector<16xi32>
      %swap3A_45 = arith.constant 0 : index
      %swap3A_46 = tpu.vector_load %arg11[%swap3A_45] {strides = array<i32>} : memref<32xi32, #tpu.memory_space<vmem>>, vector<16xi32>,
      tpu.vector_store %arg11[%swap3A_45], %add3A_44 {strides = array<i32>} : memref<32xi32, #tpu.memory_space<vmem>>, vector<16xi32>,
      %add3A_47 = arith.constant 16 : i32
      %add3A_48 = vector.broadcast %add3A_47 : i32 to vector<16xi32>
      %add3A_49 = arith.addi %iota3A, %add3A_48 : vector<16xi32>
      %gather3A_50 = tpu.vector_load_idx %arg8[%broadcast_in_dim3A_38, %add3A_49] : memref<16x32xi32, #tpu.memory_space<vmem>>[vector<16xi32>, vector<16xi32>], vector<16xi32>,
      %add3A_51 = arith.addi %gather3A_50, %broadcast_in_dim3A_42 : vector<16xi32>
      %swap3A_52 = arith.constant 16 : index
      %swap3A_53 = tpu.vector_load %arg11[%swap3A_52] {strides = array<i32>} : memref<32xi32, #tpu.memory_space<vmem>>, vector<16xi32>,
      tpu.vector_store %arg11[%swap3A_52], %add3A_51 {strides = array<i32>} : memref<32xi32, #tpu.memory_space<vmem>>, vector<16xi32>,
      %dma_start3A_54 = arith.constant 0 : i32
      %dma_start3A_55 = arith.constant 0 : i32
      %dma_start3A_56 = tpu.memref_slice %arg2[%dma_start3A_54, %dma_start3A_55] : memref<262144x128xf32, #tpu.memory_space<hbm>> -> memref<262144x128xf32, #tpu.memory_space<hbm>>
      tpu.enqueue_indirect_dma source(%dma_start3A_56 : memref<262144x128xf32, #tpu.memory_space<hbm>>) target(%arg13 : memref<32x128xf32, #tpu.memory_space<vmem>>) offsets(%arg11 : memref<32xi32, #tpu.memory_space<vmem>>) semaphore(%arg26 : memref<!tpu.dma_semaphore, #tpu.memory_space<semaphore_mem>>)
      %dma_wait3A_57 = arith.constant 0 : i32
      %dma_wait3A_58 = arith.constant 0 : i32
      %dma_wait3A_59 = tpu.memref_slice %arg2[%dma_wait3A_57, %dma_wait3A_58] : memref<262144x128xf32, #tpu.memory_space<hbm>> -> memref<262144x128xf32, #tpu.memory_space<hbm>>
      tpu.wait_indirect_dma semaphore(%arg25 : memref<!tpu.dma_semaphore, #tpu.memory_space<semaphore_mem>>) src(%dma_wait3A_59 : memref<262144x128xf32, #tpu.memory_space<hbm>>) dst(%arg12 : memref<32x128xf32, #tpu.memory_space<vmem>>)
      %broadcast_in_dim3A_60 = vector.broadcast %mul3A_33 : i32 to vector<16xi32>
      %broadcast_in_dim3A_61 = arith.constant 31 : i32
      %broadcast_in_dim3A_62 = vector.broadcast %broadcast_in_dim3A_61 : i32 to vector<16xi32>
      %gather3A_63 = tpu.vector_load_idx %arg9[%broadcast_in_dim3A_60, %broadcast_in_dim3A_62] : memref<16x32xf32, #tpu.memory_space<vmem>>[vector<16xi32>, vector<16xi32>], vector<16xf32>,
      %broadcast_in_dim3A_64 = arith.constant 0 : i32
      %broadcast_in_dim3A_65 = vector.broadcast %broadcast_in_dim3A_64 : i32 to vector<16xi32>
      %gather3A_66 = tpu.vector_load_idx %arg9[%broadcast_in_dim3A_60, %broadcast_in_dim3A_65] : memref<16x32xf32, #tpu.memory_space<vmem>>[vector<16xi32>, vector<16xi32>], vector<16xf32>,
      %broadcast_in_dim3A_67 = arith.constant -3.000000e+38 : f32
      %broadcast_in_dim3A_68 = vector.broadcast %broadcast_in_dim3A_67 : f32 to vector<16xf32>
      %swap3A_69 = arith.constant 0 : index
      %swap3A_70 = tpu.vector_load %arg14[%swap3A_69] {strides = array<i32>} : memref<128xf32, #tpu.memory_space<vmem>>, vector<16xf32>,
      tpu.vector_store %arg14[%swap3A_69], %broadcast_in_dim3A_68 {strides = array<i32>} : memref<128xf32, #tpu.memory_space<vmem>>, vector<16xf32>,
      %broadcast_in_dim3A_71 = arith.constant -3.000000e+38 : f32
      %broadcast_in_dim3A_72 = vector.broadcast %broadcast_in_dim3A_71 : f32 to vector<16xf32>
      %swap3A_73 = arith.constant 16 : index
      %swap3A_74 = tpu.vector_load %arg14[%swap3A_73] {strides = array<i32>} : memref<128xf32, #tpu.memory_space<vmem>>, vector<16xf32>,
      tpu.vector_store %arg14[%swap3A_73], %broadcast_in_dim3A_72 {strides = array<i32>} : memref<128xf32, #tpu.memory_space<vmem>>, vector<16xf32>,
      %broadcast_in_dim3A_75 = arith.constant -3.000000e+38 : f32
      %broadcast_in_dim3A_76 = vector.broadcast %broadcast_in_dim3A_75 : f32 to vector<16xf32>
      %swap3A_77 = arith.constant 32 : index
      %swap3A_78 = tpu.vector_load %arg14[%swap3A_77] {strides = array<i32>} : memref<128xf32, #tpu.memory_space<vmem>>, vector<16xf32>,
      tpu.vector_store %arg14[%swap3A_77], %broadcast_in_dim3A_76 {strides = array<i32>} : memref<128xf32, #tpu.memory_space<vmem>>, vector<16xf32>,
      %broadcast_in_dim3A_79 = arith.constant -3.000000e+38 : f32
      %broadcast_in_dim3A_80 = vector.broadcast %broadcast_in_dim3A_79 : f32 to vector<16xf32>
      %swap3A_81 = arith.constant 48 : index
      %swap3A_82 = tpu.vector_load %arg14[%swap3A_81] {strides = array<i32>} : memref<128xf32, #tpu.memory_space<vmem>>, vector<16xf32>,
      tpu.vector_store %arg14[%swap3A_81], %broadcast_in_dim3A_80 {strides = array<i32>} : memref<128xf32, #tpu.memory_space<vmem>>, vector<16xf32>,
      %broadcast_in_dim3A_83 = arith.constant -3.000000e+38 : f32
      %broadcast_in_dim3A_84 = vector.broadcast %broadcast_in_dim3A_83 : f32 to vector<16xf32>
      %swap3A_85 = arith.constant 64 : index
      %swap3A_86 = tpu.vector_load %arg14[%swap3A_85] {strides = array<i32>} : memref<128xf32, #tpu.memory_space<vmem>>, vector<16xf32>,
      tpu.vector_store %arg14[%swap3A_85], %broadcast_in_dim3A_84 {strides = array<i32>} : memref<128xf32, #tpu.memory_space<vmem>>, vector<16xf32>,
      %broadcast_in_dim3A_87 = arith.constant -3.000000e+38 : f32
      %broadcast_in_dim3A_88 = vector.broadcast %broadcast_in_dim3A_87 : f32 to vector<16xf32>
      %swap3A_89 = arith.constant 80 : index
      %swap3A_90 = tpu.vector_load %arg14[%swap3A_89] {strides = array<i32>} : memref<128xf32, #tpu.memory_space<vmem>>, vector<16xf32>,
      tpu.vector_store %arg14[%swap3A_89], %broadcast_in_dim3A_88 {strides = array<i32>} : memref<128xf32, #tpu.memory_space<vmem>>, vector<16xf32>,
      %broadcast_in_dim3A_91 = arith.constant -3.000000e+38 : f32
      %broadcast_in_dim3A_92 = vector.broadcast %broadcast_in_dim3A_91 : f32 to vector<16xf32>
      %swap3A_93 = arith.constant 96 : index
      %swap3A_94 = tpu.vector_load %arg14[%swap3A_93] {strides = array<i32>} : memref<128xf32, #tpu.memory_space<vmem>>, vector<16xf32>,
      tpu.vector_store %arg14[%swap3A_93], %broadcast_in_dim3A_92 {strides = array<i32>} : memref<128xf32, #tpu.memory_space<vmem>>, vector<16xf32>,
      %broadcast_in_dim3A_95 = arith.constant -3.000000e+38 : f32
      %broadcast_in_dim3A_96 = vector.broadcast %broadcast_in_dim3A_95 : f32 to vector<16xf32>
      %swap3A_97 = arith.constant 112 : index
      %swap3A_98 = tpu.vector_load %arg14[%swap3A_97] {strides = array<i32>} : memref<128xf32, #tpu.memory_space<vmem>>, vector<16xf32>,
      tpu.vector_store %arg14[%swap3A_97], %broadcast_in_dim3A_96 {strides = array<i32>} : memref<128xf32, #tpu.memory_space<vmem>>, vector<16xf32>,
      %broadcast_in_dim3A_99 = arith.constant 0 : i32
      %broadcast_in_dim3A_100 = vector.broadcast %broadcast_in_dim3A_99 : i32 to vector<16xi32>
      %scan3A_101 = arith.constant 0 : i32
      %scan3A_102 = arith.constant 32 : i32
      %scan3A_103 = arith.addi %scan3A_101, %scan3A_102 : i32
      %scan3A_104 = arith.constant 1 : i32
      %scan3A_105 = scf.for %scan3A_616 = %scan3A_101 to %scan3A_103 step %scan3A_104 iter_args(%scan3A_617 = %broadcast_in_dim3A_100) -> (vector<16xi32>)  : i32 {
        %broadcast_in_dim3A_618 = vector.broadcast %scan3A_616 : i32 to vector<16xi32>
        %add3A_619 = arith.constant 0 : i32
        %add3A_620 = vector.broadcast %add3A_619 : i32 to vector<16xi32>
        %add3A_621 = arith.addi %iota3A, %add3A_620 : vector<16xi32>
        %gather3A_622 = tpu.vector_load_idx %arg12[%broadcast_in_dim3A_618, %add3A_621] : memref<32x128xf32, #tpu.memory_space<vmem>>[vector<16xi32>, vector<16xi32>], vector<16xf32>,
        %ge3A = arith.cmpf oge, %gather3A_622, %gather3A_63 : vector<16xf32>
        %jit3A_623 = arith.constant 1 : i32
        %jit3A_624 = arith.constant 0 : i32
        %broadcast_in_dim3A_625 = vector.broadcast %jit3A_623 : i32 to vector<16xi32>
        %broadcast_in_dim3A_626 = vector.broadcast %jit3A_624 : i32 to vector<16xi32>
        %select_n3A_627 = arith.select %ge3A, %broadcast_in_dim3A_625, %broadcast_in_dim3A_626 : vector<16xi1>, vector<16xi32>
        %broadcast_in_dim3A_628 = arith.constant true
        %broadcast_in_dim3A_629 = vector.broadcast %broadcast_in_dim3A_628 : i1 to vector<16xi1>
        %masked_cumsum3A_630 = tpu.scan <sum>, %select_n3A_627 masked %broadcast_in_dim3A_629 : vector<16xi32>, vector<16xi1> -> vector<16xi32>
        %add3A_631 = arith.addi %scan3A_617, %masked_cumsum3A_630 : vector<16xi32>
        %sub3A_632 = arith.constant 1 : i32
        %sub3A_633 = vector.broadcast %sub3A_632 : i32 to vector<16xi32>
        %sub3A_634 = arith.subi %add3A_631, %sub3A_633 : vector<16xi32>
        %lt3A = arith.constant 128 : i32
        %lt3A_635 = vector.broadcast %lt3A : i32 to vector<16xi32>
        %lt3A_636 = arith.cmpi slt, %sub3A_634, %lt3A_635 : vector<16xi32>
        %and3A_637 = arith.andi %ge3A, %lt3A_636 : vector<16xi1>
        %mul3A_638 = arith.constant 128 : i32
        %mul3A_639 = vector.broadcast %mul3A_638 : i32 to vector<16xi32>
        %mul3A_640 = arith.muli %broadcast_in_dim3A_618, %mul3A_639 : vector<16xi32>
        %add3A_641 = arith.constant 0 : i32
        %add3A_642 = vector.broadcast %add3A_641 : i32 to vector<16xi32>
        %add3A_643 = arith.addi %iota3A, %add3A_642 : vector<16xi32>
        %add3A_644 = arith.addi %mul3A_640, %add3A_643 : vector<16xi32>
        tpu.vector_store_idx %arg14[%sub3A_634], %gather3A_622 masked %and3A_637 : memref<128xf32, #tpu.memory_space<vmem>>[vector<16xi32>], vector<16xf32>, vector<16xi1>
        tpu.vector_store_idx %arg15[%sub3A_634], %add3A_644 masked %and3A_637 : memref<128xi32, #tpu.memory_space<vmem>>[vector<16xi32>], vector<16xi32>, vector<16xi1>
        %all_reduce_population_count3A = tpu.all_reduce %ge3A {dim = 0 : i64, kind = #tpu.reduction_kind<sum>} : vector<16xi1> -> vector<16xi32>
        %add3A_645 = arith.addi %scan3A_617, %all_reduce_population_count3A : vector<16xi32>
        %add3A_646 = arith.constant 16 : i32
        %add3A_647 = vector.broadcast %add3A_646 : i32 to vector<16xi32>
        %add3A_648 = arith.addi %iota3A, %add3A_647 : vector<16xi32>
        %gather3A_649 = tpu.vector_load_idx %arg12[%broadcast_in_dim3A_618, %add3A_648] : memref<32x128xf32, #tpu.memory_space<vmem>>[vector<16xi32>, vector<16xi32>], vector<16xf32>,
        %ge3A_650 = arith.cmpf oge, %gather3A_649, %gather3A_63 : vector<16xf32>
        %jit3A_651 = arith.constant 1 : i32
        %jit3A_652 = arith.constant 0 : i32
        %broadcast_in_dim3A_653 = vector.broadcast %jit3A_651 : i32 to vector<16xi32>
        %broadcast_in_dim3A_654 = vector.broadcast %jit3A_652 : i32 to vector<16xi32>
        %select_n3A_655 = arith.select %ge3A_650, %broadcast_in_dim3A_653, %broadcast_in_dim3A_654 : vector<16xi1>, vector<16xi32>
        %broadcast_in_dim3A_656 = arith.constant true
        %broadcast_in_dim3A_657 = vector.broadcast %broadcast_in_dim3A_656 : i1 to vector<16xi1>
        %masked_cumsum3A_658 = tpu.scan <sum>, %select_n3A_655 masked %broadcast_in_dim3A_657 : vector<16xi32>, vector<16xi1> -> vector<16xi32>
        %add3A_659 = arith.addi %add3A_645, %masked_cumsum3A_658 : vector<16xi32>
        %sub3A_660 = arith.constant 1 : i32
        %sub3A_661 = vector.broadcast %sub3A_660 : i32 to vector<16xi32>
        %sub3A_662 = arith.subi %add3A_659, %sub3A_661 : vector<16xi32>
        %lt3A_663 = arith.constant 128 : i32
        %lt3A_664 = vector.broadcast %lt3A_663 : i32 to vector<16xi32>
        %lt3A_665 = arith.cmpi slt, %sub3A_662, %lt3A_664 : vector<16xi32>
        %and3A_666 = arith.andi %ge3A_650, %lt3A_665 : vector<16xi1>
        %mul3A_667 = arith.constant 128 : i32
        %mul3A_668 = vector.broadcast %mul3A_667 : i32 to vector<16xi32>
        %mul3A_669 = arith.muli %broadcast_in_dim3A_618, %mul3A_668 : vector<16xi32>
        %add3A_670 = arith.constant 16 : i32
        %add3A_671 = vector.broadcast %add3A_670 : i32 to vector<16xi32>
        %add3A_672 = arith.addi %iota3A, %add3A_671 : vector<16xi32>
        %add3A_673 = arith.addi %mul3A_669, %add3A_672 : vector<16xi32>
        tpu.vector_store_idx %arg14[%sub3A_662], %gather3A_649 masked %and3A_666 : memref<128xf32, #tpu.memory_space<vmem>>[vector<16xi32>], vector<16xf32>, vector<16xi1>
        tpu.vector_store_idx %arg15[%sub3A_662], %add3A_673 masked %and3A_666 : memref<128xi32, #tpu.memory_space<vmem>>[vector<16xi32>], vector<16xi32>, vector<16xi1>
        %all_reduce_population_count3A_674 = tpu.all_reduce %ge3A_650 {dim = 0 : i64, kind = #tpu.reduction_kind<sum>} : vector<16xi1> -> vector<16xi32>
        %add3A_675 = arith.addi %add3A_645, %all_reduce_population_count3A_674 : vector<16xi32>
        %add3A_676 = arith.constant 32 : i32
        %add3A_677 = vector.broadcast %add3A_676 : i32 to vector<16xi32>
        %add3A_678 = arith.addi %iota3A, %add3A_677 : vector<16xi32>
        %gather3A_679 = tpu.vector_load_idx %arg12[%broadcast_in_dim3A_618, %add3A_678] : memref<32x128xf32, #tpu.memory_space<vmem>>[vector<16xi32>, vector<16xi32>], vector<16xf32>,
        %ge3A_680 = arith.cmpf oge, %gather3A_679, %gather3A_63 : vector<16xf32>
        %jit3A_681 = arith.constant 1 : i32
        %jit3A_682 = arith.constant 0 : i32
        %broadcast_in_dim3A_683 = vector.broadcast %jit3A_681 : i32 to vector<16xi32>
        %broadcast_in_dim3A_684 = vector.broadcast %jit3A_682 : i32 to vector<16xi32>
        %select_n3A_685 = arith.select %ge3A_680, %broadcast_in_dim3A_683, %broadcast_in_dim3A_684 : vector<16xi1>, vector<16xi32>
        %broadcast_in_dim3A_686 = arith.constant true
        %broadcast_in_dim3A_687 = vector.broadcast %broadcast_in_dim3A_686 : i1 to vector<16xi1>
        %masked_cumsum3A_688 = tpu.scan <sum>, %select_n3A_685 masked %broadcast_in_dim3A_687 : vector<16xi32>, vector<16xi1> -> vector<16xi32>
        %add3A_689 = arith.addi %add3A_675, %masked_cumsum3A_688 : vector<16xi32>
        %sub3A_690 = arith.constant 1 : i32
        %sub3A_691 = vector.broadcast %sub3A_690 : i32 to vector<16xi32>
        %sub3A_692 = arith.subi %add3A_689, %sub3A_691 : vector<16xi32>
        %lt3A_693 = arith.constant 128 : i32
        %lt3A_694 = vector.broadcast %lt3A_693 : i32 to vector<16xi32>
        %lt3A_695 = arith.cmpi slt, %sub3A_692, %lt3A_694 : vector<16xi32>
        %and3A_696 = arith.andi %ge3A_680, %lt3A_695 : vector<16xi1>
        %mul3A_697 = arith.constant 128 : i32
        %mul3A_698 = vector.broadcast %mul3A_697 : i32 to vector<16xi32>
        %mul3A_699 = arith.muli %broadcast_in_dim3A_618, %mul3A_698 : vector<16xi32>
        %add3A_700 = arith.constant 32 : i32
        %add3A_701 = vector.broadcast %add3A_700 : i32 to vector<16xi32>
        %add3A_702 = arith.addi %iota3A, %add3A_701 : vector<16xi32>
        %add3A_703 = arith.addi %mul3A_699, %add3A_702 : vector<16xi32>
        tpu.vector_store_idx %arg14[%sub3A_692], %gather3A_679 masked %and3A_696 : memref<128xf32, #tpu.memory_space<vmem>>[vector<16xi32>], vector<16xf32>, vector<16xi1>
        tpu.vector_store_idx %arg15[%sub3A_692], %add3A_703 masked %and3A_696 : memref<128xi32, #tpu.memory_space<vmem>>[vector<16xi32>], vector<16xi32>, vector<16xi1>
        %all_reduce_population_count3A_704 = tpu.all_reduce %ge3A_680 {dim = 0 : i64, kind = #tpu.reduction_kind<sum>} : vector<16xi1> -> vector<16xi32>
        %add3A_705 = arith.addi %add3A_675, %all_reduce_population_count3A_704 : vector<16xi32>
        %add3A_706 = arith.constant 48 : i32
        %add3A_707 = vector.broadcast %add3A_706 : i32 to vector<16xi32>
        %add3A_708 = arith.addi %iota3A, %add3A_707 : vector<16xi32>
        %gather3A_709 = tpu.vector_load_idx %arg12[%broadcast_in_dim3A_618, %add3A_708] : memref<32x128xf32, #tpu.memory_space<vmem>>[vector<16xi32>, vector<16xi32>], vector<16xf32>,
        %ge3A_710 = arith.cmpf oge, %gather3A_709, %gather3A_63 : vector<16xf32>
        %jit3A_711 = arith.constant 1 : i32
        %jit3A_712 = arith.constant 0 : i32
        %broadcast_in_dim3A_713 = vector.broadcast %jit3A_711 : i32 to vector<16xi32>
        %broadcast_in_dim3A_714 = vector.broadcast %jit3A_712 : i32 to vector<16xi32>
        %select_n3A_715 = arith.select %ge3A_710, %broadcast_in_dim3A_713, %broadcast_in_dim3A_714 : vector<16xi1>, vector<16xi32>
        %broadcast_in_dim3A_716 = arith.constant true
        %broadcast_in_dim3A_717 = vector.broadcast %broadcast_in_dim3A_716 : i1 to vector<16xi1>
        %masked_cumsum3A_718 = tpu.scan <sum>, %select_n3A_715 masked %broadcast_in_dim3A_717 : vector<16xi32>, vector<16xi1> -> vector<16xi32>
        %add3A_719 = arith.addi %add3A_705, %masked_cumsum3A_718 : vector<16xi32>
        %sub3A_720 = arith.constant 1 : i32
        %sub3A_721 = vector.broadcast %sub3A_720 : i32 to vector<16xi32>
        %sub3A_722 = arith.subi %add3A_719, %sub3A_721 : vector<16xi32>
        %lt3A_723 = arith.constant 128 : i32
        %lt3A_724 = vector.broadcast %lt3A_723 : i32 to vector<16xi32>
        %lt3A_725 = arith.cmpi slt, %sub3A_722, %lt3A_724 : vector<16xi32>
        %and3A_726 = arith.andi %ge3A_710, %lt3A_725 : vector<16xi1>
        %mul3A_727 = arith.constant 128 : i32
        %mul3A_728 = vector.broadcast %mul3A_727 : i32 to vector<16xi32>
        %mul3A_729 = arith.muli %broadcast_in_dim3A_618, %mul3A_728 : vector<16xi32>
        %add3A_730 = arith.constant 48 : i32
        %add3A_731 = vector.broadcast %add3A_730 : i32 to vector<16xi32>
        %add3A_732 = arith.addi %iota3A, %add3A_731 : vector<16xi32>
        %add3A_733 = arith.addi %mul3A_729, %add3A_732 : vector<16xi32>
        tpu.vector_store_idx %arg14[%sub3A_722], %gather3A_709 masked %and3A_726 : memref<128xf32, #tpu.memory_space<vmem>>[vector<16xi32>], vector<16xf32>, vector<16xi1>
        tpu.vector_store_idx %arg15[%sub3A_722], %add3A_733 masked %and3A_726 : memref<128xi32, #tpu.memory_space<vmem>>[vector<16xi32>], vector<16xi32>, vector<16xi1>
        %all_reduce_population_count3A_734 = tpu.all_reduce %ge3A_710 {dim = 0 : i64, kind = #tpu.reduction_kind<sum>} : vector<16xi1> -> vector<16xi32>
        %add3A_735 = arith.addi %add3A_705, %all_reduce_population_count3A_734 : vector<16xi32>
        %add3A_736 = arith.constant 64 : i32
        %add3A_737 = vector.broadcast %add3A_736 : i32 to vector<16xi32>
        %add3A_738 = arith.addi %iota3A, %add3A_737 : vector<16xi32>
        %gather3A_739 = tpu.vector_load_idx %arg12[%broadcast_in_dim3A_618, %add3A_738] : memref<32x128xf32, #tpu.memory_space<vmem>>[vector<16xi32>, vector<16xi32>], vector<16xf32>,
        %ge3A_740 = arith.cmpf oge, %gather3A_739, %gather3A_63 : vector<16xf32>
        %jit3A_741 = arith.constant 1 : i32
        %jit3A_742 = arith.constant 0 : i32
        %broadcast_in_dim3A_743 = vector.broadcast %jit3A_741 : i32 to vector<16xi32>
        %broadcast_in_dim3A_744 = vector.broadcast %jit3A_742 : i32 to vector<16xi32>
        %select_n3A_745 = arith.select %ge3A_740, %broadcast_in_dim3A_743, %broadcast_in_dim3A_744 : vector<16xi1>, vector<16xi32>
        %broadcast_in_dim3A_746 = arith.constant true
        %broadcast_in_dim3A_747 = vector.broadcast %broadcast_in_dim3A_746 : i1 to vector<16xi1>
        %masked_cumsum3A_748 = tpu.scan <sum>, %select_n3A_745 masked %broadcast_in_dim3A_747 : vector<16xi32>, vector<16xi1> -> vector<16xi32>
        %add3A_749 = arith.addi %add3A_735, %masked_cumsum3A_748 : vector<16xi32>
        %sub3A_750 = arith.constant 1 : i32
        %sub3A_751 = vector.broadcast %sub3A_750 : i32 to vector<16xi32>
        %sub3A_752 = arith.subi %add3A_749, %sub3A_751 : vector<16xi32>
        %lt3A_753 = arith.constant 128 : i32
        %lt3A_754 = vector.broadcast %lt3A_753 : i32 to vector<16xi32>
        %lt3A_755 = arith.cmpi slt, %sub3A_752, %lt3A_754 : vector<16xi32>
        %and3A_756 = arith.andi %ge3A_740, %lt3A_755 : vector<16xi1>
        %mul3A_757 = arith.constant 128 : i32
        %mul3A_758 = vector.broadcast %mul3A_757 : i32 to vector<16xi32>
        %mul3A_759 = arith.muli %broadcast_in_dim3A_618, %mul3A_758 : vector<16xi32>
        %add3A_760 = arith.constant 64 : i32
        %add3A_761 = vector.broadcast %add3A_760 : i32 to vector<16xi32>
        %add3A_762 = arith.addi %iota3A, %add3A_761 : vector<16xi32>
        %add3A_763 = arith.addi %mul3A_759, %add3A_762 : vector<16xi32>
        tpu.vector_store_idx %arg14[%sub3A_752], %gather3A_739 masked %and3A_756 : memref<128xf32, #tpu.memory_space<vmem>>[vector<16xi32>], vector<16xf32>, vector<16xi1>
        tpu.vector_store_idx %arg15[%sub3A_752], %add3A_763 masked %and3A_756 : memref<128xi32, #tpu.memory_space<vmem>>[vector<16xi32>], vector<16xi32>, vector<16xi1>
        %all_reduce_population_count3A_764 = tpu.all_reduce %ge3A_740 {dim = 0 : i64, kind = #tpu.reduction_kind<sum>} : vector<16xi1> -> vector<16xi32>
        %add3A_765 = arith.addi %add3A_735, %all_reduce_population_count3A_764 : vector<16xi32>
        %add3A_766 = arith.constant 80 : i32
        %add3A_767 = vector.broadcast %add3A_766 : i32 to vector<16xi32>
        %add3A_768 = arith.addi %iota3A, %add3A_767 : vector<16xi32>
        %gather3A_769 = tpu.vector_load_idx %arg12[%broadcast_in_dim3A_618, %add3A_768] : memref<32x128xf32, #tpu.memory_space<vmem>>[vector<16xi32>, vector<16xi32>], vector<16xf32>,
        %ge3A_770 = arith.cmpf oge, %gather3A_769, %gather3A_63 : vector<16xf32>
        %jit3A_771 = arith.constant 1 : i32
        %jit3A_772 = arith.constant 0 : i32
        %broadcast_in_dim3A_773 = vector.broadcast %jit3A_771 : i32 to vector<16xi32>
        %broadcast_in_dim3A_774 = vector.broadcast %jit3A_772 : i32 to vector<16xi32>
        %select_n3A_775 = arith.select %ge3A_770, %broadcast_in_dim3A_773, %broadcast_in_dim3A_774 : vector<16xi1>, vector<16xi32>
        %broadcast_in_dim3A_776 = arith.constant true
        %broadcast_in_dim3A_777 = vector.broadcast %broadcast_in_dim3A_776 : i1 to vector<16xi1>
        %masked_cumsum3A_778 = tpu.scan <sum>, %select_n3A_775 masked %broadcast_in_dim3A_777 : vector<16xi32>, vector<16xi1> -> vector<16xi32>
        %add3A_779 = arith.addi %add3A_765, %masked_cumsum3A_778 : vector<16xi32>
        %sub3A_780 = arith.constant 1 : i32
        %sub3A_781 = vector.broadcast %sub3A_780 : i32 to vector<16xi32>
        %sub3A_782 = arith.subi %add3A_779, %sub3A_781 : vector<16xi32>
        %lt3A_783 = arith.constant 128 : i32
        %lt3A_784 = vector.broadcast %lt3A_783 : i32 to vector<16xi32>
        %lt3A_785 = arith.cmpi slt, %sub3A_782, %lt3A_784 : vector<16xi32>
        %and3A_786 = arith.andi %ge3A_770, %lt3A_785 : vector<16xi1>
        %mul3A_787 = arith.constant 128 : i32
        %mul3A_788 = vector.broadcast %mul3A_787 : i32 to vector<16xi32>
        %mul3A_789 = arith.muli %broadcast_in_dim3A_618, %mul3A_788 : vector<16xi32>
        %add3A_790 = arith.constant 80 : i32
        %add3A_791 = vector.broadcast %add3A_790 : i32 to vector<16xi32>
        %add3A_792 = arith.addi %iota3A, %add3A_791 : vector<16xi32>
        %add3A_793 = arith.addi %mul3A_789, %add3A_792 : vector<16xi32>
        tpu.vector_store_idx %arg14[%sub3A_782], %gather3A_769 masked %and3A_786 : memref<128xf32, #tpu.memory_space<vmem>>[vector<16xi32>], vector<16xf32>, vector<16xi1>
        tpu.vector_store_idx %arg15[%sub3A_782], %add3A_793 masked %and3A_786 : memref<128xi32, #tpu.memory_space<vmem>>[vector<16xi32>], vector<16xi32>, vector<16xi1>
        %all_reduce_population_count3A_794 = tpu.all_reduce %ge3A_770 {dim = 0 : i64, kind = #tpu.reduction_kind<sum>} : vector<16xi1> -> vector<16xi32>
        %add3A_795 = arith.addi %add3A_765, %all_reduce_population_count3A_794 : vector<16xi32>
        %add3A_796 = arith.constant 96 : i32
        %add3A_797 = vector.broadcast %add3A_796 : i32 to vector<16xi32>
        %add3A_798 = arith.addi %iota3A, %add3A_797 : vector<16xi32>
        %gather3A_799 = tpu.vector_load_idx %arg12[%broadcast_in_dim3A_618, %add3A_798] : memref<32x128xf32, #tpu.memory_space<vmem>>[vector<16xi32>, vector<16xi32>], vector<16xf32>,
        %ge3A_800 = arith.cmpf oge, %gather3A_799, %gather3A_63 : vector<16xf32>
        %jit3A_801 = arith.constant 1 : i32
        %jit3A_802 = arith.constant 0 : i32
        %broadcast_in_dim3A_803 = vector.broadcast %jit3A_801 : i32 to vector<16xi32>
        %broadcast_in_dim3A_804 = vector.broadcast %jit3A_802 : i32 to vector<16xi32>
        %select_n3A_805 = arith.select %ge3A_800, %broadcast_in_dim3A_803, %broadcast_in_dim3A_804 : vector<16xi1>, vector<16xi32>
        %broadcast_in_dim3A_806 = arith.constant true
        %broadcast_in_dim3A_807 = vector.broadcast %broadcast_in_dim3A_806 : i1 to vector<16xi1>
        %masked_cumsum3A_808 = tpu.scan <sum>, %select_n3A_805 masked %broadcast_in_dim3A_807 : vector<16xi32>, vector<16xi1> -> vector<16xi32>
        %add3A_809 = arith.addi %add3A_795, %masked_cumsum3A_808 : vector<16xi32>
        %sub3A_810 = arith.constant 1 : i32
        %sub3A_811 = vector.broadcast %sub3A_810 : i32 to vector<16xi32>
        %sub3A_812 = arith.subi %add3A_809, %sub3A_811 : vector<16xi32>
        %lt3A_813 = arith.constant 128 : i32
        %lt3A_814 = vector.broadcast %lt3A_813 : i32 to vector<16xi32>
        %lt3A_815 = arith.cmpi slt, %sub3A_812, %lt3A_814 : vector<16xi32>
        %and3A_816 = arith.andi %ge3A_800, %lt3A_815 : vector<16xi1>
        %mul3A_817 = arith.constant 128 : i32
        %mul3A_818 = vector.broadcast %mul3A_817 : i32 to vector<16xi32>
        %mul3A_819 = arith.muli %broadcast_in_dim3A_618, %mul3A_818 : vector<16xi32>
        %add3A_820 = arith.constant 96 : i32
        %add3A_821 = vector.broadcast %add3A_820 : i32 to vector<16xi32>
        %add3A_822 = arith.addi %iota3A, %add3A_821 : vector<16xi32>
        %add3A_823 = arith.addi %mul3A_819, %add3A_822 : vector<16xi32>
        tpu.vector_store_idx %arg14[%sub3A_812], %gather3A_799 masked %and3A_816 : memref<128xf32, #tpu.memory_space<vmem>>[vector<16xi32>], vector<16xf32>, vector<16xi1>
        tpu.vector_store_idx %arg15[%sub3A_812], %add3A_823 masked %and3A_816 : memref<128xi32, #tpu.memory_space<vmem>>[vector<16xi32>], vector<16xi32>, vector<16xi1>
        %all_reduce_population_count3A_824 = tpu.all_reduce %ge3A_800 {dim = 0 : i64, kind = #tpu.reduction_kind<sum>} : vector<16xi1> -> vector<16xi32>
        %add3A_825 = arith.addi %add3A_795, %all_reduce_population_count3A_824 : vector<16xi32>
        %add3A_826 = arith.constant 112 : i32
        %add3A_827 = vector.broadcast %add3A_826 : i32 to vector<16xi32>
        %add3A_828 = arith.addi %iota3A, %add3A_827 : vector<16xi32>
        %gather3A_829 = tpu.vector_load_idx %arg12[%broadcast_in_dim3A_618, %add3A_828] : memref<32x128xf32, #tpu.memory_space<vmem>>[vector<16xi32>, vector<16xi32>], vector<16xf32>,
        %ge3A_830 = arith.cmpf oge, %gather3A_829, %gather3A_63 : vector<16xf32>
        %jit3A_831 = arith.constant 1 : i32
        %jit3A_832 = arith.constant 0 : i32
        %broadcast_in_dim3A_833 = vector.broadcast %jit3A_831 : i32 to vector<16xi32>
        %broadcast_in_dim3A_834 = vector.broadcast %jit3A_832 : i32 to vector<16xi32>
        %select_n3A_835 = arith.select %ge3A_830, %broadcast_in_dim3A_833, %broadcast_in_dim3A_834 : vector<16xi1>, vector<16xi32>
        %broadcast_in_dim3A_836 = arith.constant true
        %broadcast_in_dim3A_837 = vector.broadcast %broadcast_in_dim3A_836 : i1 to vector<16xi1>
        %masked_cumsum3A_838 = tpu.scan <sum>, %select_n3A_835 masked %broadcast_in_dim3A_837 : vector<16xi32>, vector<16xi1> -> vector<16xi32>
        %add3A_839 = arith.addi %add3A_825, %masked_cumsum3A_838 : vector<16xi32>
        %sub3A_840 = arith.constant 1 : i32
        %sub3A_841 = vector.broadcast %sub3A_840 : i32 to vector<16xi32>
        %sub3A_842 = arith.subi %add3A_839, %sub3A_841 : vector<16xi32>
        %lt3A_843 = arith.constant 128 : i32
        %lt3A_844 = vector.broadcast %lt3A_843 : i32 to vector<16xi32>
        %lt3A_845 = arith.cmpi slt, %sub3A_842, %lt3A_844 : vector<16xi32>
        %and3A_846 = arith.andi %ge3A_830, %lt3A_845 : vector<16xi1>
        %mul3A_847 = arith.constant 128 : i32
        %mul3A_848 = vector.broadcast %mul3A_847 : i32 to vector<16xi32>
        %mul3A_849 = arith.muli %broadcast_in_dim3A_618, %mul3A_848 : vector<16xi32>
        %add3A_850 = arith.constant 112 : i32
        %add3A_851 = vector.broadcast %add3A_850 : i32 to vector<16xi32>
        %add3A_852 = arith.addi %iota3A, %add3A_851 : vector<16xi32>
        %add3A_853 = arith.addi %mul3A_849, %add3A_852 : vector<16xi32>
        tpu.vector_store_idx %arg14[%sub3A_842], %gather3A_829 masked %and3A_846 : memref<128xf32, #tpu.memory_space<vmem>>[vector<16xi32>], vector<16xf32>, vector<16xi1>
        tpu.vector_store_idx %arg15[%sub3A_842], %add3A_853 masked %and3A_846 : memref<128xi32, #tpu.memory_space<vmem>>[vector<16xi32>], vector<16xi32>, vector<16xi1>
        %all_reduce_population_count3A_854 = tpu.all_reduce %ge3A_830 {dim = 0 : i64, kind = #tpu.reduction_kind<sum>} : vector<16xi1> -> vector<16xi32>
        %add3A_855 = arith.addi %add3A_825, %all_reduce_population_count3A_854 : vector<16xi32>
        scf.yield %add3A_855 : vector<16xi32>
      }
      %scan3A_106 = arith.constant 32 : i32
      %reduce_max3A = arith.constant true
      %reduce_max3A_107 = vector.broadcast %reduce_max3A : i1 to vector<16xi1>
      %reduce_max3A_108 = arith.constant -2147483648 : i32
      %reduce_max3A_109 = vector.broadcast %reduce_max3A_108 : i32 to vector<16xi32>
      %reduce_max3A_110 = arith.xori %scan3A_105, %reduce_max3A_109 : vector<16xi32>
      %reduce_max3A_111 = tpu.scan <max>, %reduce_max3A_110 masked %reduce_max3A_107 : vector<16xi32>, vector<16xi1> -> vector<16xi32>
      %reduce_max3A_112 = arith.xori %reduce_max3A_111, %reduce_max3A_109 : vector<16xi32>
      %reduce_max3A_113 = vector.extract %reduce_max3A_112[15] : i32 from vector<16xi32>
      %min3A_114 = arith.constant 128 : i32
      %min3A_115 = arith.minsi %reduce_max3A_113, %min3A_114 : i32
      %add3A_116 = arith.constant 15 : i32
      %add3A_117 = arith.addi %min3A_115, %add3A_116 : i32
      %jit3A = arith.constant 16 : i32
      %div3A = arith.divsi %add3A_117, %jit3A : i32
      %sign3A = arith.constant 0 : i32
      %sign3A_118 = arith.cmpi sgt, %add3A_117, %sign3A : i32
      %sign3A_119 = arith.extui %sign3A_118 : i1 to i32
      %sign3A_120 = arith.constant 0 : i32
      %sign3A_121 = arith.cmpi slt, %add3A_117, %sign3A_120 : i32
      %sign3A_122 = arith.extui %sign3A_121 : i1 to i32
      %sign3A_123 = arith.subi %sign3A_119, %sign3A_122 : i32
      %sign3A_124 = arith.constant 0 : i32
      %sign3A_125 = arith.cmpi sgt, %jit3A, %sign3A_124 : i32
      %sign3A_126 = arith.extui %sign3A_125 : i1 to i32
      %sign3A_127 = arith.constant 0 : i32
      %sign3A_128 = arith.cmpi slt, %jit3A, %sign3A_127 : i32
      %sign3A_129 = arith.extui %sign3A_128 : i1 to i32
      %sign3A_130 = arith.subi %sign3A_126, %sign3A_129 : i32
      %ne3A = arith.cmpi ne, %sign3A_123, %sign3A_130 : i32
      %rem3A = arith.remsi %add3A_117, %jit3A : i32
      %ne3A_131 = arith.constant 0 : i32
      %ne3A_132 = arith.cmpi ne, %rem3A, %ne3A_131 : i32
      %and3A = arith.andi %ne3A, %ne3A_132 : i1
      %sub3A = arith.constant 1 : i32
      %sub3A_133 = arith.subi %div3A, %sub3A : i32
      %select_n3A = arith.select %and3A, %sub3A_133, %div3A : i32
      %scan3A_134 = arith.constant 0 : i32
      %scan3A_135 = arith.constant 0 : i32
      %scan3A_136 = arith.constant 32 : i32
      %scan3A_137 = arith.addi %scan3A_135, %scan3A_136 : i32
      %scan3A_138 = arith.constant 1 : i32
      %scan3A_139 = scf.for %scan3A_616 = %scan3A_135 to %scan3A_137 step %scan3A_138 iter_args(%scan3A_617 = %scan3A_134) -> (i32)  : i32 {
        %broadcast_in_dim3A_618 = arith.constant -3.000000e+38 : f32
        %broadcast_in_dim3A_619 = vector.broadcast %broadcast_in_dim3A_618 : f32 to vector<16xf32>
        %broadcast_in_dim3A_620 = arith.constant 0 : i32
        %broadcast_in_dim3A_621 = vector.broadcast %broadcast_in_dim3A_620 : i32 to vector<16xi32>
        %while3A = arith.constant 0 : i32
        %while3A_622 = arith.subi %select_n3A, %while3A : i32
        %while3A_623 = arith.addi %while3A, %while3A_622 : i32
        %while3A_624 = arith.constant 1 : i32
        %while3A_625 = arith.divsi %while3A_622, %while3A_624 : i32
        %while3A_626 = arith.muli %while3A_625, %while3A_624 : i32
        %while3A_627 = arith.addi %while3A, %while3A_626 : i32
        %while3A_628 = arith.constant 1 : i32
        %while3A_629:2 = scf.for %while3A_655 = %while3A to %while3A_627 step %while3A_628 iter_args(%while3A_656 = %broadcast_in_dim3A_619, %while3A_657 = %broadcast_in_dim3A_621) -> (vector<16xf32>, vector<16xi32>)  : i32 {
          %mul3A_658 = arith.constant 16 : i32
          %mul3A_659 = arith.muli %while3A_655, %mul3A_658 : i32
          %add3A_660 = vector.broadcast %mul3A_659 : i32 to vector<16xi32>
          %add3A_661 = arith.addi %add3A_660, %iota3A : vector<16xi32>
          %gather3A_662 = tpu.vector_load_idx %arg14[%add3A_661] : memref<128xf32, #tpu.memory_space<vmem>>[vector<16xi32>], vector<16xf32>,
          %gather3A_663 = tpu.vector_load_idx %arg15[%add3A_661] : memref<128xi32, #tpu.memory_space<vmem>>[vector<16xi32>], vector<16xi32>,
          %gt3A = arith.cmpf ogt, %gather3A_662, %while3A_656 : vector<16xf32>
          %select_n3A_664 = arith.select %gt3A, %gather3A_662, %while3A_656 : vector<16xi1>, vector<16xf32>
          %mul3A_665 = arith.constant 4096 : i32
          %mul3A_666 = vector.broadcast %mul3A_665 : i32 to vector<16xi32>
          %mul3A_667 = arith.muli %add3A_661, %mul3A_666 : vector<16xi32>
          %add3A_668 = arith.addi %mul3A_667, %gather3A_663 : vector<16xi32>
          %select_n3A_669 = arith.select %gt3A, %add3A_668, %while3A_657 : vector<16xi1>, vector<16xi32>
          scf.yield %select_n3A_664, %select_n3A_669 : vector<16xf32>, vector<16xi32>
        }
        %while3A_630 = arith.constant 1 : i32
        %while3A_631:2 = scf.for %while3A_655 = %while3A_627 to %while3A_623 step %while3A_630 iter_args(%while3A_656 = %while3A_629#0, %while3A_657 = %while3A_629#1) -> (vector<16xf32>, vector<16xi32>)  : i32 {
          %mul3A_658 = arith.constant 16 : i32
          %mul3A_659 = arith.muli %while3A_655, %mul3A_658 : i32
          %add3A_660 = vector.broadcast %mul3A_659 : i32 to vector<16xi32>
          %add3A_661 = arith.addi %add3A_660, %iota3A : vector<16xi32>
          %gather3A_662 = tpu.vector_load_idx %arg14[%add3A_661] : memref<128xf32, #tpu.memory_space<vmem>>[vector<16xi32>], vector<16xf32>,
          %gather3A_663 = tpu.vector_load_idx %arg15[%add3A_661] : memref<128xi32, #tpu.memory_space<vmem>>[vector<16xi32>], vector<16xi32>,
          %gt3A = arith.cmpf ogt, %gather3A_662, %while3A_656 : vector<16xf32>
          %select_n3A_664 = arith.select %gt3A, %gather3A_662, %while3A_656 : vector<16xi1>, vector<16xf32>
          %mul3A_665 = arith.constant 4096 : i32
          %mul3A_666 = vector.broadcast %mul3A_665 : i32 to vector<16xi32>
          %mul3A_667 = arith.muli %add3A_661, %mul3A_666 : vector<16xi32>
          %add3A_668 = arith.addi %mul3A_667, %gather3A_663 : vector<16xi32>
          %select_n3A_669 = arith.select %gt3A, %add3A_668, %while3A_657 : vector<16xi1>, vector<16xi32>
          scf.yield %select_n3A_664, %select_n3A_669 : vector<16xf32>, vector<16xi32>
        }
        %masked_sort3A = arith.constant dense<true> : vector<16xi1>
        %masked_sort3A_632, %masked_sort3A_633, %masked_sort3A_634 = tpu.sort %while3A_631#0, %while3A_631#1 masked %masked_sort3A {descending = true} : (vector<16xf32>, vector<16xi32>, vector<16xi1>) -> (vector<16xi1>, vector<16xf32>, vector<16xi32>)
        %swap3A_635 = arith.constant 0 : index
        %swap3A_636 = tpu.vector_load %arg16[%swap3A_635] {strides = array<i32>} : memref<16xf32, #tpu.memory_space<vmem>>, vector<16xf32>,
        tpu.vector_store %arg16[%swap3A_635], %masked_sort3A_633 {strides = array<i32>} : memref<16xf32, #tpu.memory_space<vmem>>, vector<16xf32>,
        %swap3A_637 = arith.constant 0 : index
        %swap3A_638 = tpu.vector_load %arg17[%swap3A_637] {strides = array<i32>} : memref<16xi32, #tpu.memory_space<vmem>>, vector<16xi32>,
        tpu.vector_store %arg17[%swap3A_637], %masked_sort3A_634 {strides = array<i32>} : memref<16xi32, #tpu.memory_space<vmem>>, vector<16xi32>,
        %broadcast_in_dim3A_639 = arith.constant 0 : i32
        %broadcast_in_dim3A_640 = vector.broadcast %broadcast_in_dim3A_639 : i32 to vector<16xi32>
        %gather3A_641 = tpu.vector_load_idx %arg16[%broadcast_in_dim3A_640] : memref<16xf32, #tpu.memory_space<vmem>>[vector<16xi32>], vector<16xf32>,
        %broadcast_in_dim3A_642 = arith.constant 0 : i32
        %broadcast_in_dim3A_643 = vector.broadcast %broadcast_in_dim3A_642 : i32 to vector<16xi32>
        %gather3A_644 = tpu.vector_load_idx %arg17[%broadcast_in_dim3A_643] : memref<16xi32, #tpu.memory_space<vmem>>[vector<16xi32>], vector<16xi32>,
        %shift_right_logical3A_645 = arith.constant 12 : i32
        %shift_right_logical3A_646 = vector.broadcast %shift_right_logical3A_645 : i32 to vector<16xi32>
        %shift_right_logical3A_647 = arith.shrui %gather3A_644, %shift_right_logical3A_646 : vector<16xi32>
        %and3A_648 = arith.constant 4095 : i32
        %and3A_649 = vector.broadcast %and3A_648 : i32 to vector<16xi32>
        %and3A_650 = arith.andi %gather3A_644, %and3A_649 : vector<16xi32>
        %broadcast_in_dim3A_651 = vector.broadcast %scan3A_616 : i32 to vector<16xi32>
        tpu.vector_store_idx %arg18[%broadcast_in_dim3A_651], %gather3A_641 masked %eq3A_4 : memref<32xf32, #tpu.memory_space<vmem>>[vector<16xi32>], vector<16xf32>, vector<16xi1>
        tpu.vector_store_idx %arg19[%broadcast_in_dim3A_651], %and3A_650 masked %eq3A_4 : memref<32xi32, #tpu.memory_space<vmem>>[vector<16xi32>], vector<16xi32>, vector<16xi1>
        %broadcast_in_dim3A_652 = arith.constant -3.000000e+38 : f32
        %broadcast_in_dim3A_653 = vector.broadcast %broadcast_in_dim3A_652 : f32 to vector<16xf32>
        tpu.vector_store_idx %arg14[%shift_right_logical3A_647], %broadcast_in_dim3A_653 masked %eq3A_4 : memref<128xf32, #tpu.memory_space<vmem>>[vector<16xi32>], vector<16xf32>, vector<16xi1>
        %scan3A_654 = arith.constant 0 : i32
        scf.yield %scan3A_654 : i32
      }
      %scan3A_140 = arith.constant 32 : i32
      %get3A = arith.constant 0 : index
      %get3A_141 = tpu.vector_load %arg18[%get3A] {strides = array<i32>} : memref<32xf32, #tpu.memory_space<vmem>>, vector<16xf32>,
      %sub3A_142 = arith.subf %get3A_141, %gather3A_66 : vector<16xf32>
      %exp3A = math.exp %sub3A_142 : vector<16xf32>
      %get3A_143 = arith.constant 16 : index
      %get3A_144 = tpu.vector_load %arg18[%get3A_143] {strides = array<i32>} : memref<32xf32, #tpu.memory_space<vmem>>, vector<16xf32>,
      %sub3A_145 = arith.subf %get3A_144, %gather3A_66 : vector<16xf32>
      %exp3A_146 = math.exp %sub3A_145 : vector<16xf32>
      %add3A_147 = arith.addf %exp3A, %exp3A_146 : vector<16xf32>
      %broadcast_in_dim3A_148 = arith.constant true
      %broadcast_in_dim3A_149 = vector.broadcast %broadcast_in_dim3A_148 : i1 to vector<16xi1>
      %masked_cumsum3A = tpu.scan <sum>, %add3A_147 masked %broadcast_in_dim3A_149 : vector<16xf32>, vector<16xi1> -> vector<16xf32>
      %swap3A_150 = arith.constant 0 : index
      %swap3A_151 = tpu.vector_load %arg16[%swap3A_150] {strides = array<i32>} : memref<16xf32, #tpu.memory_space<vmem>>, vector<16xf32>,
      tpu.vector_store %arg16[%swap3A_150], %masked_cumsum3A {strides = array<i32>} : memref<16xf32, #tpu.memory_space<vmem>>, vector<16xf32>,
      %broadcast_in_dim3A_152 = arith.constant 15 : i32
      %broadcast_in_dim3A_153 = vector.broadcast %broadcast_in_dim3A_152 : i32 to vector<16xi32>
      %gather3A_154 = tpu.vector_load_idx %arg16[%broadcast_in_dim3A_153] : memref<16xf32, #tpu.memory_space<vmem>>[vector<16xi32>], vector<16xf32>,
      %broadcast_in_dim3A_155 = arith.constant 5.000000e-01 : f32
      %broadcast_in_dim3A_156 = vector.broadcast %broadcast_in_dim3A_155 : f32 to vector<16xf32>
      %div3A_157 = arith.divf %broadcast_in_dim3A_156, %gather3A_154 : vector<16xf32>
      %mul3A_158 = arith.mulf %exp3A, %div3A_157 : vector<16xf32>
      %swap3A_159 = arith.constant 0 : index
      %swap3A_160 = tpu.vector_load %arg20[%swap3A_159] {strides = array<i32>} : memref<32xf32, #tpu.memory_space<vmem>>, vector<16xf32>,
      tpu.vector_store %arg20[%swap3A_159], %mul3A_158 {strides = array<i32>} : memref<32xf32, #tpu.memory_space<vmem>>, vector<16xf32>,
      %mul3A_161 = arith.mulf %exp3A_146, %div3A_157 : vector<16xf32>
      %swap3A_162 = arith.constant 16 : index
      %swap3A_163 = tpu.vector_load %arg20[%swap3A_162] {strides = array<i32>} : memref<32xf32, #tpu.memory_space<vmem>>, vector<16xf32>,
      tpu.vector_store %arg20[%swap3A_162], %mul3A_161 {strides = array<i32>} : memref<32xf32, #tpu.memory_space<vmem>>, vector<16xf32>,
      %get3A_164 = arith.constant 0 : index
      %get3A_165 = tpu.vector_load %arg19[%get3A_164] {strides = array<i32>} : memref<32xi32, #tpu.memory_space<vmem>>, vector<16xi32>,
      %shift_right_logical3A = arith.constant 7 : i32
      %shift_right_logical3A_166 = vector.broadcast %shift_right_logical3A : i32 to vector<16xi32>
      %shift_right_logical3A_167 = arith.shrui %get3A_165, %shift_right_logical3A_166 : vector<16xi32>
      %gather3A_168 = tpu.vector_load_idx %arg8[%broadcast_in_dim3A_60, %shift_right_logical3A_167] : memref<16x32xi32, #tpu.memory_space<vmem>>[vector<16xi32>, vector<16xi32>], vector<16xi32>,
      %mul3A_169 = arith.constant 128 : i32
      %mul3A_170 = vector.broadcast %mul3A_169 : i32 to vector<16xi32>
      %mul3A_171 = arith.muli %gather3A_168, %mul3A_170 : vector<16xi32>
      %and3A_172 = arith.constant 127 : i32
      %and3A_173 = vector.broadcast %and3A_172 : i32 to vector<16xi32>
      %and3A_174 = arith.andi %get3A_165, %and3A_173 : vector<16xi32>
      %add3A_175 = arith.addi %mul3A_171, %and3A_174 : vector<16xi32>
      %swap3A_176 = arith.constant 0 : index
      %swap3A_177 = tpu.vector_load %arg21[%swap3A_176] {strides = array<i32>} : memref<32xi32, #tpu.memory_space<vmem>>, vector<16xi32>,
      tpu.vector_store %arg21[%swap3A_176], %add3A_175 {strides = array<i32>} : memref<32xi32, #tpu.memory_space<vmem>>, vector<16xi32>,
      %get3A_178 = arith.constant 16 : index
      %get3A_179 = tpu.vector_load %arg19[%get3A_178] {strides = array<i32>} : memref<32xi32, #tpu.memory_space<vmem>>, vector<16xi32>,
      %shift_right_logical3A_180 = arith.constant 7 : i32
      %shift_right_logical3A_181 = vector.broadcast %shift_right_logical3A_180 : i32 to vector<16xi32>
      %shift_right_logical3A_182 = arith.shrui %get3A_179, %shift_right_logical3A_181 : vector<16xi32>
      %gather3A_183 = tpu.vector_load_idx %arg8[%broadcast_in_dim3A_60, %shift_right_logical3A_182] : memref<16x32xi32, #tpu.memory_space<vmem>>[vector<16xi32>, vector<16xi32>], vector<16xi32>,
      %mul3A_184 = arith.constant 128 : i32
      %mul3A_185 = vector.broadcast %mul3A_184 : i32 to vector<16xi32>
      %mul3A_186 = arith.muli %gather3A_183, %mul3A_185 : vector<16xi32>
      %and3A_187 = arith.constant 127 : i32
      %and3A_188 = vector.broadcast %and3A_187 : i32 to vector<16xi32>
      %and3A_189 = arith.andi %get3A_179, %and3A_188 : vector<16xi32>
      %add3A_190 = arith.addi %mul3A_186, %and3A_189 : vector<16xi32>
      %swap3A_191 = arith.constant 16 : index
      %swap3A_192 = tpu.vector_load %arg21[%swap3A_191] {strides = array<i32>} : memref<32xi32, #tpu.memory_space<vmem>>, vector<16xi32>,
      tpu.vector_store %arg21[%swap3A_191], %add3A_190 {strides = array<i32>} : memref<32xi32, #tpu.memory_space<vmem>>, vector<16xi32>,
      %dma_start3A_193 = arith.constant 0 : i32
      %dma_start3A_194 = arith.constant 0 : i32
      %dma_start3A_195 = tpu.memref_slice %arg5[%dma_start3A_193, %dma_start3A_194] : memref<65536x256xf32, #tpu.memory_space<hbm>> -> memref<65536x256xf32, #tpu.memory_space<hbm>>
      tpu.enqueue_indirect_dma source(%dma_start3A_195 : memref<65536x256xf32, #tpu.memory_space<hbm>>) target(%arg22 : memref<32x256xf32, #tpu.memory_space<vmem>>) offsets(%arg21 : memref<32xi32, #tpu.memory_space<vmem>>) semaphore(%arg27 : memref<!tpu.dma_semaphore, #tpu.memory_space<semaphore_mem>>)
      %dma_wait3A_196 = arith.constant 0 : i32
      %dma_wait3A_197 = arith.constant 0 : i32
      %dma_wait3A_198 = tpu.memref_slice %arg5[%dma_wait3A_196, %dma_wait3A_197] : memref<65536x256xf32, #tpu.memory_space<hbm>> -> memref<65536x256xf32, #tpu.memory_space<hbm>>
      tpu.wait_indirect_dma semaphore(%arg27 : memref<!tpu.dma_semaphore, #tpu.memory_space<semaphore_mem>>) src(%dma_wait3A_198 : memref<65536x256xf32, #tpu.memory_space<hbm>>) dst(%arg22 : memref<32x256xf32, #tpu.memory_space<vmem>>)
      %add3A_199 = arith.constant 0 : i32
      %add3A_200 = vector.broadcast %add3A_199 : i32 to vector<16xi32>
      %add3A_201 = arith.addi %iota3A, %add3A_200 : vector<16xi32>
      %gather3A_202 = tpu.vector_load_idx %arg23[%broadcast_in_dim3A_60, %add3A_201] : memref<16x256xf32, #tpu.memory_space<vmem>>[vector<16xi32>, vector<16xi32>], vector<16xf32>,
      %add3A_203 = arith.constant 16 : i32
      %add3A_204 = vector.broadcast %add3A_203 : i32 to vector<16xi32>
      %add3A_205 = arith.addi %iota3A, %add3A_204 : vector<16xi32>
      %gather3A_206 = tpu.vector_load_idx %arg23[%broadcast_in_dim3A_60, %add3A_205] : memref<16x256xf32, #tpu.memory_space<vmem>>[vector<16xi32>, vector<16xi32>], vector<16xf32>,
      %add3A_207 = arith.constant 32 : i32
      %add3A_208 = vector.broadcast %add3A_207 : i32 to vector<16xi32>
      %add3A_209 = arith.addi %iota3A, %add3A_208 : vector<16xi32>
      %gather3A_210 = tpu.vector_load_idx %arg23[%broadcast_in_dim3A_60, %add3A_209] : memref<16x256xf32, #tpu.memory_space<vmem>>[vector<16xi32>, vector<16xi32>], vector<16xf32>,
      %add3A_211 = arith.constant 48 : i32
      %add3A_212 = vector.broadcast %add3A_211 : i32 to vector<16xi32>
      %add3A_213 = arith.addi %iota3A, %add3A_212 : vector<16xi32>
      %gather3A_214 = tpu.vector_load_idx %arg23[%broadcast_in_dim3A_60, %add3A_213] : memref<16x256xf32, #tpu.memory_space<vmem>>[vector<16xi32>, vector<16xi32>], vector<16xf32>,
      %add3A_215 = arith.constant 64 : i32
      %add3A_216 = vector.broadcast %add3A_215 : i32 to vector<16xi32>
      %add3A_217 = arith.addi %iota3A, %add3A_216 : vector<16xi32>
      %gather3A_218 = tpu.vector_load_idx %arg23[%broadcast_in_dim3A_60, %add3A_217] : memref<16x256xf32, #tpu.memory_space<vmem>>[vector<16xi32>, vector<16xi32>], vector<16xf32>,
      %add3A_219 = arith.constant 80 : i32
      %add3A_220 = vector.broadcast %add3A_219 : i32 to vector<16xi32>
      %add3A_221 = arith.addi %iota3A, %add3A_220 : vector<16xi32>
      %gather3A_222 = tpu.vector_load_idx %arg23[%broadcast_in_dim3A_60, %add3A_221] : memref<16x256xf32, #tpu.memory_space<vmem>>[vector<16xi32>, vector<16xi32>], vector<16xf32>,
      %add3A_223 = arith.constant 96 : i32
      %add3A_224 = vector.broadcast %add3A_223 : i32 to vector<16xi32>
      %add3A_225 = arith.addi %iota3A, %add3A_224 : vector<16xi32>
      %gather3A_226 = tpu.vector_load_idx %arg23[%broadcast_in_dim3A_60, %add3A_225] : memref<16x256xf32, #tpu.memory_space<vmem>>[vector<16xi32>, vector<16xi32>], vector<16xf32>,
      %add3A_227 = arith.constant 112 : i32
      %add3A_228 = vector.broadcast %add3A_227 : i32 to vector<16xi32>
      %add3A_229 = arith.addi %iota3A, %add3A_228 : vector<16xi32>
      %gather3A_230 = tpu.vector_load_idx %arg23[%broadcast_in_dim3A_60, %add3A_229] : memref<16x256xf32, #tpu.memory_space<vmem>>[vector<16xi32>, vector<16xi32>], vector<16xf32>,
      %add3A_231 = arith.constant 128 : i32
      %add3A_232 = vector.broadcast %add3A_231 : i32 to vector<16xi32>
      %add3A_233 = arith.addi %iota3A, %add3A_232 : vector<16xi32>
      %gather3A_234 = tpu.vector_load_idx %arg23[%broadcast_in_dim3A_60, %add3A_233] : memref<16x256xf32, #tpu.memory_space<vmem>>[vector<16xi32>, vector<16xi32>], vector<16xf32>,
      %add3A_235 = arith.constant 144 : i32
      %add3A_236 = vector.broadcast %add3A_235 : i32 to vector<16xi32>
      %add3A_237 = arith.addi %iota3A, %add3A_236 : vector<16xi32>
      %gather3A_238 = tpu.vector_load_idx %arg23[%broadcast_in_dim3A_60, %add3A_237] : memref<16x256xf32, #tpu.memory_space<vmem>>[vector<16xi32>, vector<16xi32>], vector<16xf32>,
      %add3A_239 = arith.constant 160 : i32
      %add3A_240 = vector.broadcast %add3A_239 : i32 to vector<16xi32>
      %add3A_241 = arith.addi %iota3A, %add3A_240 : vector<16xi32>
      %gather3A_242 = tpu.vector_load_idx %arg23[%broadcast_in_dim3A_60, %add3A_241] : memref<16x256xf32, #tpu.memory_space<vmem>>[vector<16xi32>, vector<16xi32>], vector<16xf32>,
      %add3A_243 = arith.constant 176 : i32
      %add3A_244 = vector.broadcast %add3A_243 : i32 to vector<16xi32>
      %add3A_245 = arith.addi %iota3A, %add3A_244 : vector<16xi32>
      %gather3A_246 = tpu.vector_load_idx %arg23[%broadcast_in_dim3A_60, %add3A_245] : memref<16x256xf32, #tpu.memory_space<vmem>>[vector<16xi32>, vector<16xi32>], vector<16xf32>,
      %add3A_247 = arith.constant 192 : i32
      %add3A_248 = vector.broadcast %add3A_247 : i32 to vector<16xi32>
      %add3A_249 = arith.addi %iota3A, %add3A_248 : vector<16xi32>
      %gather3A_250 = tpu.vector_load_idx %arg23[%broadcast_in_dim3A_60, %add3A_249] : memref<16x256xf32, #tpu.memory_space<vmem>>[vector<16xi32>, vector<16xi32>], vector<16xf32>,
      %add3A_251 = arith.constant 208 : i32
      %add3A_252 = vector.broadcast %add3A_251 : i32 to vector<16xi32>
      %add3A_253 = arith.addi %iota3A, %add3A_252 : vector<16xi32>
      %gather3A_254 = tpu.vector_load_idx %arg23[%broadcast_in_dim3A_60, %add3A_253] : memref<16x256xf32, #tpu.memory_space<vmem>>[vector<16xi32>, vector<16xi32>], vector<16xf32>,
      %add3A_255 = arith.constant 224 : i32
      %add3A_256 = vector.broadcast %add3A_255 : i32 to vector<16xi32>
      %add3A_257 = arith.addi %iota3A, %add3A_256 : vector<16xi32>
      %gather3A_258 = tpu.vector_load_idx %arg23[%broadcast_in_dim3A_60, %add3A_257] : memref<16x256xf32, #tpu.memory_space<vmem>>[vector<16xi32>, vector<16xi32>], vector<16xf32>,
      %add3A_259 = arith.constant 240 : i32
      %add3A_260 = vector.broadcast %add3A_259 : i32 to vector<16xi32>
      %add3A_261 = arith.addi %iota3A, %add3A_260 : vector<16xi32>
      %gather3A_262 = tpu.vector_load_idx %arg23[%broadcast_in_dim3A_60, %add3A_261] : memref<16x256xf32, #tpu.memory_space<vmem>>[vector<16xi32>, vector<16xi32>], vector<16xf32>,
      %scan3A_263 = arith.constant 0 : i32
      %scan3A_264 = arith.constant 32 : i32
      %scan3A_265 = arith.addi %scan3A_263, %scan3A_264 : i32
      %scan3A_266 = arith.constant 1 : i32
      %scan3A_267:16 = scf.for %scan3A_616 = %scan3A_263 to %scan3A_265 step %scan3A_266 iter_args(%scan3A_617 = %gather3A_202, %scan3A_618 = %gather3A_206, %scan3A_619 = %gather3A_210, %scan3A_620 = %gather3A_214, %scan3A_621 = %gather3A_218, %scan3A_622 = %gather3A_222, %scan3A_623 = %gather3A_226, %scan3A_624 = %gather3A_230, %scan3A_625 = %gather3A_234, %scan3A_626 = %gather3A_238, %scan3A_627 = %gather3A_242, %scan3A_628 = %gather3A_246, %scan3A_629 = %gather3A_250, %scan3A_630 = %gather3A_254, %scan3A_631 = %gather3A_258, %scan3A_632 = %gather3A_262) -> (vector<16xf32>, vector<16xf32>, vector<16xf32>, vector<16xf32>, vector<16xf32>, vector<16xf32>, vector<16xf32>, vector<16xf32>, vector<16xf32>, vector<16xf32>, vector<16xf32>, vector<16xf32>, vector<16xf32>, vector<16xf32>, vector<16xf32>, vector<16xf32>)  : i32 {
        %broadcast_in_dim3A_633 = vector.broadcast %scan3A_616 : i32 to vector<16xi32>
        %gather3A_634 = tpu.vector_load_idx %arg20[%broadcast_in_dim3A_633] : memref<32xf32, #tpu.memory_space<vmem>>[vector<16xi32>], vector<16xf32>,
        %add3A_635 = arith.constant 0 : i32
        %add3A_636 = vector.broadcast %add3A_635 : i32 to vector<16xi32>
        %add3A_637 = arith.addi %iota3A, %add3A_636 : vector<16xi32>
        %gather3A_638 = tpu.vector_load_idx %arg22[%broadcast_in_dim3A_633, %add3A_637] : memref<32x256xf32, #tpu.memory_space<vmem>>[vector<16xi32>, vector<16xi32>], vector<16xf32>,
        %mul3A_639 = arith.mulf %gather3A_634, %gather3A_638 : vector<16xf32>
        %add3A_640 = arith.addf %scan3A_617, %mul3A_639 : vector<16xf32>
        %add3A_641 = arith.constant 16 : i32
        %add3A_642 = vector.broadcast %add3A_641 : i32 to vector<16xi32>
        %add3A_643 = arith.addi %iota3A, %add3A_642 : vector<16xi32>
        %gather3A_644 = tpu.vector_load_idx %arg22[%broadcast_in_dim3A_633, %add3A_643] : memref<32x256xf32, #tpu.memory_space<vmem>>[vector<16xi32>, vector<16xi32>], vector<16xf32>,
        %mul3A_645 = arith.mulf %gather3A_634, %gather3A_644 : vector<16xf32>
        %add3A_646 = arith.addf %scan3A_618, %mul3A_645 : vector<16xf32>
        %add3A_647 = arith.constant 32 : i32
        %add3A_648 = vector.broadcast %add3A_647 : i32 to vector<16xi32>
        %add3A_649 = arith.addi %iota3A, %add3A_648 : vector<16xi32>
        %gather3A_650 = tpu.vector_load_idx %arg22[%broadcast_in_dim3A_633, %add3A_649] : memref<32x256xf32, #tpu.memory_space<vmem>>[vector<16xi32>, vector<16xi32>], vector<16xf32>,
        %mul3A_651 = arith.mulf %gather3A_634, %gather3A_650 : vector<16xf32>
        %add3A_652 = arith.addf %scan3A_619, %mul3A_651 : vector<16xf32>
        %add3A_653 = arith.constant 48 : i32
        %add3A_654 = vector.broadcast %add3A_653 : i32 to vector<16xi32>
        %add3A_655 = arith.addi %iota3A, %add3A_654 : vector<16xi32>
        %gather3A_656 = tpu.vector_load_idx %arg22[%broadcast_in_dim3A_633, %add3A_655] : memref<32x256xf32, #tpu.memory_space<vmem>>[vector<16xi32>, vector<16xi32>], vector<16xf32>,
        %mul3A_657 = arith.mulf %gather3A_634, %gather3A_656 : vector<16xf32>
        %add3A_658 = arith.addf %scan3A_620, %mul3A_657 : vector<16xf32>
        %add3A_659 = arith.constant 64 : i32
        %add3A_660 = vector.broadcast %add3A_659 : i32 to vector<16xi32>
        %add3A_661 = arith.addi %iota3A, %add3A_660 : vector<16xi32>
        %gather3A_662 = tpu.vector_load_idx %arg22[%broadcast_in_dim3A_633, %add3A_661] : memref<32x256xf32, #tpu.memory_space<vmem>>[vector<16xi32>, vector<16xi32>], vector<16xf32>,
        %mul3A_663 = arith.mulf %gather3A_634, %gather3A_662 : vector<16xf32>
        %add3A_664 = arith.addf %scan3A_621, %mul3A_663 : vector<16xf32>
        %add3A_665 = arith.constant 80 : i32
        %add3A_666 = vector.broadcast %add3A_665 : i32 to vector<16xi32>
        %add3A_667 = arith.addi %iota3A, %add3A_666 : vector<16xi32>
        %gather3A_668 = tpu.vector_load_idx %arg22[%broadcast_in_dim3A_633, %add3A_667] : memref<32x256xf32, #tpu.memory_space<vmem>>[vector<16xi32>, vector<16xi32>], vector<16xf32>,
        %mul3A_669 = arith.mulf %gather3A_634, %gather3A_668 : vector<16xf32>
        %add3A_670 = arith.addf %scan3A_622, %mul3A_669 : vector<16xf32>
        %add3A_671 = arith.constant 96 : i32
        %add3A_672 = vector.broadcast %add3A_671 : i32 to vector<16xi32>
        %add3A_673 = arith.addi %iota3A, %add3A_672 : vector<16xi32>
        %gather3A_674 = tpu.vector_load_idx %arg22[%broadcast_in_dim3A_633, %add3A_673] : memref<32x256xf32, #tpu.memory_space<vmem>>[vector<16xi32>, vector<16xi32>], vector<16xf32>,
        %mul3A_675 = arith.mulf %gather3A_634, %gather3A_674 : vector<16xf32>
        %add3A_676 = arith.addf %scan3A_623, %mul3A_675 : vector<16xf32>
        %add3A_677 = arith.constant 112 : i32
        %add3A_678 = vector.broadcast %add3A_677 : i32 to vector<16xi32>
        %add3A_679 = arith.addi %iota3A, %add3A_678 : vector<16xi32>
        %gather3A_680 = tpu.vector_load_idx %arg22[%broadcast_in_dim3A_633, %add3A_679] : memref<32x256xf32, #tpu.memory_space<vmem>>[vector<16xi32>, vector<16xi32>], vector<16xf32>,
        %mul3A_681 = arith.mulf %gather3A_634, %gather3A_680 : vector<16xf32>
        %add3A_682 = arith.addf %scan3A_624, %mul3A_681 : vector<16xf32>
        %add3A_683 = arith.constant 128 : i32
        %add3A_684 = vector.broadcast %add3A_683 : i32 to vector<16xi32>
        %add3A_685 = arith.addi %iota3A, %add3A_684 : vector<16xi32>
        %gather3A_686 = tpu.vector_load_idx %arg22[%broadcast_in_dim3A_633, %add3A_685] : memref<32x256xf32, #tpu.memory_space<vmem>>[vector<16xi32>, vector<16xi32>], vector<16xf32>,
        %mul3A_687 = arith.mulf %gather3A_634, %gather3A_686 : vector<16xf32>
        %add3A_688 = arith.addf %scan3A_625, %mul3A_687 : vector<16xf32>
        %add3A_689 = arith.constant 144 : i32
        %add3A_690 = vector.broadcast %add3A_689 : i32 to vector<16xi32>
        %add3A_691 = arith.addi %iota3A, %add3A_690 : vector<16xi32>
        %gather3A_692 = tpu.vector_load_idx %arg22[%broadcast_in_dim3A_633, %add3A_691] : memref<32x256xf32, #tpu.memory_space<vmem>>[vector<16xi32>, vector<16xi32>], vector<16xf32>,
        %mul3A_693 = arith.mulf %gather3A_634, %gather3A_692 : vector<16xf32>
        %add3A_694 = arith.addf %scan3A_626, %mul3A_693 : vector<16xf32>
        %add3A_695 = arith.constant 160 : i32
        %add3A_696 = vector.broadcast %add3A_695 : i32 to vector<16xi32>
        %add3A_697 = arith.addi %iota3A, %add3A_696 : vector<16xi32>
        %gather3A_698 = tpu.vector_load_idx %arg22[%broadcast_in_dim3A_633, %add3A_697] : memref<32x256xf32, #tpu.memory_space<vmem>>[vector<16xi32>, vector<16xi32>], vector<16xf32>,
        %mul3A_699 = arith.mulf %gather3A_634, %gather3A_698 : vector<16xf32>
        %add3A_700 = arith.addf %scan3A_627, %mul3A_699 : vector<16xf32>
        %add3A_701 = arith.constant 176 : i32
        %add3A_702 = vector.broadcast %add3A_701 : i32 to vector<16xi32>
        %add3A_703 = arith.addi %iota3A, %add3A_702 : vector<16xi32>
        %gather3A_704 = tpu.vector_load_idx %arg22[%broadcast_in_dim3A_633, %add3A_703] : memref<32x256xf32, #tpu.memory_space<vmem>>[vector<16xi32>, vector<16xi32>], vector<16xf32>,
        %mul3A_705 = arith.mulf %gather3A_634, %gather3A_704 : vector<16xf32>
        %add3A_706 = arith.addf %scan3A_628, %mul3A_705 : vector<16xf32>
        %add3A_707 = arith.constant 192 : i32
        %add3A_708 = vector.broadcast %add3A_707 : i32 to vector<16xi32>
        %add3A_709 = arith.addi %iota3A, %add3A_708 : vector<16xi32>
        %gather3A_710 = tpu.vector_load_idx %arg22[%broadcast_in_dim3A_633, %add3A_709] : memref<32x256xf32, #tpu.memory_space<vmem>>[vector<16xi32>, vector<16xi32>], vector<16xf32>,
        %mul3A_711 = arith.mulf %gather3A_634, %gather3A_710 : vector<16xf32>
        %add3A_712 = arith.addf %scan3A_629, %mul3A_711 : vector<16xf32>
        %add3A_713 = arith.constant 208 : i32
        %add3A_714 = vector.broadcast %add3A_713 : i32 to vector<16xi32>
        %add3A_715 = arith.addi %iota3A, %add3A_714 : vector<16xi32>
        %gather3A_716 = tpu.vector_load_idx %arg22[%broadcast_in_dim3A_633, %add3A_715] : memref<32x256xf32, #tpu.memory_space<vmem>>[vector<16xi32>, vector<16xi32>], vector<16xf32>,
        %mul3A_717 = arith.mulf %gather3A_634, %gather3A_716 : vector<16xf32>
        %add3A_718 = arith.addf %scan3A_630, %mul3A_717 : vector<16xf32>
        %add3A_719 = arith.constant 224 : i32
        %add3A_720 = vector.broadcast %add3A_719 : i32 to vector<16xi32>
        %add3A_721 = arith.addi %iota3A, %add3A_720 : vector<16xi32>
        %gather3A_722 = tpu.vector_load_idx %arg22[%broadcast_in_dim3A_633, %add3A_721] : memref<32x256xf32, #tpu.memory_space<vmem>>[vector<16xi32>, vector<16xi32>], vector<16xf32>,
        %mul3A_723 = arith.mulf %gather3A_634, %gather3A_722 : vector<16xf32>
        %add3A_724 = arith.addf %scan3A_631, %mul3A_723 : vector<16xf32>
        %add3A_725 = arith.constant 240 : i32
        %add3A_726 = vector.broadcast %add3A_725 : i32 to vector<16xi32>
        %add3A_727 = arith.addi %iota3A, %add3A_726 : vector<16xi32>
        %gather3A_728 = tpu.vector_load_idx %arg22[%broadcast_in_dim3A_633, %add3A_727] : memref<32x256xf32, #tpu.memory_space<vmem>>[vector<16xi32>, vector<16xi32>], vector<16xf32>,
        %mul3A_729 = arith.mulf %gather3A_634, %gather3A_728 : vector<16xf32>
        %add3A_730 = arith.addf %scan3A_632, %mul3A_729 : vector<16xf32>
        scf.yield %add3A_640, %add3A_646, %add3A_652, %add3A_658, %add3A_664, %add3A_670, %add3A_676, %add3A_682, %add3A_688, %add3A_694, %add3A_700, %add3A_706, %add3A_712, %add3A_718, %add3A_724, %add3A_730 : vector<16xf32>, vector<16xf32>, vector<16xf32>, vector<16xf32>, vector<16xf32>, vector<16xf32>, vector<16xf32>, vector<16xf32>, vector<16xf32>, vector<16xf32>, vector<16xf32>, vector<16xf32>, vector<16xf32>, vector<16xf32>, vector<16xf32>, vector<16xf32>
      }
      %scan3A_268 = arith.constant 32 : i32
      %add3A_269 = arith.constant 0 : i32
      %add3A_270 = vector.broadcast %add3A_269 : i32 to vector<16xi32>
      %add3A_271 = arith.addi %iota3A, %add3A_270 : vector<16xi32>
      tpu.vector_store_idx %arg24[%broadcast_in_dim3A_60, %add3A_271], %scan3A_267#0 : memref<16x256xf32, #tpu.memory_space<vmem>>[vector<16xi32>, vector<16xi32>], vector<16xf32>,
      %add3A_272 = arith.constant 16 : i32
      %add3A_273 = vector.broadcast %add3A_272 : i32 to vector<16xi32>
      %add3A_274 = arith.addi %iota3A, %add3A_273 : vector<16xi32>
      tpu.vector_store_idx %arg24[%broadcast_in_dim3A_60, %add3A_274], %scan3A_267#1 : memref<16x256xf32, #tpu.memory_space<vmem>>[vector<16xi32>, vector<16xi32>], vector<16xf32>,
      %add3A_275 = arith.constant 32 : i32
      %add3A_276 = vector.broadcast %add3A_275 : i32 to vector<16xi32>
      %add3A_277 = arith.addi %iota3A, %add3A_276 : vector<16xi32>
      tpu.vector_store_idx %arg24[%broadcast_in_dim3A_60, %add3A_277], %scan3A_267#2 : memref<16x256xf32, #tpu.memory_space<vmem>>[vector<16xi32>, vector<16xi32>], vector<16xf32>,
      %add3A_278 = arith.constant 48 : i32
      %add3A_279 = vector.broadcast %add3A_278 : i32 to vector<16xi32>
      %add3A_280 = arith.addi %iota3A, %add3A_279 : vector<16xi32>
      tpu.vector_store_idx %arg24[%broadcast_in_dim3A_60, %add3A_280], %scan3A_267#3 : memref<16x256xf32, #tpu.memory_space<vmem>>[vector<16xi32>, vector<16xi32>], vector<16xf32>,
      %add3A_281 = arith.constant 64 : i32
      %add3A_282 = vector.broadcast %add3A_281 : i32 to vector<16xi32>
      %add3A_283 = arith.addi %iota3A, %add3A_282 : vector<16xi32>
      tpu.vector_store_idx %arg24[%broadcast_in_dim3A_60, %add3A_283], %scan3A_267#4 : memref<16x256xf32, #tpu.memory_space<vmem>>[vector<16xi32>, vector<16xi32>], vector<16xf32>,
      %add3A_284 = arith.constant 80 : i32
      %add3A_285 = vector.broadcast %add3A_284 : i32 to vector<16xi32>
      %add3A_286 = arith.addi %iota3A, %add3A_285 : vector<16xi32>
      tpu.vector_store_idx %arg24[%broadcast_in_dim3A_60, %add3A_286], %scan3A_267#5 : memref<16x256xf32, #tpu.memory_space<vmem>>[vector<16xi32>, vector<16xi32>], vector<16xf32>,
      %add3A_287 = arith.constant 96 : i32
      %add3A_288 = vector.broadcast %add3A_287 : i32 to vector<16xi32>
      %add3A_289 = arith.addi %iota3A, %add3A_288 : vector<16xi32>
      tpu.vector_store_idx %arg24[%broadcast_in_dim3A_60, %add3A_289], %scan3A_267#6 : memref<16x256xf32, #tpu.memory_space<vmem>>[vector<16xi32>, vector<16xi32>], vector<16xf32>,
      %add3A_290 = arith.constant 112 : i32
      %add3A_291 = vector.broadcast %add3A_290 : i32 to vector<16xi32>
      %add3A_292 = arith.addi %iota3A, %add3A_291 : vector<16xi32>
      tpu.vector_store_idx %arg24[%broadcast_in_dim3A_60, %add3A_292], %scan3A_267#7 : memref<16x256xf32, #tpu.memory_space<vmem>>[vector<16xi32>, vector<16xi32>], vector<16xf32>,
      %add3A_293 = arith.constant 128 : i32
      %add3A_294 = vector.broadcast %add3A_293 : i32 to vector<16xi32>
      %add3A_295 = arith.addi %iota3A, %add3A_294 : vector<16xi32>
      tpu.vector_store_idx %arg24[%broadcast_in_dim3A_60, %add3A_295], %scan3A_267#8 : memref<16x256xf32, #tpu.memory_space<vmem>>[vector<16xi32>, vector<16xi32>], vector<16xf32>,
      %add3A_296 = arith.constant 144 : i32
      %add3A_297 = vector.broadcast %add3A_296 : i32 to vector<16xi32>
      %add3A_298 = arith.addi %iota3A, %add3A_297 : vector<16xi32>
      tpu.vector_store_idx %arg24[%broadcast_in_dim3A_60, %add3A_298], %scan3A_267#9 : memref<16x256xf32, #tpu.memory_space<vmem>>[vector<16xi32>, vector<16xi32>], vector<16xf32>,
      %add3A_299 = arith.constant 160 : i32
      %add3A_300 = vector.broadcast %add3A_299 : i32 to vector<16xi32>
      %add3A_301 = arith.addi %iota3A, %add3A_300 : vector<16xi32>
      tpu.vector_store_idx %arg24[%broadcast_in_dim3A_60, %add3A_301], %scan3A_267#10 : memref<16x256xf32, #tpu.memory_space<vmem>>[vector<16xi32>, vector<16xi32>], vector<16xf32>,
      %add3A_302 = arith.constant 176 : i32
      %add3A_303 = vector.broadcast %add3A_302 : i32 to vector<16xi32>
      %add3A_304 = arith.addi %iota3A, %add3A_303 : vector<16xi32>
      tpu.vector_store_idx %arg24[%broadcast_in_dim3A_60, %add3A_304], %scan3A_267#11 : memref<16x256xf32, #tpu.memory_space<vmem>>[vector<16xi32>, vector<16xi32>], vector<16xf32>,
      %add3A_305 = arith.constant 192 : i32
      %add3A_306 = vector.broadcast %add3A_305 : i32 to vector<16xi32>
      %add3A_307 = arith.addi %iota3A, %add3A_306 : vector<16xi32>
      tpu.vector_store_idx %arg24[%broadcast_in_dim3A_60, %add3A_307], %scan3A_267#12 : memref<16x256xf32, #tpu.memory_space<vmem>>[vector<16xi32>, vector<16xi32>], vector<16xf32>,
      %add3A_308 = arith.constant 208 : i32
      %add3A_309 = vector.broadcast %add3A_308 : i32 to vector<16xi32>
      %add3A_310 = arith.addi %iota3A, %add3A_309 : vector<16xi32>
      tpu.vector_store_idx %arg24[%broadcast_in_dim3A_60, %add3A_310], %scan3A_267#13 : memref<16x256xf32, #tpu.memory_space<vmem>>[vector<16xi32>, vector<16xi32>], vector<16xf32>,
      %add3A_311 = arith.constant 224 : i32
      %add3A_312 = vector.broadcast %add3A_311 : i32 to vector<16xi32>
      %add3A_313 = arith.addi %iota3A, %add3A_312 : vector<16xi32>
      tpu.vector_store_idx %arg24[%broadcast_in_dim3A_60, %add3A_313], %scan3A_267#14 : memref<16x256xf32, #tpu.memory_space<vmem>>[vector<16xi32>, vector<16xi32>], vector<16xf32>,
      %add3A_314 = arith.constant 240 : i32
      %add3A_315 = vector.broadcast %add3A_314 : i32 to vector<16xi32>
      %add3A_316 = arith.addi %iota3A, %add3A_315 : vector<16xi32>
      tpu.vector_store_idx %arg24[%broadcast_in_dim3A_60, %add3A_316], %scan3A_267#15 : memref<16x256xf32, #tpu.memory_space<vmem>>[vector<16xi32>, vector<16xi32>], vector<16xf32>,
      %add3A_317 = arith.constant 2 : i32
      %add3A_318 = arith.addi %mul3A_33, %add3A_317 : i32
      %min3A_319 = arith.constant 15 : i32
      %min3A_320 = arith.minsi %add3A_318, %min3A_319 : i32
      %broadcast_in_dim3A_321 = vector.broadcast %min3A_320 : i32 to vector<16xi32>
      %add3A_322 = arith.addi %mul3A_2, %min3A_320 : i32
      %mul3A_323 = arith.constant 512 : i32
      %mul3A_324 = arith.muli %add3A_322, %mul3A_323 : i32
      %broadcast_in_dim3A_325 = vector.broadcast %mul3A_324 : i32 to vector<16xi32>
      %gather3A_326 = tpu.vector_load_idx %arg8[%broadcast_in_dim3A_321, %iota3A] : memref<16x32xi32, #tpu.memory_space<vmem>>[vector<16xi32>, vector<16xi32>], vector<16xi32>,
      %add3A_327 = arith.addi %gather3A_326, %broadcast_in_dim3A_325 : vector<16xi32>
      %swap3A_328 = arith.constant 0 : index
      %swap3A_329 = tpu.vector_load %arg10[%swap3A_328] {strides = array<i32>} : memref<32xi32, #tpu.memory_space<vmem>>, vector<16xi32>,
      tpu.vector_store %arg10[%swap3A_328], %add3A_327 {strides = array<i32>} : memref<32xi32, #tpu.memory_space<vmem>>, vector<16xi32>,
      %add3A_330 = arith.constant 16 : i32
      %add3A_331 = vector.broadcast %add3A_330 : i32 to vector<16xi32>
      %add3A_332 = arith.addi %iota3A, %add3A_331 : vector<16xi32>
      %gather3A_333 = tpu.vector_load_idx %arg8[%broadcast_in_dim3A_321, %add3A_332] : memref<16x32xi32, #tpu.memory_space<vmem>>[vector<16xi32>, vector<16xi32>], vector<16xi32>,
      %add3A_334 = arith.addi %gather3A_333, %broadcast_in_dim3A_325 : vector<16xi32>
      %swap3A_335 = arith.constant 16 : index
      %swap3A_336 = tpu.vector_load %arg10[%swap3A_335] {strides = array<i32>} : memref<32xi32, #tpu.memory_space<vmem>>, vector<16xi32>,
      tpu.vector_store %arg10[%swap3A_335], %add3A_334 {strides = array<i32>} : memref<32xi32, #tpu.memory_space<vmem>>, vector<16xi32>,
      %dma_start3A_337 = arith.constant 0 : i32
      %dma_start3A_338 = arith.constant 0 : i32
      %dma_start3A_339 = tpu.memref_slice %arg2[%dma_start3A_337, %dma_start3A_338] : memref<262144x128xf32, #tpu.memory_space<hbm>> -> memref<262144x128xf32, #tpu.memory_space<hbm>>
      tpu.enqueue_indirect_dma source(%dma_start3A_339 : memref<262144x128xf32, #tpu.memory_space<hbm>>) target(%arg12 : memref<32x128xf32, #tpu.memory_space<vmem>>) offsets(%arg10 : memref<32xi32, #tpu.memory_space<vmem>>) semaphore(%arg25 : memref<!tpu.dma_semaphore, #tpu.memory_space<semaphore_mem>>)
      %dma_wait3A_340 = arith.constant 0 : i32
      %dma_wait3A_341 = arith.constant 0 : i32
      %dma_wait3A_342 = tpu.memref_slice %arg2[%dma_wait3A_340, %dma_wait3A_341] : memref<262144x128xf32, #tpu.memory_space<hbm>> -> memref<262144x128xf32, #tpu.memory_space<hbm>>
      tpu.wait_indirect_dma semaphore(%arg26 : memref<!tpu.dma_semaphore, #tpu.memory_space<semaphore_mem>>) src(%dma_wait3A_342 : memref<262144x128xf32, #tpu.memory_space<hbm>>) dst(%arg13 : memref<32x128xf32, #tpu.memory_space<vmem>>)
      %add3A_343 = arith.constant 1 : i32
      %add3A_344 = arith.addi %mul3A_33, %add3A_343 : i32
      %broadcast_in_dim3A_345 = vector.broadcast %add3A_344 : i32 to vector<16xi32>
      %broadcast_in_dim3A_346 = arith.constant 31 : i32
      %broadcast_in_dim3A_347 = vector.broadcast %broadcast_in_dim3A_346 : i32 to vector<16xi32>
      %gather3A_348 = tpu.vector_load_idx %arg9[%broadcast_in_dim3A_345, %broadcast_in_dim3A_347] : memref<16x32xf32, #tpu.memory_space<vmem>>[vector<16xi32>, vector<16xi32>], vector<16xf32>,
      %broadcast_in_dim3A_349 = arith.constant 0 : i32
      %broadcast_in_dim3A_350 = vector.broadcast %broadcast_in_dim3A_349 : i32 to vector<16xi32>
      %gather3A_351 = tpu.vector_load_idx %arg9[%broadcast_in_dim3A_345, %broadcast_in_dim3A_350] : memref<16x32xf32, #tpu.memory_space<vmem>>[vector<16xi32>, vector<16xi32>], vector<16xf32>,
      %broadcast_in_dim3A_352 = arith.constant -3.000000e+38 : f32
      %broadcast_in_dim3A_353 = vector.broadcast %broadcast_in_dim3A_352 : f32 to vector<16xf32>
      %swap3A_354 = arith.constant 0 : index
      %swap3A_355 = tpu.vector_load %arg14[%swap3A_354] {strides = array<i32>} : memref<128xf32, #tpu.memory_space<vmem>>, vector<16xf32>,
      tpu.vector_store %arg14[%swap3A_354], %broadcast_in_dim3A_353 {strides = array<i32>} : memref<128xf32, #tpu.memory_space<vmem>>, vector<16xf32>,
      %broadcast_in_dim3A_356 = arith.constant -3.000000e+38 : f32
      %broadcast_in_dim3A_357 = vector.broadcast %broadcast_in_dim3A_356 : f32 to vector<16xf32>
      %swap3A_358 = arith.constant 16 : index
      %swap3A_359 = tpu.vector_load %arg14[%swap3A_358] {strides = array<i32>} : memref<128xf32, #tpu.memory_space<vmem>>, vector<16xf32>,
      tpu.vector_store %arg14[%swap3A_358], %broadcast_in_dim3A_357 {strides = array<i32>} : memref<128xf32, #tpu.memory_space<vmem>>, vector<16xf32>,
      %broadcast_in_dim3A_360 = arith.constant -3.000000e+38 : f32
      %broadcast_in_dim3A_361 = vector.broadcast %broadcast_in_dim3A_360 : f32 to vector<16xf32>
      %swap3A_362 = arith.constant 32 : index
      %swap3A_363 = tpu.vector_load %arg14[%swap3A_362] {strides = array<i32>} : memref<128xf32, #tpu.memory_space<vmem>>, vector<16xf32>,
      tpu.vector_store %arg14[%swap3A_362], %broadcast_in_dim3A_361 {strides = array<i32>} : memref<128xf32, #tpu.memory_space<vmem>>, vector<16xf32>,
      %broadcast_in_dim3A_364 = arith.constant -3.000000e+38 : f32
      %broadcast_in_dim3A_365 = vector.broadcast %broadcast_in_dim3A_364 : f32 to vector<16xf32>
      %swap3A_366 = arith.constant 48 : index
      %swap3A_367 = tpu.vector_load %arg14[%swap3A_366] {strides = array<i32>} : memref<128xf32, #tpu.memory_space<vmem>>, vector<16xf32>,
      tpu.vector_store %arg14[%swap3A_366], %broadcast_in_dim3A_365 {strides = array<i32>} : memref<128xf32, #tpu.memory_space<vmem>>, vector<16xf32>,
      %broadcast_in_dim3A_368 = arith.constant -3.000000e+38 : f32
      %broadcast_in_dim3A_369 = vector.broadcast %broadcast_in_dim3A_368 : f32 to vector<16xf32>
      %swap3A_370 = arith.constant 64 : index
      %swap3A_371 = tpu.vector_load %arg14[%swap3A_370] {strides = array<i32>} : memref<128xf32, #tpu.memory_space<vmem>>, vector<16xf32>,
      tpu.vector_store %arg14[%swap3A_370], %broadcast_in_dim3A_369 {strides = array<i32>} : memref<128xf32, #tpu.memory_space<vmem>>, vector<16xf32>,
      %broadcast_in_dim3A_372 = arith.constant -3.000000e+38 : f32
      %broadcast_in_dim3A_373 = vector.broadcast %broadcast_in_dim3A_372 : f32 to vector<16xf32>
      %swap3A_374 = arith.constant 80 : index
      %swap3A_375 = tpu.vector_load %arg14[%swap3A_374] {strides = array<i32>} : memref<128xf32, #tpu.memory_space<vmem>>, vector<16xf32>,
      tpu.vector_store %arg14[%swap3A_374], %broadcast_in_dim3A_373 {strides = array<i32>} : memref<128xf32, #tpu.memory_space<vmem>>, vector<16xf32>,
      %broadcast_in_dim3A_376 = arith.constant -3.000000e+38 : f32
      %broadcast_in_dim3A_377 = vector.broadcast %broadcast_in_dim3A_376 : f32 to vector<16xf32>
      %swap3A_378 = arith.constant 96 : index
      %swap3A_379 = tpu.vector_load %arg14[%swap3A_378] {strides = array<i32>} : memref<128xf32, #tpu.memory_space<vmem>>, vector<16xf32>,
      tpu.vector_store %arg14[%swap3A_378], %broadcast_in_dim3A_377 {strides = array<i32>} : memref<128xf32, #tpu.memory_space<vmem>>, vector<16xf32>,
      %broadcast_in_dim3A_380 = arith.constant -3.000000e+38 : f32
      %broadcast_in_dim3A_381 = vector.broadcast %broadcast_in_dim3A_380 : f32 to vector<16xf32>
      %swap3A_382 = arith.constant 112 : index
      %swap3A_383 = tpu.vector_load %arg14[%swap3A_382] {strides = array<i32>} : memref<128xf32, #tpu.memory_space<vmem>>, vector<16xf32>,
      tpu.vector_store %arg14[%swap3A_382], %broadcast_in_dim3A_381 {strides = array<i32>} : memref<128xf32, #tpu.memory_space<vmem>>, vector<16xf32>,
      %broadcast_in_dim3A_384 = arith.constant 0 : i32
      %broadcast_in_dim3A_385 = vector.broadcast %broadcast_in_dim3A_384 : i32 to vector<16xi32>
      %scan3A_386 = arith.constant 0 : i32
      %scan3A_387 = arith.constant 32 : i32
      %scan3A_388 = arith.addi %scan3A_386, %scan3A_387 : i32
      %scan3A_389 = arith.constant 1 : i32
      %scan3A_390 = scf.for %scan3A_616 = %scan3A_386 to %scan3A_388 step %scan3A_389 iter_args(%scan3A_617 = %broadcast_in_dim3A_385) -> (vector<16xi32>)  : i32 {
        %broadcast_in_dim3A_618 = vector.broadcast %scan3A_616 : i32 to vector<16xi32>
        %add3A_619 = arith.constant 0 : i32
        %add3A_620 = vector.broadcast %add3A_619 : i32 to vector<16xi32>
        %add3A_621 = arith.addi %iota3A, %add3A_620 : vector<16xi32>
        %gather3A_622 = tpu.vector_load_idx %arg13[%broadcast_in_dim3A_618, %add3A_621] : memref<32x128xf32, #tpu.memory_space<vmem>>[vector<16xi32>, vector<16xi32>], vector<16xf32>,
        %ge3A = arith.cmpf oge, %gather3A_622, %gather3A_348 : vector<16xf32>
        %jit3A_623 = arith.constant 1 : i32
        %jit3A_624 = arith.constant 0 : i32
        %broadcast_in_dim3A_625 = vector.broadcast %jit3A_623 : i32 to vector<16xi32>
        %broadcast_in_dim3A_626 = vector.broadcast %jit3A_624 : i32 to vector<16xi32>
        %select_n3A_627 = arith.select %ge3A, %broadcast_in_dim3A_625, %broadcast_in_dim3A_626 : vector<16xi1>, vector<16xi32>
        %broadcast_in_dim3A_628 = arith.constant true
        %broadcast_in_dim3A_629 = vector.broadcast %broadcast_in_dim3A_628 : i1 to vector<16xi1>
        %masked_cumsum3A_630 = tpu.scan <sum>, %select_n3A_627 masked %broadcast_in_dim3A_629 : vector<16xi32>, vector<16xi1> -> vector<16xi32>
        %add3A_631 = arith.addi %scan3A_617, %masked_cumsum3A_630 : vector<16xi32>
        %sub3A_632 = arith.constant 1 : i32
        %sub3A_633 = vector.broadcast %sub3A_632 : i32 to vector<16xi32>
        %sub3A_634 = arith.subi %add3A_631, %sub3A_633 : vector<16xi32>
        %lt3A = arith.constant 128 : i32
        %lt3A_635 = vector.broadcast %lt3A : i32 to vector<16xi32>
        %lt3A_636 = arith.cmpi slt, %sub3A_634, %lt3A_635 : vector<16xi32>
        %and3A_637 = arith.andi %ge3A, %lt3A_636 : vector<16xi1>
        %mul3A_638 = arith.constant 128 : i32
        %mul3A_639 = vector.broadcast %mul3A_638 : i32 to vector<16xi32>
        %mul3A_640 = arith.muli %broadcast_in_dim3A_618, %mul3A_639 : vector<16xi32>
        %add3A_641 = arith.constant 0 : i32
        %add3A_642 = vector.broadcast %add3A_641 : i32 to vector<16xi32>
        %add3A_643 = arith.addi %iota3A, %add3A_642 : vector<16xi32>
        %add3A_644 = arith.addi %mul3A_640, %add3A_643 : vector<16xi32>
        tpu.vector_store_idx %arg14[%sub3A_634], %gather3A_622 masked %and3A_637 : memref<128xf32, #tpu.memory_space<vmem>>[vector<16xi32>], vector<16xf32>, vector<16xi1>
        tpu.vector_store_idx %arg15[%sub3A_634], %add3A_644 masked %and3A_637 : memref<128xi32, #tpu.memory_space<vmem>>[vector<16xi32>], vector<16xi32>, vector<16xi1>
        %all_reduce_population_count3A = tpu.all_reduce %ge3A {dim = 0 : i64, kind = #tpu.reduction_kind<sum>} : vector<16xi1> -> vector<16xi32>
        %add3A_645 = arith.addi %scan3A_617, %all_reduce_population_count3A : vector<16xi32>
        %add3A_646 = arith.constant 16 : i32
        %add3A_647 = vector.broadcast %add3A_646 : i32 to vector<16xi32>
        %add3A_648 = arith.addi %iota3A, %add3A_647 : vector<16xi32>
        %gather3A_649 = tpu.vector_load_idx %arg13[%broadcast_in_dim3A_618, %add3A_648] : memref<32x128xf32, #tpu.memory_space<vmem>>[vector<16xi32>, vector<16xi32>], vector<16xf32>,
        %ge3A_650 = arith.cmpf oge, %gather3A_649, %gather3A_348 : vector<16xf32>
        %jit3A_651 = arith.constant 1 : i32
        %jit3A_652 = arith.constant 0 : i32
        %broadcast_in_dim3A_653 = vector.broadcast %jit3A_651 : i32 to vector<16xi32>
        %broadcast_in_dim3A_654 = vector.broadcast %jit3A_652 : i32 to vector<16xi32>
        %select_n3A_655 = arith.select %ge3A_650, %broadcast_in_dim3A_653, %broadcast_in_dim3A_654 : vector<16xi1>, vector<16xi32>
        %broadcast_in_dim3A_656 = arith.constant true
        %broadcast_in_dim3A_657 = vector.broadcast %broadcast_in_dim3A_656 : i1 to vector<16xi1>
        %masked_cumsum3A_658 = tpu.scan <sum>, %select_n3A_655 masked %broadcast_in_dim3A_657 : vector<16xi32>, vector<16xi1> -> vector<16xi32>
        %add3A_659 = arith.addi %add3A_645, %masked_cumsum3A_658 : vector<16xi32>
        %sub3A_660 = arith.constant 1 : i32
        %sub3A_661 = vector.broadcast %sub3A_660 : i32 to vector<16xi32>
        %sub3A_662 = arith.subi %add3A_659, %sub3A_661 : vector<16xi32>
        %lt3A_663 = arith.constant 128 : i32
        %lt3A_664 = vector.broadcast %lt3A_663 : i32 to vector<16xi32>
        %lt3A_665 = arith.cmpi slt, %sub3A_662, %lt3A_664 : vector<16xi32>
        %and3A_666 = arith.andi %ge3A_650, %lt3A_665 : vector<16xi1>
        %mul3A_667 = arith.constant 128 : i32
        %mul3A_668 = vector.broadcast %mul3A_667 : i32 to vector<16xi32>
        %mul3A_669 = arith.muli %broadcast_in_dim3A_618, %mul3A_668 : vector<16xi32>
        %add3A_670 = arith.constant 16 : i32
        %add3A_671 = vector.broadcast %add3A_670 : i32 to vector<16xi32>
        %add3A_672 = arith.addi %iota3A, %add3A_671 : vector<16xi32>
        %add3A_673 = arith.addi %mul3A_669, %add3A_672 : vector<16xi32>
        tpu.vector_store_idx %arg14[%sub3A_662], %gather3A_649 masked %and3A_666 : memref<128xf32, #tpu.memory_space<vmem>>[vector<16xi32>], vector<16xf32>, vector<16xi1>
        tpu.vector_store_idx %arg15[%sub3A_662], %add3A_673 masked %and3A_666 : memref<128xi32, #tpu.memory_space<vmem>>[vector<16xi32>], vector<16xi32>, vector<16xi1>
        %all_reduce_population_count3A_674 = tpu.all_reduce %ge3A_650 {dim = 0 : i64, kind = #tpu.reduction_kind<sum>} : vector<16xi1> -> vector<16xi32>
        %add3A_675 = arith.addi %add3A_645, %all_reduce_population_count3A_674 : vector<16xi32>
        %add3A_676 = arith.constant 32 : i32
        %add3A_677 = vector.broadcast %add3A_676 : i32 to vector<16xi32>
        %add3A_678 = arith.addi %iota3A, %add3A_677 : vector<16xi32>
        %gather3A_679 = tpu.vector_load_idx %arg13[%broadcast_in_dim3A_618, %add3A_678] : memref<32x128xf32, #tpu.memory_space<vmem>>[vector<16xi32>, vector<16xi32>], vector<16xf32>,
        %ge3A_680 = arith.cmpf oge, %gather3A_679, %gather3A_348 : vector<16xf32>
        %jit3A_681 = arith.constant 1 : i32
        %jit3A_682 = arith.constant 0 : i32
        %broadcast_in_dim3A_683 = vector.broadcast %jit3A_681 : i32 to vector<16xi32>
        %broadcast_in_dim3A_684 = vector.broadcast %jit3A_682 : i32 to vector<16xi32>
        %select_n3A_685 = arith.select %ge3A_680, %broadcast_in_dim3A_683, %broadcast_in_dim3A_684 : vector<16xi1>, vector<16xi32>
        %broadcast_in_dim3A_686 = arith.constant true
        %broadcast_in_dim3A_687 = vector.broadcast %broadcast_in_dim3A_686 : i1 to vector<16xi1>
        %masked_cumsum3A_688 = tpu.scan <sum>, %select_n3A_685 masked %broadcast_in_dim3A_687 : vector<16xi32>, vector<16xi1> -> vector<16xi32>
        %add3A_689 = arith.addi %add3A_675, %masked_cumsum3A_688 : vector<16xi32>
        %sub3A_690 = arith.constant 1 : i32
        %sub3A_691 = vector.broadcast %sub3A_690 : i32 to vector<16xi32>
        %sub3A_692 = arith.subi %add3A_689, %sub3A_691 : vector<16xi32>
        %lt3A_693 = arith.constant 128 : i32
        %lt3A_694 = vector.broadcast %lt3A_693 : i32 to vector<16xi32>
        %lt3A_695 = arith.cmpi slt, %sub3A_692, %lt3A_694 : vector<16xi32>
        %and3A_696 = arith.andi %ge3A_680, %lt3A_695 : vector<16xi1>
        %mul3A_697 = arith.constant 128 : i32
        %mul3A_698 = vector.broadcast %mul3A_697 : i32 to vector<16xi32>
        %mul3A_699 = arith.muli %broadcast_in_dim3A_618, %mul3A_698 : vector<16xi32>
        %add3A_700 = arith.constant 32 : i32
        %add3A_701 = vector.broadcast %add3A_700 : i32 to vector<16xi32>
        %add3A_702 = arith.addi %iota3A, %add3A_701 : vector<16xi32>
        %add3A_703 = arith.addi %mul3A_699, %add3A_702 : vector<16xi32>
        tpu.vector_store_idx %arg14[%sub3A_692], %gather3A_679 masked %and3A_696 : memref<128xf32, #tpu.memory_space<vmem>>[vector<16xi32>], vector<16xf32>, vector<16xi1>
        tpu.vector_store_idx %arg15[%sub3A_692], %add3A_703 masked %and3A_696 : memref<128xi32, #tpu.memory_space<vmem>>[vector<16xi32>], vector<16xi32>, vector<16xi1>
        %all_reduce_population_count3A_704 = tpu.all_reduce %ge3A_680 {dim = 0 : i64, kind = #tpu.reduction_kind<sum>} : vector<16xi1> -> vector<16xi32>
        %add3A_705 = arith.addi %add3A_675, %all_reduce_population_count3A_704 : vector<16xi32>
        %add3A_706 = arith.constant 48 : i32
        %add3A_707 = vector.broadcast %add3A_706 : i32 to vector<16xi32>
        %add3A_708 = arith.addi %iota3A, %add3A_707 : vector<16xi32>
        %gather3A_709 = tpu.vector_load_idx %arg13[%broadcast_in_dim3A_618, %add3A_708] : memref<32x128xf32, #tpu.memory_space<vmem>>[vector<16xi32>, vector<16xi32>], vector<16xf32>,
        %ge3A_710 = arith.cmpf oge, %gather3A_709, %gather3A_348 : vector<16xf32>
        %jit3A_711 = arith.constant 1 : i32
        %jit3A_712 = arith.constant 0 : i32
        %broadcast_in_dim3A_713 = vector.broadcast %jit3A_711 : i32 to vector<16xi32>
        %broadcast_in_dim3A_714 = vector.broadcast %jit3A_712 : i32 to vector<16xi32>
        %select_n3A_715 = arith.select %ge3A_710, %broadcast_in_dim3A_713, %broadcast_in_dim3A_714 : vector<16xi1>, vector<16xi32>
        %broadcast_in_dim3A_716 = arith.constant true
        %broadcast_in_dim3A_717 = vector.broadcast %broadcast_in_dim3A_716 : i1 to vector<16xi1>
        %masked_cumsum3A_718 = tpu.scan <sum>, %select_n3A_715 masked %broadcast_in_dim3A_717 : vector<16xi32>, vector<16xi1> -> vector<16xi32>
        %add3A_719 = arith.addi %add3A_705, %masked_cumsum3A_718 : vector<16xi32>
        %sub3A_720 = arith.constant 1 : i32
        %sub3A_721 = vector.broadcast %sub3A_720 : i32 to vector<16xi32>
        %sub3A_722 = arith.subi %add3A_719, %sub3A_721 : vector<16xi32>
        %lt3A_723 = arith.constant 128 : i32
        %lt3A_724 = vector.broadcast %lt3A_723 : i32 to vector<16xi32>
        %lt3A_725 = arith.cmpi slt, %sub3A_722, %lt3A_724 : vector<16xi32>
        %and3A_726 = arith.andi %ge3A_710, %lt3A_725 : vector<16xi1>
        %mul3A_727 = arith.constant 128 : i32
        %mul3A_728 = vector.broadcast %mul3A_727 : i32 to vector<16xi32>
        %mul3A_729 = arith.muli %broadcast_in_dim3A_618, %mul3A_728 : vector<16xi32>
        %add3A_730 = arith.constant 48 : i32
        %add3A_731 = vector.broadcast %add3A_730 : i32 to vector<16xi32>
        %add3A_732 = arith.addi %iota3A, %add3A_731 : vector<16xi32>
        %add3A_733 = arith.addi %mul3A_729, %add3A_732 : vector<16xi32>
        tpu.vector_store_idx %arg14[%sub3A_722], %gather3A_709 masked %and3A_726 : memref<128xf32, #tpu.memory_space<vmem>>[vector<16xi32>], vector<16xf32>, vector<16xi1>
        tpu.vector_store_idx %arg15[%sub3A_722], %add3A_733 masked %and3A_726 : memref<128xi32, #tpu.memory_space<vmem>>[vector<16xi32>], vector<16xi32>, vector<16xi1>
        %all_reduce_population_count3A_734 = tpu.all_reduce %ge3A_710 {dim = 0 : i64, kind = #tpu.reduction_kind<sum>} : vector<16xi1> -> vector<16xi32>
        %add3A_735 = arith.addi %add3A_705, %all_reduce_population_count3A_734 : vector<16xi32>
        %add3A_736 = arith.constant 64 : i32
        %add3A_737 = vector.broadcast %add3A_736 : i32 to vector<16xi32>
        %add3A_738 = arith.addi %iota3A, %add3A_737 : vector<16xi32>
        %gather3A_739 = tpu.vector_load_idx %arg13[%broadcast_in_dim3A_618, %add3A_738] : memref<32x128xf32, #tpu.memory_space<vmem>>[vector<16xi32>, vector<16xi32>], vector<16xf32>,
        %ge3A_740 = arith.cmpf oge, %gather3A_739, %gather3A_348 : vector<16xf32>
        %jit3A_741 = arith.constant 1 : i32
        %jit3A_742 = arith.constant 0 : i32
        %broadcast_in_dim3A_743 = vector.broadcast %jit3A_741 : i32 to vector<16xi32>
        %broadcast_in_dim3A_744 = vector.broadcast %jit3A_742 : i32 to vector<16xi32>
        %select_n3A_745 = arith.select %ge3A_740, %broadcast_in_dim3A_743, %broadcast_in_dim3A_744 : vector<16xi1>, vector<16xi32>
        %broadcast_in_dim3A_746 = arith.constant true
        %broadcast_in_dim3A_747 = vector.broadcast %broadcast_in_dim3A_746 : i1 to vector<16xi1>
        %masked_cumsum3A_748 = tpu.scan <sum>, %select_n3A_745 masked %broadcast_in_dim3A_747 : vector<16xi32>, vector<16xi1> -> vector<16xi32>
        %add3A_749 = arith.addi %add3A_735, %masked_cumsum3A_748 : vector<16xi32>
        %sub3A_750 = arith.constant 1 : i32
        %sub3A_751 = vector.broadcast %sub3A_750 : i32 to vector<16xi32>
        %sub3A_752 = arith.subi %add3A_749, %sub3A_751 : vector<16xi32>
        %lt3A_753 = arith.constant 128 : i32
        %lt3A_754 = vector.broadcast %lt3A_753 : i32 to vector<16xi32>
        %lt3A_755 = arith.cmpi slt, %sub3A_752, %lt3A_754 : vector<16xi32>
        %and3A_756 = arith.andi %ge3A_740, %lt3A_755 : vector<16xi1>
        %mul3A_757 = arith.constant 128 : i32
        %mul3A_758 = vector.broadcast %mul3A_757 : i32 to vector<16xi32>
        %mul3A_759 = arith.muli %broadcast_in_dim3A_618, %mul3A_758 : vector<16xi32>
        %add3A_760 = arith.constant 64 : i32
        %add3A_761 = vector.broadcast %add3A_760 : i32 to vector<16xi32>
        %add3A_762 = arith.addi %iota3A, %add3A_761 : vector<16xi32>
        %add3A_763 = arith.addi %mul3A_759, %add3A_762 : vector<16xi32>
        tpu.vector_store_idx %arg14[%sub3A_752], %gather3A_739 masked %and3A_756 : memref<128xf32, #tpu.memory_space<vmem>>[vector<16xi32>], vector<16xf32>, vector<16xi1>
        tpu.vector_store_idx %arg15[%sub3A_752], %add3A_763 masked %and3A_756 : memref<128xi32, #tpu.memory_space<vmem>>[vector<16xi32>], vector<16xi32>, vector<16xi1>
        %all_reduce_population_count3A_764 = tpu.all_reduce %ge3A_740 {dim = 0 : i64, kind = #tpu.reduction_kind<sum>} : vector<16xi1> -> vector<16xi32>
        %add3A_765 = arith.addi %add3A_735, %all_reduce_population_count3A_764 : vector<16xi32>
        %add3A_766 = arith.constant 80 : i32
        %add3A_767 = vector.broadcast %add3A_766 : i32 to vector<16xi32>
        %add3A_768 = arith.addi %iota3A, %add3A_767 : vector<16xi32>
        %gather3A_769 = tpu.vector_load_idx %arg13[%broadcast_in_dim3A_618, %add3A_768] : memref<32x128xf32, #tpu.memory_space<vmem>>[vector<16xi32>, vector<16xi32>], vector<16xf32>,
        %ge3A_770 = arith.cmpf oge, %gather3A_769, %gather3A_348 : vector<16xf32>
        %jit3A_771 = arith.constant 1 : i32
        %jit3A_772 = arith.constant 0 : i32
        %broadcast_in_dim3A_773 = vector.broadcast %jit3A_771 : i32 to vector<16xi32>
        %broadcast_in_dim3A_774 = vector.broadcast %jit3A_772 : i32 to vector<16xi32>
        %select_n3A_775 = arith.select %ge3A_770, %broadcast_in_dim3A_773, %broadcast_in_dim3A_774 : vector<16xi1>, vector<16xi32>
        %broadcast_in_dim3A_776 = arith.constant true
        %broadcast_in_dim3A_777 = vector.broadcast %broadcast_in_dim3A_776 : i1 to vector<16xi1>
        %masked_cumsum3A_778 = tpu.scan <sum>, %select_n3A_775 masked %broadcast_in_dim3A_777 : vector<16xi32>, vector<16xi1> -> vector<16xi32>
        %add3A_779 = arith.addi %add3A_765, %masked_cumsum3A_778 : vector<16xi32>
        %sub3A_780 = arith.constant 1 : i32
        %sub3A_781 = vector.broadcast %sub3A_780 : i32 to vector<16xi32>
        %sub3A_782 = arith.subi %add3A_779, %sub3A_781 : vector<16xi32>
        %lt3A_783 = arith.constant 128 : i32
        %lt3A_784 = vector.broadcast %lt3A_783 : i32 to vector<16xi32>
        %lt3A_785 = arith.cmpi slt, %sub3A_782, %lt3A_784 : vector<16xi32>
        %and3A_786 = arith.andi %ge3A_770, %lt3A_785 : vector<16xi1>
        %mul3A_787 = arith.constant 128 : i32
        %mul3A_788 = vector.broadcast %mul3A_787 : i32 to vector<16xi32>
        %mul3A_789 = arith.muli %broadcast_in_dim3A_618, %mul3A_788 : vector<16xi32>
        %add3A_790 = arith.constant 80 : i32
        %add3A_791 = vector.broadcast %add3A_790 : i32 to vector<16xi32>
        %add3A_792 = arith.addi %iota3A, %add3A_791 : vector<16xi32>
        %add3A_793 = arith.addi %mul3A_789, %add3A_792 : vector<16xi32>
        tpu.vector_store_idx %arg14[%sub3A_782], %gather3A_769 masked %and3A_786 : memref<128xf32, #tpu.memory_space<vmem>>[vector<16xi32>], vector<16xf32>, vector<16xi1>
        tpu.vector_store_idx %arg15[%sub3A_782], %add3A_793 masked %and3A_786 : memref<128xi32, #tpu.memory_space<vmem>>[vector<16xi32>], vector<16xi32>, vector<16xi1>
        %all_reduce_population_count3A_794 = tpu.all_reduce %ge3A_770 {dim = 0 : i64, kind = #tpu.reduction_kind<sum>} : vector<16xi1> -> vector<16xi32>
        %add3A_795 = arith.addi %add3A_765, %all_reduce_population_count3A_794 : vector<16xi32>
        %add3A_796 = arith.constant 96 : i32
        %add3A_797 = vector.broadcast %add3A_796 : i32 to vector<16xi32>
        %add3A_798 = arith.addi %iota3A, %add3A_797 : vector<16xi32>
        %gather3A_799 = tpu.vector_load_idx %arg13[%broadcast_in_dim3A_618, %add3A_798] : memref<32x128xf32, #tpu.memory_space<vmem>>[vector<16xi32>, vector<16xi32>], vector<16xf32>,
        %ge3A_800 = arith.cmpf oge, %gather3A_799, %gather3A_348 : vector<16xf32>
        %jit3A_801 = arith.constant 1 : i32
        %jit3A_802 = arith.constant 0 : i32
        %broadcast_in_dim3A_803 = vector.broadcast %jit3A_801 : i32 to vector<16xi32>
        %broadcast_in_dim3A_804 = vector.broadcast %jit3A_802 : i32 to vector<16xi32>
        %select_n3A_805 = arith.select %ge3A_800, %broadcast_in_dim3A_803, %broadcast_in_dim3A_804 : vector<16xi1>, vector<16xi32>
        %broadcast_in_dim3A_806 = arith.constant true
        %broadcast_in_dim3A_807 = vector.broadcast %broadcast_in_dim3A_806 : i1 to vector<16xi1>
        %masked_cumsum3A_808 = tpu.scan <sum>, %select_n3A_805 masked %broadcast_in_dim3A_807 : vector<16xi32>, vector<16xi1> -> vector<16xi32>
        %add3A_809 = arith.addi %add3A_795, %masked_cumsum3A_808 : vector<16xi32>
        %sub3A_810 = arith.constant 1 : i32
        %sub3A_811 = vector.broadcast %sub3A_810 : i32 to vector<16xi32>
        %sub3A_812 = arith.subi %add3A_809, %sub3A_811 : vector<16xi32>
        %lt3A_813 = arith.constant 128 : i32
        %lt3A_814 = vector.broadcast %lt3A_813 : i32 to vector<16xi32>
        %lt3A_815 = arith.cmpi slt, %sub3A_812, %lt3A_814 : vector<16xi32>
        %and3A_816 = arith.andi %ge3A_800, %lt3A_815 : vector<16xi1>
        %mul3A_817 = arith.constant 128 : i32
        %mul3A_818 = vector.broadcast %mul3A_817 : i32 to vector<16xi32>
        %mul3A_819 = arith.muli %broadcast_in_dim3A_618, %mul3A_818 : vector<16xi32>
        %add3A_820 = arith.constant 96 : i32
        %add3A_821 = vector.broadcast %add3A_820 : i32 to vector<16xi32>
        %add3A_822 = arith.addi %iota3A, %add3A_821 : vector<16xi32>
        %add3A_823 = arith.addi %mul3A_819, %add3A_822 : vector<16xi32>
        tpu.vector_store_idx %arg14[%sub3A_812], %gather3A_799 masked %and3A_816 : memref<128xf32, #tpu.memory_space<vmem>>[vector<16xi32>], vector<16xf32>, vector<16xi1>
        tpu.vector_store_idx %arg15[%sub3A_812], %add3A_823 masked %and3A_816 : memref<128xi32, #tpu.memory_space<vmem>>[vector<16xi32>], vector<16xi32>, vector<16xi1>
        %all_reduce_population_count3A_824 = tpu.all_reduce %ge3A_800 {dim = 0 : i64, kind = #tpu.reduction_kind<sum>} : vector<16xi1> -> vector<16xi32>
        %add3A_825 = arith.addi %add3A_795, %all_reduce_population_count3A_824 : vector<16xi32>
        %add3A_826 = arith.constant 112 : i32
        %add3A_827 = vector.broadcast %add3A_826 : i32 to vector<16xi32>
        %add3A_828 = arith.addi %iota3A, %add3A_827 : vector<16xi32>
        %gather3A_829 = tpu.vector_load_idx %arg13[%broadcast_in_dim3A_618, %add3A_828] : memref<32x128xf32, #tpu.memory_space<vmem>>[vector<16xi32>, vector<16xi32>], vector<16xf32>,
        %ge3A_830 = arith.cmpf oge, %gather3A_829, %gather3A_348 : vector<16xf32>
        %jit3A_831 = arith.constant 1 : i32
        %jit3A_832 = arith.constant 0 : i32
        %broadcast_in_dim3A_833 = vector.broadcast %jit3A_831 : i32 to vector<16xi32>
        %broadcast_in_dim3A_834 = vector.broadcast %jit3A_832 : i32 to vector<16xi32>
        %select_n3A_835 = arith.select %ge3A_830, %broadcast_in_dim3A_833, %broadcast_in_dim3A_834 : vector<16xi1>, vector<16xi32>
        %broadcast_in_dim3A_836 = arith.constant true
        %broadcast_in_dim3A_837 = vector.broadcast %broadcast_in_dim3A_836 : i1 to vector<16xi1>
        %masked_cumsum3A_838 = tpu.scan <sum>, %select_n3A_835 masked %broadcast_in_dim3A_837 : vector<16xi32>, vector<16xi1> -> vector<16xi32>
        %add3A_839 = arith.addi %add3A_825, %masked_cumsum3A_838 : vector<16xi32>
        %sub3A_840 = arith.constant 1 : i32
        %sub3A_841 = vector.broadcast %sub3A_840 : i32 to vector<16xi32>
        %sub3A_842 = arith.subi %add3A_839, %sub3A_841 : vector<16xi32>
        %lt3A_843 = arith.constant 128 : i32
        %lt3A_844 = vector.broadcast %lt3A_843 : i32 to vector<16xi32>
        %lt3A_845 = arith.cmpi slt, %sub3A_842, %lt3A_844 : vector<16xi32>
        %and3A_846 = arith.andi %ge3A_830, %lt3A_845 : vector<16xi1>
        %mul3A_847 = arith.constant 128 : i32
        %mul3A_848 = vector.broadcast %mul3A_847 : i32 to vector<16xi32>
        %mul3A_849 = arith.muli %broadcast_in_dim3A_618, %mul3A_848 : vector<16xi32>
        %add3A_850 = arith.constant 112 : i32
        %add3A_851 = vector.broadcast %add3A_850 : i32 to vector<16xi32>
        %add3A_852 = arith.addi %iota3A, %add3A_851 : vector<16xi32>
        %add3A_853 = arith.addi %mul3A_849, %add3A_852 : vector<16xi32>
        tpu.vector_store_idx %arg14[%sub3A_842], %gather3A_829 masked %and3A_846 : memref<128xf32, #tpu.memory_space<vmem>>[vector<16xi32>], vector<16xf32>, vector<16xi1>
        tpu.vector_store_idx %arg15[%sub3A_842], %add3A_853 masked %and3A_846 : memref<128xi32, #tpu.memory_space<vmem>>[vector<16xi32>], vector<16xi32>, vector<16xi1>
        %all_reduce_population_count3A_854 = tpu.all_reduce %ge3A_830 {dim = 0 : i64, kind = #tpu.reduction_kind<sum>} : vector<16xi1> -> vector<16xi32>
        %add3A_855 = arith.addi %add3A_825, %all_reduce_population_count3A_854 : vector<16xi32>
        scf.yield %add3A_855 : vector<16xi32>
      }
      %scan3A_391 = arith.constant 32 : i32
      %reduce_max3A_392 = arith.constant true
      %reduce_max3A_393 = vector.broadcast %reduce_max3A_392 : i1 to vector<16xi1>
      %reduce_max3A_394 = arith.constant -2147483648 : i32
      %reduce_max3A_395 = vector.broadcast %reduce_max3A_394 : i32 to vector<16xi32>
      %reduce_max3A_396 = arith.xori %scan3A_390, %reduce_max3A_395 : vector<16xi32>
      %reduce_max3A_397 = tpu.scan <max>, %reduce_max3A_396 masked %reduce_max3A_393 : vector<16xi32>, vector<16xi1> -> vector<16xi32>
      %reduce_max3A_398 = arith.xori %reduce_max3A_397, %reduce_max3A_395 : vector<16xi32>
      %reduce_max3A_399 = vector.extract %reduce_max3A_398[15] : i32 from vector<16xi32>
      %min3A_400 = arith.constant 128 : i32
      %min3A_401 = arith.minsi %reduce_max3A_399, %min3A_400 : i32
      %add3A_402 = arith.constant 15 : i32
      %add3A_403 = arith.addi %min3A_401, %add3A_402 : i32
      %jit3A_404 = arith.constant 16 : i32
      %div3A_405 = arith.divsi %add3A_403, %jit3A_404 : i32
      %sign3A_406 = arith.constant 0 : i32
      %sign3A_407 = arith.cmpi sgt, %add3A_403, %sign3A_406 : i32
      %sign3A_408 = arith.extui %sign3A_407 : i1 to i32
      %sign3A_409 = arith.constant 0 : i32
      %sign3A_410 = arith.cmpi slt, %add3A_403, %sign3A_409 : i32
      %sign3A_411 = arith.extui %sign3A_410 : i1 to i32
      %sign3A_412 = arith.subi %sign3A_408, %sign3A_411 : i32
      %sign3A_413 = arith.constant 0 : i32
      %sign3A_414 = arith.cmpi sgt, %jit3A_404, %sign3A_413 : i32
      %sign3A_415 = arith.extui %sign3A_414 : i1 to i32
      %sign3A_416 = arith.constant 0 : i32
      %sign3A_417 = arith.cmpi slt, %jit3A_404, %sign3A_416 : i32
      %sign3A_418 = arith.extui %sign3A_417 : i1 to i32
      %sign3A_419 = arith.subi %sign3A_415, %sign3A_418 : i32
      %ne3A_420 = arith.cmpi ne, %sign3A_412, %sign3A_419 : i32
      %rem3A_421 = arith.remsi %add3A_403, %jit3A_404 : i32
      %ne3A_422 = arith.constant 0 : i32
      %ne3A_423 = arith.cmpi ne, %rem3A_421, %ne3A_422 : i32
      %and3A_424 = arith.andi %ne3A_420, %ne3A_423 : i1
      %sub3A_425 = arith.constant 1 : i32
      %sub3A_426 = arith.subi %div3A_405, %sub3A_425 : i32
      %select_n3A_427 = arith.select %and3A_424, %sub3A_426, %div3A_405 : i32
      %scan3A_428 = arith.constant 0 : i32
      %scan3A_429 = arith.constant 0 : i32
      %scan3A_430 = arith.constant 32 : i32
      %scan3A_431 = arith.addi %scan3A_429, %scan3A_430 : i32
      %scan3A_432 = arith.constant 1 : i32
      %scan3A_433 = scf.for %scan3A_616 = %scan3A_429 to %scan3A_431 step %scan3A_432 iter_args(%scan3A_617 = %scan3A_428) -> (i32)  : i32 {
        %broadcast_in_dim3A_618 = arith.constant -3.000000e+38 : f32
        %broadcast_in_dim3A_619 = vector.broadcast %broadcast_in_dim3A_618 : f32 to vector<16xf32>
        %broadcast_in_dim3A_620 = arith.constant 0 : i32
        %broadcast_in_dim3A_621 = vector.broadcast %broadcast_in_dim3A_620 : i32 to vector<16xi32>
        %while3A = arith.constant 0 : i32
        %while3A_622 = arith.subi %select_n3A_427, %while3A : i32
        %while3A_623 = arith.addi %while3A, %while3A_622 : i32
        %while3A_624 = arith.constant 1 : i32
        %while3A_625 = arith.divsi %while3A_622, %while3A_624 : i32
        %while3A_626 = arith.muli %while3A_625, %while3A_624 : i32
        %while3A_627 = arith.addi %while3A, %while3A_626 : i32
        %while3A_628 = arith.constant 1 : i32
        %while3A_629:2 = scf.for %while3A_655 = %while3A to %while3A_627 step %while3A_628 iter_args(%while3A_656 = %broadcast_in_dim3A_619, %while3A_657 = %broadcast_in_dim3A_621) -> (vector<16xf32>, vector<16xi32>)  : i32 {
          %mul3A_658 = arith.constant 16 : i32
          %mul3A_659 = arith.muli %while3A_655, %mul3A_658 : i32
          %add3A_660 = vector.broadcast %mul3A_659 : i32 to vector<16xi32>
          %add3A_661 = arith.addi %add3A_660, %iota3A : vector<16xi32>
          %gather3A_662 = tpu.vector_load_idx %arg14[%add3A_661] : memref<128xf32, #tpu.memory_space<vmem>>[vector<16xi32>], vector<16xf32>,
          %gather3A_663 = tpu.vector_load_idx %arg15[%add3A_661] : memref<128xi32, #tpu.memory_space<vmem>>[vector<16xi32>], vector<16xi32>,
          %gt3A = arith.cmpf ogt, %gather3A_662, %while3A_656 : vector<16xf32>
          %select_n3A_664 = arith.select %gt3A, %gather3A_662, %while3A_656 : vector<16xi1>, vector<16xf32>
          %mul3A_665 = arith.constant 4096 : i32
          %mul3A_666 = vector.broadcast %mul3A_665 : i32 to vector<16xi32>
          %mul3A_667 = arith.muli %add3A_661, %mul3A_666 : vector<16xi32>
          %add3A_668 = arith.addi %mul3A_667, %gather3A_663 : vector<16xi32>
          %select_n3A_669 = arith.select %gt3A, %add3A_668, %while3A_657 : vector<16xi1>, vector<16xi32>
          scf.yield %select_n3A_664, %select_n3A_669 : vector<16xf32>, vector<16xi32>
        }
        %while3A_630 = arith.constant 1 : i32
        %while3A_631:2 = scf.for %while3A_655 = %while3A_627 to %while3A_623 step %while3A_630 iter_args(%while3A_656 = %while3A_629#0, %while3A_657 = %while3A_629#1) -> (vector<16xf32>, vector<16xi32>)  : i32 {
          %mul3A_658 = arith.constant 16 : i32
          %mul3A_659 = arith.muli %while3A_655, %mul3A_658 : i32
          %add3A_660 = vector.broadcast %mul3A_659 : i32 to vector<16xi32>
          %add3A_661 = arith.addi %add3A_660, %iota3A : vector<16xi32>
          %gather3A_662 = tpu.vector_load_idx %arg14[%add3A_661] : memref<128xf32, #tpu.memory_space<vmem>>[vector<16xi32>], vector<16xf32>,
          %gather3A_663 = tpu.vector_load_idx %arg15[%add3A_661] : memref<128xi32, #tpu.memory_space<vmem>>[vector<16xi32>], vector<16xi32>,
          %gt3A = arith.cmpf ogt, %gather3A_662, %while3A_656 : vector<16xf32>
          %select_n3A_664 = arith.select %gt3A, %gather3A_662, %while3A_656 : vector<16xi1>, vector<16xf32>
          %mul3A_665 = arith.constant 4096 : i32
          %mul3A_666 = vector.broadcast %mul3A_665 : i32 to vector<16xi32>
          %mul3A_667 = arith.muli %add3A_661, %mul3A_666 : vector<16xi32>
          %add3A_668 = arith.addi %mul3A_667, %gather3A_663 : vector<16xi32>
          %select_n3A_669 = arith.select %gt3A, %add3A_668, %while3A_657 : vector<16xi1>, vector<16xi32>
          scf.yield %select_n3A_664, %select_n3A_669 : vector<16xf32>, vector<16xi32>
        }
        %masked_sort3A = arith.constant dense<true> : vector<16xi1>
        %masked_sort3A_632, %masked_sort3A_633, %masked_sort3A_634 = tpu.sort %while3A_631#0, %while3A_631#1 masked %masked_sort3A {descending = true} : (vector<16xf32>, vector<16xi32>, vector<16xi1>) -> (vector<16xi1>, vector<16xf32>, vector<16xi32>)
        %swap3A_635 = arith.constant 0 : index
        %swap3A_636 = tpu.vector_load %arg16[%swap3A_635] {strides = array<i32>} : memref<16xf32, #tpu.memory_space<vmem>>, vector<16xf32>,
        tpu.vector_store %arg16[%swap3A_635], %masked_sort3A_633 {strides = array<i32>} : memref<16xf32, #tpu.memory_space<vmem>>, vector<16xf32>,
        %swap3A_637 = arith.constant 0 : index
        %swap3A_638 = tpu.vector_load %arg17[%swap3A_637] {strides = array<i32>} : memref<16xi32, #tpu.memory_space<vmem>>, vector<16xi32>,
        tpu.vector_store %arg17[%swap3A_637], %masked_sort3A_634 {strides = array<i32>} : memref<16xi32, #tpu.memory_space<vmem>>, vector<16xi32>,
        %broadcast_in_dim3A_639 = arith.constant 0 : i32
        %broadcast_in_dim3A_640 = vector.broadcast %broadcast_in_dim3A_639 : i32 to vector<16xi32>
        %gather3A_641 = tpu.vector_load_idx %arg16[%broadcast_in_dim3A_640] : memref<16xf32, #tpu.memory_space<vmem>>[vector<16xi32>], vector<16xf32>,
        %broadcast_in_dim3A_642 = arith.constant 0 : i32
        %broadcast_in_dim3A_643 = vector.broadcast %broadcast_in_dim3A_642 : i32 to vector<16xi32>
        %gather3A_644 = tpu.vector_load_idx %arg17[%broadcast_in_dim3A_643] : memref<16xi32, #tpu.memory_space<vmem>>[vector<16xi32>], vector<16xi32>,
        %shift_right_logical3A_645 = arith.constant 12 : i32
        %shift_right_logical3A_646 = vector.broadcast %shift_right_logical3A_645 : i32 to vector<16xi32>
        %shift_right_logical3A_647 = arith.shrui %gather3A_644, %shift_right_logical3A_646 : vector<16xi32>
        %and3A_648 = arith.constant 4095 : i32
        %and3A_649 = vector.broadcast %and3A_648 : i32 to vector<16xi32>
        %and3A_650 = arith.andi %gather3A_644, %and3A_649 : vector<16xi32>
        %broadcast_in_dim3A_651 = vector.broadcast %scan3A_616 : i32 to vector<16xi32>
        tpu.vector_store_idx %arg18[%broadcast_in_dim3A_651], %gather3A_641 masked %eq3A_4 : memref<32xf32, #tpu.memory_space<vmem>>[vector<16xi32>], vector<16xf32>, vector<16xi1>
        tpu.vector_store_idx %arg19[%broadcast_in_dim3A_651], %and3A_650 masked %eq3A_4 : memref<32xi32, #tpu.memory_space<vmem>>[vector<16xi32>], vector<16xi32>, vector<16xi1>
        %broadcast_in_dim3A_652 = arith.constant -3.000000e+38 : f32
        %broadcast_in_dim3A_653 = vector.broadcast %broadcast_in_dim3A_652 : f32 to vector<16xf32>
        tpu.vector_store_idx %arg14[%shift_right_logical3A_647], %broadcast_in_dim3A_653 masked %eq3A_4 : memref<128xf32, #tpu.memory_space<vmem>>[vector<16xi32>], vector<16xf32>, vector<16xi1>
        %scan3A_654 = arith.constant 0 : i32
        scf.yield %scan3A_654 : i32
      }
      %scan3A_434 = arith.constant 32 : i32
      %get3A_435 = arith.constant 0 : index
      %get3A_436 = tpu.vector_load %arg18[%get3A_435] {strides = array<i32>} : memref<32xf32, #tpu.memory_space<vmem>>, vector<16xf32>,
      %sub3A_437 = arith.subf %get3A_436, %gather3A_351 : vector<16xf32>
      %exp3A_438 = math.exp %sub3A_437 : vector<16xf32>
      %get3A_439 = arith.constant 16 : index
      %get3A_440 = tpu.vector_load %arg18[%get3A_439] {strides = array<i32>} : memref<32xf32, #tpu.memory_space<vmem>>, vector<16xf32>,
      %sub3A_441 = arith.subf %get3A_440, %gather3A_351 : vector<16xf32>
      %exp3A_442 = math.exp %sub3A_441 : vector<16xf32>
      %add3A_443 = arith.addf %exp3A_438, %exp3A_442 : vector<16xf32>
      %broadcast_in_dim3A_444 = arith.constant true
      %broadcast_in_dim3A_445 = vector.broadcast %broadcast_in_dim3A_444 : i1 to vector<16xi1>
      %masked_cumsum3A_446 = tpu.scan <sum>, %add3A_443 masked %broadcast_in_dim3A_445 : vector<16xf32>, vector<16xi1> -> vector<16xf32>
      %swap3A_447 = arith.constant 0 : index
      %swap3A_448 = tpu.vector_load %arg16[%swap3A_447] {strides = array<i32>} : memref<16xf32, #tpu.memory_space<vmem>>, vector<16xf32>,
      tpu.vector_store %arg16[%swap3A_447], %masked_cumsum3A_446 {strides = array<i32>} : memref<16xf32, #tpu.memory_space<vmem>>, vector<16xf32>,
      %broadcast_in_dim3A_449 = arith.constant 15 : i32
      %broadcast_in_dim3A_450 = vector.broadcast %broadcast_in_dim3A_449 : i32 to vector<16xi32>
      %gather3A_451 = tpu.vector_load_idx %arg16[%broadcast_in_dim3A_450] : memref<16xf32, #tpu.memory_space<vmem>>[vector<16xi32>], vector<16xf32>,
      %broadcast_in_dim3A_452 = arith.constant 5.000000e-01 : f32
      %broadcast_in_dim3A_453 = vector.broadcast %broadcast_in_dim3A_452 : f32 to vector<16xf32>
      %div3A_454 = arith.divf %broadcast_in_dim3A_453, %gather3A_451 : vector<16xf32>
      %mul3A_455 = arith.mulf %exp3A_438, %div3A_454 : vector<16xf32>
      %swap3A_456 = arith.constant 0 : index
      %swap3A_457 = tpu.vector_load %arg20[%swap3A_456] {strides = array<i32>} : memref<32xf32, #tpu.memory_space<vmem>>, vector<16xf32>,
      tpu.vector_store %arg20[%swap3A_456], %mul3A_455 {strides = array<i32>} : memref<32xf32, #tpu.memory_space<vmem>>, vector<16xf32>,
      %mul3A_458 = arith.mulf %exp3A_442, %div3A_454 : vector<16xf32>
      %swap3A_459 = arith.constant 16 : index
      %swap3A_460 = tpu.vector_load %arg20[%swap3A_459] {strides = array<i32>} : memref<32xf32, #tpu.memory_space<vmem>>, vector<16xf32>,
      tpu.vector_store %arg20[%swap3A_459], %mul3A_458 {strides = array<i32>} : memref<32xf32, #tpu.memory_space<vmem>>, vector<16xf32>,
      %get3A_461 = arith.constant 0 : index
      %get3A_462 = tpu.vector_load %arg19[%get3A_461] {strides = array<i32>} : memref<32xi32, #tpu.memory_space<vmem>>, vector<16xi32>,
      %shift_right_logical3A_463 = arith.constant 7 : i32
      %shift_right_logical3A_464 = vector.broadcast %shift_right_logical3A_463 : i32 to vector<16xi32>
      %shift_right_logical3A_465 = arith.shrui %get3A_462, %shift_right_logical3A_464 : vector<16xi32>
      %gather3A_466 = tpu.vector_load_idx %arg8[%broadcast_in_dim3A_345, %shift_right_logical3A_465] : memref<16x32xi32, #tpu.memory_space<vmem>>[vector<16xi32>, vector<16xi32>], vector<16xi32>,
      %mul3A_467 = arith.constant 128 : i32
      %mul3A_468 = vector.broadcast %mul3A_467 : i32 to vector<16xi32>
      %mul3A_469 = arith.muli %gather3A_466, %mul3A_468 : vector<16xi32>
      %and3A_470 = arith.constant 127 : i32
      %and3A_471 = vector.broadcast %and3A_470 : i32 to vector<16xi32>
      %and3A_472 = arith.andi %get3A_462, %and3A_471 : vector<16xi32>
      %add3A_473 = arith.addi %mul3A_469, %and3A_472 : vector<16xi32>
      %swap3A_474 = arith.constant 0 : index
      %swap3A_475 = tpu.vector_load %arg21[%swap3A_474] {strides = array<i32>} : memref<32xi32, #tpu.memory_space<vmem>>, vector<16xi32>,
      tpu.vector_store %arg21[%swap3A_474], %add3A_473 {strides = array<i32>} : memref<32xi32, #tpu.memory_space<vmem>>, vector<16xi32>,
      %get3A_476 = arith.constant 16 : index
      %get3A_477 = tpu.vector_load %arg19[%get3A_476] {strides = array<i32>} : memref<32xi32, #tpu.memory_space<vmem>>, vector<16xi32>,
      %shift_right_logical3A_478 = arith.constant 7 : i32
      %shift_right_logical3A_479 = vector.broadcast %shift_right_logical3A_478 : i32 to vector<16xi32>
      %shift_right_logical3A_480 = arith.shrui %get3A_477, %shift_right_logical3A_479 : vector<16xi32>
      %gather3A_481 = tpu.vector_load_idx %arg8[%broadcast_in_dim3A_345, %shift_right_logical3A_480] : memref<16x32xi32, #tpu.memory_space<vmem>>[vector<16xi32>, vector<16xi32>], vector<16xi32>,
      %mul3A_482 = arith.constant 128 : i32
      %mul3A_483 = vector.broadcast %mul3A_482 : i32 to vector<16xi32>
      %mul3A_484 = arith.muli %gather3A_481, %mul3A_483 : vector<16xi32>
      %and3A_485 = arith.constant 127 : i32
      %and3A_486 = vector.broadcast %and3A_485 : i32 to vector<16xi32>
      %and3A_487 = arith.andi %get3A_477, %and3A_486 : vector<16xi32>
      %add3A_488 = arith.addi %mul3A_484, %and3A_487 : vector<16xi32>
      %swap3A_489 = arith.constant 16 : index
      %swap3A_490 = tpu.vector_load %arg21[%swap3A_489] {strides = array<i32>} : memref<32xi32, #tpu.memory_space<vmem>>, vector<16xi32>,
      tpu.vector_store %arg21[%swap3A_489], %add3A_488 {strides = array<i32>} : memref<32xi32, #tpu.memory_space<vmem>>, vector<16xi32>,
      %dma_start3A_491 = arith.constant 0 : i32
      %dma_start3A_492 = arith.constant 0 : i32
      %dma_start3A_493 = tpu.memref_slice %arg5[%dma_start3A_491, %dma_start3A_492] : memref<65536x256xf32, #tpu.memory_space<hbm>> -> memref<65536x256xf32, #tpu.memory_space<hbm>>
      tpu.enqueue_indirect_dma source(%dma_start3A_493 : memref<65536x256xf32, #tpu.memory_space<hbm>>) target(%arg22 : memref<32x256xf32, #tpu.memory_space<vmem>>) offsets(%arg21 : memref<32xi32, #tpu.memory_space<vmem>>) semaphore(%arg27 : memref<!tpu.dma_semaphore, #tpu.memory_space<semaphore_mem>>)
      %dma_wait3A_494 = arith.constant 0 : i32
      %dma_wait3A_495 = arith.constant 0 : i32
      %dma_wait3A_496 = tpu.memref_slice %arg5[%dma_wait3A_494, %dma_wait3A_495] : memref<65536x256xf32, #tpu.memory_space<hbm>> -> memref<65536x256xf32, #tpu.memory_space<hbm>>
      tpu.wait_indirect_dma semaphore(%arg27 : memref<!tpu.dma_semaphore, #tpu.memory_space<semaphore_mem>>) src(%dma_wait3A_496 : memref<65536x256xf32, #tpu.memory_space<hbm>>) dst(%arg22 : memref<32x256xf32, #tpu.memory_space<vmem>>)
      %add3A_497 = arith.constant 0 : i32
      %add3A_498 = vector.broadcast %add3A_497 : i32 to vector<16xi32>
      %add3A_499 = arith.addi %iota3A, %add3A_498 : vector<16xi32>
      %gather3A_500 = tpu.vector_load_idx %arg23[%broadcast_in_dim3A_345, %add3A_499] : memref<16x256xf32, #tpu.memory_space<vmem>>[vector<16xi32>, vector<16xi32>], vector<16xf32>,
      %add3A_501 = arith.constant 16 : i32
      %add3A_502 = vector.broadcast %add3A_501 : i32 to vector<16xi32>
      %add3A_503 = arith.addi %iota3A, %add3A_502 : vector<16xi32>
      %gather3A_504 = tpu.vector_load_idx %arg23[%broadcast_in_dim3A_345, %add3A_503] : memref<16x256xf32, #tpu.memory_space<vmem>>[vector<16xi32>, vector<16xi32>], vector<16xf32>,
      %add3A_505 = arith.constant 32 : i32
      %add3A_506 = vector.broadcast %add3A_505 : i32 to vector<16xi32>
      %add3A_507 = arith.addi %iota3A, %add3A_506 : vector<16xi32>
      %gather3A_508 = tpu.vector_load_idx %arg23[%broadcast_in_dim3A_345, %add3A_507] : memref<16x256xf32, #tpu.memory_space<vmem>>[vector<16xi32>, vector<16xi32>], vector<16xf32>,
      %add3A_509 = arith.constant 48 : i32
      %add3A_510 = vector.broadcast %add3A_509 : i32 to vector<16xi32>
      %add3A_511 = arith.addi %iota3A, %add3A_510 : vector<16xi32>
      %gather3A_512 = tpu.vector_load_idx %arg23[%broadcast_in_dim3A_345, %add3A_511] : memref<16x256xf32, #tpu.memory_space<vmem>>[vector<16xi32>, vector<16xi32>], vector<16xf32>,
      %add3A_513 = arith.constant 64 : i32
      %add3A_514 = vector.broadcast %add3A_513 : i32 to vector<16xi32>
      %add3A_515 = arith.addi %iota3A, %add3A_514 : vector<16xi32>
      %gather3A_516 = tpu.vector_load_idx %arg23[%broadcast_in_dim3A_345, %add3A_515] : memref<16x256xf32, #tpu.memory_space<vmem>>[vector<16xi32>, vector<16xi32>], vector<16xf32>,
      %add3A_517 = arith.constant 80 : i32
      %add3A_518 = vector.broadcast %add3A_517 : i32 to vector<16xi32>
      %add3A_519 = arith.addi %iota3A, %add3A_518 : vector<16xi32>
      %gather3A_520 = tpu.vector_load_idx %arg23[%broadcast_in_dim3A_345, %add3A_519] : memref<16x256xf32, #tpu.memory_space<vmem>>[vector<16xi32>, vector<16xi32>], vector<16xf32>,
      %add3A_521 = arith.constant 96 : i32
      %add3A_522 = vector.broadcast %add3A_521 : i32 to vector<16xi32>
      %add3A_523 = arith.addi %iota3A, %add3A_522 : vector<16xi32>
      %gather3A_524 = tpu.vector_load_idx %arg23[%broadcast_in_dim3A_345, %add3A_523] : memref<16x256xf32, #tpu.memory_space<vmem>>[vector<16xi32>, vector<16xi32>], vector<16xf32>,
      %add3A_525 = arith.constant 112 : i32
      %add3A_526 = vector.broadcast %add3A_525 : i32 to vector<16xi32>
      %add3A_527 = arith.addi %iota3A, %add3A_526 : vector<16xi32>
      %gather3A_528 = tpu.vector_load_idx %arg23[%broadcast_in_dim3A_345, %add3A_527] : memref<16x256xf32, #tpu.memory_space<vmem>>[vector<16xi32>, vector<16xi32>], vector<16xf32>,
      %add3A_529 = arith.constant 128 : i32
      %add3A_530 = vector.broadcast %add3A_529 : i32 to vector<16xi32>
      %add3A_531 = arith.addi %iota3A, %add3A_530 : vector<16xi32>
      %gather3A_532 = tpu.vector_load_idx %arg23[%broadcast_in_dim3A_345, %add3A_531] : memref<16x256xf32, #tpu.memory_space<vmem>>[vector<16xi32>, vector<16xi32>], vector<16xf32>,
      %add3A_533 = arith.constant 144 : i32
      %add3A_534 = vector.broadcast %add3A_533 : i32 to vector<16xi32>
      %add3A_535 = arith.addi %iota3A, %add3A_534 : vector<16xi32>
      %gather3A_536 = tpu.vector_load_idx %arg23[%broadcast_in_dim3A_345, %add3A_535] : memref<16x256xf32, #tpu.memory_space<vmem>>[vector<16xi32>, vector<16xi32>], vector<16xf32>,
      %add3A_537 = arith.constant 160 : i32
      %add3A_538 = vector.broadcast %add3A_537 : i32 to vector<16xi32>
      %add3A_539 = arith.addi %iota3A, %add3A_538 : vector<16xi32>
      %gather3A_540 = tpu.vector_load_idx %arg23[%broadcast_in_dim3A_345, %add3A_539] : memref<16x256xf32, #tpu.memory_space<vmem>>[vector<16xi32>, vector<16xi32>], vector<16xf32>,
      %add3A_541 = arith.constant 176 : i32
      %add3A_542 = vector.broadcast %add3A_541 : i32 to vector<16xi32>
      %add3A_543 = arith.addi %iota3A, %add3A_542 : vector<16xi32>
      %gather3A_544 = tpu.vector_load_idx %arg23[%broadcast_in_dim3A_345, %add3A_543] : memref<16x256xf32, #tpu.memory_space<vmem>>[vector<16xi32>, vector<16xi32>], vector<16xf32>,
      %add3A_545 = arith.constant 192 : i32
      %add3A_546 = vector.broadcast %add3A_545 : i32 to vector<16xi32>
      %add3A_547 = arith.addi %iota3A, %add3A_546 : vector<16xi32>
      %gather3A_548 = tpu.vector_load_idx %arg23[%broadcast_in_dim3A_345, %add3A_547] : memref<16x256xf32, #tpu.memory_space<vmem>>[vector<16xi32>, vector<16xi32>], vector<16xf32>,
      %add3A_549 = arith.constant 208 : i32
      %add3A_550 = vector.broadcast %add3A_549 : i32 to vector<16xi32>
      %add3A_551 = arith.addi %iota3A, %add3A_550 : vector<16xi32>
      %gather3A_552 = tpu.vector_load_idx %arg23[%broadcast_in_dim3A_345, %add3A_551] : memref<16x256xf32, #tpu.memory_space<vmem>>[vector<16xi32>, vector<16xi32>], vector<16xf32>,
      %add3A_553 = arith.constant 224 : i32
      %add3A_554 = vector.broadcast %add3A_553 : i32 to vector<16xi32>
      %add3A_555 = arith.addi %iota3A, %add3A_554 : vector<16xi32>
      %gather3A_556 = tpu.vector_load_idx %arg23[%broadcast_in_dim3A_345, %add3A_555] : memref<16x256xf32, #tpu.memory_space<vmem>>[vector<16xi32>, vector<16xi32>], vector<16xf32>,
      %add3A_557 = arith.constant 240 : i32
      %add3A_558 = vector.broadcast %add3A_557 : i32 to vector<16xi32>
      %add3A_559 = arith.addi %iota3A, %add3A_558 : vector<16xi32>
      %gather3A_560 = tpu.vector_load_idx %arg23[%broadcast_in_dim3A_345, %add3A_559] : memref<16x256xf32, #tpu.memory_space<vmem>>[vector<16xi32>, vector<16xi32>], vector<16xf32>,
      %scan3A_561 = arith.constant 0 : i32
      %scan3A_562 = arith.constant 32 : i32
      %scan3A_563 = arith.addi %scan3A_561, %scan3A_562 : i32
      %scan3A_564 = arith.constant 1 : i32
      %scan3A_565:16 = scf.for %scan3A_616 = %scan3A_561 to %scan3A_563 step %scan3A_564 iter_args(%scan3A_617 = %gather3A_500, %scan3A_618 = %gather3A_504, %scan3A_619 = %gather3A_508, %scan3A_620 = %gather3A_512, %scan3A_621 = %gather3A_516, %scan3A_622 = %gather3A_520, %scan3A_623 = %gather3A_524, %scan3A_624 = %gather3A_528, %scan3A_625 = %gather3A_532, %scan3A_626 = %gather3A_536, %scan3A_627 = %gather3A_540, %scan3A_628 = %gather3A_544, %scan3A_629 = %gather3A_548, %scan3A_630 = %gather3A_552, %scan3A_631 = %gather3A_556, %scan3A_632 = %gather3A_560) -> (vector<16xf32>, vector<16xf32>, vector<16xf32>, vector<16xf32>, vector<16xf32>, vector<16xf32>, vector<16xf32>, vector<16xf32>, vector<16xf32>, vector<16xf32>, vector<16xf32>, vector<16xf32>, vector<16xf32>, vector<16xf32>, vector<16xf32>, vector<16xf32>)  : i32 {
        %broadcast_in_dim3A_633 = vector.broadcast %scan3A_616 : i32 to vector<16xi32>
        %gather3A_634 = tpu.vector_load_idx %arg20[%broadcast_in_dim3A_633] : memref<32xf32, #tpu.memory_space<vmem>>[vector<16xi32>], vector<16xf32>,
        %add3A_635 = arith.constant 0 : i32
        %add3A_636 = vector.broadcast %add3A_635 : i32 to vector<16xi32>
        %add3A_637 = arith.addi %iota3A, %add3A_636 : vector<16xi32>
        %gather3A_638 = tpu.vector_load_idx %arg22[%broadcast_in_dim3A_633, %add3A_637] : memref<32x256xf32, #tpu.memory_space<vmem>>[vector<16xi32>, vector<16xi32>], vector<16xf32>,
        %mul3A_639 = arith.mulf %gather3A_634, %gather3A_638 : vector<16xf32>
        %add3A_640 = arith.addf %scan3A_617, %mul3A_639 : vector<16xf32>
        %add3A_641 = arith.constant 16 : i32
        %add3A_642 = vector.broadcast %add3A_641 : i32 to vector<16xi32>
        %add3A_643 = arith.addi %iota3A, %add3A_642 : vector<16xi32>
        %gather3A_644 = tpu.vector_load_idx %arg22[%broadcast_in_dim3A_633, %add3A_643] : memref<32x256xf32, #tpu.memory_space<vmem>>[vector<16xi32>, vector<16xi32>], vector<16xf32>,
        %mul3A_645 = arith.mulf %gather3A_634, %gather3A_644 : vector<16xf32>
        %add3A_646 = arith.addf %scan3A_618, %mul3A_645 : vector<16xf32>
        %add3A_647 = arith.constant 32 : i32
        %add3A_648 = vector.broadcast %add3A_647 : i32 to vector<16xi32>
        %add3A_649 = arith.addi %iota3A, %add3A_648 : vector<16xi32>
        %gather3A_650 = tpu.vector_load_idx %arg22[%broadcast_in_dim3A_633, %add3A_649] : memref<32x256xf32, #tpu.memory_space<vmem>>[vector<16xi32>, vector<16xi32>], vector<16xf32>,
        %mul3A_651 = arith.mulf %gather3A_634, %gather3A_650 : vector<16xf32>
        %add3A_652 = arith.addf %scan3A_619, %mul3A_651 : vector<16xf32>
        %add3A_653 = arith.constant 48 : i32
        %add3A_654 = vector.broadcast %add3A_653 : i32 to vector<16xi32>
        %add3A_655 = arith.addi %iota3A, %add3A_654 : vector<16xi32>
        %gather3A_656 = tpu.vector_load_idx %arg22[%broadcast_in_dim3A_633, %add3A_655] : memref<32x256xf32, #tpu.memory_space<vmem>>[vector<16xi32>, vector<16xi32>], vector<16xf32>,
        %mul3A_657 = arith.mulf %gather3A_634, %gather3A_656 : vector<16xf32>
        %add3A_658 = arith.addf %scan3A_620, %mul3A_657 : vector<16xf32>
        %add3A_659 = arith.constant 64 : i32
        %add3A_660 = vector.broadcast %add3A_659 : i32 to vector<16xi32>
        %add3A_661 = arith.addi %iota3A, %add3A_660 : vector<16xi32>
        %gather3A_662 = tpu.vector_load_idx %arg22[%broadcast_in_dim3A_633, %add3A_661] : memref<32x256xf32, #tpu.memory_space<vmem>>[vector<16xi32>, vector<16xi32>], vector<16xf32>,
        %mul3A_663 = arith.mulf %gather3A_634, %gather3A_662 : vector<16xf32>
        %add3A_664 = arith.addf %scan3A_621, %mul3A_663 : vector<16xf32>
        %add3A_665 = arith.constant 80 : i32
        %add3A_666 = vector.broadcast %add3A_665 : i32 to vector<16xi32>
        %add3A_667 = arith.addi %iota3A, %add3A_666 : vector<16xi32>
        %gather3A_668 = tpu.vector_load_idx %arg22[%broadcast_in_dim3A_633, %add3A_667] : memref<32x256xf32, #tpu.memory_space<vmem>>[vector<16xi32>, vector<16xi32>], vector<16xf32>,
        %mul3A_669 = arith.mulf %gather3A_634, %gather3A_668 : vector<16xf32>
        %add3A_670 = arith.addf %scan3A_622, %mul3A_669 : vector<16xf32>
        %add3A_671 = arith.constant 96 : i32
        %add3A_672 = vector.broadcast %add3A_671 : i32 to vector<16xi32>
        %add3A_673 = arith.addi %iota3A, %add3A_672 : vector<16xi32>
        %gather3A_674 = tpu.vector_load_idx %arg22[%broadcast_in_dim3A_633, %add3A_673] : memref<32x256xf32, #tpu.memory_space<vmem>>[vector<16xi32>, vector<16xi32>], vector<16xf32>,
        %mul3A_675 = arith.mulf %gather3A_634, %gather3A_674 : vector<16xf32>
        %add3A_676 = arith.addf %scan3A_623, %mul3A_675 : vector<16xf32>
        %add3A_677 = arith.constant 112 : i32
        %add3A_678 = vector.broadcast %add3A_677 : i32 to vector<16xi32>
        %add3A_679 = arith.addi %iota3A, %add3A_678 : vector<16xi32>
        %gather3A_680 = tpu.vector_load_idx %arg22[%broadcast_in_dim3A_633, %add3A_679] : memref<32x256xf32, #tpu.memory_space<vmem>>[vector<16xi32>, vector<16xi32>], vector<16xf32>,
        %mul3A_681 = arith.mulf %gather3A_634, %gather3A_680 : vector<16xf32>
        %add3A_682 = arith.addf %scan3A_624, %mul3A_681 : vector<16xf32>
        %add3A_683 = arith.constant 128 : i32
        %add3A_684 = vector.broadcast %add3A_683 : i32 to vector<16xi32>
        %add3A_685 = arith.addi %iota3A, %add3A_684 : vector<16xi32>
        %gather3A_686 = tpu.vector_load_idx %arg22[%broadcast_in_dim3A_633, %add3A_685] : memref<32x256xf32, #tpu.memory_space<vmem>>[vector<16xi32>, vector<16xi32>], vector<16xf32>,
        %mul3A_687 = arith.mulf %gather3A_634, %gather3A_686 : vector<16xf32>
        %add3A_688 = arith.addf %scan3A_625, %mul3A_687 : vector<16xf32>
        %add3A_689 = arith.constant 144 : i32
        %add3A_690 = vector.broadcast %add3A_689 : i32 to vector<16xi32>
        %add3A_691 = arith.addi %iota3A, %add3A_690 : vector<16xi32>
        %gather3A_692 = tpu.vector_load_idx %arg22[%broadcast_in_dim3A_633, %add3A_691] : memref<32x256xf32, #tpu.memory_space<vmem>>[vector<16xi32>, vector<16xi32>], vector<16xf32>,
        %mul3A_693 = arith.mulf %gather3A_634, %gather3A_692 : vector<16xf32>
        %add3A_694 = arith.addf %scan3A_626, %mul3A_693 : vector<16xf32>
        %add3A_695 = arith.constant 160 : i32
        %add3A_696 = vector.broadcast %add3A_695 : i32 to vector<16xi32>
        %add3A_697 = arith.addi %iota3A, %add3A_696 : vector<16xi32>
        %gather3A_698 = tpu.vector_load_idx %arg22[%broadcast_in_dim3A_633, %add3A_697] : memref<32x256xf32, #tpu.memory_space<vmem>>[vector<16xi32>, vector<16xi32>], vector<16xf32>,
        %mul3A_699 = arith.mulf %gather3A_634, %gather3A_698 : vector<16xf32>
        %add3A_700 = arith.addf %scan3A_627, %mul3A_699 : vector<16xf32>
        %add3A_701 = arith.constant 176 : i32
        %add3A_702 = vector.broadcast %add3A_701 : i32 to vector<16xi32>
        %add3A_703 = arith.addi %iota3A, %add3A_702 : vector<16xi32>
        %gather3A_704 = tpu.vector_load_idx %arg22[%broadcast_in_dim3A_633, %add3A_703] : memref<32x256xf32, #tpu.memory_space<vmem>>[vector<16xi32>, vector<16xi32>], vector<16xf32>,
        %mul3A_705 = arith.mulf %gather3A_634, %gather3A_704 : vector<16xf32>
        %add3A_706 = arith.addf %scan3A_628, %mul3A_705 : vector<16xf32>
        %add3A_707 = arith.constant 192 : i32
        %add3A_708 = vector.broadcast %add3A_707 : i32 to vector<16xi32>
        %add3A_709 = arith.addi %iota3A, %add3A_708 : vector<16xi32>
        %gather3A_710 = tpu.vector_load_idx %arg22[%broadcast_in_dim3A_633, %add3A_709] : memref<32x256xf32, #tpu.memory_space<vmem>>[vector<16xi32>, vector<16xi32>], vector<16xf32>,
        %mul3A_711 = arith.mulf %gather3A_634, %gather3A_710 : vector<16xf32>
        %add3A_712 = arith.addf %scan3A_629, %mul3A_711 : vector<16xf32>
        %add3A_713 = arith.constant 208 : i32
        %add3A_714 = vector.broadcast %add3A_713 : i32 to vector<16xi32>
        %add3A_715 = arith.addi %iota3A, %add3A_714 : vector<16xi32>
        %gather3A_716 = tpu.vector_load_idx %arg22[%broadcast_in_dim3A_633, %add3A_715] : memref<32x256xf32, #tpu.memory_space<vmem>>[vector<16xi32>, vector<16xi32>], vector<16xf32>,
        %mul3A_717 = arith.mulf %gather3A_634, %gather3A_716 : vector<16xf32>
        %add3A_718 = arith.addf %scan3A_630, %mul3A_717 : vector<16xf32>
        %add3A_719 = arith.constant 224 : i32
        %add3A_720 = vector.broadcast %add3A_719 : i32 to vector<16xi32>
        %add3A_721 = arith.addi %iota3A, %add3A_720 : vector<16xi32>
        %gather3A_722 = tpu.vector_load_idx %arg22[%broadcast_in_dim3A_633, %add3A_721] : memref<32x256xf32, #tpu.memory_space<vmem>>[vector<16xi32>, vector<16xi32>], vector<16xf32>,
        %mul3A_723 = arith.mulf %gather3A_634, %gather3A_722 : vector<16xf32>
        %add3A_724 = arith.addf %scan3A_631, %mul3A_723 : vector<16xf32>
        %add3A_725 = arith.constant 240 : i32
        %add3A_726 = vector.broadcast %add3A_725 : i32 to vector<16xi32>
        %add3A_727 = arith.addi %iota3A, %add3A_726 : vector<16xi32>
        %gather3A_728 = tpu.vector_load_idx %arg22[%broadcast_in_dim3A_633, %add3A_727] : memref<32x256xf32, #tpu.memory_space<vmem>>[vector<16xi32>, vector<16xi32>], vector<16xf32>,
        %mul3A_729 = arith.mulf %gather3A_634, %gather3A_728 : vector<16xf32>
        %add3A_730 = arith.addf %scan3A_632, %mul3A_729 : vector<16xf32>
        scf.yield %add3A_640, %add3A_646, %add3A_652, %add3A_658, %add3A_664, %add3A_670, %add3A_676, %add3A_682, %add3A_688, %add3A_694, %add3A_700, %add3A_706, %add3A_712, %add3A_718, %add3A_724, %add3A_730 : vector<16xf32>, vector<16xf32>, vector<16xf32>, vector<16xf32>, vector<16xf32>, vector<16xf32>, vector<16xf32>, vector<16xf32>, vector<16xf32>, vector<16xf32>, vector<16xf32>, vector<16xf32>, vector<16xf32>, vector<16xf32>, vector<16xf32>, vector<16xf32>
      }
      %scan3A_566 = arith.constant 32 : i32
      %add3A_567 = arith.constant 0 : i32
      %add3A_568 = vector.broadcast %add3A_567 : i32 to vector<16xi32>
      %add3A_569 = arith.addi %iota3A, %add3A_568 : vector<16xi32>
      tpu.vector_store_idx %arg24[%broadcast_in_dim3A_345, %add3A_569], %scan3A_565#0 : memref<16x256xf32, #tpu.memory_space<vmem>>[vector<16xi32>, vector<16xi32>], vector<16xf32>,
      %add3A_570 = arith.constant 16 : i32
      %add3A_571 = vector.broadcast %add3A_570 : i32 to vector<16xi32>
      %add3A_572 = arith.addi %iota3A, %add3A_571 : vector<16xi32>
      tpu.vector_store_idx %arg24[%broadcast_in_dim3A_345, %add3A_572], %scan3A_565#1 : memref<16x256xf32, #tpu.memory_space<vmem>>[vector<16xi32>, vector<16xi32>], vector<16xf32>,
      %add3A_573 = arith.constant 32 : i32
      %add3A_574 = vector.broadcast %add3A_573 : i32 to vector<16xi32>
      %add3A_575 = arith.addi %iota3A, %add3A_574 : vector<16xi32>
      tpu.vector_store_idx %arg24[%broadcast_in_dim3A_345, %add3A_575], %scan3A_565#2 : memref<16x256xf32, #tpu.memory_space<vmem>>[vector<16xi32>, vector<16xi32>], vector<16xf32>,
      %add3A_576 = arith.constant 48 : i32
      %add3A_577 = vector.broadcast %add3A_576 : i32 to vector<16xi32>
      %add3A_578 = arith.addi %iota3A, %add3A_577 : vector<16xi32>
      tpu.vector_store_idx %arg24[%broadcast_in_dim3A_345, %add3A_578], %scan3A_565#3 : memref<16x256xf32, #tpu.memory_space<vmem>>[vector<16xi32>, vector<16xi32>], vector<16xf32>,
      %add3A_579 = arith.constant 64 : i32
      %add3A_580 = vector.broadcast %add3A_579 : i32 to vector<16xi32>
      %add3A_581 = arith.addi %iota3A, %add3A_580 : vector<16xi32>
      tpu.vector_store_idx %arg24[%broadcast_in_dim3A_345, %add3A_581], %scan3A_565#4 : memref<16x256xf32, #tpu.memory_space<vmem>>[vector<16xi32>, vector<16xi32>], vector<16xf32>,
      %add3A_582 = arith.constant 80 : i32
      %add3A_583 = vector.broadcast %add3A_582 : i32 to vector<16xi32>
      %add3A_584 = arith.addi %iota3A, %add3A_583 : vector<16xi32>
      tpu.vector_store_idx %arg24[%broadcast_in_dim3A_345, %add3A_584], %scan3A_565#5 : memref<16x256xf32, #tpu.memory_space<vmem>>[vector<16xi32>, vector<16xi32>], vector<16xf32>,
      %add3A_585 = arith.constant 96 : i32
      %add3A_586 = vector.broadcast %add3A_585 : i32 to vector<16xi32>
      %add3A_587 = arith.addi %iota3A, %add3A_586 : vector<16xi32>
      tpu.vector_store_idx %arg24[%broadcast_in_dim3A_345, %add3A_587], %scan3A_565#6 : memref<16x256xf32, #tpu.memory_space<vmem>>[vector<16xi32>, vector<16xi32>], vector<16xf32>,
      %add3A_588 = arith.constant 112 : i32
      %add3A_589 = vector.broadcast %add3A_588 : i32 to vector<16xi32>
      %add3A_590 = arith.addi %iota3A, %add3A_589 : vector<16xi32>
      tpu.vector_store_idx %arg24[%broadcast_in_dim3A_345, %add3A_590], %scan3A_565#7 : memref<16x256xf32, #tpu.memory_space<vmem>>[vector<16xi32>, vector<16xi32>], vector<16xf32>,
      %add3A_591 = arith.constant 128 : i32
      %add3A_592 = vector.broadcast %add3A_591 : i32 to vector<16xi32>
      %add3A_593 = arith.addi %iota3A, %add3A_592 : vector<16xi32>
      tpu.vector_store_idx %arg24[%broadcast_in_dim3A_345, %add3A_593], %scan3A_565#8 : memref<16x256xf32, #tpu.memory_space<vmem>>[vector<16xi32>, vector<16xi32>], vector<16xf32>,
      %add3A_594 = arith.constant 144 : i32
      %add3A_595 = vector.broadcast %add3A_594 : i32 to vector<16xi32>
      %add3A_596 = arith.addi %iota3A, %add3A_595 : vector<16xi32>
      tpu.vector_store_idx %arg24[%broadcast_in_dim3A_345, %add3A_596], %scan3A_565#9 : memref<16x256xf32, #tpu.memory_space<vmem>>[vector<16xi32>, vector<16xi32>], vector<16xf32>,
      %add3A_597 = arith.constant 160 : i32
      %add3A_598 = vector.broadcast %add3A_597 : i32 to vector<16xi32>
      %add3A_599 = arith.addi %iota3A, %add3A_598 : vector<16xi32>
      tpu.vector_store_idx %arg24[%broadcast_in_dim3A_345, %add3A_599], %scan3A_565#10 : memref<16x256xf32, #tpu.memory_space<vmem>>[vector<16xi32>, vector<16xi32>], vector<16xf32>,
      %add3A_600 = arith.constant 176 : i32
      %add3A_601 = vector.broadcast %add3A_600 : i32 to vector<16xi32>
      %add3A_602 = arith.addi %iota3A, %add3A_601 : vector<16xi32>
      tpu.vector_store_idx %arg24[%broadcast_in_dim3A_345, %add3A_602], %scan3A_565#11 : memref<16x256xf32, #tpu.memory_space<vmem>>[vector<16xi32>, vector<16xi32>], vector<16xf32>,
      %add3A_603 = arith.constant 192 : i32
      %add3A_604 = vector.broadcast %add3A_603 : i32 to vector<16xi32>
      %add3A_605 = arith.addi %iota3A, %add3A_604 : vector<16xi32>
      tpu.vector_store_idx %arg24[%broadcast_in_dim3A_345, %add3A_605], %scan3A_565#12 : memref<16x256xf32, #tpu.memory_space<vmem>>[vector<16xi32>, vector<16xi32>], vector<16xf32>,
      %add3A_606 = arith.constant 208 : i32
      %add3A_607 = vector.broadcast %add3A_606 : i32 to vector<16xi32>
      %add3A_608 = arith.addi %iota3A, %add3A_607 : vector<16xi32>
      tpu.vector_store_idx %arg24[%broadcast_in_dim3A_345, %add3A_608], %scan3A_565#13 : memref<16x256xf32, #tpu.memory_space<vmem>>[vector<16xi32>, vector<16xi32>], vector<16xf32>,
      %add3A_609 = arith.constant 224 : i32
      %add3A_610 = vector.broadcast %add3A_609 : i32 to vector<16xi32>
      %add3A_611 = arith.addi %iota3A, %add3A_610 : vector<16xi32>
      tpu.vector_store_idx %arg24[%broadcast_in_dim3A_345, %add3A_611], %scan3A_565#14 : memref<16x256xf32, #tpu.memory_space<vmem>>[vector<16xi32>, vector<16xi32>], vector<16xf32>,
      %add3A_612 = arith.constant 240 : i32
      %add3A_613 = vector.broadcast %add3A_612 : i32 to vector<16xi32>
      %add3A_614 = arith.addi %iota3A, %add3A_613 : vector<16xi32>
      tpu.vector_store_idx %arg24[%broadcast_in_dim3A_345, %add3A_614], %scan3A_565#15 : memref<16x256xf32, #tpu.memory_space<vmem>>[vector<16xi32>, vector<16xi32>], vector<16xf32>,
      %scan3A_615 = arith.constant 0 : i32
      scf.yield %scan3A_615 : i32
    }
    %scan3A_27 = arith.constant 8 : i32
    %dma_wait3A = arith.constant 0 : i32
    %dma_wait3A_28 = arith.constant 0 : i32
    %dma_wait3A_29 = tpu.memref_slice %arg2[%dma_wait3A, %dma_wait3A_28] : memref<262144x128xf32, #tpu.memory_space<hbm>> -> memref<262144x128xf32, #tpu.memory_space<hbm>>
    tpu.wait_indirect_dma semaphore(%arg25 : memref<!tpu.dma_semaphore, #tpu.memory_space<semaphore_mem>>) src(%dma_wait3A_29 : memref<262144x128xf32, #tpu.memory_space<hbm>>) dst(%arg12 : memref<32x128xf32, #tpu.memory_space<vmem>>)
    "tpu.region"() ({
      %run_scoped3A = tpu.sem_alloc : memref<!tpu.dma_semaphore, #tpu.memory_space<semaphore_mem>>
      %dma_start3A_30 = arith.constant 0 : i32
      %dma_start3A_31 = tpu.memref_slice %arg7[%mul3A_2, %dma_start3A_30] : memref<512x256xf32, #tpu.memory_space<hbm>> -> memref<16x256xf32, #tpu.memory_space<hbm>>
      %dma_start3A_32 = arith.constant 0 : i32
      %dma_start3A_33 = tpu.memref_slice %arg7[%mul3A_2, %dma_start3A_32] : memref<512x256xf32, #tpu.memory_space<hbm>> -> memref<16x256xf32, #tpu.memory_space<hbm>>
      tpu.enqueue_dma source(%arg24 : memref<16x256xf32, #tpu.memory_space<vmem>>) target(%dma_start3A_33 : memref<16x256xf32, #tpu.memory_space<hbm>>) target_semaphore(%run_scoped3A : memref<!tpu.dma_semaphore, #tpu.memory_space<semaphore_mem>>)
      %dma_wait3A_34 = arith.constant 0 : i32
      %dma_wait3A_35 = tpu.memref_slice %arg7[%mul3A_2, %dma_wait3A_34] : memref<512x256xf32, #tpu.memory_space<hbm>> -> memref<16x256xf32, #tpu.memory_space<hbm>>
      %dma_wait3A_36 = arith.constant 0 : i32
      %dma_wait3A_37 = tpu.memref_slice %arg7[%mul3A_2, %dma_wait3A_36] : memref<512x256xf32, #tpu.memory_space<hbm>> -> memref<16x256xf32, #tpu.memory_space<hbm>>
      tpu.wait_dma2 semaphore(%run_scoped3A : memref<!tpu.dma_semaphore, #tpu.memory_space<semaphore_mem>>) src(%arg24 : memref<16x256xf32, #tpu.memory_space<vmem>>) dst(%dma_wait3A_37 : memref<16x256xf32, #tpu.memory_space<hbm>>)
      tpu.yield
    }) : () -> ()
    return
  }
}

#map = affine_map<(d0, d1) -> (0, 0)>
module attributes {stable_mosaic.version = 14 : i64} {
  func.func @_k2_body(%arg0: i32, %arg1: i32, %arg2: memref<262144x128xf32, #tpu.memory_space<hbm>>, %arg3: memref<512x32xi32, #tpu.memory_space<hbm>>, %arg4: memref<512x32xf32, #tpu.memory_space<hbm>>, %arg5: memref<65536x256xf32, #tpu.memory_space<hbm>>, %arg6: memref<512x256xf32, #tpu.memory_space<hbm>>, %arg7: memref<512x256xf32, #tpu.memory_space<hbm>>, %arg8: memref<16x32xi32, #tpu.memory_space<vmem>>, %arg9: memref<16x32xf32, #tpu.memory_space<vmem>>, %arg10: memref<32xi32, #tpu.memory_space<vmem>>, %arg11: memref<32xi32, #tpu.memory_space<vmem>>, %arg12: memref<32x128xf32, #tpu.memory_space<vmem>>, %arg13: memref<32x128xf32, #tpu.memory_space<vmem>>, %arg14: memref<128xf32, #tpu.memory_space<vmem>>, %arg15: memref<128xi32, #tpu.memory_space<vmem>>, %arg16: memref<16xf32, #tpu.memory_space<vmem>>, %arg17: memref<16xi32, #tpu.memory_space<vmem>>, %arg18: memref<32xf32, #tpu.memory_space<vmem>>, %arg19: memref<32xi32, #tpu.memory_space<vmem>>, %arg20: memref<32xf32, #tpu.memory_space<vmem>>, %arg21: memref<32xi32, #tpu.memory_space<vmem>>, %arg22: memref<32x256xf32, #tpu.memory_space<vmem>>, %arg23: memref<16x256xf32, #tpu.memory_space<vmem>>, %arg24: memref<16x256xf32, #tpu.memory_space<vmem>>, %arg25: memref<!tpu.dma_semaphore, #tpu.memory_space<semaphore_mem>>, %arg26: memref<!tpu.dma_semaphore, #tpu.memory_space<semaphore_mem>>, %arg27: memref<!tpu.dma_semaphore, #tpu.memory_space<semaphore_mem>>) attributes {dimension_semantics = [#tpu.dimension_semantics<core_parallel>, #tpu.dimension_semantics<subcore_parallel>], iteration_bounds = array<i64: 2, 16>, scalar_prefetch = 0 : i64, scratch_operands = 20 : i64, tpu.core_type = #tpu.core_type<sc_vector_subcore>, window_params = [{transform_indices = #map}, {transform_indices = #map}, {transform_indices = #map}, {transform_indices = #map}, {transform_indices = #map}, {transform_indices = #map}]} {
    %mul3A = arith.constant 2 : i32
    %mul3A_0 = arith.muli %arg1, %mul3A : i32
    %add3A = arith.addi %mul3A_0, %arg0 : i32
    %mul3A_1 = arith.constant 16 : i32
    %mul3A_2 = arith.muli %add3A, %mul3A_1 : i32
    "tpu.region"() ({
      %run_scoped3A = tpu.sem_alloc : memref<!tpu.dma_semaphore, #tpu.memory_space<semaphore_mem>>
      %dma_start3A_30 = arith.constant 0 : i32
      %dma_start3A_31 = tpu.memref_slice %arg3[%mul3A_2, %dma_start3A_30] : memref<512x32xi32, #tpu.memory_space<hbm>> -> memref<16x32xi32, #tpu.memory_space<hbm>>
      %dma_start3A_32 = arith.constant 0 : i32
      %dma_start3A_33 = tpu.memref_slice %arg3[%mul3A_2, %dma_start3A_32] : memref<512x32xi32, #tpu.memory_space<hbm>> -> memref<16x32xi32, #tpu.memory_space<hbm>>
      tpu.enqueue_dma source(%dma_start3A_33 : memref<16x32xi32, #tpu.memory_space<hbm>>) target(%arg8 : memref<16x32xi32, #tpu.memory_space<vmem>>) target_semaphore(%run_scoped3A : memref<!tpu.dma_semaphore, #tpu.memory_space<semaphore_mem>>)
      %dma_wait3A_34 = arith.constant 0 : i32
      %dma_wait3A_35 = tpu.memref_slice %arg3[%mul3A_2, %dma_wait3A_34] : memref<512x32xi32, #tpu.memory_space<hbm>> -> memref<16x32xi32, #tpu.memory_space<hbm>>
      %dma_wait3A_36 = arith.constant 0 : i32
      %dma_wait3A_37 = tpu.memref_slice %arg3[%mul3A_2, %dma_wait3A_36] : memref<512x32xi32, #tpu.memory_space<hbm>> -> memref<16x32xi32, #tpu.memory_space<hbm>>
      tpu.wait_dma2 semaphore(%run_scoped3A : memref<!tpu.dma_semaphore, #tpu.memory_space<semaphore_mem>>) src(%dma_wait3A_37 : memref<16x32xi32, #tpu.memory_space<hbm>>) dst(%arg8 : memref<16x32xi32, #tpu.memory_space<vmem>>)
      tpu.yield
    }) : () -> ()
    "tpu.region"() ({
      %run_scoped3A = tpu.sem_alloc : memref<!tpu.dma_semaphore, #tpu.memory_space<semaphore_mem>>
      %dma_start3A_30 = arith.constant 0 : i32
      %dma_start3A_31 = tpu.memref_slice %arg4[%mul3A_2, %dma_start3A_30] : memref<512x32xf32, #tpu.memory_space<hbm>> -> memref<16x32xf32, #tpu.memory_space<hbm>>
      %dma_start3A_32 = arith.constant 0 : i32
      %dma_start3A_33 = tpu.memref_slice %arg4[%mul3A_2, %dma_start3A_32] : memref<512x32xf32, #tpu.memory_space<hbm>> -> memref<16x32xf32, #tpu.memory_space<hbm>>
      tpu.enqueue_dma source(%dma_start3A_33 : memref<16x32xf32, #tpu.memory_space<hbm>>) target(%arg9 : memref<16x32xf32, #tpu.memory_space<vmem>>) target_semaphore(%run_scoped3A : memref<!tpu.dma_semaphore, #tpu.memory_space<semaphore_mem>>)
      %dma_wait3A_34 = arith.constant 0 : i32
      %dma_wait3A_35 = tpu.memref_slice %arg4[%mul3A_2, %dma_wait3A_34] : memref<512x32xf32, #tpu.memory_space<hbm>> -> memref<16x32xf32, #tpu.memory_space<hbm>>
      %dma_wait3A_36 = arith.constant 0 : i32
      %dma_wait3A_37 = tpu.memref_slice %arg4[%mul3A_2, %dma_wait3A_36] : memref<512x32xf32, #tpu.memory_space<hbm>> -> memref<16x32xf32, #tpu.memory_space<hbm>>
      tpu.wait_dma2 semaphore(%run_scoped3A : memref<!tpu.dma_semaphore, #tpu.memory_space<semaphore_mem>>) src(%dma_wait3A_37 : memref<16x32xf32, #tpu.memory_space<hbm>>) dst(%arg9 : memref<16x32xf32, #tpu.memory_space<vmem>>)
      tpu.yield
    }) : () -> ()
    "tpu.region"() ({
      %run_scoped3A = tpu.sem_alloc : memref<!tpu.dma_semaphore, #tpu.memory_space<semaphore_mem>>
      %dma_start3A_30 = arith.constant 0 : i32
      %dma_start3A_31 = tpu.memref_slice %arg6[%mul3A_2, %dma_start3A_30] : memref<512x256xf32, #tpu.memory_space<hbm>> -> memref<16x256xf32, #tpu.memory_space<hbm>>
      %dma_start3A_32 = arith.constant 0 : i32
      %dma_start3A_33 = tpu.memref_slice %arg6[%mul3A_2, %dma_start3A_32] : memref<512x256xf32, #tpu.memory_space<hbm>> -> memref<16x256xf32, #tpu.memory_space<hbm>>
      tpu.enqueue_dma source(%dma_start3A_33 : memref<16x256xf32, #tpu.memory_space<hbm>>) target(%arg23 : memref<16x256xf32, #tpu.memory_space<vmem>>) target_semaphore(%run_scoped3A : memref<!tpu.dma_semaphore, #tpu.memory_space<semaphore_mem>>)
      %dma_wait3A_34 = arith.constant 0 : i32
      %dma_wait3A_35 = tpu.memref_slice %arg6[%mul3A_2, %dma_wait3A_34] : memref<512x256xf32, #tpu.memory_space<hbm>> -> memref<16x256xf32, #tpu.memory_space<hbm>>
      %dma_wait3A_36 = arith.constant 0 : i32
      %dma_wait3A_37 = tpu.memref_slice %arg6[%mul3A_2, %dma_wait3A_36] : memref<512x256xf32, #tpu.memory_space<hbm>> -> memref<16x256xf32, #tpu.memory_space<hbm>>
      tpu.wait_dma2 semaphore(%run_scoped3A : memref<!tpu.dma_semaphore, #tpu.memory_space<semaphore_mem>>) src(%dma_wait3A_37 : memref<16x256xf32, #tpu.memory_space<hbm>>) dst(%arg23 : memref<16x256xf32, #tpu.memory_space<vmem>>)
      tpu.yield
    }) : () -> ()
    %iota3A = tpu.iota {dimensions = array<i32: 0>} : vector<16xi32>
    %eq3A = arith.constant 0 : i32
    %eq3A_3 = vector.broadcast %eq3A : i32 to vector<16xi32>
    %eq3A_4 = arith.cmpi eq, %iota3A, %eq3A_3 : vector<16xi32>
    %min3A = arith.constant 0 : i32
    %min3A_5 = arith.constant 15 : i32
    %min3A_6 = arith.minsi %min3A, %min3A_5 : i32
    %broadcast_in_dim3A = vector.broadcast %min3A_6 : i32 to vector<16xi32>
    %add3A_7 = arith.addi %mul3A_2, %min3A_6 : i32
    %mul3A_8 = arith.constant 512 : i32
    %mul3A_9 = arith.muli %add3A_7, %mul3A_8 : i32
    %broadcast_in_dim3A_10 = vector.broadcast %mul3A_9 : i32 to vector<16xi32>
    %gather3A = tpu.vector_load_idx %arg8[%broadcast_in_dim3A, %iota3A] : memref<16x32xi32, #tpu.memory_space<vmem>>[vector<16xi32>, vector<16xi32>], vector<16xi32>,
    %add3A_11 = arith.addi %gather3A, %broadcast_in_dim3A_10 : vector<16xi32>
    %swap3A = arith.constant 0 : index
    %swap3A_12 = tpu.vector_load %arg10[%swap3A] {strides = array<i32>} : memref<32xi32, #tpu.memory_space<vmem>>, vector<16xi32>,
    tpu.vector_store %arg10[%swap3A], %add3A_11 {strides = array<i32>} : memref<32xi32, #tpu.memory_space<vmem>>, vector<16xi32>,
    %add3A_13 = arith.constant 16 : i32
    %add3A_14 = vector.broadcast %add3A_13 : i32 to vector<16xi32>
    %add3A_15 = arith.addi %iota3A, %add3A_14 : vector<16xi32>
    %gather3A_16 = tpu.vector_load_idx %arg8[%broadcast_in_dim3A, %add3A_15] : memref<16x32xi32, #tpu.memory_space<vmem>>[vector<16xi32>, vector<16xi32>], vector<16xi32>,
    %add3A_17 = arith.addi %gather3A_16, %broadcast_in_dim3A_10 : vector<16xi32>
    %swap3A_18 = arith.constant 16 : index
    %swap3A_19 = tpu.vector_load %arg10[%swap3A_18] {strides = array<i32>} : memref<32xi32, #tpu.memory_space<vmem>>, vector<16xi32>,
    tpu.vector_store %arg10[%swap3A_18], %add3A_17 {strides = array<i32>} : memref<32xi32, #tpu.memory_space<vmem>>, vector<16xi32>,
    %dma_start3A = arith.constant 0 : i32
    %dma_start3A_20 = arith.constant 0 : i32
    %dma_start3A_21 = tpu.memref_slice %arg2[%dma_start3A, %dma_start3A_20] : memref<262144x128xf32, #tpu.memory_space<hbm>> -> memref<262144x128xf32, #tpu.memory_space<hbm>>
    tpu.enqueue_indirect_dma source(%dma_start3A_21 : memref<262144x128xf32, #tpu.memory_space<hbm>>) target(%arg12 : memref<32x128xf32, #tpu.memory_space<vmem>>) offsets(%arg10 : memref<32xi32, #tpu.memory_space<vmem>>) semaphore(%arg25 : memref<!tpu.dma_semaphore, #tpu.memory_space<semaphore_mem>>)
    %scan3A = arith.constant 0 : i32
    %scan3A_22 = arith.constant 0 : i32
    %scan3A_23 = arith.constant 8 : i32
    %scan3A_24 = arith.addi %scan3A_22, %scan3A_23 : i32
    %scan3A_25 = arith.constant 1 : i32
    %scan3A_26 = scf.for %scan3A_30 = %scan3A_22 to %scan3A_24 step %scan3A_25 iter_args(%scan3A_31 = %scan3A) -> (i32)  : i32 {
      %mul3A_32 = arith.constant 2 : i32
      %mul3A_33 = arith.muli %mul3A_32, %scan3A_30 : i32
      %add3A_34 = arith.constant 1 : i32
      %add3A_35 = arith.addi %mul3A_33, %add3A_34 : i32
      %min3A_36 = arith.constant 15 : i32
      %min3A_37 = arith.minsi %add3A_35, %min3A_36 : i32
      %broadcast_in_dim3A_38 = vector.broadcast %min3A_37 : i32 to vector<16xi32>
      %add3A_39 = arith.addi %mul3A_2, %min3A_37 : i32
      %mul3A_40 = arith.constant 512 : i32
      %mul3A_41 = arith.muli %add3A_39, %mul3A_40 : i32
      %broadcast_in_dim3A_42 = vector.broadcast %mul3A_41 : i32 to vector<16xi32>
      %gather3A_43 = tpu.vector_load_idx %arg8[%broadcast_in_dim3A_38, %iota3A] : memref<16x32xi32, #tpu.memory_space<vmem>>[vector<16xi32>, vector<16xi32>], vector<16xi32>,
      %add3A_44 = arith.addi %gather3A_43, %broadcast_in_dim3A_42 : vector<16xi32>
      %swap3A_45 = arith.constant 0 : index
      %swap3A_46 = tpu.vector_load %arg11[%swap3A_45] {strides = array<i32>} : memref<32xi32, #tpu.memory_space<vmem>>, vector<16xi32>,
      tpu.vector_store %arg11[%swap3A_45], %add3A_44 {strides = array<i32>} : memref<32xi32, #tpu.memory_space<vmem>>, vector<16xi32>,
      %add3A_47 = arith.constant 16 : i32
      %add3A_48 = vector.broadcast %add3A_47 : i32 to vector<16xi32>
      %add3A_49 = arith.addi %iota3A, %add3A_48 : vector<16xi32>
      %gather3A_50 = tpu.vector_load_idx %arg8[%broadcast_in_dim3A_38, %add3A_49] : memref<16x32xi32, #tpu.memory_space<vmem>>[vector<16xi32>, vector<16xi32>], vector<16xi32>,
      %add3A_51 = arith.addi %gather3A_50, %broadcast_in_dim3A_42 : vector<16xi32>
      %swap3A_52 = arith.constant 16 : index
      %swap3A_53 = tpu.vector_load %arg11[%swap3A_52] {strides = array<i32>} : memref<32xi32, #tpu.memory_space<vmem>>, vector<16xi32>,
      tpu.vector_store %arg11[%swap3A_52], %add3A_51 {strides = array<i32>} : memref<32xi32, #tpu.memory_space<vmem>>, vector<16xi32>,
      %dma_start3A_54 = arith.constant 0 : i32
      %dma_start3A_55 = arith.constant 0 : i32
      %dma_start3A_56 = tpu.memref_slice %arg2[%dma_start3A_54, %dma_start3A_55] : memref<262144x128xf32, #tpu.memory_space<hbm>> -> memref<262144x128xf32, #tpu.memory_space<hbm>>
      tpu.enqueue_indirect_dma source(%dma_start3A_56 : memref<262144x128xf32, #tpu.memory_space<hbm>>) target(%arg13 : memref<32x128xf32, #tpu.memory_space<vmem>>) offsets(%arg11 : memref<32xi32, #tpu.memory_space<vmem>>) semaphore(%arg26 : memref<!tpu.dma_semaphore, #tpu.memory_space<semaphore_mem>>)
      %dma_wait3A_57 = arith.constant 0 : i32
      %dma_wait3A_58 = arith.constant 0 : i32
      %dma_wait3A_59 = tpu.memref_slice %arg2[%dma_wait3A_57, %dma_wait3A_58] : memref<262144x128xf32, #tpu.memory_space<hbm>> -> memref<262144x128xf32, #tpu.memory_space<hbm>>
      tpu.wait_indirect_dma semaphore(%arg25 : memref<!tpu.dma_semaphore, #tpu.memory_space<semaphore_mem>>) src(%dma_wait3A_59 : memref<262144x128xf32, #tpu.memory_space<hbm>>) dst(%arg12 : memref<32x128xf32, #tpu.memory_space<vmem>>)
      %broadcast_in_dim3A_60 = vector.broadcast %mul3A_33 : i32 to vector<16xi32>
      %broadcast_in_dim3A_61 = arith.constant 31 : i32
      %broadcast_in_dim3A_62 = vector.broadcast %broadcast_in_dim3A_61 : i32 to vector<16xi32>
      %gather3A_63 = tpu.vector_load_idx %arg9[%broadcast_in_dim3A_60, %broadcast_in_dim3A_62] : memref<16x32xf32, #tpu.memory_space<vmem>>[vector<16xi32>, vector<16xi32>], vector<16xf32>,
      %broadcast_in_dim3A_64 = arith.constant 0 : i32
      %broadcast_in_dim3A_65 = vector.broadcast %broadcast_in_dim3A_64 : i32 to vector<16xi32>
      %gather3A_66 = tpu.vector_load_idx %arg9[%broadcast_in_dim3A_60, %broadcast_in_dim3A_65] : memref<16x32xf32, #tpu.memory_space<vmem>>[vector<16xi32>, vector<16xi32>], vector<16xf32>,
      %broadcast_in_dim3A_67 = arith.constant -3.000000e+38 : f32
      %broadcast_in_dim3A_68 = vector.broadcast %broadcast_in_dim3A_67 : f32 to vector<16xf32>
      %swap3A_69 = arith.constant 0 : index
      %swap3A_70 = tpu.vector_load %arg14[%swap3A_69] {strides = array<i32>} : memref<128xf32, #tpu.memory_space<vmem>>, vector<16xf32>,
      tpu.vector_store %arg14[%swap3A_69], %broadcast_in_dim3A_68 {strides = array<i32>} : memref<128xf32, #tpu.memory_space<vmem>>, vector<16xf32>,
      %broadcast_in_dim3A_71 = arith.constant -3.000000e+38 : f32
      %broadcast_in_dim3A_72 = vector.broadcast %broadcast_in_dim3A_71 : f32 to vector<16xf32>
      %swap3A_73 = arith.constant 16 : index
      %swap3A_74 = tpu.vector_load %arg14[%swap3A_73] {strides = array<i32>} : memref<128xf32, #tpu.memory_space<vmem>>, vector<16xf32>,
      tpu.vector_store %arg14[%swap3A_73], %broadcast_in_dim3A_72 {strides = array<i32>} : memref<128xf32, #tpu.memory_space<vmem>>, vector<16xf32>,
      %broadcast_in_dim3A_75 = arith.constant -3.000000e+38 : f32
      %broadcast_in_dim3A_76 = vector.broadcast %broadcast_in_dim3A_75 : f32 to vector<16xf32>
      %swap3A_77 = arith.constant 32 : index
      %swap3A_78 = tpu.vector_load %arg14[%swap3A_77] {strides = array<i32>} : memref<128xf32, #tpu.memory_space<vmem>>, vector<16xf32>,
      tpu.vector_store %arg14[%swap3A_77], %broadcast_in_dim3A_76 {strides = array<i32>} : memref<128xf32, #tpu.memory_space<vmem>>, vector<16xf32>,
      %broadcast_in_dim3A_79 = arith.constant -3.000000e+38 : f32
      %broadcast_in_dim3A_80 = vector.broadcast %broadcast_in_dim3A_79 : f32 to vector<16xf32>
      %swap3A_81 = arith.constant 48 : index
      %swap3A_82 = tpu.vector_load %arg14[%swap3A_81] {strides = array<i32>} : memref<128xf32, #tpu.memory_space<vmem>>, vector<16xf32>,
      tpu.vector_store %arg14[%swap3A_81], %broadcast_in_dim3A_80 {strides = array<i32>} : memref<128xf32, #tpu.memory_space<vmem>>, vector<16xf32>,
      %broadcast_in_dim3A_83 = arith.constant -3.000000e+38 : f32
      %broadcast_in_dim3A_84 = vector.broadcast %broadcast_in_dim3A_83 : f32 to vector<16xf32>
      %swap3A_85 = arith.constant 64 : index
      %swap3A_86 = tpu.vector_load %arg14[%swap3A_85] {strides = array<i32>} : memref<128xf32, #tpu.memory_space<vmem>>, vector<16xf32>,
      tpu.vector_store %arg14[%swap3A_85], %broadcast_in_dim3A_84 {strides = array<i32>} : memref<128xf32, #tpu.memory_space<vmem>>, vector<16xf32>,
      %broadcast_in_dim3A_87 = arith.constant -3.000000e+38 : f32
      %broadcast_in_dim3A_88 = vector.broadcast %broadcast_in_dim3A_87 : f32 to vector<16xf32>
      %swap3A_89 = arith.constant 80 : index
      %swap3A_90 = tpu.vector_load %arg14[%swap3A_89] {strides = array<i32>} : memref<128xf32, #tpu.memory_space<vmem>>, vector<16xf32>,
      tpu.vector_store %arg14[%swap3A_89], %broadcast_in_dim3A_88 {strides = array<i32>} : memref<128xf32, #tpu.memory_space<vmem>>, vector<16xf32>,
      %broadcast_in_dim3A_91 = arith.constant -3.000000e+38 : f32
      %broadcast_in_dim3A_92 = vector.broadcast %broadcast_in_dim3A_91 : f32 to vector<16xf32>
      %swap3A_93 = arith.constant 96 : index
      %swap3A_94 = tpu.vector_load %arg14[%swap3A_93] {strides = array<i32>} : memref<128xf32, #tpu.memory_space<vmem>>, vector<16xf32>,
      tpu.vector_store %arg14[%swap3A_93], %broadcast_in_dim3A_92 {strides = array<i32>} : memref<128xf32, #tpu.memory_space<vmem>>, vector<16xf32>,
      %broadcast_in_dim3A_95 = arith.constant -3.000000e+38 : f32
      %broadcast_in_dim3A_96 = vector.broadcast %broadcast_in_dim3A_95 : f32 to vector<16xf32>
      %swap3A_97 = arith.constant 112 : index
      %swap3A_98 = tpu.vector_load %arg14[%swap3A_97] {strides = array<i32>} : memref<128xf32, #tpu.memory_space<vmem>>, vector<16xf32>,
      tpu.vector_store %arg14[%swap3A_97], %broadcast_in_dim3A_96 {strides = array<i32>} : memref<128xf32, #tpu.memory_space<vmem>>, vector<16xf32>,
      %broadcast_in_dim3A_99 = arith.constant 0 : i32
      %broadcast_in_dim3A_100 = vector.broadcast %broadcast_in_dim3A_99 : i32 to vector<16xi32>
      %scan3A_101 = arith.constant 0 : i32
      %scan3A_102 = arith.constant 32 : i32
      %scan3A_103 = arith.addi %scan3A_101, %scan3A_102 : i32
      %scan3A_104 = arith.constant 1 : i32
      %scan3A_105 = scf.for %scan3A_616 = %scan3A_101 to %scan3A_103 step %scan3A_104 iter_args(%scan3A_617 = %broadcast_in_dim3A_100) -> (vector<16xi32>)  : i32 {
        %broadcast_in_dim3A_618 = vector.broadcast %scan3A_616 : i32 to vector<16xi32>
        %add3A_619 = arith.constant 0 : i32
        %add3A_620 = vector.broadcast %add3A_619 : i32 to vector<16xi32>
        %add3A_621 = arith.addi %iota3A, %add3A_620 : vector<16xi32>
        %gather3A_622 = tpu.vector_load_idx %arg12[%broadcast_in_dim3A_618, %add3A_621] : memref<32x128xf32, #tpu.memory_space<vmem>>[vector<16xi32>, vector<16xi32>], vector<16xf32>,
        %ge3A = arith.cmpf oge, %gather3A_622, %gather3A_63 : vector<16xf32>
        %jit3A_623 = arith.constant 1 : i32
        %jit3A_624 = arith.constant 0 : i32
        %broadcast_in_dim3A_625 = vector.broadcast %jit3A_623 : i32 to vector<16xi32>
        %broadcast_in_dim3A_626 = vector.broadcast %jit3A_624 : i32 to vector<16xi32>
        %select_n3A_627 = arith.select %ge3A, %broadcast_in_dim3A_625, %broadcast_in_dim3A_626 : vector<16xi1>, vector<16xi32>
        %broadcast_in_dim3A_628 = arith.constant true
        %broadcast_in_dim3A_629 = vector.broadcast %broadcast_in_dim3A_628 : i1 to vector<16xi1>
        %masked_cumsum3A_630 = tpu.scan <sum>, %select_n3A_627 masked %broadcast_in_dim3A_629 : vector<16xi32>, vector<16xi1> -> vector<16xi32>
        %add3A_631 = arith.addi %scan3A_617, %masked_cumsum3A_630 : vector<16xi32>
        %sub3A_632 = arith.constant 1 : i32
        %sub3A_633 = vector.broadcast %sub3A_632 : i32 to vector<16xi32>
        %sub3A_634 = arith.subi %add3A_631, %sub3A_633 : vector<16xi32>
        %lt3A = arith.constant 128 : i32
        %lt3A_635 = vector.broadcast %lt3A : i32 to vector<16xi32>
        %lt3A_636 = arith.cmpi slt, %sub3A_634, %lt3A_635 : vector<16xi32>
        %and3A_637 = arith.andi %ge3A, %lt3A_636 : vector<16xi1>
        %mul3A_638 = arith.constant 128 : i32
        %mul3A_639 = vector.broadcast %mul3A_638 : i32 to vector<16xi32>
        %mul3A_640 = arith.muli %broadcast_in_dim3A_618, %mul3A_639 : vector<16xi32>
        %add3A_641 = arith.constant 0 : i32
        %add3A_642 = vector.broadcast %add3A_641 : i32 to vector<16xi32>
        %add3A_643 = arith.addi %iota3A, %add3A_642 : vector<16xi32>
        %add3A_644 = arith.addi %mul3A_640, %add3A_643 : vector<16xi32>
        tpu.vector_store_idx %arg14[%sub3A_634], %gather3A_622 masked %and3A_637 : memref<128xf32, #tpu.memory_space<vmem>>[vector<16xi32>], vector<16xf32>, vector<16xi1>
        tpu.vector_store_idx %arg15[%sub3A_634], %add3A_644 masked %and3A_637 : memref<128xi32, #tpu.memory_space<vmem>>[vector<16xi32>], vector<16xi32>, vector<16xi1>
        %all_reduce_population_count3A = tpu.all_reduce %ge3A {dim = 0 : i64, kind = #tpu.reduction_kind<sum>} : vector<16xi1> -> vector<16xi32>
        %add3A_645 = arith.addi %scan3A_617, %all_reduce_population_count3A : vector<16xi32>
        %add3A_646 = arith.constant 16 : i32
        %add3A_647 = vector.broadcast %add3A_646 : i32 to vector<16xi32>
        %add3A_648 = arith.addi %iota3A, %add3A_647 : vector<16xi32>
        %gather3A_649 = tpu.vector_load_idx %arg12[%broadcast_in_dim3A_618, %add3A_648] : memref<32x128xf32, #tpu.memory_space<vmem>>[vector<16xi32>, vector<16xi32>], vector<16xf32>,
        %ge3A_650 = arith.cmpf oge, %gather3A_649, %gather3A_63 : vector<16xf32>
        %jit3A_651 = arith.constant 1 : i32
        %jit3A_652 = arith.constant 0 : i32
        %broadcast_in_dim3A_653 = vector.broadcast %jit3A_651 : i32 to vector<16xi32>
        %broadcast_in_dim3A_654 = vector.broadcast %jit3A_652 : i32 to vector<16xi32>
        %select_n3A_655 = arith.select %ge3A_650, %broadcast_in_dim3A_653, %broadcast_in_dim3A_654 : vector<16xi1>, vector<16xi32>
        %broadcast_in_dim3A_656 = arith.constant true
        %broadcast_in_dim3A_657 = vector.broadcast %broadcast_in_dim3A_656 : i1 to vector<16xi1>
        %masked_cumsum3A_658 = tpu.scan <sum>, %select_n3A_655 masked %broadcast_in_dim3A_657 : vector<16xi32>, vector<16xi1> -> vector<16xi32>
        %add3A_659 = arith.addi %add3A_645, %masked_cumsum3A_658 : vector<16xi32>
        %sub3A_660 = arith.constant 1 : i32
        %sub3A_661 = vector.broadcast %sub3A_660 : i32 to vector<16xi32>
        %sub3A_662 = arith.subi %add3A_659, %sub3A_661 : vector<16xi32>
        %lt3A_663 = arith.constant 128 : i32
        %lt3A_664 = vector.broadcast %lt3A_663 : i32 to vector<16xi32>
        %lt3A_665 = arith.cmpi slt, %sub3A_662, %lt3A_664 : vector<16xi32>
        %and3A_666 = arith.andi %ge3A_650, %lt3A_665 : vector<16xi1>
        %mul3A_667 = arith.constant 128 : i32
        %mul3A_668 = vector.broadcast %mul3A_667 : i32 to vector<16xi32>
        %mul3A_669 = arith.muli %broadcast_in_dim3A_618, %mul3A_668 : vector<16xi32>
        %add3A_670 = arith.constant 16 : i32
        %add3A_671 = vector.broadcast %add3A_670 : i32 to vector<16xi32>
        %add3A_672 = arith.addi %iota3A, %add3A_671 : vector<16xi32>
        %add3A_673 = arith.addi %mul3A_669, %add3A_672 : vector<16xi32>
        tpu.vector_store_idx %arg14[%sub3A_662], %gather3A_649 masked %and3A_666 : memref<128xf32, #tpu.memory_space<vmem>>[vector<16xi32>], vector<16xf32>, vector<16xi1>
        tpu.vector_store_idx %arg15[%sub3A_662], %add3A_673 masked %and3A_666 : memref<128xi32, #tpu.memory_space<vmem>>[vector<16xi32>], vector<16xi32>, vector<16xi1>
        %all_reduce_population_count3A_674 = tpu.all_reduce %ge3A_650 {dim = 0 : i64, kind = #tpu.reduction_kind<sum>} : vector<16xi1> -> vector<16xi32>
        %add3A_675 = arith.addi %add3A_645, %all_reduce_population_count3A_674 : vector<16xi32>
        %add3A_676 = arith.constant 32 : i32
        %add3A_677 = vector.broadcast %add3A_676 : i32 to vector<16xi32>
        %add3A_678 = arith.addi %iota3A, %add3A_677 : vector<16xi32>
        %gather3A_679 = tpu.vector_load_idx %arg12[%broadcast_in_dim3A_618, %add3A_678] : memref<32x128xf32, #tpu.memory_space<vmem>>[vector<16xi32>, vector<16xi32>], vector<16xf32>,
        %ge3A_680 = arith.cmpf oge, %gather3A_679, %gather3A_63 : vector<16xf32>
        %jit3A_681 = arith.constant 1 : i32
        %jit3A_682 = arith.constant 0 : i32
        %broadcast_in_dim3A_683 = vector.broadcast %jit3A_681 : i32 to vector<16xi32>
        %broadcast_in_dim3A_684 = vector.broadcast %jit3A_682 : i32 to vector<16xi32>
        %select_n3A_685 = arith.select %ge3A_680, %broadcast_in_dim3A_683, %broadcast_in_dim3A_684 : vector<16xi1>, vector<16xi32>
        %broadcast_in_dim3A_686 = arith.constant true
        %broadcast_in_dim3A_687 = vector.broadcast %broadcast_in_dim3A_686 : i1 to vector<16xi1>
        %masked_cumsum3A_688 = tpu.scan <sum>, %select_n3A_685 masked %broadcast_in_dim3A_687 : vector<16xi32>, vector<16xi1> -> vector<16xi32>
        %add3A_689 = arith.addi %add3A_675, %masked_cumsum3A_688 : vector<16xi32>
        %sub3A_690 = arith.constant 1 : i32
        %sub3A_691 = vector.broadcast %sub3A_690 : i32 to vector<16xi32>
        %sub3A_692 = arith.subi %add3A_689, %sub3A_691 : vector<16xi32>
        %lt3A_693 = arith.constant 128 : i32
        %lt3A_694 = vector.broadcast %lt3A_693 : i32 to vector<16xi32>
        %lt3A_695 = arith.cmpi slt, %sub3A_692, %lt3A_694 : vector<16xi32>
        %and3A_696 = arith.andi %ge3A_680, %lt3A_695 : vector<16xi1>
        %mul3A_697 = arith.constant 128 : i32
        %mul3A_698 = vector.broadcast %mul3A_697 : i32 to vector<16xi32>
        %mul3A_699 = arith.muli %broadcast_in_dim3A_618, %mul3A_698 : vector<16xi32>
        %add3A_700 = arith.constant 32 : i32
        %add3A_701 = vector.broadcast %add3A_700 : i32 to vector<16xi32>
        %add3A_702 = arith.addi %iota3A, %add3A_701 : vector<16xi32>
        %add3A_703 = arith.addi %mul3A_699, %add3A_702 : vector<16xi32>
        tpu.vector_store_idx %arg14[%sub3A_692], %gather3A_679 masked %and3A_696 : memref<128xf32, #tpu.memory_space<vmem>>[vector<16xi32>], vector<16xf32>, vector<16xi1>
        tpu.vector_store_idx %arg15[%sub3A_692], %add3A_703 masked %and3A_696 : memref<128xi32, #tpu.memory_space<vmem>>[vector<16xi32>], vector<16xi32>, vector<16xi1>
        %all_reduce_population_count3A_704 = tpu.all_reduce %ge3A_680 {dim = 0 : i64, kind = #tpu.reduction_kind<sum>} : vector<16xi1> -> vector<16xi32>
        %add3A_705 = arith.addi %add3A_675, %all_reduce_population_count3A_704 : vector<16xi32>
        %add3A_706 = arith.constant 48 : i32
        %add3A_707 = vector.broadcast %add3A_706 : i32 to vector<16xi32>
        %add3A_708 = arith.addi %iota3A, %add3A_707 : vector<16xi32>
        %gather3A_709 = tpu.vector_load_idx %arg12[%broadcast_in_dim3A_618, %add3A_708] : memref<32x128xf32, #tpu.memory_space<vmem>>[vector<16xi32>, vector<16xi32>], vector<16xf32>,
        %ge3A_710 = arith.cmpf oge, %gather3A_709, %gather3A_63 : vector<16xf32>
        %jit3A_711 = arith.constant 1 : i32
        %jit3A_712 = arith.constant 0 : i32
        %broadcast_in_dim3A_713 = vector.broadcast %jit3A_711 : i32 to vector<16xi32>
        %broadcast_in_dim3A_714 = vector.broadcast %jit3A_712 : i32 to vector<16xi32>
        %select_n3A_715 = arith.select %ge3A_710, %broadcast_in_dim3A_713, %broadcast_in_dim3A_714 : vector<16xi1>, vector<16xi32>
        %broadcast_in_dim3A_716 = arith.constant true
        %broadcast_in_dim3A_717 = vector.broadcast %broadcast_in_dim3A_716 : i1 to vector<16xi1>
        %masked_cumsum3A_718 = tpu.scan <sum>, %select_n3A_715 masked %broadcast_in_dim3A_717 : vector<16xi32>, vector<16xi1> -> vector<16xi32>
        %add3A_719 = arith.addi %add3A_705, %masked_cumsum3A_718 : vector<16xi32>
        %sub3A_720 = arith.constant 1 : i32
        %sub3A_721 = vector.broadcast %sub3A_720 : i32 to vector<16xi32>
        %sub3A_722 = arith.subi %add3A_719, %sub3A_721 : vector<16xi32>
        %lt3A_723 = arith.constant 128 : i32
        %lt3A_724 = vector.broadcast %lt3A_723 : i32 to vector<16xi32>
        %lt3A_725 = arith.cmpi slt, %sub3A_722, %lt3A_724 : vector<16xi32>
        %and3A_726 = arith.andi %ge3A_710, %lt3A_725 : vector<16xi1>
        %mul3A_727 = arith.constant 128 : i32
        %mul3A_728 = vector.broadcast %mul3A_727 : i32 to vector<16xi32>
        %mul3A_729 = arith.muli %broadcast_in_dim3A_618, %mul3A_728 : vector<16xi32>
        %add3A_730 = arith.constant 48 : i32
        %add3A_731 = vector.broadcast %add3A_730 : i32 to vector<16xi32>
        %add3A_732 = arith.addi %iota3A, %add3A_731 : vector<16xi32>
        %add3A_733 = arith.addi %mul3A_729, %add3A_732 : vector<16xi32>
        tpu.vector_store_idx %arg14[%sub3A_722], %gather3A_709 masked %and3A_726 : memref<128xf32, #tpu.memory_space<vmem>>[vector<16xi32>], vector<16xf32>, vector<16xi1>
        tpu.vector_store_idx %arg15[%sub3A_722], %add3A_733 masked %and3A_726 : memref<128xi32, #tpu.memory_space<vmem>>[vector<16xi32>], vector<16xi32>, vector<16xi1>
        %all_reduce_population_count3A_734 = tpu.all_reduce %ge3A_710 {dim = 0 : i64, kind = #tpu.reduction_kind<sum>} : vector<16xi1> -> vector<16xi32>
        %add3A_735 = arith.addi %add3A_705, %all_reduce_population_count3A_734 : vector<16xi32>
        %add3A_736 = arith.constant 64 : i32
        %add3A_737 = vector.broadcast %add3A_736 : i32 to vector<16xi32>
        %add3A_738 = arith.addi %iota3A, %add3A_737 : vector<16xi32>
        %gather3A_739 = tpu.vector_load_idx %arg12[%broadcast_in_dim3A_618, %add3A_738] : memref<32x128xf32, #tpu.memory_space<vmem>>[vector<16xi32>, vector<16xi32>], vector<16xf32>,
        %ge3A_740 = arith.cmpf oge, %gather3A_739, %gather3A_63 : vector<16xf32>
        %jit3A_741 = arith.constant 1 : i32
        %jit3A_742 = arith.constant 0 : i32
        %broadcast_in_dim3A_743 = vector.broadcast %jit3A_741 : i32 to vector<16xi32>
        %broadcast_in_dim3A_744 = vector.broadcast %jit3A_742 : i32 to vector<16xi32>
        %select_n3A_745 = arith.select %ge3A_740, %broadcast_in_dim3A_743, %broadcast_in_dim3A_744 : vector<16xi1>, vector<16xi32>
        %broadcast_in_dim3A_746 = arith.constant true
        %broadcast_in_dim3A_747 = vector.broadcast %broadcast_in_dim3A_746 : i1 to vector<16xi1>
        %masked_cumsum3A_748 = tpu.scan <sum>, %select_n3A_745 masked %broadcast_in_dim3A_747 : vector<16xi32>, vector<16xi1> -> vector<16xi32>
        %add3A_749 = arith.addi %add3A_735, %masked_cumsum3A_748 : vector<16xi32>
        %sub3A_750 = arith.constant 1 : i32
        %sub3A_751 = vector.broadcast %sub3A_750 : i32 to vector<16xi32>
        %sub3A_752 = arith.subi %add3A_749, %sub3A_751 : vector<16xi32>
        %lt3A_753 = arith.constant 128 : i32
        %lt3A_754 = vector.broadcast %lt3A_753 : i32 to vector<16xi32>
        %lt3A_755 = arith.cmpi slt, %sub3A_752, %lt3A_754 : vector<16xi32>
        %and3A_756 = arith.andi %ge3A_740, %lt3A_755 : vector<16xi1>
        %mul3A_757 = arith.constant 128 : i32
        %mul3A_758 = vector.broadcast %mul3A_757 : i32 to vector<16xi32>
        %mul3A_759 = arith.muli %broadcast_in_dim3A_618, %mul3A_758 : vector<16xi32>
        %add3A_760 = arith.constant 64 : i32
        %add3A_761 = vector.broadcast %add3A_760 : i32 to vector<16xi32>
        %add3A_762 = arith.addi %iota3A, %add3A_761 : vector<16xi32>
        %add3A_763 = arith.addi %mul3A_759, %add3A_762 : vector<16xi32>
        tpu.vector_store_idx %arg14[%sub3A_752], %gather3A_739 masked %and3A_756 : memref<128xf32, #tpu.memory_space<vmem>>[vector<16xi32>], vector<16xf32>, vector<16xi1>
        tpu.vector_store_idx %arg15[%sub3A_752], %add3A_763 masked %and3A_756 : memref<128xi32, #tpu.memory_space<vmem>>[vector<16xi32>], vector<16xi32>, vector<16xi1>
        %all_reduce_population_count3A_764 = tpu.all_reduce %ge3A_740 {dim = 0 : i64, kind = #tpu.reduction_kind<sum>} : vector<16xi1> -> vector<16xi32>
        %add3A_765 = arith.addi %add3A_735, %all_reduce_population_count3A_764 : vector<16xi32>
        %add3A_766 = arith.constant 80 : i32
        %add3A_767 = vector.broadcast %add3A_766 : i32 to vector<16xi32>
        %add3A_768 = arith.addi %iota3A, %add3A_767 : vector<16xi32>
        %gather3A_769 = tpu.vector_load_idx %arg12[%broadcast_in_dim3A_618, %add3A_768] : memref<32x128xf32, #tpu.memory_space<vmem>>[vector<16xi32>, vector<16xi32>], vector<16xf32>,
        %ge3A_770 = arith.cmpf oge, %gather3A_769, %gather3A_63 : vector<16xf32>
        %jit3A_771 = arith.constant 1 : i32
        %jit3A_772 = arith.constant 0 : i32
        %broadcast_in_dim3A_773 = vector.broadcast %jit3A_771 : i32 to vector<16xi32>
        %broadcast_in_dim3A_774 = vector.broadcast %jit3A_772 : i32 to vector<16xi32>
        %select_n3A_775 = arith.select %ge3A_770, %broadcast_in_dim3A_773, %broadcast_in_dim3A_774 : vector<16xi1>, vector<16xi32>
        %broadcast_in_dim3A_776 = arith.constant true
        %broadcast_in_dim3A_777 = vector.broadcast %broadcast_in_dim3A_776 : i1 to vector<16xi1>
        %masked_cumsum3A_778 = tpu.scan <sum>, %select_n3A_775 masked %broadcast_in_dim3A_777 : vector<16xi32>, vector<16xi1> -> vector<16xi32>
        %add3A_779 = arith.addi %add3A_765, %masked_cumsum3A_778 : vector<16xi32>
        %sub3A_780 = arith.constant 1 : i32
        %sub3A_781 = vector.broadcast %sub3A_780 : i32 to vector<16xi32>
        %sub3A_782 = arith.subi %add3A_779, %sub3A_781 : vector<16xi32>
        %lt3A_783 = arith.constant 128 : i32
        %lt3A_784 = vector.broadcast %lt3A_783 : i32 to vector<16xi32>
        %lt3A_785 = arith.cmpi slt, %sub3A_782, %lt3A_784 : vector<16xi32>
        %and3A_786 = arith.andi %ge3A_770, %lt3A_785 : vector<16xi1>
        %mul3A_787 = arith.constant 128 : i32
        %mul3A_788 = vector.broadcast %mul3A_787 : i32 to vector<16xi32>
        %mul3A_789 = arith.muli %broadcast_in_dim3A_618, %mul3A_788 : vector<16xi32>
        %add3A_790 = arith.constant 80 : i32
        %add3A_791 = vector.broadcast %add3A_790 : i32 to vector<16xi32>
        %add3A_792 = arith.addi %iota3A, %add3A_791 : vector<16xi32>
        %add3A_793 = arith.addi %mul3A_789, %add3A_792 : vector<16xi32>
        tpu.vector_store_idx %arg14[%sub3A_782], %gather3A_769 masked %and3A_786 : memref<128xf32, #tpu.memory_space<vmem>>[vector<16xi32>], vector<16xf32>, vector<16xi1>
        tpu.vector_store_idx %arg15[%sub3A_782], %add3A_793 masked %and3A_786 : memref<128xi32, #tpu.memory_space<vmem>>[vector<16xi32>], vector<16xi32>, vector<16xi1>
        %all_reduce_population_count3A_794 = tpu.all_reduce %ge3A_770 {dim = 0 : i64, kind = #tpu.reduction_kind<sum>} : vector<16xi1> -> vector<16xi32>
        %add3A_795 = arith.addi %add3A_765, %all_reduce_population_count3A_794 : vector<16xi32>
        %add3A_796 = arith.constant 96 : i32
        %add3A_797 = vector.broadcast %add3A_796 : i32 to vector<16xi32>
        %add3A_798 = arith.addi %iota3A, %add3A_797 : vector<16xi32>
        %gather3A_799 = tpu.vector_load_idx %arg12[%broadcast_in_dim3A_618, %add3A_798] : memref<32x128xf32, #tpu.memory_space<vmem>>[vector<16xi32>, vector<16xi32>], vector<16xf32>,
        %ge3A_800 = arith.cmpf oge, %gather3A_799, %gather3A_63 : vector<16xf32>
        %jit3A_801 = arith.constant 1 : i32
        %jit3A_802 = arith.constant 0 : i32
        %broadcast_in_dim3A_803 = vector.broadcast %jit3A_801 : i32 to vector<16xi32>
        %broadcast_in_dim3A_804 = vector.broadcast %jit3A_802 : i32 to vector<16xi32>
        %select_n3A_805 = arith.select %ge3A_800, %broadcast_in_dim3A_803, %broadcast_in_dim3A_804 : vector<16xi1>, vector<16xi32>
        %broadcast_in_dim3A_806 = arith.constant true
        %broadcast_in_dim3A_807 = vector.broadcast %broadcast_in_dim3A_806 : i1 to vector<16xi1>
        %masked_cumsum3A_808 = tpu.scan <sum>, %select_n3A_805 masked %broadcast_in_dim3A_807 : vector<16xi32>, vector<16xi1> -> vector<16xi32>
        %add3A_809 = arith.addi %add3A_795, %masked_cumsum3A_808 : vector<16xi32>
        %sub3A_810 = arith.constant 1 : i32
        %sub3A_811 = vector.broadcast %sub3A_810 : i32 to vector<16xi32>
        %sub3A_812 = arith.subi %add3A_809, %sub3A_811 : vector<16xi32>
        %lt3A_813 = arith.constant 128 : i32
        %lt3A_814 = vector.broadcast %lt3A_813 : i32 to vector<16xi32>
        %lt3A_815 = arith.cmpi slt, %sub3A_812, %lt3A_814 : vector<16xi32>
        %and3A_816 = arith.andi %ge3A_800, %lt3A_815 : vector<16xi1>
        %mul3A_817 = arith.constant 128 : i32
        %mul3A_818 = vector.broadcast %mul3A_817 : i32 to vector<16xi32>
        %mul3A_819 = arith.muli %broadcast_in_dim3A_618, %mul3A_818 : vector<16xi32>
        %add3A_820 = arith.constant 96 : i32
        %add3A_821 = vector.broadcast %add3A_820 : i32 to vector<16xi32>
        %add3A_822 = arith.addi %iota3A, %add3A_821 : vector<16xi32>
        %add3A_823 = arith.addi %mul3A_819, %add3A_822 : vector<16xi32>
        tpu.vector_store_idx %arg14[%sub3A_812], %gather3A_799 masked %and3A_816 : memref<128xf32, #tpu.memory_space<vmem>>[vector<16xi32>], vector<16xf32>, vector<16xi1>
        tpu.vector_store_idx %arg15[%sub3A_812], %add3A_823 masked %and3A_816 : memref<128xi32, #tpu.memory_space<vmem>>[vector<16xi32>], vector<16xi32>, vector<16xi1>
        %all_reduce_population_count3A_824 = tpu.all_reduce %ge3A_800 {dim = 0 : i64, kind = #tpu.reduction_kind<sum>} : vector<16xi1> -> vector<16xi32>
        %add3A_825 = arith.addi %add3A_795, %all_reduce_population_count3A_824 : vector<16xi32>
        %add3A_826 = arith.constant 112 : i32
        %add3A_827 = vector.broadcast %add3A_826 : i32 to vector<16xi32>
        %add3A_828 = arith.addi %iota3A, %add3A_827 : vector<16xi32>
        %gather3A_829 = tpu.vector_load_idx %arg12[%broadcast_in_dim3A_618, %add3A_828] : memref<32x128xf32, #tpu.memory_space<vmem>>[vector<16xi32>, vector<16xi32>], vector<16xf32>,
        %ge3A_830 = arith.cmpf oge, %gather3A_829, %gather3A_63 : vector<16xf32>
        %jit3A_831 = arith.constant 1 : i32
        %jit3A_832 = arith.constant 0 : i32
        %broadcast_in_dim3A_833 = vector.broadcast %jit3A_831 : i32 to vector<16xi32>
        %broadcast_in_dim3A_834 = vector.broadcast %jit3A_832 : i32 to vector<16xi32>
        %select_n3A_835 = arith.select %ge3A_830, %broadcast_in_dim3A_833, %broadcast_in_dim3A_834 : vector<16xi1>, vector<16xi32>
        %broadcast_in_dim3A_836 = arith.constant true
        %broadcast_in_dim3A_837 = vector.broadcast %broadcast_in_dim3A_836 : i1 to vector<16xi1>
        %masked_cumsum3A_838 = tpu.scan <sum>, %select_n3A_835 masked %broadcast_in_dim3A_837 : vector<16xi32>, vector<16xi1> -> vector<16xi32>
        %add3A_839 = arith.addi %add3A_825, %masked_cumsum3A_838 : vector<16xi32>
        %sub3A_840 = arith.constant 1 : i32
        %sub3A_841 = vector.broadcast %sub3A_840 : i32 to vector<16xi32>
        %sub3A_842 = arith.subi %add3A_839, %sub3A_841 : vector<16xi32>
        %lt3A_843 = arith.constant 128 : i32
        %lt3A_844 = vector.broadcast %lt3A_843 : i32 to vector<16xi32>
        %lt3A_845 = arith.cmpi slt, %sub3A_842, %lt3A_844 : vector<16xi32>
        %and3A_846 = arith.andi %ge3A_830, %lt3A_845 : vector<16xi1>
        %mul3A_847 = arith.constant 128 : i32
        %mul3A_848 = vector.broadcast %mul3A_847 : i32 to vector<16xi32>
        %mul3A_849 = arith.muli %broadcast_in_dim3A_618, %mul3A_848 : vector<16xi32>
        %add3A_850 = arith.constant 112 : i32
        %add3A_851 = vector.broadcast %add3A_850 : i32 to vector<16xi32>
        %add3A_852 = arith.addi %iota3A, %add3A_851 : vector<16xi32>
        %add3A_853 = arith.addi %mul3A_849, %add3A_852 : vector<16xi32>
        tpu.vector_store_idx %arg14[%sub3A_842], %gather3A_829 masked %and3A_846 : memref<128xf32, #tpu.memory_space<vmem>>[vector<16xi32>], vector<16xf32>, vector<16xi1>
        tpu.vector_store_idx %arg15[%sub3A_842], %add3A_853 masked %and3A_846 : memref<128xi32, #tpu.memory_space<vmem>>[vector<16xi32>], vector<16xi32>, vector<16xi1>
        %all_reduce_population_count3A_854 = tpu.all_reduce %ge3A_830 {dim = 0 : i64, kind = #tpu.reduction_kind<sum>} : vector<16xi1> -> vector<16xi32>
        %add3A_855 = arith.addi %add3A_825, %all_reduce_population_count3A_854 : vector<16xi32>
        scf.yield %add3A_855 : vector<16xi32>
      }
      %scan3A_106 = arith.constant 32 : i32
      %reduce_max3A = arith.constant true
      %reduce_max3A_107 = vector.broadcast %reduce_max3A : i1 to vector<16xi1>
      %reduce_max3A_108 = arith.constant -2147483648 : i32
      %reduce_max3A_109 = vector.broadcast %reduce_max3A_108 : i32 to vector<16xi32>
      %reduce_max3A_110 = arith.xori %scan3A_105, %reduce_max3A_109 : vector<16xi32>
      %reduce_max3A_111 = tpu.scan <max>, %reduce_max3A_110 masked %reduce_max3A_107 : vector<16xi32>, vector<16xi1> -> vector<16xi32>
      %reduce_max3A_112 = arith.xori %reduce_max3A_111, %reduce_max3A_109 : vector<16xi32>
      %reduce_max3A_113 = vector.extract %reduce_max3A_112[15] : i32 from vector<16xi32>
      %min3A_114 = arith.constant 128 : i32
      %min3A_115 = arith.minsi %reduce_max3A_113, %min3A_114 : i32
      %add3A_116 = arith.constant 15 : i32
      %add3A_117 = arith.addi %min3A_115, %add3A_116 : i32
      %jit3A = arith.constant 16 : i32
      %div3A = arith.divsi %add3A_117, %jit3A : i32
      %sign3A = arith.constant 0 : i32
      %sign3A_118 = arith.cmpi sgt, %add3A_117, %sign3A : i32
      %sign3A_119 = arith.extui %sign3A_118 : i1 to i32
      %sign3A_120 = arith.constant 0 : i32
      %sign3A_121 = arith.cmpi slt, %add3A_117, %sign3A_120 : i32
      %sign3A_122 = arith.extui %sign3A_121 : i1 to i32
      %sign3A_123 = arith.subi %sign3A_119, %sign3A_122 : i32
      %sign3A_124 = arith.constant 0 : i32
      %sign3A_125 = arith.cmpi sgt, %jit3A, %sign3A_124 : i32
      %sign3A_126 = arith.extui %sign3A_125 : i1 to i32
      %sign3A_127 = arith.constant 0 : i32
      %sign3A_128 = arith.cmpi slt, %jit3A, %sign3A_127 : i32
      %sign3A_129 = arith.extui %sign3A_128 : i1 to i32
      %sign3A_130 = arith.subi %sign3A_126, %sign3A_129 : i32
      %ne3A = arith.cmpi ne, %sign3A_123, %sign3A_130 : i32
      %rem3A = arith.remsi %add3A_117, %jit3A : i32
      %ne3A_131 = arith.constant 0 : i32
      %ne3A_132 = arith.cmpi ne, %rem3A, %ne3A_131 : i32
      %and3A = arith.andi %ne3A, %ne3A_132 : i1
      %sub3A = arith.constant 1 : i32
      %sub3A_133 = arith.subi %div3A, %sub3A : i32
      %select_n3A = arith.select %and3A, %sub3A_133, %div3A : i32
      %scan3A_134 = arith.constant 0 : i32
      %scan3A_135 = arith.constant 0 : i32
      %scan3A_136 = arith.constant 32 : i32
      %scan3A_137 = arith.addi %scan3A_135, %scan3A_136 : i32
      %scan3A_138 = arith.constant 1 : i32
      %scan3A_139 = scf.for %scan3A_616 = %scan3A_135 to %scan3A_137 step %scan3A_138 iter_args(%scan3A_617 = %scan3A_134) -> (i32)  : i32 {
        %broadcast_in_dim3A_618 = arith.constant -3.000000e+38 : f32
        %broadcast_in_dim3A_619 = vector.broadcast %broadcast_in_dim3A_618 : f32 to vector<16xf32>
        %broadcast_in_dim3A_620 = arith.constant 0 : i32
        %broadcast_in_dim3A_621 = vector.broadcast %broadcast_in_dim3A_620 : i32 to vector<16xi32>
        %while3A = arith.constant 0 : i32
        %while3A_622 = arith.subi %select_n3A, %while3A : i32
        %while3A_623 = arith.addi %while3A, %while3A_622 : i32
        %while3A_624 = arith.constant 1 : i32
        %while3A_625 = arith.divsi %while3A_622, %while3A_624 : i32
        %while3A_626 = arith.muli %while3A_625, %while3A_624 : i32
        %while3A_627 = arith.addi %while3A, %while3A_626 : i32
        %while3A_628 = arith.constant 1 : i32
        %while3A_629:2 = scf.for %while3A_655 = %while3A to %while3A_627 step %while3A_628 iter_args(%while3A_656 = %broadcast_in_dim3A_619, %while3A_657 = %broadcast_in_dim3A_621) -> (vector<16xf32>, vector<16xi32>)  : i32 {
          %mul3A_658 = arith.constant 16 : i32
          %mul3A_659 = arith.muli %while3A_655, %mul3A_658 : i32
          %add3A_660 = vector.broadcast %mul3A_659 : i32 to vector<16xi32>
          %add3A_661 = arith.addi %add3A_660, %iota3A : vector<16xi32>
          %gather3A_662 = tpu.vector_load_idx %arg14[%add3A_661] : memref<128xf32, #tpu.memory_space<vmem>>[vector<16xi32>], vector<16xf32>,
          %gather3A_663 = tpu.vector_load_idx %arg15[%add3A_661] : memref<128xi32, #tpu.memory_space<vmem>>[vector<16xi32>], vector<16xi32>,
          %gt3A = arith.cmpf ogt, %gather3A_662, %while3A_656 : vector<16xf32>
          %select_n3A_664 = arith.select %gt3A, %gather3A_662, %while3A_656 : vector<16xi1>, vector<16xf32>
          %mul3A_665 = arith.constant 4096 : i32
          %mul3A_666 = vector.broadcast %mul3A_665 : i32 to vector<16xi32>
          %mul3A_667 = arith.muli %add3A_661, %mul3A_666 : vector<16xi32>
          %add3A_668 = arith.addi %mul3A_667, %gather3A_663 : vector<16xi32>
          %select_n3A_669 = arith.select %gt3A, %add3A_668, %while3A_657 : vector<16xi1>, vector<16xi32>
          scf.yield %select_n3A_664, %select_n3A_669 : vector<16xf32>, vector<16xi32>
        }
        %while3A_630 = arith.constant 1 : i32
        %while3A_631:2 = scf.for %while3A_655 = %while3A_627 to %while3A_623 step %while3A_630 iter_args(%while3A_656 = %while3A_629#0, %while3A_657 = %while3A_629#1) -> (vector<16xf32>, vector<16xi32>)  : i32 {
          %mul3A_658 = arith.constant 16 : i32
          %mul3A_659 = arith.muli %while3A_655, %mul3A_658 : i32
          %add3A_660 = vector.broadcast %mul3A_659 : i32 to vector<16xi32>
          %add3A_661 = arith.addi %add3A_660, %iota3A : vector<16xi32>
          %gather3A_662 = tpu.vector_load_idx %arg14[%add3A_661] : memref<128xf32, #tpu.memory_space<vmem>>[vector<16xi32>], vector<16xf32>,
          %gather3A_663 = tpu.vector_load_idx %arg15[%add3A_661] : memref<128xi32, #tpu.memory_space<vmem>>[vector<16xi32>], vector<16xi32>,
          %gt3A = arith.cmpf ogt, %gather3A_662, %while3A_656 : vector<16xf32>
          %select_n3A_664 = arith.select %gt3A, %gather3A_662, %while3A_656 : vector<16xi1>, vector<16xf32>
          %mul3A_665 = arith.constant 4096 : i32
          %mul3A_666 = vector.broadcast %mul3A_665 : i32 to vector<16xi32>
          %mul3A_667 = arith.muli %add3A_661, %mul3A_666 : vector<16xi32>
          %add3A_668 = arith.addi %mul3A_667, %gather3A_663 : vector<16xi32>
          %select_n3A_669 = arith.select %gt3A, %add3A_668, %while3A_657 : vector<16xi1>, vector<16xi32>
          scf.yield %select_n3A_664, %select_n3A_669 : vector<16xf32>, vector<16xi32>
        }
        %masked_sort3A = arith.constant dense<true> : vector<16xi1>
        %masked_sort3A_632, %masked_sort3A_633, %masked_sort3A_634 = tpu.sort %while3A_631#0, %while3A_631#1 masked %masked_sort3A {descending = true} : (vector<16xf32>, vector<16xi32>, vector<16xi1>) -> (vector<16xi1>, vector<16xf32>, vector<16xi32>)
        %swap3A_635 = arith.constant 0 : index
        %swap3A_636 = tpu.vector_load %arg16[%swap3A_635] {strides = array<i32>} : memref<16xf32, #tpu.memory_space<vmem>>, vector<16xf32>,
        tpu.vector_store %arg16[%swap3A_635], %masked_sort3A_633 {strides = array<i32>} : memref<16xf32, #tpu.memory_space<vmem>>, vector<16xf32>,
        %swap3A_637 = arith.constant 0 : index
        %swap3A_638 = tpu.vector_load %arg17[%swap3A_637] {strides = array<i32>} : memref<16xi32, #tpu.memory_space<vmem>>, vector<16xi32>,
        tpu.vector_store %arg17[%swap3A_637], %masked_sort3A_634 {strides = array<i32>} : memref<16xi32, #tpu.memory_space<vmem>>, vector<16xi32>,
        %broadcast_in_dim3A_639 = arith.constant 0 : i32
        %broadcast_in_dim3A_640 = vector.broadcast %broadcast_in_dim3A_639 : i32 to vector<16xi32>
        %gather3A_641 = tpu.vector_load_idx %arg16[%broadcast_in_dim3A_640] : memref<16xf32, #tpu.memory_space<vmem>>[vector<16xi32>], vector<16xf32>,
        %broadcast_in_dim3A_642 = arith.constant 0 : i32
        %broadcast_in_dim3A_643 = vector.broadcast %broadcast_in_dim3A_642 : i32 to vector<16xi32>
        %gather3A_644 = tpu.vector_load_idx %arg17[%broadcast_in_dim3A_643] : memref<16xi32, #tpu.memory_space<vmem>>[vector<16xi32>], vector<16xi32>,
        %shift_right_logical3A_645 = arith.constant 12 : i32
        %shift_right_logical3A_646 = vector.broadcast %shift_right_logical3A_645 : i32 to vector<16xi32>
        %shift_right_logical3A_647 = arith.shrui %gather3A_644, %shift_right_logical3A_646 : vector<16xi32>
        %and3A_648 = arith.constant 4095 : i32
        %and3A_649 = vector.broadcast %and3A_648 : i32 to vector<16xi32>
        %and3A_650 = arith.andi %gather3A_644, %and3A_649 : vector<16xi32>
        %broadcast_in_dim3A_651 = vector.broadcast %scan3A_616 : i32 to vector<16xi32>
        tpu.vector_store_idx %arg18[%broadcast_in_dim3A_651], %gather3A_641 masked %eq3A_4 : memref<32xf32, #tpu.memory_space<vmem>>[vector<16xi32>], vector<16xf32>, vector<16xi1>
        tpu.vector_store_idx %arg19[%broadcast_in_dim3A_651], %and3A_650 masked %eq3A_4 : memref<32xi32, #tpu.memory_space<vmem>>[vector<16xi32>], vector<16xi32>, vector<16xi1>
        %broadcast_in_dim3A_652 = arith.constant -3.000000e+38 : f32
        %broadcast_in_dim3A_653 = vector.broadcast %broadcast_in_dim3A_652 : f32 to vector<16xf32>
        tpu.vector_store_idx %arg14[%shift_right_logical3A_647], %broadcast_in_dim3A_653 masked %eq3A_4 : memref<128xf32, #tpu.memory_space<vmem>>[vector<16xi32>], vector<16xf32>, vector<16xi1>
        %scan3A_654 = arith.constant 0 : i32
        scf.yield %scan3A_654 : i32
      }
      %scan3A_140 = arith.constant 32 : i32
      %get3A = arith.constant 0 : index
      %get3A_141 = tpu.vector_load %arg18[%get3A] {strides = array<i32>} : memref<32xf32, #tpu.memory_space<vmem>>, vector<16xf32>,
      %sub3A_142 = arith.subf %get3A_141, %gather3A_66 : vector<16xf32>
      %exp3A = math.exp %sub3A_142 : vector<16xf32>
      %get3A_143 = arith.constant 16 : index
      %get3A_144 = tpu.vector_load %arg18[%get3A_143] {strides = array<i32>} : memref<32xf32, #tpu.memory_space<vmem>>, vector<16xf32>,
      %sub3A_145 = arith.subf %get3A_144, %gather3A_66 : vector<16xf32>
      %exp3A_146 = math.exp %sub3A_145 : vector<16xf32>
      %add3A_147 = arith.addf %exp3A, %exp3A_146 : vector<16xf32>
      %broadcast_in_dim3A_148 = arith.constant true
      %broadcast_in_dim3A_149 = vector.broadcast %broadcast_in_dim3A_148 : i1 to vector<16xi1>
      %masked_cumsum3A = tpu.scan <sum>, %add3A_147 masked %broadcast_in_dim3A_149 : vector<16xf32>, vector<16xi1> -> vector<16xf32>
      %swap3A_150 = arith.constant 0 : index
      %swap3A_151 = tpu.vector_load %arg16[%swap3A_150] {strides = array<i32>} : memref<16xf32, #tpu.memory_space<vmem>>, vector<16xf32>,
      tpu.vector_store %arg16[%swap3A_150], %masked_cumsum3A {strides = array<i32>} : memref<16xf32, #tpu.memory_space<vmem>>, vector<16xf32>,
      %broadcast_in_dim3A_152 = arith.constant 15 : i32
      %broadcast_in_dim3A_153 = vector.broadcast %broadcast_in_dim3A_152 : i32 to vector<16xi32>
      %gather3A_154 = tpu.vector_load_idx %arg16[%broadcast_in_dim3A_153] : memref<16xf32, #tpu.memory_space<vmem>>[vector<16xi32>], vector<16xf32>,
      %broadcast_in_dim3A_155 = arith.constant 5.000000e-01 : f32
      %broadcast_in_dim3A_156 = vector.broadcast %broadcast_in_dim3A_155 : f32 to vector<16xf32>
      %div3A_157 = arith.divf %broadcast_in_dim3A_156, %gather3A_154 : vector<16xf32>
      %mul3A_158 = arith.mulf %exp3A, %div3A_157 : vector<16xf32>
      %swap3A_159 = arith.constant 0 : index
      %swap3A_160 = tpu.vector_load %arg20[%swap3A_159] {strides = array<i32>} : memref<32xf32, #tpu.memory_space<vmem>>, vector<16xf32>,
      tpu.vector_store %arg20[%swap3A_159], %mul3A_158 {strides = array<i32>} : memref<32xf32, #tpu.memory_space<vmem>>, vector<16xf32>,
      %mul3A_161 = arith.mulf %exp3A_146, %div3A_157 : vector<16xf32>
      %swap3A_162 = arith.constant 16 : index
      %swap3A_163 = tpu.vector_load %arg20[%swap3A_162] {strides = array<i32>} : memref<32xf32, #tpu.memory_space<vmem>>, vector<16xf32>,
      tpu.vector_store %arg20[%swap3A_162], %mul3A_161 {strides = array<i32>} : memref<32xf32, #tpu.memory_space<vmem>>, vector<16xf32>,
      %get3A_164 = arith.constant 0 : index
      %get3A_165 = tpu.vector_load %arg19[%get3A_164] {strides = array<i32>} : memref<32xi32, #tpu.memory_space<vmem>>, vector<16xi32>,
      %shift_right_logical3A = arith.constant 7 : i32
      %shift_right_logical3A_166 = vector.broadcast %shift_right_logical3A : i32 to vector<16xi32>
      %shift_right_logical3A_167 = arith.shrui %get3A_165, %shift_right_logical3A_166 : vector<16xi32>
      %gather3A_168 = tpu.vector_load_idx %arg8[%broadcast_in_dim3A_60, %shift_right_logical3A_167] : memref<16x32xi32, #tpu.memory_space<vmem>>[vector<16xi32>, vector<16xi32>], vector<16xi32>,
      %mul3A_169 = arith.constant 128 : i32
      %mul3A_170 = vector.broadcast %mul3A_169 : i32 to vector<16xi32>
      %mul3A_171 = arith.muli %gather3A_168, %mul3A_170 : vector<16xi32>
      %and3A_172 = arith.constant 127 : i32
      %and3A_173 = vector.broadcast %and3A_172 : i32 to vector<16xi32>
      %and3A_174 = arith.andi %get3A_165, %and3A_173 : vector<16xi32>
      %add3A_175 = arith.addi %mul3A_171, %and3A_174 : vector<16xi32>
      %swap3A_176 = arith.constant 0 : index
      %swap3A_177 = tpu.vector_load %arg21[%swap3A_176] {strides = array<i32>} : memref<32xi32, #tpu.memory_space<vmem>>, vector<16xi32>,
      tpu.vector_store %arg21[%swap3A_176], %add3A_175 {strides = array<i32>} : memref<32xi32, #tpu.memory_space<vmem>>, vector<16xi32>,
      %get3A_178 = arith.constant 16 : index
      %get3A_179 = tpu.vector_load %arg19[%get3A_178] {strides = array<i32>} : memref<32xi32, #tpu.memory_space<vmem>>, vector<16xi32>,
      %shift_right_logical3A_180 = arith.constant 7 : i32
      %shift_right_logical3A_181 = vector.broadcast %shift_right_logical3A_180 : i32 to vector<16xi32>
      %shift_right_logical3A_182 = arith.shrui %get3A_179, %shift_right_logical3A_181 : vector<16xi32>
      %gather3A_183 = tpu.vector_load_idx %arg8[%broadcast_in_dim3A_60, %shift_right_logical3A_182] : memref<16x32xi32, #tpu.memory_space<vmem>>[vector<16xi32>, vector<16xi32>], vector<16xi32>,
      %mul3A_184 = arith.constant 128 : i32
      %mul3A_185 = vector.broadcast %mul3A_184 : i32 to vector<16xi32>
      %mul3A_186 = arith.muli %gather3A_183, %mul3A_185 : vector<16xi32>
      %and3A_187 = arith.constant 127 : i32
      %and3A_188 = vector.broadcast %and3A_187 : i32 to vector<16xi32>
      %and3A_189 = arith.andi %get3A_179, %and3A_188 : vector<16xi32>
      %add3A_190 = arith.addi %mul3A_186, %and3A_189 : vector<16xi32>
      %swap3A_191 = arith.constant 16 : index
      %swap3A_192 = tpu.vector_load %arg21[%swap3A_191] {strides = array<i32>} : memref<32xi32, #tpu.memory_space<vmem>>, vector<16xi32>,
      tpu.vector_store %arg21[%swap3A_191], %add3A_190 {strides = array<i32>} : memref<32xi32, #tpu.memory_space<vmem>>, vector<16xi32>,
      %dma_start3A_193 = arith.constant 0 : i32
      %dma_start3A_194 = arith.constant 0 : i32
      %dma_start3A_195 = tpu.memref_slice %arg5[%dma_start3A_193, %dma_start3A_194] : memref<65536x256xf32, #tpu.memory_space<hbm>> -> memref<65536x256xf32, #tpu.memory_space<hbm>>
      tpu.enqueue_indirect_dma source(%dma_start3A_195 : memref<65536x256xf32, #tpu.memory_space<hbm>>) target(%arg22 : memref<32x256xf32, #tpu.memory_space<vmem>>) offsets(%arg21 : memref<32xi32, #tpu.memory_space<vmem>>) semaphore(%arg27 : memref<!tpu.dma_semaphore, #tpu.memory_space<semaphore_mem>>)
      %dma_wait3A_196 = arith.constant 0 : i32
      %dma_wait3A_197 = arith.constant 0 : i32
      %dma_wait3A_198 = tpu.memref_slice %arg5[%dma_wait3A_196, %dma_wait3A_197] : memref<65536x256xf32, #tpu.memory_space<hbm>> -> memref<65536x256xf32, #tpu.memory_space<hbm>>
      tpu.wait_indirect_dma semaphore(%arg27 : memref<!tpu.dma_semaphore, #tpu.memory_space<semaphore_mem>>) src(%dma_wait3A_198 : memref<65536x256xf32, #tpu.memory_space<hbm>>) dst(%arg22 : memref<32x256xf32, #tpu.memory_space<vmem>>)
      %add3A_199 = arith.constant 0 : i32
      %add3A_200 = vector.broadcast %add3A_199 : i32 to vector<16xi32>
      %add3A_201 = arith.addi %iota3A, %add3A_200 : vector<16xi32>
      %gather3A_202 = tpu.vector_load_idx %arg23[%broadcast_in_dim3A_60, %add3A_201] : memref<16x256xf32, #tpu.memory_space<vmem>>[vector<16xi32>, vector<16xi32>], vector<16xf32>,
      %add3A_203 = arith.constant 16 : i32
      %add3A_204 = vector.broadcast %add3A_203 : i32 to vector<16xi32>
      %add3A_205 = arith.addi %iota3A, %add3A_204 : vector<16xi32>
      %gather3A_206 = tpu.vector_load_idx %arg23[%broadcast_in_dim3A_60, %add3A_205] : memref<16x256xf32, #tpu.memory_space<vmem>>[vector<16xi32>, vector<16xi32>], vector<16xf32>,
      %add3A_207 = arith.constant 32 : i32
      %add3A_208 = vector.broadcast %add3A_207 : i32 to vector<16xi32>
      %add3A_209 = arith.addi %iota3A, %add3A_208 : vector<16xi32>
      %gather3A_210 = tpu.vector_load_idx %arg23[%broadcast_in_dim3A_60, %add3A_209] : memref<16x256xf32, #tpu.memory_space<vmem>>[vector<16xi32>, vector<16xi32>], vector<16xf32>,
      %add3A_211 = arith.constant 48 : i32
      %add3A_212 = vector.broadcast %add3A_211 : i32 to vector<16xi32>
      %add3A_213 = arith.addi %iota3A, %add3A_212 : vector<16xi32>
      %gather3A_214 = tpu.vector_load_idx %arg23[%broadcast_in_dim3A_60, %add3A_213] : memref<16x256xf32, #tpu.memory_space<vmem>>[vector<16xi32>, vector<16xi32>], vector<16xf32>,
      %add3A_215 = arith.constant 64 : i32
      %add3A_216 = vector.broadcast %add3A_215 : i32 to vector<16xi32>
      %add3A_217 = arith.addi %iota3A, %add3A_216 : vector<16xi32>
      %gather3A_218 = tpu.vector_load_idx %arg23[%broadcast_in_dim3A_60, %add3A_217] : memref<16x256xf32, #tpu.memory_space<vmem>>[vector<16xi32>, vector<16xi32>], vector<16xf32>,
      %add3A_219 = arith.constant 80 : i32
      %add3A_220 = vector.broadcast %add3A_219 : i32 to vector<16xi32>
      %add3A_221 = arith.addi %iota3A, %add3A_220 : vector<16xi32>
      %gather3A_222 = tpu.vector_load_idx %arg23[%broadcast_in_dim3A_60, %add3A_221] : memref<16x256xf32, #tpu.memory_space<vmem>>[vector<16xi32>, vector<16xi32>], vector<16xf32>,
      %add3A_223 = arith.constant 96 : i32
      %add3A_224 = vector.broadcast %add3A_223 : i32 to vector<16xi32>
      %add3A_225 = arith.addi %iota3A, %add3A_224 : vector<16xi32>
      %gather3A_226 = tpu.vector_load_idx %arg23[%broadcast_in_dim3A_60, %add3A_225] : memref<16x256xf32, #tpu.memory_space<vmem>>[vector<16xi32>, vector<16xi32>], vector<16xf32>,
      %add3A_227 = arith.constant 112 : i32
      %add3A_228 = vector.broadcast %add3A_227 : i32 to vector<16xi32>
      %add3A_229 = arith.addi %iota3A, %add3A_228 : vector<16xi32>
      %gather3A_230 = tpu.vector_load_idx %arg23[%broadcast_in_dim3A_60, %add3A_229] : memref<16x256xf32, #tpu.memory_space<vmem>>[vector<16xi32>, vector<16xi32>], vector<16xf32>,
      %add3A_231 = arith.constant 128 : i32
      %add3A_232 = vector.broadcast %add3A_231 : i32 to vector<16xi32>
      %add3A_233 = arith.addi %iota3A, %add3A_232 : vector<16xi32>
      %gather3A_234 = tpu.vector_load_idx %arg23[%broadcast_in_dim3A_60, %add3A_233] : memref<16x256xf32, #tpu.memory_space<vmem>>[vector<16xi32>, vector<16xi32>], vector<16xf32>,
      %add3A_235 = arith.constant 144 : i32
      %add3A_236 = vector.broadcast %add3A_235 : i32 to vector<16xi32>
      %add3A_237 = arith.addi %iota3A, %add3A_236 : vector<16xi32>
      %gather3A_238 = tpu.vector_load_idx %arg23[%broadcast_in_dim3A_60, %add3A_237] : memref<16x256xf32, #tpu.memory_space<vmem>>[vector<16xi32>, vector<16xi32>], vector<16xf32>,
      %add3A_239 = arith.constant 160 : i32
      %add3A_240 = vector.broadcast %add3A_239 : i32 to vector<16xi32>
      %add3A_241 = arith.addi %iota3A, %add3A_240 : vector<16xi32>
      %gather3A_242 = tpu.vector_load_idx %arg23[%broadcast_in_dim3A_60, %add3A_241] : memref<16x256xf32, #tpu.memory_space<vmem>>[vector<16xi32>, vector<16xi32>], vector<16xf32>,
      %add3A_243 = arith.constant 176 : i32
      %add3A_244 = vector.broadcast %add3A_243 : i32 to vector<16xi32>
      %add3A_245 = arith.addi %iota3A, %add3A_244 : vector<16xi32>
      %gather3A_246 = tpu.vector_load_idx %arg23[%broadcast_in_dim3A_60, %add3A_245] : memref<16x256xf32, #tpu.memory_space<vmem>>[vector<16xi32>, vector<16xi32>], vector<16xf32>,
      %add3A_247 = arith.constant 192 : i32
      %add3A_248 = vector.broadcast %add3A_247 : i32 to vector<16xi32>
      %add3A_249 = arith.addi %iota3A, %add3A_248 : vector<16xi32>
      %gather3A_250 = tpu.vector_load_idx %arg23[%broadcast_in_dim3A_60, %add3A_249] : memref<16x256xf32, #tpu.memory_space<vmem>>[vector<16xi32>, vector<16xi32>], vector<16xf32>,
      %add3A_251 = arith.constant 208 : i32
      %add3A_252 = vector.broadcast %add3A_251 : i32 to vector<16xi32>
      %add3A_253 = arith.addi %iota3A, %add3A_252 : vector<16xi32>
      %gather3A_254 = tpu.vector_load_idx %arg23[%broadcast_in_dim3A_60, %add3A_253] : memref<16x256xf32, #tpu.memory_space<vmem>>[vector<16xi32>, vector<16xi32>], vector<16xf32>,
      %add3A_255 = arith.constant 224 : i32
      %add3A_256 = vector.broadcast %add3A_255 : i32 to vector<16xi32>
      %add3A_257 = arith.addi %iota3A, %add3A_256 : vector<16xi32>
      %gather3A_258 = tpu.vector_load_idx %arg23[%broadcast_in_dim3A_60, %add3A_257] : memref<16x256xf32, #tpu.memory_space<vmem>>[vector<16xi32>, vector<16xi32>], vector<16xf32>,
      %add3A_259 = arith.constant 240 : i32
      %add3A_260 = vector.broadcast %add3A_259 : i32 to vector<16xi32>
      %add3A_261 = arith.addi %iota3A, %add3A_260 : vector<16xi32>
      %gather3A_262 = tpu.vector_load_idx %arg23[%broadcast_in_dim3A_60, %add3A_261] : memref<16x256xf32, #tpu.memory_space<vmem>>[vector<16xi32>, vector<16xi32>], vector<16xf32>,
      %scan3A_263 = arith.constant 0 : i32
      %scan3A_264 = arith.constant 32 : i32
      %scan3A_265 = arith.addi %scan3A_263, %scan3A_264 : i32
      %scan3A_266 = arith.constant 1 : i32
      %scan3A_267:16 = scf.for %scan3A_616 = %scan3A_263 to %scan3A_265 step %scan3A_266 iter_args(%scan3A_617 = %gather3A_202, %scan3A_618 = %gather3A_206, %scan3A_619 = %gather3A_210, %scan3A_620 = %gather3A_214, %scan3A_621 = %gather3A_218, %scan3A_622 = %gather3A_222, %scan3A_623 = %gather3A_226, %scan3A_624 = %gather3A_230, %scan3A_625 = %gather3A_234, %scan3A_626 = %gather3A_238, %scan3A_627 = %gather3A_242, %scan3A_628 = %gather3A_246, %scan3A_629 = %gather3A_250, %scan3A_630 = %gather3A_254, %scan3A_631 = %gather3A_258, %scan3A_632 = %gather3A_262) -> (vector<16xf32>, vector<16xf32>, vector<16xf32>, vector<16xf32>, vector<16xf32>, vector<16xf32>, vector<16xf32>, vector<16xf32>, vector<16xf32>, vector<16xf32>, vector<16xf32>, vector<16xf32>, vector<16xf32>, vector<16xf32>, vector<16xf32>, vector<16xf32>)  : i32 {
        %broadcast_in_dim3A_633 = vector.broadcast %scan3A_616 : i32 to vector<16xi32>
        %gather3A_634 = tpu.vector_load_idx %arg20[%broadcast_in_dim3A_633] : memref<32xf32, #tpu.memory_space<vmem>>[vector<16xi32>], vector<16xf32>,
        %add3A_635 = arith.constant 0 : i32
        %add3A_636 = vector.broadcast %add3A_635 : i32 to vector<16xi32>
        %add3A_637 = arith.addi %iota3A, %add3A_636 : vector<16xi32>
        %gather3A_638 = tpu.vector_load_idx %arg22[%broadcast_in_dim3A_633, %add3A_637] : memref<32x256xf32, #tpu.memory_space<vmem>>[vector<16xi32>, vector<16xi32>], vector<16xf32>,
        %mul3A_639 = arith.mulf %gather3A_634, %gather3A_638 : vector<16xf32>
        %add3A_640 = arith.addf %scan3A_617, %mul3A_639 : vector<16xf32>
        %add3A_641 = arith.constant 16 : i32
        %add3A_642 = vector.broadcast %add3A_641 : i32 to vector<16xi32>
        %add3A_643 = arith.addi %iota3A, %add3A_642 : vector<16xi32>
        %gather3A_644 = tpu.vector_load_idx %arg22[%broadcast_in_dim3A_633, %add3A_643] : memref<32x256xf32, #tpu.memory_space<vmem>>[vector<16xi32>, vector<16xi32>], vector<16xf32>,
        %mul3A_645 = arith.mulf %gather3A_634, %gather3A_644 : vector<16xf32>
        %add3A_646 = arith.addf %scan3A_618, %mul3A_645 : vector<16xf32>
        %add3A_647 = arith.constant 32 : i32
        %add3A_648 = vector.broadcast %add3A_647 : i32 to vector<16xi32>
        %add3A_649 = arith.addi %iota3A, %add3A_648 : vector<16xi32>
        %gather3A_650 = tpu.vector_load_idx %arg22[%broadcast_in_dim3A_633, %add3A_649] : memref<32x256xf32, #tpu.memory_space<vmem>>[vector<16xi32>, vector<16xi32>], vector<16xf32>,
        %mul3A_651 = arith.mulf %gather3A_634, %gather3A_650 : vector<16xf32>
        %add3A_652 = arith.addf %scan3A_619, %mul3A_651 : vector<16xf32>
        %add3A_653 = arith.constant 48 : i32
        %add3A_654 = vector.broadcast %add3A_653 : i32 to vector<16xi32>
        %add3A_655 = arith.addi %iota3A, %add3A_654 : vector<16xi32>
        %gather3A_656 = tpu.vector_load_idx %arg22[%broadcast_in_dim3A_633, %add3A_655] : memref<32x256xf32, #tpu.memory_space<vmem>>[vector<16xi32>, vector<16xi32>], vector<16xf32>,
        %mul3A_657 = arith.mulf %gather3A_634, %gather3A_656 : vector<16xf32>
        %add3A_658 = arith.addf %scan3A_620, %mul3A_657 : vector<16xf32>
        %add3A_659 = arith.constant 64 : i32
        %add3A_660 = vector.broadcast %add3A_659 : i32 to vector<16xi32>
        %add3A_661 = arith.addi %iota3A, %add3A_660 : vector<16xi32>
        %gather3A_662 = tpu.vector_load_idx %arg22[%broadcast_in_dim3A_633, %add3A_661] : memref<32x256xf32, #tpu.memory_space<vmem>>[vector<16xi32>, vector<16xi32>], vector<16xf32>,
        %mul3A_663 = arith.mulf %gather3A_634, %gather3A_662 : vector<16xf32>
        %add3A_664 = arith.addf %scan3A_621, %mul3A_663 : vector<16xf32>
        %add3A_665 = arith.constant 80 : i32
        %add3A_666 = vector.broadcast %add3A_665 : i32 to vector<16xi32>
        %add3A_667 = arith.addi %iota3A, %add3A_666 : vector<16xi32>
        %gather3A_668 = tpu.vector_load_idx %arg22[%broadcast_in_dim3A_633, %add3A_667] : memref<32x256xf32, #tpu.memory_space<vmem>>[vector<16xi32>, vector<16xi32>], vector<16xf32>,
        %mul3A_669 = arith.mulf %gather3A_634, %gather3A_668 : vector<16xf32>
        %add3A_670 = arith.addf %scan3A_622, %mul3A_669 : vector<16xf32>
        %add3A_671 = arith.constant 96 : i32
        %add3A_672 = vector.broadcast %add3A_671 : i32 to vector<16xi32>
        %add3A_673 = arith.addi %iota3A, %add3A_672 : vector<16xi32>
        %gather3A_674 = tpu.vector_load_idx %arg22[%broadcast_in_dim3A_633, %add3A_673] : memref<32x256xf32, #tpu.memory_space<vmem>>[vector<16xi32>, vector<16xi32>], vector<16xf32>,
        %mul3A_675 = arith.mulf %gather3A_634, %gather3A_674 : vector<16xf32>
        %add3A_676 = arith.addf %scan3A_623, %mul3A_675 : vector<16xf32>
        %add3A_677 = arith.constant 112 : i32
        %add3A_678 = vector.broadcast %add3A_677 : i32 to vector<16xi32>
        %add3A_679 = arith.addi %iota3A, %add3A_678 : vector<16xi32>
        %gather3A_680 = tpu.vector_load_idx %arg22[%broadcast_in_dim3A_633, %add3A_679] : memref<32x256xf32, #tpu.memory_space<vmem>>[vector<16xi32>, vector<16xi32>], vector<16xf32>,
        %mul3A_681 = arith.mulf %gather3A_634, %gather3A_680 : vector<16xf32>
        %add3A_682 = arith.addf %scan3A_624, %mul3A_681 : vector<16xf32>
        %add3A_683 = arith.constant 128 : i32
        %add3A_684 = vector.broadcast %add3A_683 : i32 to vector<16xi32>
        %add3A_685 = arith.addi %iota3A, %add3A_684 : vector<16xi32>
        %gather3A_686 = tpu.vector_load_idx %arg22[%broadcast_in_dim3A_633, %add3A_685] : memref<32x256xf32, #tpu.memory_space<vmem>>[vector<16xi32>, vector<16xi32>], vector<16xf32>,
        %mul3A_687 = arith.mulf %gather3A_634, %gather3A_686 : vector<16xf32>
        %add3A_688 = arith.addf %scan3A_625, %mul3A_687 : vector<16xf32>
        %add3A_689 = arith.constant 144 : i32
        %add3A_690 = vector.broadcast %add3A_689 : i32 to vector<16xi32>
        %add3A_691 = arith.addi %iota3A, %add3A_690 : vector<16xi32>
        %gather3A_692 = tpu.vector_load_idx %arg22[%broadcast_in_dim3A_633, %add3A_691] : memref<32x256xf32, #tpu.memory_space<vmem>>[vector<16xi32>, vector<16xi32>], vector<16xf32>,
        %mul3A_693 = arith.mulf %gather3A_634, %gather3A_692 : vector<16xf32>
        %add3A_694 = arith.addf %scan3A_626, %mul3A_693 : vector<16xf32>
        %add3A_695 = arith.constant 160 : i32
        %add3A_696 = vector.broadcast %add3A_695 : i32 to vector<16xi32>
        %add3A_697 = arith.addi %iota3A, %add3A_696 : vector<16xi32>
        %gather3A_698 = tpu.vector_load_idx %arg22[%broadcast_in_dim3A_633, %add3A_697] : memref<32x256xf32, #tpu.memory_space<vmem>>[vector<16xi32>, vector<16xi32>], vector<16xf32>,
        %mul3A_699 = arith.mulf %gather3A_634, %gather3A_698 : vector<16xf32>
        %add3A_700 = arith.addf %scan3A_627, %mul3A_699 : vector<16xf32>
        %add3A_701 = arith.constant 176 : i32
        %add3A_702 = vector.broadcast %add3A_701 : i32 to vector<16xi32>
        %add3A_703 = arith.addi %iota3A, %add3A_702 : vector<16xi32>
        %gather3A_704 = tpu.vector_load_idx %arg22[%broadcast_in_dim3A_633, %add3A_703] : memref<32x256xf32, #tpu.memory_space<vmem>>[vector<16xi32>, vector<16xi32>], vector<16xf32>,
        %mul3A_705 = arith.mulf %gather3A_634, %gather3A_704 : vector<16xf32>
        %add3A_706 = arith.addf %scan3A_628, %mul3A_705 : vector<16xf32>
        %add3A_707 = arith.constant 192 : i32
        %add3A_708 = vector.broadcast %add3A_707 : i32 to vector<16xi32>
        %add3A_709 = arith.addi %iota3A, %add3A_708 : vector<16xi32>
        %gather3A_710 = tpu.vector_load_idx %arg22[%broadcast_in_dim3A_633, %add3A_709] : memref<32x256xf32, #tpu.memory_space<vmem>>[vector<16xi32>, vector<16xi32>], vector<16xf32>,
        %mul3A_711 = arith.mulf %gather3A_634, %gather3A_710 : vector<16xf32>
        %add3A_712 = arith.addf %scan3A_629, %mul3A_711 : vector<16xf32>
        %add3A_713 = arith.constant 208 : i32
        %add3A_714 = vector.broadcast %add3A_713 : i32 to vector<16xi32>
        %add3A_715 = arith.addi %iota3A, %add3A_714 : vector<16xi32>
        %gather3A_716 = tpu.vector_load_idx %arg22[%broadcast_in_dim3A_633, %add3A_715] : memref<32x256xf32, #tpu.memory_space<vmem>>[vector<16xi32>, vector<16xi32>], vector<16xf32>,
        %mul3A_717 = arith.mulf %gather3A_634, %gather3A_716 : vector<16xf32>
        %add3A_718 = arith.addf %scan3A_630, %mul3A_717 : vector<16xf32>
        %add3A_719 = arith.constant 224 : i32
        %add3A_720 = vector.broadcast %add3A_719 : i32 to vector<16xi32>
        %add3A_721 = arith.addi %iota3A, %add3A_720 : vector<16xi32>
        %gather3A_722 = tpu.vector_load_idx %arg22[%broadcast_in_dim3A_633, %add3A_721] : memref<32x256xf32, #tpu.memory_space<vmem>>[vector<16xi32>, vector<16xi32>], vector<16xf32>,
        %mul3A_723 = arith.mulf %gather3A_634, %gather3A_722 : vector<16xf32>
        %add3A_724 = arith.addf %scan3A_631, %mul3A_723 : vector<16xf32>
        %add3A_725 = arith.constant 240 : i32
        %add3A_726 = vector.broadcast %add3A_725 : i32 to vector<16xi32>
        %add3A_727 = arith.addi %iota3A, %add3A_726 : vector<16xi32>
        %gather3A_728 = tpu.vector_load_idx %arg22[%broadcast_in_dim3A_633, %add3A_727] : memref<32x256xf32, #tpu.memory_space<vmem>>[vector<16xi32>, vector<16xi32>], vector<16xf32>,
        %mul3A_729 = arith.mulf %gather3A_634, %gather3A_728 : vector<16xf32>
        %add3A_730 = arith.addf %scan3A_632, %mul3A_729 : vector<16xf32>
        scf.yield %add3A_640, %add3A_646, %add3A_652, %add3A_658, %add3A_664, %add3A_670, %add3A_676, %add3A_682, %add3A_688, %add3A_694, %add3A_700, %add3A_706, %add3A_712, %add3A_718, %add3A_724, %add3A_730 : vector<16xf32>, vector<16xf32>, vector<16xf32>, vector<16xf32>, vector<16xf32>, vector<16xf32>, vector<16xf32>, vector<16xf32>, vector<16xf32>, vector<16xf32>, vector<16xf32>, vector<16xf32>, vector<16xf32>, vector<16xf32>, vector<16xf32>, vector<16xf32>
      }
      %scan3A_268 = arith.constant 32 : i32
      %add3A_269 = arith.constant 0 : i32
      %add3A_270 = vector.broadcast %add3A_269 : i32 to vector<16xi32>
      %add3A_271 = arith.addi %iota3A, %add3A_270 : vector<16xi32>
      tpu.vector_store_idx %arg24[%broadcast_in_dim3A_60, %add3A_271], %scan3A_267#0 : memref<16x256xf32, #tpu.memory_space<vmem>>[vector<16xi32>, vector<16xi32>], vector<16xf32>,
      %add3A_272 = arith.constant 16 : i32
      %add3A_273 = vector.broadcast %add3A_272 : i32 to vector<16xi32>
      %add3A_274 = arith.addi %iota3A, %add3A_273 : vector<16xi32>
      tpu.vector_store_idx %arg24[%broadcast_in_dim3A_60, %add3A_274], %scan3A_267#1 : memref<16x256xf32, #tpu.memory_space<vmem>>[vector<16xi32>, vector<16xi32>], vector<16xf32>,
      %add3A_275 = arith.constant 32 : i32
      %add3A_276 = vector.broadcast %add3A_275 : i32 to vector<16xi32>
      %add3A_277 = arith.addi %iota3A, %add3A_276 : vector<16xi32>
      tpu.vector_store_idx %arg24[%broadcast_in_dim3A_60, %add3A_277], %scan3A_267#2 : memref<16x256xf32, #tpu.memory_space<vmem>>[vector<16xi32>, vector<16xi32>], vector<16xf32>,
      %add3A_278 = arith.constant 48 : i32
      %add3A_279 = vector.broadcast %add3A_278 : i32 to vector<16xi32>
      %add3A_280 = arith.addi %iota3A, %add3A_279 : vector<16xi32>
      tpu.vector_store_idx %arg24[%broadcast_in_dim3A_60, %add3A_280], %scan3A_267#3 : memref<16x256xf32, #tpu.memory_space<vmem>>[vector<16xi32>, vector<16xi32>], vector<16xf32>,
      %add3A_281 = arith.constant 64 : i32
      %add3A_282 = vector.broadcast %add3A_281 : i32 to vector<16xi32>
      %add3A_283 = arith.addi %iota3A, %add3A_282 : vector<16xi32>
      tpu.vector_store_idx %arg24[%broadcast_in_dim3A_60, %add3A_283], %scan3A_267#4 : memref<16x256xf32, #tpu.memory_space<vmem>>[vector<16xi32>, vector<16xi32>], vector<16xf32>,
      %add3A_284 = arith.constant 80 : i32
      %add3A_285 = vector.broadcast %add3A_284 : i32 to vector<16xi32>
      %add3A_286 = arith.addi %iota3A, %add3A_285 : vector<16xi32>
      tpu.vector_store_idx %arg24[%broadcast_in_dim3A_60, %add3A_286], %scan3A_267#5 : memref<16x256xf32, #tpu.memory_space<vmem>>[vector<16xi32>, vector<16xi32>], vector<16xf32>,
      %add3A_287 = arith.constant 96 : i32
      %add3A_288 = vector.broadcast %add3A_287 : i32 to vector<16xi32>
      %add3A_289 = arith.addi %iota3A, %add3A_288 : vector<16xi32>
      tpu.vector_store_idx %arg24[%broadcast_in_dim3A_60, %add3A_289], %scan3A_267#6 : memref<16x256xf32, #tpu.memory_space<vmem>>[vector<16xi32>, vector<16xi32>], vector<16xf32>,
      %add3A_290 = arith.constant 112 : i32
      %add3A_291 = vector.broadcast %add3A_290 : i32 to vector<16xi32>
      %add3A_292 = arith.addi %iota3A, %add3A_291 : vector<16xi32>
      tpu.vector_store_idx %arg24[%broadcast_in_dim3A_60, %add3A_292], %scan3A_267#7 : memref<16x256xf32, #tpu.memory_space<vmem>>[vector<16xi32>, vector<16xi32>], vector<16xf32>,
      %add3A_293 = arith.constant 128 : i32
      %add3A_294 = vector.broadcast %add3A_293 : i32 to vector<16xi32>
      %add3A_295 = arith.addi %iota3A, %add3A_294 : vector<16xi32>
      tpu.vector_store_idx %arg24[%broadcast_in_dim3A_60, %add3A_295], %scan3A_267#8 : memref<16x256xf32, #tpu.memory_space<vmem>>[vector<16xi32>, vector<16xi32>], vector<16xf32>,
      %add3A_296 = arith.constant 144 : i32
      %add3A_297 = vector.broadcast %add3A_296 : i32 to vector<16xi32>
      %add3A_298 = arith.addi %iota3A, %add3A_297 : vector<16xi32>
      tpu.vector_store_idx %arg24[%broadcast_in_dim3A_60, %add3A_298], %scan3A_267#9 : memref<16x256xf32, #tpu.memory_space<vmem>>[vector<16xi32>, vector<16xi32>], vector<16xf32>,
      %add3A_299 = arith.constant 160 : i32
      %add3A_300 = vector.broadcast %add3A_299 : i32 to vector<16xi32>
      %add3A_301 = arith.addi %iota3A, %add3A_300 : vector<16xi32>
      tpu.vector_store_idx %arg24[%broadcast_in_dim3A_60, %add3A_301], %scan3A_267#10 : memref<16x256xf32, #tpu.memory_space<vmem>>[vector<16xi32>, vector<16xi32>], vector<16xf32>,
      %add3A_302 = arith.constant 176 : i32
      %add3A_303 = vector.broadcast %add3A_302 : i32 to vector<16xi32>
      %add3A_304 = arith.addi %iota3A, %add3A_303 : vector<16xi32>
      tpu.vector_store_idx %arg24[%broadcast_in_dim3A_60, %add3A_304], %scan3A_267#11 : memref<16x256xf32, #tpu.memory_space<vmem>>[vector<16xi32>, vector<16xi32>], vector<16xf32>,
      %add3A_305 = arith.constant 192 : i32
      %add3A_306 = vector.broadcast %add3A_305 : i32 to vector<16xi32>
      %add3A_307 = arith.addi %iota3A, %add3A_306 : vector<16xi32>
      tpu.vector_store_idx %arg24[%broadcast_in_dim3A_60, %add3A_307], %scan3A_267#12 : memref<16x256xf32, #tpu.memory_space<vmem>>[vector<16xi32>, vector<16xi32>], vector<16xf32>,
      %add3A_308 = arith.constant 208 : i32
      %add3A_309 = vector.broadcast %add3A_308 : i32 to vector<16xi32>
      %add3A_310 = arith.addi %iota3A, %add3A_309 : vector<16xi32>
      tpu.vector_store_idx %arg24[%broadcast_in_dim3A_60, %add3A_310], %scan3A_267#13 : memref<16x256xf32, #tpu.memory_space<vmem>>[vector<16xi32>, vector<16xi32>], vector<16xf32>,
      %add3A_311 = arith.constant 224 : i32
      %add3A_312 = vector.broadcast %add3A_311 : i32 to vector<16xi32>
      %add3A_313 = arith.addi %iota3A, %add3A_312 : vector<16xi32>
      tpu.vector_store_idx %arg24[%broadcast_in_dim3A_60, %add3A_313], %scan3A_267#14 : memref<16x256xf32, #tpu.memory_space<vmem>>[vector<16xi32>, vector<16xi32>], vector<16xf32>,
      %add3A_314 = arith.constant 240 : i32
      %add3A_315 = vector.broadcast %add3A_314 : i32 to vector<16xi32>
      %add3A_316 = arith.addi %iota3A, %add3A_315 : vector<16xi32>
      tpu.vector_store_idx %arg24[%broadcast_in_dim3A_60, %add3A_316], %scan3A_267#15 : memref<16x256xf32, #tpu.memory_space<vmem>>[vector<16xi32>, vector<16xi32>], vector<16xf32>,
      %add3A_317 = arith.constant 2 : i32
      %add3A_318 = arith.addi %mul3A_33, %add3A_317 : i32
      %min3A_319 = arith.constant 15 : i32
      %min3A_320 = arith.minsi %add3A_318, %min3A_319 : i32
      %broadcast_in_dim3A_321 = vector.broadcast %min3A_320 : i32 to vector<16xi32>
      %add3A_322 = arith.addi %mul3A_2, %min3A_320 : i32
      %mul3A_323 = arith.constant 512 : i32
      %mul3A_324 = arith.muli %add3A_322, %mul3A_323 : i32
      %broadcast_in_dim3A_325 = vector.broadcast %mul3A_324 : i32 to vector<16xi32>
      %gather3A_326 = tpu.vector_load_idx %arg8[%broadcast_in_dim3A_321, %iota3A] : memref<16x32xi32, #tpu.memory_space<vmem>>[vector<16xi32>, vector<16xi32>], vector<16xi32>,
      %add3A_327 = arith.addi %gather3A_326, %broadcast_in_dim3A_325 : vector<16xi32>
      %swap3A_328 = arith.constant 0 : index
      %swap3A_329 = tpu.vector_load %arg10[%swap3A_328] {strides = array<i32>} : memref<32xi32, #tpu.memory_space<vmem>>, vector<16xi32>,
      tpu.vector_store %arg10[%swap3A_328], %add3A_327 {strides = array<i32>} : memref<32xi32, #tpu.memory_space<vmem>>, vector<16xi32>,
      %add3A_330 = arith.constant 16 : i32
      %add3A_331 = vector.broadcast %add3A_330 : i32 to vector<16xi32>
      %add3A_332 = arith.addi %iota3A, %add3A_331 : vector<16xi32>
      %gather3A_333 = tpu.vector_load_idx %arg8[%broadcast_in_dim3A_321, %add3A_332] : memref<16x32xi32, #tpu.memory_space<vmem>>[vector<16xi32>, vector<16xi32>], vector<16xi32>,
      %add3A_334 = arith.addi %gather3A_333, %broadcast_in_dim3A_325 : vector<16xi32>
      %swap3A_335 = arith.constant 16 : index
      %swap3A_336 = tpu.vector_load %arg10[%swap3A_335] {strides = array<i32>} : memref<32xi32, #tpu.memory_space<vmem>>, vector<16xi32>,
      tpu.vector_store %arg10[%swap3A_335], %add3A_334 {strides = array<i32>} : memref<32xi32, #tpu.memory_space<vmem>>, vector<16xi32>,
      %dma_start3A_337 = arith.constant 0 : i32
      %dma_start3A_338 = arith.constant 0 : i32
      %dma_start3A_339 = tpu.memref_slice %arg2[%dma_start3A_337, %dma_start3A_338] : memref<262144x128xf32, #tpu.memory_space<hbm>> -> memref<262144x128xf32, #tpu.memory_space<hbm>>
      tpu.enqueue_indirect_dma source(%dma_start3A_339 : memref<262144x128xf32, #tpu.memory_space<hbm>>) target(%arg12 : memref<32x128xf32, #tpu.memory_space<vmem>>) offsets(%arg10 : memref<32xi32, #tpu.memory_space<vmem>>) semaphore(%arg25 : memref<!tpu.dma_semaphore, #tpu.memory_space<semaphore_mem>>)
      %dma_wait3A_340 = arith.constant 0 : i32
      %dma_wait3A_341 = arith.constant 0 : i32
      %dma_wait3A_342 = tpu.memref_slice %arg2[%dma_wait3A_340, %dma_wait3A_341] : memref<262144x128xf32, #tpu.memory_space<hbm>> -> memref<262144x128xf32, #tpu.memory_space<hbm>>
      tpu.wait_indirect_dma semaphore(%arg26 : memref<!tpu.dma_semaphore, #tpu.memory_space<semaphore_mem>>) src(%dma_wait3A_342 : memref<262144x128xf32, #tpu.memory_space<hbm>>) dst(%arg13 : memref<32x128xf32, #tpu.memory_space<vmem>>)
      %add3A_343 = arith.constant 1 : i32
      %add3A_344 = arith.addi %mul3A_33, %add3A_343 : i32
      %broadcast_in_dim3A_345 = vector.broadcast %add3A_344 : i32 to vector<16xi32>
      %broadcast_in_dim3A_346 = arith.constant 31 : i32
      %broadcast_in_dim3A_347 = vector.broadcast %broadcast_in_dim3A_346 : i32 to vector<16xi32>
      %gather3A_348 = tpu.vector_load_idx %arg9[%broadcast_in_dim3A_345, %broadcast_in_dim3A_347] : memref<16x32xf32, #tpu.memory_space<vmem>>[vector<16xi32>, vector<16xi32>], vector<16xf32>,
      %broadcast_in_dim3A_349 = arith.constant 0 : i32
      %broadcast_in_dim3A_350 = vector.broadcast %broadcast_in_dim3A_349 : i32 to vector<16xi32>
      %gather3A_351 = tpu.vector_load_idx %arg9[%broadcast_in_dim3A_345, %broadcast_in_dim3A_350] : memref<16x32xf32, #tpu.memory_space<vmem>>[vector<16xi32>, vector<16xi32>], vector<16xf32>,
      %broadcast_in_dim3A_352 = arith.constant -3.000000e+38 : f32
      %broadcast_in_dim3A_353 = vector.broadcast %broadcast_in_dim3A_352 : f32 to vector<16xf32>
      %swap3A_354 = arith.constant 0 : index
      %swap3A_355 = tpu.vector_load %arg14[%swap3A_354] {strides = array<i32>} : memref<128xf32, #tpu.memory_space<vmem>>, vector<16xf32>,
      tpu.vector_store %arg14[%swap3A_354], %broadcast_in_dim3A_353 {strides = array<i32>} : memref<128xf32, #tpu.memory_space<vmem>>, vector<16xf32>,
      %broadcast_in_dim3A_356 = arith.constant -3.000000e+38 : f32
      %broadcast_in_dim3A_357 = vector.broadcast %broadcast_in_dim3A_356 : f32 to vector<16xf32>
      %swap3A_358 = arith.constant 16 : index
      %swap3A_359 = tpu.vector_load %arg14[%swap3A_358] {strides = array<i32>} : memref<128xf32, #tpu.memory_space<vmem>>, vector<16xf32>,
      tpu.vector_store %arg14[%swap3A_358], %broadcast_in_dim3A_357 {strides = array<i32>} : memref<128xf32, #tpu.memory_space<vmem>>, vector<16xf32>,
      %broadcast_in_dim3A_360 = arith.constant -3.000000e+38 : f32
      %broadcast_in_dim3A_361 = vector.broadcast %broadcast_in_dim3A_360 : f32 to vector<16xf32>
      %swap3A_362 = arith.constant 32 : index
      %swap3A_363 = tpu.vector_load %arg14[%swap3A_362] {strides = array<i32>} : memref<128xf32, #tpu.memory_space<vmem>>, vector<16xf32>,
      tpu.vector_store %arg14[%swap3A_362], %broadcast_in_dim3A_361 {strides = array<i32>} : memref<128xf32, #tpu.memory_space<vmem>>, vector<16xf32>,
      %broadcast_in_dim3A_364 = arith.constant -3.000000e+38 : f32
      %broadcast_in_dim3A_365 = vector.broadcast %broadcast_in_dim3A_364 : f32 to vector<16xf32>
      %swap3A_366 = arith.constant 48 : index
      %swap3A_367 = tpu.vector_load %arg14[%swap3A_366] {strides = array<i32>} : memref<128xf32, #tpu.memory_space<vmem>>, vector<16xf32>,
      tpu.vector_store %arg14[%swap3A_366], %broadcast_in_dim3A_365 {strides = array<i32>} : memref<128xf32, #tpu.memory_space<vmem>>, vector<16xf32>,
      %broadcast_in_dim3A_368 = arith.constant -3.000000e+38 : f32
      %broadcast_in_dim3A_369 = vector.broadcast %broadcast_in_dim3A_368 : f32 to vector<16xf32>
      %swap3A_370 = arith.constant 64 : index
      %swap3A_371 = tpu.vector_load %arg14[%swap3A_370] {strides = array<i32>} : memref<128xf32, #tpu.memory_space<vmem>>, vector<16xf32>,
      tpu.vector_store %arg14[%swap3A_370], %broadcast_in_dim3A_369 {strides = array<i32>} : memref<128xf32, #tpu.memory_space<vmem>>, vector<16xf32>,
      %broadcast_in_dim3A_372 = arith.constant -3.000000e+38 : f32
      %broadcast_in_dim3A_373 = vector.broadcast %broadcast_in_dim3A_372 : f32 to vector<16xf32>
      %swap3A_374 = arith.constant 80 : index
      %swap3A_375 = tpu.vector_load %arg14[%swap3A_374] {strides = array<i32>} : memref<128xf32, #tpu.memory_space<vmem>>, vector<16xf32>,
      tpu.vector_store %arg14[%swap3A_374], %broadcast_in_dim3A_373 {strides = array<i32>} : memref<128xf32, #tpu.memory_space<vmem>>, vector<16xf32>,
      %broadcast_in_dim3A_376 = arith.constant -3.000000e+38 : f32
      %broadcast_in_dim3A_377 = vector.broadcast %broadcast_in_dim3A_376 : f32 to vector<16xf32>
      %swap3A_378 = arith.constant 96 : index
      %swap3A_379 = tpu.vector_load %arg14[%swap3A_378] {strides = array<i32>} : memref<128xf32, #tpu.memory_space<vmem>>, vector<16xf32>,
      tpu.vector_store %arg14[%swap3A_378], %broadcast_in_dim3A_377 {strides = array<i32>} : memref<128xf32, #tpu.memory_space<vmem>>, vector<16xf32>,
      %broadcast_in_dim3A_380 = arith.constant -3.000000e+38 : f32
      %broadcast_in_dim3A_381 = vector.broadcast %broadcast_in_dim3A_380 : f32 to vector<16xf32>
      %swap3A_382 = arith.constant 112 : index
      %swap3A_383 = tpu.vector_load %arg14[%swap3A_382] {strides = array<i32>} : memref<128xf32, #tpu.memory_space<vmem>>, vector<16xf32>,
      tpu.vector_store %arg14[%swap3A_382], %broadcast_in_dim3A_381 {strides = array<i32>} : memref<128xf32, #tpu.memory_space<vmem>>, vector<16xf32>,
      %broadcast_in_dim3A_384 = arith.constant 0 : i32
      %broadcast_in_dim3A_385 = vector.broadcast %broadcast_in_dim3A_384 : i32 to vector<16xi32>
      %scan3A_386 = arith.constant 0 : i32
      %scan3A_387 = arith.constant 32 : i32
      %scan3A_388 = arith.addi %scan3A_386, %scan3A_387 : i32
      %scan3A_389 = arith.constant 1 : i32
      %scan3A_390 = scf.for %scan3A_616 = %scan3A_386 to %scan3A_388 step %scan3A_389 iter_args(%scan3A_617 = %broadcast_in_dim3A_385) -> (vector<16xi32>)  : i32 {
        %broadcast_in_dim3A_618 = vector.broadcast %scan3A_616 : i32 to vector<16xi32>
        %add3A_619 = arith.constant 0 : i32
        %add3A_620 = vector.broadcast %add3A_619 : i32 to vector<16xi32>
        %add3A_621 = arith.addi %iota3A, %add3A_620 : vector<16xi32>
        %gather3A_622 = tpu.vector_load_idx %arg13[%broadcast_in_dim3A_618, %add3A_621] : memref<32x128xf32, #tpu.memory_space<vmem>>[vector<16xi32>, vector<16xi32>], vector<16xf32>,
        %ge3A = arith.cmpf oge, %gather3A_622, %gather3A_348 : vector<16xf32>
        %jit3A_623 = arith.constant 1 : i32
        %jit3A_624 = arith.constant 0 : i32
        %broadcast_in_dim3A_625 = vector.broadcast %jit3A_623 : i32 to vector<16xi32>
        %broadcast_in_dim3A_626 = vector.broadcast %jit3A_624 : i32 to vector<16xi32>
        %select_n3A_627 = arith.select %ge3A, %broadcast_in_dim3A_625, %broadcast_in_dim3A_626 : vector<16xi1>, vector<16xi32>
        %broadcast_in_dim3A_628 = arith.constant true
        %broadcast_in_dim3A_629 = vector.broadcast %broadcast_in_dim3A_628 : i1 to vector<16xi1>
        %masked_cumsum3A_630 = tpu.scan <sum>, %select_n3A_627 masked %broadcast_in_dim3A_629 : vector<16xi32>, vector<16xi1> -> vector<16xi32>
        %add3A_631 = arith.addi %scan3A_617, %masked_cumsum3A_630 : vector<16xi32>
        %sub3A_632 = arith.constant 1 : i32
        %sub3A_633 = vector.broadcast %sub3A_632 : i32 to vector<16xi32>
        %sub3A_634 = arith.subi %add3A_631, %sub3A_633 : vector<16xi32>
        %lt3A = arith.constant 128 : i32
        %lt3A_635 = vector.broadcast %lt3A : i32 to vector<16xi32>
        %lt3A_636 = arith.cmpi slt, %sub3A_634, %lt3A_635 : vector<16xi32>
        %and3A_637 = arith.andi %ge3A, %lt3A_636 : vector<16xi1>
        %mul3A_638 = arith.constant 128 : i32
        %mul3A_639 = vector.broadcast %mul3A_638 : i32 to vector<16xi32>
        %mul3A_640 = arith.muli %broadcast_in_dim3A_618, %mul3A_639 : vector<16xi32>
        %add3A_641 = arith.constant 0 : i32
        %add3A_642 = vector.broadcast %add3A_641 : i32 to vector<16xi32>
        %add3A_643 = arith.addi %iota3A, %add3A_642 : vector<16xi32>
        %add3A_644 = arith.addi %mul3A_640, %add3A_643 : vector<16xi32>
        tpu.vector_store_idx %arg14[%sub3A_634], %gather3A_622 masked %and3A_637 : memref<128xf32, #tpu.memory_space<vmem>>[vector<16xi32>], vector<16xf32>, vector<16xi1>
        tpu.vector_store_idx %arg15[%sub3A_634], %add3A_644 masked %and3A_637 : memref<128xi32, #tpu.memory_space<vmem>>[vector<16xi32>], vector<16xi32>, vector<16xi1>
        %all_reduce_population_count3A = tpu.all_reduce %ge3A {dim = 0 : i64, kind = #tpu.reduction_kind<sum>} : vector<16xi1> -> vector<16xi32>
        %add3A_645 = arith.addi %scan3A_617, %all_reduce_population_count3A : vector<16xi32>
        %add3A_646 = arith.constant 16 : i32
        %add3A_647 = vector.broadcast %add3A_646 : i32 to vector<16xi32>
        %add3A_648 = arith.addi %iota3A, %add3A_647 : vector<16xi32>
        %gather3A_649 = tpu.vector_load_idx %arg13[%broadcast_in_dim3A_618, %add3A_648] : memref<32x128xf32, #tpu.memory_space<vmem>>[vector<16xi32>, vector<16xi32>], vector<16xf32>,
        %ge3A_650 = arith.cmpf oge, %gather3A_649, %gather3A_348 : vector<16xf32>
        %jit3A_651 = arith.constant 1 : i32
        %jit3A_652 = arith.constant 0 : i32
        %broadcast_in_dim3A_653 = vector.broadcast %jit3A_651 : i32 to vector<16xi32>
        %broadcast_in_dim3A_654 = vector.broadcast %jit3A_652 : i32 to vector<16xi32>
        %select_n3A_655 = arith.select %ge3A_650, %broadcast_in_dim3A_653, %broadcast_in_dim3A_654 : vector<16xi1>, vector<16xi32>
        %broadcast_in_dim3A_656 = arith.constant true
        %broadcast_in_dim3A_657 = vector.broadcast %broadcast_in_dim3A_656 : i1 to vector<16xi1>
        %masked_cumsum3A_658 = tpu.scan <sum>, %select_n3A_655 masked %broadcast_in_dim3A_657 : vector<16xi32>, vector<16xi1> -> vector<16xi32>
        %add3A_659 = arith.addi %add3A_645, %masked_cumsum3A_658 : vector<16xi32>
        %sub3A_660 = arith.constant 1 : i32
        %sub3A_661 = vector.broadcast %sub3A_660 : i32 to vector<16xi32>
        %sub3A_662 = arith.subi %add3A_659, %sub3A_661 : vector<16xi32>
        %lt3A_663 = arith.constant 128 : i32
        %lt3A_664 = vector.broadcast %lt3A_663 : i32 to vector<16xi32>
        %lt3A_665 = arith.cmpi slt, %sub3A_662, %lt3A_664 : vector<16xi32>
        %and3A_666 = arith.andi %ge3A_650, %lt3A_665 : vector<16xi1>
        %mul3A_667 = arith.constant 128 : i32
        %mul3A_668 = vector.broadcast %mul3A_667 : i32 to vector<16xi32>
        %mul3A_669 = arith.muli %broadcast_in_dim3A_618, %mul3A_668 : vector<16xi32>
        %add3A_670 = arith.constant 16 : i32
        %add3A_671 = vector.broadcast %add3A_670 : i32 to vector<16xi32>
        %add3A_672 = arith.addi %iota3A, %add3A_671 : vector<16xi32>
        %add3A_673 = arith.addi %mul3A_669, %add3A_672 : vector<16xi32>
        tpu.vector_store_idx %arg14[%sub3A_662], %gather3A_649 masked %and3A_666 : memref<128xf32, #tpu.memory_space<vmem>>[vector<16xi32>], vector<16xf32>, vector<16xi1>
        tpu.vector_store_idx %arg15[%sub3A_662], %add3A_673 masked %and3A_666 : memref<128xi32, #tpu.memory_space<vmem>>[vector<16xi32>], vector<16xi32>, vector<16xi1>
        %all_reduce_population_count3A_674 = tpu.all_reduce %ge3A_650 {dim = 0 : i64, kind = #tpu.reduction_kind<sum>} : vector<16xi1> -> vector<16xi32>
        %add3A_675 = arith.addi %add3A_645, %all_reduce_population_count3A_674 : vector<16xi32>
        %add3A_676 = arith.constant 32 : i32
        %add3A_677 = vector.broadcast %add3A_676 : i32 to vector<16xi32>
        %add3A_678 = arith.addi %iota3A, %add3A_677 : vector<16xi32>
        %gather3A_679 = tpu.vector_load_idx %arg13[%broadcast_in_dim3A_618, %add3A_678] : memref<32x128xf32, #tpu.memory_space<vmem>>[vector<16xi32>, vector<16xi32>], vector<16xf32>,
        %ge3A_680 = arith.cmpf oge, %gather3A_679, %gather3A_348 : vector<16xf32>
        %jit3A_681 = arith.constant 1 : i32
        %jit3A_682 = arith.constant 0 : i32
        %broadcast_in_dim3A_683 = vector.broadcast %jit3A_681 : i32 to vector<16xi32>
        %broadcast_in_dim3A_684 = vector.broadcast %jit3A_682 : i32 to vector<16xi32>
        %select_n3A_685 = arith.select %ge3A_680, %broadcast_in_dim3A_683, %broadcast_in_dim3A_684 : vector<16xi1>, vector<16xi32>
        %broadcast_in_dim3A_686 = arith.constant true
        %broadcast_in_dim3A_687 = vector.broadcast %broadcast_in_dim3A_686 : i1 to vector<16xi1>
        %masked_cumsum3A_688 = tpu.scan <sum>, %select_n3A_685 masked %broadcast_in_dim3A_687 : vector<16xi32>, vector<16xi1> -> vector<16xi32>
        %add3A_689 = arith.addi %add3A_675, %masked_cumsum3A_688 : vector<16xi32>
        %sub3A_690 = arith.constant 1 : i32
        %sub3A_691 = vector.broadcast %sub3A_690 : i32 to vector<16xi32>
        %sub3A_692 = arith.subi %add3A_689, %sub3A_691 : vector<16xi32>
        %lt3A_693 = arith.constant 128 : i32
        %lt3A_694 = vector.broadcast %lt3A_693 : i32 to vector<16xi32>
        %lt3A_695 = arith.cmpi slt, %sub3A_692, %lt3A_694 : vector<16xi32>
        %and3A_696 = arith.andi %ge3A_680, %lt3A_695 : vector<16xi1>
        %mul3A_697 = arith.constant 128 : i32
        %mul3A_698 = vector.broadcast %mul3A_697 : i32 to vector<16xi32>
        %mul3A_699 = arith.muli %broadcast_in_dim3A_618, %mul3A_698 : vector<16xi32>
        %add3A_700 = arith.constant 32 : i32
        %add3A_701 = vector.broadcast %add3A_700 : i32 to vector<16xi32>
        %add3A_702 = arith.addi %iota3A, %add3A_701 : vector<16xi32>
        %add3A_703 = arith.addi %mul3A_699, %add3A_702 : vector<16xi32>
        tpu.vector_store_idx %arg14[%sub3A_692], %gather3A_679 masked %and3A_696 : memref<128xf32, #tpu.memory_space<vmem>>[vector<16xi32>], vector<16xf32>, vector<16xi1>
        tpu.vector_store_idx %arg15[%sub3A_692], %add3A_703 masked %and3A_696 : memref<128xi32, #tpu.memory_space<vmem>>[vector<16xi32>], vector<16xi32>, vector<16xi1>
        %all_reduce_population_count3A_704 = tpu.all_reduce %ge3A_680 {dim = 0 : i64, kind = #tpu.reduction_kind<sum>} : vector<16xi1> -> vector<16xi32>
        %add3A_705 = arith.addi %add3A_675, %all_reduce_population_count3A_704 : vector<16xi32>
        %add3A_706 = arith.constant 48 : i32
        %add3A_707 = vector.broadcast %add3A_706 : i32 to vector<16xi32>
        %add3A_708 = arith.addi %iota3A, %add3A_707 : vector<16xi32>
        %gather3A_709 = tpu.vector_load_idx %arg13[%broadcast_in_dim3A_618, %add3A_708] : memref<32x128xf32, #tpu.memory_space<vmem>>[vector<16xi32>, vector<16xi32>], vector<16xf32>,
        %ge3A_710 = arith.cmpf oge, %gather3A_709, %gather3A_348 : vector<16xf32>
        %jit3A_711 = arith.constant 1 : i32
        %jit3A_712 = arith.constant 0 : i32
        %broadcast_in_dim3A_713 = vector.broadcast %jit3A_711 : i32 to vector<16xi32>
        %broadcast_in_dim3A_714 = vector.broadcast %jit3A_712 : i32 to vector<16xi32>
        %select_n3A_715 = arith.select %ge3A_710, %broadcast_in_dim3A_713, %broadcast_in_dim3A_714 : vector<16xi1>, vector<16xi32>
        %broadcast_in_dim3A_716 = arith.constant true
        %broadcast_in_dim3A_717 = vector.broadcast %broadcast_in_dim3A_716 : i1 to vector<16xi1>
        %masked_cumsum3A_718 = tpu.scan <sum>, %select_n3A_715 masked %broadcast_in_dim3A_717 : vector<16xi32>, vector<16xi1> -> vector<16xi32>
        %add3A_719 = arith.addi %add3A_705, %masked_cumsum3A_718 : vector<16xi32>
        %sub3A_720 = arith.constant 1 : i32
        %sub3A_721 = vector.broadcast %sub3A_720 : i32 to vector<16xi32>
        %sub3A_722 = arith.subi %add3A_719, %sub3A_721 : vector<16xi32>
        %lt3A_723 = arith.constant 128 : i32
        %lt3A_724 = vector.broadcast %lt3A_723 : i32 to vector<16xi32>
        %lt3A_725 = arith.cmpi slt, %sub3A_722, %lt3A_724 : vector<16xi32>
        %and3A_726 = arith.andi %ge3A_710, %lt3A_725 : vector<16xi1>
        %mul3A_727 = arith.constant 128 : i32
        %mul3A_728 = vector.broadcast %mul3A_727 : i32 to vector<16xi32>
        %mul3A_729 = arith.muli %broadcast_in_dim3A_618, %mul3A_728 : vector<16xi32>
        %add3A_730 = arith.constant 48 : i32
        %add3A_731 = vector.broadcast %add3A_730 : i32 to vector<16xi32>
        %add3A_732 = arith.addi %iota3A, %add3A_731 : vector<16xi32>
        %add3A_733 = arith.addi %mul3A_729, %add3A_732 : vector<16xi32>
        tpu.vector_store_idx %arg14[%sub3A_722], %gather3A_709 masked %and3A_726 : memref<128xf32, #tpu.memory_space<vmem>>[vector<16xi32>], vector<16xf32>, vector<16xi1>
        tpu.vector_store_idx %arg15[%sub3A_722], %add3A_733 masked %and3A_726 : memref<128xi32, #tpu.memory_space<vmem>>[vector<16xi32>], vector<16xi32>, vector<16xi1>
        %all_reduce_population_count3A_734 = tpu.all_reduce %ge3A_710 {dim = 0 : i64, kind = #tpu.reduction_kind<sum>} : vector<16xi1> -> vector<16xi32>
        %add3A_735 = arith.addi %add3A_705, %all_reduce_population_count3A_734 : vector<16xi32>
        %add3A_736 = arith.constant 64 : i32
        %add3A_737 = vector.broadcast %add3A_736 : i32 to vector<16xi32>
        %add3A_738 = arith.addi %iota3A, %add3A_737 : vector<16xi32>
        %gather3A_739 = tpu.vector_load_idx %arg13[%broadcast_in_dim3A_618, %add3A_738] : memref<32x128xf32, #tpu.memory_space<vmem>>[vector<16xi32>, vector<16xi32>], vector<16xf32>,
        %ge3A_740 = arith.cmpf oge, %gather3A_739, %gather3A_348 : vector<16xf32>
        %jit3A_741 = arith.constant 1 : i32
        %jit3A_742 = arith.constant 0 : i32
        %broadcast_in_dim3A_743 = vector.broadcast %jit3A_741 : i32 to vector<16xi32>
        %broadcast_in_dim3A_744 = vector.broadcast %jit3A_742 : i32 to vector<16xi32>
        %select_n3A_745 = arith.select %ge3A_740, %broadcast_in_dim3A_743, %broadcast_in_dim3A_744 : vector<16xi1>, vector<16xi32>
        %broadcast_in_dim3A_746 = arith.constant true
        %broadcast_in_dim3A_747 = vector.broadcast %broadcast_in_dim3A_746 : i1 to vector<16xi1>
        %masked_cumsum3A_748 = tpu.scan <sum>, %select_n3A_745 masked %broadcast_in_dim3A_747 : vector<16xi32>, vector<16xi1> -> vector<16xi32>
        %add3A_749 = arith.addi %add3A_735, %masked_cumsum3A_748 : vector<16xi32>
        %sub3A_750 = arith.constant 1 : i32
        %sub3A_751 = vector.broadcast %sub3A_750 : i32 to vector<16xi32>
        %sub3A_752 = arith.subi %add3A_749, %sub3A_751 : vector<16xi32>
        %lt3A_753 = arith.constant 128 : i32
        %lt3A_754 = vector.broadcast %lt3A_753 : i32 to vector<16xi32>
        %lt3A_755 = arith.cmpi slt, %sub3A_752, %lt3A_754 : vector<16xi32>
        %and3A_756 = arith.andi %ge3A_740, %lt3A_755 : vector<16xi1>
        %mul3A_757 = arith.constant 128 : i32
        %mul3A_758 = vector.broadcast %mul3A_757 : i32 to vector<16xi32>
        %mul3A_759 = arith.muli %broadcast_in_dim3A_618, %mul3A_758 : vector<16xi32>
        %add3A_760 = arith.constant 64 : i32
        %add3A_761 = vector.broadcast %add3A_760 : i32 to vector<16xi32>
        %add3A_762 = arith.addi %iota3A, %add3A_761 : vector<16xi32>
        %add3A_763 = arith.addi %mul3A_759, %add3A_762 : vector<16xi32>
        tpu.vector_store_idx %arg14[%sub3A_752], %gather3A_739 masked %and3A_756 : memref<128xf32, #tpu.memory_space<vmem>>[vector<16xi32>], vector<16xf32>, vector<16xi1>
        tpu.vector_store_idx %arg15[%sub3A_752], %add3A_763 masked %and3A_756 : memref<128xi32, #tpu.memory_space<vmem>>[vector<16xi32>], vector<16xi32>, vector<16xi1>
        %all_reduce_population_count3A_764 = tpu.all_reduce %ge3A_740 {dim = 0 : i64, kind = #tpu.reduction_kind<sum>} : vector<16xi1> -> vector<16xi32>
        %add3A_765 = arith.addi %add3A_735, %all_reduce_population_count3A_764 : vector<16xi32>
        %add3A_766 = arith.constant 80 : i32
        %add3A_767 = vector.broadcast %add3A_766 : i32 to vector<16xi32>
        %add3A_768 = arith.addi %iota3A, %add3A_767 : vector<16xi32>
        %gather3A_769 = tpu.vector_load_idx %arg13[%broadcast_in_dim3A_618, %add3A_768] : memref<32x128xf32, #tpu.memory_space<vmem>>[vector<16xi32>, vector<16xi32>], vector<16xf32>,
        %ge3A_770 = arith.cmpf oge, %gather3A_769, %gather3A_348 : vector<16xf32>
        %jit3A_771 = arith.constant 1 : i32
        %jit3A_772 = arith.constant 0 : i32
        %broadcast_in_dim3A_773 = vector.broadcast %jit3A_771 : i32 to vector<16xi32>
        %broadcast_in_dim3A_774 = vector.broadcast %jit3A_772 : i32 to vector<16xi32>
        %select_n3A_775 = arith.select %ge3A_770, %broadcast_in_dim3A_773, %broadcast_in_dim3A_774 : vector<16xi1>, vector<16xi32>
        %broadcast_in_dim3A_776 = arith.constant true
        %broadcast_in_dim3A_777 = vector.broadcast %broadcast_in_dim3A_776 : i1 to vector<16xi1>
        %masked_cumsum3A_778 = tpu.scan <sum>, %select_n3A_775 masked %broadcast_in_dim3A_777 : vector<16xi32>, vector<16xi1> -> vector<16xi32>
        %add3A_779 = arith.addi %add3A_765, %masked_cumsum3A_778 : vector<16xi32>
        %sub3A_780 = arith.constant 1 : i32
        %sub3A_781 = vector.broadcast %sub3A_780 : i32 to vector<16xi32>
        %sub3A_782 = arith.subi %add3A_779, %sub3A_781 : vector<16xi32>
        %lt3A_783 = arith.constant 128 : i32
        %lt3A_784 = vector.broadcast %lt3A_783 : i32 to vector<16xi32>
        %lt3A_785 = arith.cmpi slt, %sub3A_782, %lt3A_784 : vector<16xi32>
        %and3A_786 = arith.andi %ge3A_770, %lt3A_785 : vector<16xi1>
        %mul3A_787 = arith.constant 128 : i32
        %mul3A_788 = vector.broadcast %mul3A_787 : i32 to vector<16xi32>
        %mul3A_789 = arith.muli %broadcast_in_dim3A_618, %mul3A_788 : vector<16xi32>
        %add3A_790 = arith.constant 80 : i32
        %add3A_791 = vector.broadcast %add3A_790 : i32 to vector<16xi32>
        %add3A_792 = arith.addi %iota3A, %add3A_791 : vector<16xi32>
        %add3A_793 = arith.addi %mul3A_789, %add3A_792 : vector<16xi32>
        tpu.vector_store_idx %arg14[%sub3A_782], %gather3A_769 masked %and3A_786 : memref<128xf32, #tpu.memory_space<vmem>>[vector<16xi32>], vector<16xf32>, vector<16xi1>
        tpu.vector_store_idx %arg15[%sub3A_782], %add3A_793 masked %and3A_786 : memref<128xi32, #tpu.memory_space<vmem>>[vector<16xi32>], vector<16xi32>, vector<16xi1>
        %all_reduce_population_count3A_794 = tpu.all_reduce %ge3A_770 {dim = 0 : i64, kind = #tpu.reduction_kind<sum>} : vector<16xi1> -> vector<16xi32>
        %add3A_795 = arith.addi %add3A_765, %all_reduce_population_count3A_794 : vector<16xi32>
        %add3A_796 = arith.constant 96 : i32
        %add3A_797 = vector.broadcast %add3A_796 : i32 to vector<16xi32>
        %add3A_798 = arith.addi %iota3A, %add3A_797 : vector<16xi32>
        %gather3A_799 = tpu.vector_load_idx %arg13[%broadcast_in_dim3A_618, %add3A_798] : memref<32x128xf32, #tpu.memory_space<vmem>>[vector<16xi32>, vector<16xi32>], vector<16xf32>,
        %ge3A_800 = arith.cmpf oge, %gather3A_799, %gather3A_348 : vector<16xf32>
        %jit3A_801 = arith.constant 1 : i32
        %jit3A_802 = arith.constant 0 : i32
        %broadcast_in_dim3A_803 = vector.broadcast %jit3A_801 : i32 to vector<16xi32>
        %broadcast_in_dim3A_804 = vector.broadcast %jit3A_802 : i32 to vector<16xi32>
        %select_n3A_805 = arith.select %ge3A_800, %broadcast_in_dim3A_803, %broadcast_in_dim3A_804 : vector<16xi1>, vector<16xi32>
        %broadcast_in_dim3A_806 = arith.constant true
        %broadcast_in_dim3A_807 = vector.broadcast %broadcast_in_dim3A_806 : i1 to vector<16xi1>
        %masked_cumsum3A_808 = tpu.scan <sum>, %select_n3A_805 masked %broadcast_in_dim3A_807 : vector<16xi32>, vector<16xi1> -> vector<16xi32>
        %add3A_809 = arith.addi %add3A_795, %masked_cumsum3A_808 : vector<16xi32>
        %sub3A_810 = arith.constant 1 : i32
        %sub3A_811 = vector.broadcast %sub3A_810 : i32 to vector<16xi32>
        %sub3A_812 = arith.subi %add3A_809, %sub3A_811 : vector<16xi32>
        %lt3A_813 = arith.constant 128 : i32
        %lt3A_814 = vector.broadcast %lt3A_813 : i32 to vector<16xi32>
        %lt3A_815 = arith.cmpi slt, %sub3A_812, %lt3A_814 : vector<16xi32>
        %and3A_816 = arith.andi %ge3A_800, %lt3A_815 : vector<16xi1>
        %mul3A_817 = arith.constant 128 : i32
        %mul3A_818 = vector.broadcast %mul3A_817 : i32 to vector<16xi32>
        %mul3A_819 = arith.muli %broadcast_in_dim3A_618, %mul3A_818 : vector<16xi32>
        %add3A_820 = arith.constant 96 : i32
        %add3A_821 = vector.broadcast %add3A_820 : i32 to vector<16xi32>
        %add3A_822 = arith.addi %iota3A, %add3A_821 : vector<16xi32>
        %add3A_823 = arith.addi %mul3A_819, %add3A_822 : vector<16xi32>
        tpu.vector_store_idx %arg14[%sub3A_812], %gather3A_799 masked %and3A_816 : memref<128xf32, #tpu.memory_space<vmem>>[vector<16xi32>], vector<16xf32>, vector<16xi1>
        tpu.vector_store_idx %arg15[%sub3A_812], %add3A_823 masked %and3A_816 : memref<128xi32, #tpu.memory_space<vmem>>[vector<16xi32>], vector<16xi32>, vector<16xi1>
        %all_reduce_population_count3A_824 = tpu.all_reduce %ge3A_800 {dim = 0 : i64, kind = #tpu.reduction_kind<sum>} : vector<16xi1> -> vector<16xi32>
        %add3A_825 = arith.addi %add3A_795, %all_reduce_population_count3A_824 : vector<16xi32>
        %add3A_826 = arith.constant 112 : i32
        %add3A_827 = vector.broadcast %add3A_826 : i32 to vector<16xi32>
        %add3A_828 = arith.addi %iota3A, %add3A_827 : vector<16xi32>
        %gather3A_829 = tpu.vector_load_idx %arg13[%broadcast_in_dim3A_618, %add3A_828] : memref<32x128xf32, #tpu.memory_space<vmem>>[vector<16xi32>, vector<16xi32>], vector<16xf32>,
        %ge3A_830 = arith.cmpf oge, %gather3A_829, %gather3A_348 : vector<16xf32>
        %jit3A_831 = arith.constant 1 : i32
        %jit3A_832 = arith.constant 0 : i32
        %broadcast_in_dim3A_833 = vector.broadcast %jit3A_831 : i32 to vector<16xi32>
        %broadcast_in_dim3A_834 = vector.broadcast %jit3A_832 : i32 to vector<16xi32>
        %select_n3A_835 = arith.select %ge3A_830, %broadcast_in_dim3A_833, %broadcast_in_dim3A_834 : vector<16xi1>, vector<16xi32>
        %broadcast_in_dim3A_836 = arith.constant true
        %broadcast_in_dim3A_837 = vector.broadcast %broadcast_in_dim3A_836 : i1 to vector<16xi1>
        %masked_cumsum3A_838 = tpu.scan <sum>, %select_n3A_835 masked %broadcast_in_dim3A_837 : vector<16xi32>, vector<16xi1> -> vector<16xi32>
        %add3A_839 = arith.addi %add3A_825, %masked_cumsum3A_838 : vector<16xi32>
        %sub3A_840 = arith.constant 1 : i32
        %sub3A_841 = vector.broadcast %sub3A_840 : i32 to vector<16xi32>
        %sub3A_842 = arith.subi %add3A_839, %sub3A_841 : vector<16xi32>
        %lt3A_843 = arith.constant 128 : i32
        %lt3A_844 = vector.broadcast %lt3A_843 : i32 to vector<16xi32>
        %lt3A_845 = arith.cmpi slt, %sub3A_842, %lt3A_844 : vector<16xi32>
        %and3A_846 = arith.andi %ge3A_830, %lt3A_845 : vector<16xi1>
        %mul3A_847 = arith.constant 128 : i32
        %mul3A_848 = vector.broadcast %mul3A_847 : i32 to vector<16xi32>
        %mul3A_849 = arith.muli %broadcast_in_dim3A_618, %mul3A_848 : vector<16xi32>
        %add3A_850 = arith.constant 112 : i32
        %add3A_851 = vector.broadcast %add3A_850 : i32 to vector<16xi32>
        %add3A_852 = arith.addi %iota3A, %add3A_851 : vector<16xi32>
        %add3A_853 = arith.addi %mul3A_849, %add3A_852 : vector<16xi32>
        tpu.vector_store_idx %arg14[%sub3A_842], %gather3A_829 masked %and3A_846 : memref<128xf32, #tpu.memory_space<vmem>>[vector<16xi32>], vector<16xf32>, vector<16xi1>
        tpu.vector_store_idx %arg15[%sub3A_842], %add3A_853 masked %and3A_846 : memref<128xi32, #tpu.memory_space<vmem>>[vector<16xi32>], vector<16xi32>, vector<16xi1>
        %all_reduce_population_count3A_854 = tpu.all_reduce %ge3A_830 {dim = 0 : i64, kind = #tpu.reduction_kind<sum>} : vector<16xi1> -> vector<16xi32>
        %add3A_855 = arith.addi %add3A_825, %all_reduce_population_count3A_854 : vector<16xi32>
        scf.yield %add3A_855 : vector<16xi32>
      }
      %scan3A_391 = arith.constant 32 : i32
      %reduce_max3A_392 = arith.constant true
      %reduce_max3A_393 = vector.broadcast %reduce_max3A_392 : i1 to vector<16xi1>
      %reduce_max3A_394 = arith.constant -2147483648 : i32
      %reduce_max3A_395 = vector.broadcast %reduce_max3A_394 : i32 to vector<16xi32>
      %reduce_max3A_396 = arith.xori %scan3A_390, %reduce_max3A_395 : vector<16xi32>
      %reduce_max3A_397 = tpu.scan <max>, %reduce_max3A_396 masked %reduce_max3A_393 : vector<16xi32>, vector<16xi1> -> vector<16xi32>
      %reduce_max3A_398 = arith.xori %reduce_max3A_397, %reduce_max3A_395 : vector<16xi32>
      %reduce_max3A_399 = vector.extract %reduce_max3A_398[15] : i32 from vector<16xi32>
      %min3A_400 = arith.constant 128 : i32
      %min3A_401 = arith.minsi %reduce_max3A_399, %min3A_400 : i32
      %add3A_402 = arith.constant 15 : i32
      %add3A_403 = arith.addi %min3A_401, %add3A_402 : i32
      %jit3A_404 = arith.constant 16 : i32
      %div3A_405 = arith.divsi %add3A_403, %jit3A_404 : i32
      %sign3A_406 = arith.constant 0 : i32
      %sign3A_407 = arith.cmpi sgt, %add3A_403, %sign3A_406 : i32
      %sign3A_408 = arith.extui %sign3A_407 : i1 to i32
      %sign3A_409 = arith.constant 0 : i32
      %sign3A_410 = arith.cmpi slt, %add3A_403, %sign3A_409 : i32
      %sign3A_411 = arith.extui %sign3A_410 : i1 to i32
      %sign3A_412 = arith.subi %sign3A_408, %sign3A_411 : i32
      %sign3A_413 = arith.constant 0 : i32
      %sign3A_414 = arith.cmpi sgt, %jit3A_404, %sign3A_413 : i32
      %sign3A_415 = arith.extui %sign3A_414 : i1 to i32
      %sign3A_416 = arith.constant 0 : i32
      %sign3A_417 = arith.cmpi slt, %jit3A_404, %sign3A_416 : i32
      %sign3A_418 = arith.extui %sign3A_417 : i1 to i32
      %sign3A_419 = arith.subi %sign3A_415, %sign3A_418 : i32
      %ne3A_420 = arith.cmpi ne, %sign3A_412, %sign3A_419 : i32
      %rem3A_421 = arith.remsi %add3A_403, %jit3A_404 : i32
      %ne3A_422 = arith.constant 0 : i32
      %ne3A_423 = arith.cmpi ne, %rem3A_421, %ne3A_422 : i32
      %and3A_424 = arith.andi %ne3A_420, %ne3A_423 : i1
      %sub3A_425 = arith.constant 1 : i32
      %sub3A_426 = arith.subi %div3A_405, %sub3A_425 : i32
      %select_n3A_427 = arith.select %and3A_424, %sub3A_426, %div3A_405 : i32
      %scan3A_428 = arith.constant 0 : i32
      %scan3A_429 = arith.constant 0 : i32
      %scan3A_430 = arith.constant 32 : i32
      %scan3A_431 = arith.addi %scan3A_429, %scan3A_430 : i32
      %scan3A_432 = arith.constant 1 : i32
      %scan3A_433 = scf.for %scan3A_616 = %scan3A_429 to %scan3A_431 step %scan3A_432 iter_args(%scan3A_617 = %scan3A_428) -> (i32)  : i32 {
        %broadcast_in_dim3A_618 = arith.constant -3.000000e+38 : f32
        %broadcast_in_dim3A_619 = vector.broadcast %broadcast_in_dim3A_618 : f32 to vector<16xf32>
        %broadcast_in_dim3A_620 = arith.constant 0 : i32
        %broadcast_in_dim3A_621 = vector.broadcast %broadcast_in_dim3A_620 : i32 to vector<16xi32>
        %while3A = arith.constant 0 : i32
        %while3A_622 = arith.subi %select_n3A_427, %while3A : i32
        %while3A_623 = arith.addi %while3A, %while3A_622 : i32
        %while3A_624 = arith.constant 1 : i32
        %while3A_625 = arith.divsi %while3A_622, %while3A_624 : i32
        %while3A_626 = arith.muli %while3A_625, %while3A_624 : i32
        %while3A_627 = arith.addi %while3A, %while3A_626 : i32
        %while3A_628 = arith.constant 1 : i32
        %while3A_629:2 = scf.for %while3A_655 = %while3A to %while3A_627 step %while3A_628 iter_args(%while3A_656 = %broadcast_in_dim3A_619, %while3A_657 = %broadcast_in_dim3A_621) -> (vector<16xf32>, vector<16xi32>)  : i32 {
          %mul3A_658 = arith.constant 16 : i32
          %mul3A_659 = arith.muli %while3A_655, %mul3A_658 : i32
          %add3A_660 = vector.broadcast %mul3A_659 : i32 to vector<16xi32>
          %add3A_661 = arith.addi %add3A_660, %iota3A : vector<16xi32>
          %gather3A_662 = tpu.vector_load_idx %arg14[%add3A_661] : memref<128xf32, #tpu.memory_space<vmem>>[vector<16xi32>], vector<16xf32>,
          %gather3A_663 = tpu.vector_load_idx %arg15[%add3A_661] : memref<128xi32, #tpu.memory_space<vmem>>[vector<16xi32>], vector<16xi32>,
          %gt3A = arith.cmpf ogt, %gather3A_662, %while3A_656 : vector<16xf32>
          %select_n3A_664 = arith.select %gt3A, %gather3A_662, %while3A_656 : vector<16xi1>, vector<16xf32>
          %mul3A_665 = arith.constant 4096 : i32
          %mul3A_666 = vector.broadcast %mul3A_665 : i32 to vector<16xi32>
          %mul3A_667 = arith.muli %add3A_661, %mul3A_666 : vector<16xi32>
          %add3A_668 = arith.addi %mul3A_667, %gather3A_663 : vector<16xi32>
          %select_n3A_669 = arith.select %gt3A, %add3A_668, %while3A_657 : vector<16xi1>, vector<16xi32>
          scf.yield %select_n3A_664, %select_n3A_669 : vector<16xf32>, vector<16xi32>
        }
        %while3A_630 = arith.constant 1 : i32
        %while3A_631:2 = scf.for %while3A_655 = %while3A_627 to %while3A_623 step %while3A_630 iter_args(%while3A_656 = %while3A_629#0, %while3A_657 = %while3A_629#1) -> (vector<16xf32>, vector<16xi32>)  : i32 {
          %mul3A_658 = arith.constant 16 : i32
          %mul3A_659 = arith.muli %while3A_655, %mul3A_658 : i32
          %add3A_660 = vector.broadcast %mul3A_659 : i32 to vector<16xi32>
          %add3A_661 = arith.addi %add3A_660, %iota3A : vector<16xi32>
          %gather3A_662 = tpu.vector_load_idx %arg14[%add3A_661] : memref<128xf32, #tpu.memory_space<vmem>>[vector<16xi32>], vector<16xf32>,
          %gather3A_663 = tpu.vector_load_idx %arg15[%add3A_661] : memref<128xi32, #tpu.memory_space<vmem>>[vector<16xi32>], vector<16xi32>,
          %gt3A = arith.cmpf ogt, %gather3A_662, %while3A_656 : vector<16xf32>
          %select_n3A_664 = arith.select %gt3A, %gather3A_662, %while3A_656 : vector<16xi1>, vector<16xf32>
          %mul3A_665 = arith.constant 4096 : i32
          %mul3A_666 = vector.broadcast %mul3A_665 : i32 to vector<16xi32>
          %mul3A_667 = arith.muli %add3A_661, %mul3A_666 : vector<16xi32>
          %add3A_668 = arith.addi %mul3A_667, %gather3A_663 : vector<16xi32>
          %select_n3A_669 = arith.select %gt3A, %add3A_668, %while3A_657 : vector<16xi1>, vector<16xi32>
          scf.yield %select_n3A_664, %select_n3A_669 : vector<16xf32>, vector<16xi32>
        }
        %masked_sort3A = arith.constant dense<true> : vector<16xi1>
        %masked_sort3A_632, %masked_sort3A_633, %masked_sort3A_634 = tpu.sort %while3A_631#0, %while3A_631#1 masked %masked_sort3A {descending = true} : (vector<16xf32>, vector<16xi32>, vector<16xi1>) -> (vector<16xi1>, vector<16xf32>, vector<16xi32>)
        %swap3A_635 = arith.constant 0 : index
        %swap3A_636 = tpu.vector_load %arg16[%swap3A_635] {strides = array<i32>} : memref<16xf32, #tpu.memory_space<vmem>>, vector<16xf32>,
        tpu.vector_store %arg16[%swap3A_635], %masked_sort3A_633 {strides = array<i32>} : memref<16xf32, #tpu.memory_space<vmem>>, vector<16xf32>,
        %swap3A_637 = arith.constant 0 : index
        %swap3A_638 = tpu.vector_load %arg17[%swap3A_637] {strides = array<i32>} : memref<16xi32, #tpu.memory_space<vmem>>, vector<16xi32>,
        tpu.vector_store %arg17[%swap3A_637], %masked_sort3A_634 {strides = array<i32>} : memref<16xi32, #tpu.memory_space<vmem>>, vector<16xi32>,
        %broadcast_in_dim3A_639 = arith.constant 0 : i32
        %broadcast_in_dim3A_640 = vector.broadcast %broadcast_in_dim3A_639 : i32 to vector<16xi32>
        %gather3A_641 = tpu.vector_load_idx %arg16[%broadcast_in_dim3A_640] : memref<16xf32, #tpu.memory_space<vmem>>[vector<16xi32>], vector<16xf32>,
        %broadcast_in_dim3A_642 = arith.constant 0 : i32
        %broadcast_in_dim3A_643 = vector.broadcast %broadcast_in_dim3A_642 : i32 to vector<16xi32>
        %gather3A_644 = tpu.vector_load_idx %arg17[%broadcast_in_dim3A_643] : memref<16xi32, #tpu.memory_space<vmem>>[vector<16xi32>], vector<16xi32>,
        %shift_right_logical3A_645 = arith.constant 12 : i32
        %shift_right_logical3A_646 = vector.broadcast %shift_right_logical3A_645 : i32 to vector<16xi32>
        %shift_right_logical3A_647 = arith.shrui %gather3A_644, %shift_right_logical3A_646 : vector<16xi32>
        %and3A_648 = arith.constant 4095 : i32
        %and3A_649 = vector.broadcast %and3A_648 : i32 to vector<16xi32>
        %and3A_650 = arith.andi %gather3A_644, %and3A_649 : vector<16xi32>
        %broadcast_in_dim3A_651 = vector.broadcast %scan3A_616 : i32 to vector<16xi32>
        tpu.vector_store_idx %arg18[%broadcast_in_dim3A_651], %gather3A_641 masked %eq3A_4 : memref<32xf32, #tpu.memory_space<vmem>>[vector<16xi32>], vector<16xf32>, vector<16xi1>
        tpu.vector_store_idx %arg19[%broadcast_in_dim3A_651], %and3A_650 masked %eq3A_4 : memref<32xi32, #tpu.memory_space<vmem>>[vector<16xi32>], vector<16xi32>, vector<16xi1>
        %broadcast_in_dim3A_652 = arith.constant -3.000000e+38 : f32
        %broadcast_in_dim3A_653 = vector.broadcast %broadcast_in_dim3A_652 : f32 to vector<16xf32>
        tpu.vector_store_idx %arg14[%shift_right_logical3A_647], %broadcast_in_dim3A_653 masked %eq3A_4 : memref<128xf32, #tpu.memory_space<vmem>>[vector<16xi32>], vector<16xf32>, vector<16xi1>
        %scan3A_654 = arith.constant 0 : i32
        scf.yield %scan3A_654 : i32
      }
      %scan3A_434 = arith.constant 32 : i32
      %get3A_435 = arith.constant 0 : index
      %get3A_436 = tpu.vector_load %arg18[%get3A_435] {strides = array<i32>} : memref<32xf32, #tpu.memory_space<vmem>>, vector<16xf32>,
      %sub3A_437 = arith.subf %get3A_436, %gather3A_351 : vector<16xf32>
      %exp3A_438 = math.exp %sub3A_437 : vector<16xf32>
      %get3A_439 = arith.constant 16 : index
      %get3A_440 = tpu.vector_load %arg18[%get3A_439] {strides = array<i32>} : memref<32xf32, #tpu.memory_space<vmem>>, vector<16xf32>,
      %sub3A_441 = arith.subf %get3A_440, %gather3A_351 : vector<16xf32>
      %exp3A_442 = math.exp %sub3A_441 : vector<16xf32>
      %add3A_443 = arith.addf %exp3A_438, %exp3A_442 : vector<16xf32>
      %broadcast_in_dim3A_444 = arith.constant true
      %broadcast_in_dim3A_445 = vector.broadcast %broadcast_in_dim3A_444 : i1 to vector<16xi1>
      %masked_cumsum3A_446 = tpu.scan <sum>, %add3A_443 masked %broadcast_in_dim3A_445 : vector<16xf32>, vector<16xi1> -> vector<16xf32>
      %swap3A_447 = arith.constant 0 : index
      %swap3A_448 = tpu.vector_load %arg16[%swap3A_447] {strides = array<i32>} : memref<16xf32, #tpu.memory_space<vmem>>, vector<16xf32>,
      tpu.vector_store %arg16[%swap3A_447], %masked_cumsum3A_446 {strides = array<i32>} : memref<16xf32, #tpu.memory_space<vmem>>, vector<16xf32>,
      %broadcast_in_dim3A_449 = arith.constant 15 : i32
      %broadcast_in_dim3A_450 = vector.broadcast %broadcast_in_dim3A_449 : i32 to vector<16xi32>
      %gather3A_451 = tpu.vector_load_idx %arg16[%broadcast_in_dim3A_450] : memref<16xf32, #tpu.memory_space<vmem>>[vector<16xi32>], vector<16xf32>,
      %broadcast_in_dim3A_452 = arith.constant 5.000000e-01 : f32
      %broadcast_in_dim3A_453 = vector.broadcast %broadcast_in_dim3A_452 : f32 to vector<16xf32>
      %div3A_454 = arith.divf %broadcast_in_dim3A_453, %gather3A_451 : vector<16xf32>
      %mul3A_455 = arith.mulf %exp3A_438, %div3A_454 : vector<16xf32>
      %swap3A_456 = arith.constant 0 : index
      %swap3A_457 = tpu.vector_load %arg20[%swap3A_456] {strides = array<i32>} : memref<32xf32, #tpu.memory_space<vmem>>, vector<16xf32>,
      tpu.vector_store %arg20[%swap3A_456], %mul3A_455 {strides = array<i32>} : memref<32xf32, #tpu.memory_space<vmem>>, vector<16xf32>,
      %mul3A_458 = arith.mulf %exp3A_442, %div3A_454 : vector<16xf32>
      %swap3A_459 = arith.constant 16 : index
      %swap3A_460 = tpu.vector_load %arg20[%swap3A_459] {strides = array<i32>} : memref<32xf32, #tpu.memory_space<vmem>>, vector<16xf32>,
      tpu.vector_store %arg20[%swap3A_459], %mul3A_458 {strides = array<i32>} : memref<32xf32, #tpu.memory_space<vmem>>, vector<16xf32>,
      %get3A_461 = arith.constant 0 : index
      %get3A_462 = tpu.vector_load %arg19[%get3A_461] {strides = array<i32>} : memref<32xi32, #tpu.memory_space<vmem>>, vector<16xi32>,
      %shift_right_logical3A_463 = arith.constant 7 : i32
      %shift_right_logical3A_464 = vector.broadcast %shift_right_logical3A_463 : i32 to vector<16xi32>
      %shift_right_logical3A_465 = arith.shrui %get3A_462, %shift_right_logical3A_464 : vector<16xi32>
      %gather3A_466 = tpu.vector_load_idx %arg8[%broadcast_in_dim3A_345, %shift_right_logical3A_465] : memref<16x32xi32, #tpu.memory_space<vmem>>[vector<16xi32>, vector<16xi32>], vector<16xi32>,
      %mul3A_467 = arith.constant 128 : i32
      %mul3A_468 = vector.broadcast %mul3A_467 : i32 to vector<16xi32>
      %mul3A_469 = arith.muli %gather3A_466, %mul3A_468 : vector<16xi32>
      %and3A_470 = arith.constant 127 : i32
      %and3A_471 = vector.broadcast %and3A_470 : i32 to vector<16xi32>
      %and3A_472 = arith.andi %get3A_462, %and3A_471 : vector<16xi32>
      %add3A_473 = arith.addi %mul3A_469, %and3A_472 : vector<16xi32>
      %swap3A_474 = arith.constant 0 : index
      %swap3A_475 = tpu.vector_load %arg21[%swap3A_474] {strides = array<i32>} : memref<32xi32, #tpu.memory_space<vmem>>, vector<16xi32>,
      tpu.vector_store %arg21[%swap3A_474], %add3A_473 {strides = array<i32>} : memref<32xi32, #tpu.memory_space<vmem>>, vector<16xi32>,
      %get3A_476 = arith.constant 16 : index
      %get3A_477 = tpu.vector_load %arg19[%get3A_476] {strides = array<i32>} : memref<32xi32, #tpu.memory_space<vmem>>, vector<16xi32>,
      %shift_right_logical3A_478 = arith.constant 7 : i32
      %shift_right_logical3A_479 = vector.broadcast %shift_right_logical3A_478 : i32 to vector<16xi32>
      %shift_right_logical3A_480 = arith.shrui %get3A_477, %shift_right_logical3A_479 : vector<16xi32>
      %gather3A_481 = tpu.vector_load_idx %arg8[%broadcast_in_dim3A_345, %shift_right_logical3A_480] : memref<16x32xi32, #tpu.memory_space<vmem>>[vector<16xi32>, vector<16xi32>], vector<16xi32>,
      %mul3A_482 = arith.constant 128 : i32
      %mul3A_483 = vector.broadcast %mul3A_482 : i32 to vector<16xi32>
      %mul3A_484 = arith.muli %gather3A_481, %mul3A_483 : vector<16xi32>
      %and3A_485 = arith.constant 127 : i32
      %and3A_486 = vector.broadcast %and3A_485 : i32 to vector<16xi32>
      %and3A_487 = arith.andi %get3A_477, %and3A_486 : vector<16xi32>
      %add3A_488 = arith.addi %mul3A_484, %and3A_487 : vector<16xi32>
      %swap3A_489 = arith.constant 16 : index
      %swap3A_490 = tpu.vector_load %arg21[%swap3A_489] {strides = array<i32>} : memref<32xi32, #tpu.memory_space<vmem>>, vector<16xi32>,
      tpu.vector_store %arg21[%swap3A_489], %add3A_488 {strides = array<i32>} : memref<32xi32, #tpu.memory_space<vmem>>, vector<16xi32>,
      %dma_start3A_491 = arith.constant 0 : i32
      %dma_start3A_492 = arith.constant 0 : i32
      %dma_start3A_493 = tpu.memref_slice %arg5[%dma_start3A_491, %dma_start3A_492] : memref<65536x256xf32, #tpu.memory_space<hbm>> -> memref<65536x256xf32, #tpu.memory_space<hbm>>
      tpu.enqueue_indirect_dma source(%dma_start3A_493 : memref<65536x256xf32, #tpu.memory_space<hbm>>) target(%arg22 : memref<32x256xf32, #tpu.memory_space<vmem>>) offsets(%arg21 : memref<32xi32, #tpu.memory_space<vmem>>) semaphore(%arg27 : memref<!tpu.dma_semaphore, #tpu.memory_space<semaphore_mem>>)
      %dma_wait3A_494 = arith.constant 0 : i32
      %dma_wait3A_495 = arith.constant 0 : i32
      %dma_wait3A_496 = tpu.memref_slice %arg5[%dma_wait3A_494, %dma_wait3A_495] : memref<65536x256xf32, #tpu.memory_space<hbm>> -> memref<65536x256xf32, #tpu.memory_space<hbm>>
      tpu.wait_indirect_dma semaphore(%arg27 : memref<!tpu.dma_semaphore, #tpu.memory_space<semaphore_mem>>) src(%dma_wait3A_496 : memref<65536x256xf32, #tpu.memory_space<hbm>>) dst(%arg22 : memref<32x256xf32, #tpu.memory_space<vmem>>)
      %add3A_497 = arith.constant 0 : i32
      %add3A_498 = vector.broadcast %add3A_497 : i32 to vector<16xi32>
      %add3A_499 = arith.addi %iota3A, %add3A_498 : vector<16xi32>
      %gather3A_500 = tpu.vector_load_idx %arg23[%broadcast_in_dim3A_345, %add3A_499] : memref<16x256xf32, #tpu.memory_space<vmem>>[vector<16xi32>, vector<16xi32>], vector<16xf32>,
      %add3A_501 = arith.constant 16 : i32
      %add3A_502 = vector.broadcast %add3A_501 : i32 to vector<16xi32>
      %add3A_503 = arith.addi %iota3A, %add3A_502 : vector<16xi32>
      %gather3A_504 = tpu.vector_load_idx %arg23[%broadcast_in_dim3A_345, %add3A_503] : memref<16x256xf32, #tpu.memory_space<vmem>>[vector<16xi32>, vector<16xi32>], vector<16xf32>,
      %add3A_505 = arith.constant 32 : i32
      %add3A_506 = vector.broadcast %add3A_505 : i32 to vector<16xi32>
      %add3A_507 = arith.addi %iota3A, %add3A_506 : vector<16xi32>
      %gather3A_508 = tpu.vector_load_idx %arg23[%broadcast_in_dim3A_345, %add3A_507] : memref<16x256xf32, #tpu.memory_space<vmem>>[vector<16xi32>, vector<16xi32>], vector<16xf32>,
      %add3A_509 = arith.constant 48 : i32
      %add3A_510 = vector.broadcast %add3A_509 : i32 to vector<16xi32>
      %add3A_511 = arith.addi %iota3A, %add3A_510 : vector<16xi32>
      %gather3A_512 = tpu.vector_load_idx %arg23[%broadcast_in_dim3A_345, %add3A_511] : memref<16x256xf32, #tpu.memory_space<vmem>>[vector<16xi32>, vector<16xi32>], vector<16xf32>,
      %add3A_513 = arith.constant 64 : i32
      %add3A_514 = vector.broadcast %add3A_513 : i32 to vector<16xi32>
      %add3A_515 = arith.addi %iota3A, %add3A_514 : vector<16xi32>
      %gather3A_516 = tpu.vector_load_idx %arg23[%broadcast_in_dim3A_345, %add3A_515] : memref<16x256xf32, #tpu.memory_space<vmem>>[vector<16xi32>, vector<16xi32>], vector<16xf32>,
      %add3A_517 = arith.constant 80 : i32
      %add3A_518 = vector.broadcast %add3A_517 : i32 to vector<16xi32>
      %add3A_519 = arith.addi %iota3A, %add3A_518 : vector<16xi32>
      %gather3A_520 = tpu.vector_load_idx %arg23[%broadcast_in_dim3A_345, %add3A_519] : memref<16x256xf32, #tpu.memory_space<vmem>>[vector<16xi32>, vector<16xi32>], vector<16xf32>,
      %add3A_521 = arith.constant 96 : i32
      %add3A_522 = vector.broadcast %add3A_521 : i32 to vector<16xi32>
      %add3A_523 = arith.addi %iota3A, %add3A_522 : vector<16xi32>
      %gather3A_524 = tpu.vector_load_idx %arg23[%broadcast_in_dim3A_345, %add3A_523] : memref<16x256xf32, #tpu.memory_space<vmem>>[vector<16xi32>, vector<16xi32>], vector<16xf32>,
      %add3A_525 = arith.constant 112 : i32
      %add3A_526 = vector.broadcast %add3A_525 : i32 to vector<16xi32>
      %add3A_527 = arith.addi %iota3A, %add3A_526 : vector<16xi32>
      %gather3A_528 = tpu.vector_load_idx %arg23[%broadcast_in_dim3A_345, %add3A_527] : memref<16x256xf32, #tpu.memory_space<vmem>>[vector<16xi32>, vector<16xi32>], vector<16xf32>,
      %add3A_529 = arith.constant 128 : i32
      %add3A_530 = vector.broadcast %add3A_529 : i32 to vector<16xi32>
      %add3A_531 = arith.addi %iota3A, %add3A_530 : vector<16xi32>
      %gather3A_532 = tpu.vector_load_idx %arg23[%broadcast_in_dim3A_345, %add3A_531] : memref<16x256xf32, #tpu.memory_space<vmem>>[vector<16xi32>, vector<16xi32>], vector<16xf32>,
      %add3A_533 = arith.constant 144 : i32
      %add3A_534 = vector.broadcast %add3A_533 : i32 to vector<16xi32>
      %add3A_535 = arith.addi %iota3A, %add3A_534 : vector<16xi32>
      %gather3A_536 = tpu.vector_load_idx %arg23[%broadcast_in_dim3A_345, %add3A_535] : memref<16x256xf32, #tpu.memory_space<vmem>>[vector<16xi32>, vector<16xi32>], vector<16xf32>,
      %add3A_537 = arith.constant 160 : i32
      %add3A_538 = vector.broadcast %add3A_537 : i32 to vector<16xi32>
      %add3A_539 = arith.addi %iota3A, %add3A_538 : vector<16xi32>
      %gather3A_540 = tpu.vector_load_idx %arg23[%broadcast_in_dim3A_345, %add3A_539] : memref<16x256xf32, #tpu.memory_space<vmem>>[vector<16xi32>, vector<16xi32>], vector<16xf32>,
      %add3A_541 = arith.constant 176 : i32
      %add3A_542 = vector.broadcast %add3A_541 : i32 to vector<16xi32>
      %add3A_543 = arith.addi %iota3A, %add3A_542 : vector<16xi32>
      %gather3A_544 = tpu.vector_load_idx %arg23[%broadcast_in_dim3A_345, %add3A_543] : memref<16x256xf32, #tpu.memory_space<vmem>>[vector<16xi32>, vector<16xi32>], vector<16xf32>,
      %add3A_545 = arith.constant 192 : i32
      %add3A_546 = vector.broadcast %add3A_545 : i32 to vector<16xi32>
      %add3A_547 = arith.addi %iota3A, %add3A_546 : vector<16xi32>
      %gather3A_548 = tpu.vector_load_idx %arg23[%broadcast_in_dim3A_345, %add3A_547] : memref<16x256xf32, #tpu.memory_space<vmem>>[vector<16xi32>, vector<16xi32>], vector<16xf32>,
      %add3A_549 = arith.constant 208 : i32
      %add3A_550 = vector.broadcast %add3A_549 : i32 to vector<16xi32>
      %add3A_551 = arith.addi %iota3A, %add3A_550 : vector<16xi32>
      %gather3A_552 = tpu.vector_load_idx %arg23[%broadcast_in_dim3A_345, %add3A_551] : memref<16x256xf32, #tpu.memory_space<vmem>>[vector<16xi32>, vector<16xi32>], vector<16xf32>,
      %add3A_553 = arith.constant 224 : i32
      %add3A_554 = vector.broadcast %add3A_553 : i32 to vector<16xi32>
      %add3A_555 = arith.addi %iota3A, %add3A_554 : vector<16xi32>
      %gather3A_556 = tpu.vector_load_idx %arg23[%broadcast_in_dim3A_345, %add3A_555] : memref<16x256xf32, #tpu.memory_space<vmem>>[vector<16xi32>, vector<16xi32>], vector<16xf32>,
      %add3A_557 = arith.constant 240 : i32
      %add3A_558 = vector.broadcast %add3A_557 : i32 to vector<16xi32>
      %add3A_559 = arith.addi %iota3A, %add3A_558 : vector<16xi32>
      %gather3A_560 = tpu.vector_load_idx %arg23[%broadcast_in_dim3A_345, %add3A_559] : memref<16x256xf32, #tpu.memory_space<vmem>>[vector<16xi32>, vector<16xi32>], vector<16xf32>,
      %scan3A_561 = arith.constant 0 : i32
      %scan3A_562 = arith.constant 32 : i32
      %scan3A_563 = arith.addi %scan3A_561, %scan3A_562 : i32
      %scan3A_564 = arith.constant 1 : i32
      %scan3A_565:16 = scf.for %scan3A_616 = %scan3A_561 to %scan3A_563 step %scan3A_564 iter_args(%scan3A_617 = %gather3A_500, %scan3A_618 = %gather3A_504, %scan3A_619 = %gather3A_508, %scan3A_620 = %gather3A_512, %scan3A_621 = %gather3A_516, %scan3A_622 = %gather3A_520, %scan3A_623 = %gather3A_524, %scan3A_624 = %gather3A_528, %scan3A_625 = %gather3A_532, %scan3A_626 = %gather3A_536, %scan3A_627 = %gather3A_540, %scan3A_628 = %gather3A_544, %scan3A_629 = %gather3A_548, %scan3A_630 = %gather3A_552, %scan3A_631 = %gather3A_556, %scan3A_632 = %gather3A_560) -> (vector<16xf32>, vector<16xf32>, vector<16xf32>, vector<16xf32>, vector<16xf32>, vector<16xf32>, vector<16xf32>, vector<16xf32>, vector<16xf32>, vector<16xf32>, vector<16xf32>, vector<16xf32>, vector<16xf32>, vector<16xf32>, vector<16xf32>, vector<16xf32>)  : i32 {
        %broadcast_in_dim3A_633 = vector.broadcast %scan3A_616 : i32 to vector<16xi32>
        %gather3A_634 = tpu.vector_load_idx %arg20[%broadcast_in_dim3A_633] : memref<32xf32, #tpu.memory_space<vmem>>[vector<16xi32>], vector<16xf32>,
        %add3A_635 = arith.constant 0 : i32
        %add3A_636 = vector.broadcast %add3A_635 : i32 to vector<16xi32>
        %add3A_637 = arith.addi %iota3A, %add3A_636 : vector<16xi32>
        %gather3A_638 = tpu.vector_load_idx %arg22[%broadcast_in_dim3A_633, %add3A_637] : memref<32x256xf32, #tpu.memory_space<vmem>>[vector<16xi32>, vector<16xi32>], vector<16xf32>,
        %mul3A_639 = arith.mulf %gather3A_634, %gather3A_638 : vector<16xf32>
        %add3A_640 = arith.addf %scan3A_617, %mul3A_639 : vector<16xf32>
        %add3A_641 = arith.constant 16 : i32
        %add3A_642 = vector.broadcast %add3A_641 : i32 to vector<16xi32>
        %add3A_643 = arith.addi %iota3A, %add3A_642 : vector<16xi32>
        %gather3A_644 = tpu.vector_load_idx %arg22[%broadcast_in_dim3A_633, %add3A_643] : memref<32x256xf32, #tpu.memory_space<vmem>>[vector<16xi32>, vector<16xi32>], vector<16xf32>,
        %mul3A_645 = arith.mulf %gather3A_634, %gather3A_644 : vector<16xf32>
        %add3A_646 = arith.addf %scan3A_618, %mul3A_645 : vector<16xf32>
        %add3A_647 = arith.constant 32 : i32
        %add3A_648 = vector.broadcast %add3A_647 : i32 to vector<16xi32>
        %add3A_649 = arith.addi %iota3A, %add3A_648 : vector<16xi32>
        %gather3A_650 = tpu.vector_load_idx %arg22[%broadcast_in_dim3A_633, %add3A_649] : memref<32x256xf32, #tpu.memory_space<vmem>>[vector<16xi32>, vector<16xi32>], vector<16xf32>,
        %mul3A_651 = arith.mulf %gather3A_634, %gather3A_650 : vector<16xf32>
        %add3A_652 = arith.addf %scan3A_619, %mul3A_651 : vector<16xf32>
        %add3A_653 = arith.constant 48 : i32
        %add3A_654 = vector.broadcast %add3A_653 : i32 to vector<16xi32>
        %add3A_655 = arith.addi %iota3A, %add3A_654 : vector<16xi32>
        %gather3A_656 = tpu.vector_load_idx %arg22[%broadcast_in_dim3A_633, %add3A_655] : memref<32x256xf32, #tpu.memory_space<vmem>>[vector<16xi32>, vector<16xi32>], vector<16xf32>,
        %mul3A_657 = arith.mulf %gather3A_634, %gather3A_656 : vector<16xf32>
        %add3A_658 = arith.addf %scan3A_620, %mul3A_657 : vector<16xf32>
        %add3A_659 = arith.constant 64 : i32
        %add3A_660 = vector.broadcast %add3A_659 : i32 to vector<16xi32>
        %add3A_661 = arith.addi %iota3A, %add3A_660 : vector<16xi32>
        %gather3A_662 = tpu.vector_load_idx %arg22[%broadcast_in_dim3A_633, %add3A_661] : memref<32x256xf32, #tpu.memory_space<vmem>>[vector<16xi32>, vector<16xi32>], vector<16xf32>,
        %mul3A_663 = arith.mulf %gather3A_634, %gather3A_662 : vector<16xf32>
        %add3A_664 = arith.addf %scan3A_621, %mul3A_663 : vector<16xf32>
        %add3A_665 = arith.constant 80 : i32
        %add3A_666 = vector.broadcast %add3A_665 : i32 to vector<16xi32>
        %add3A_667 = arith.addi %iota3A, %add3A_666 : vector<16xi32>
        %gather3A_668 = tpu.vector_load_idx %arg22[%broadcast_in_dim3A_633, %add3A_667] : memref<32x256xf32, #tpu.memory_space<vmem>>[vector<16xi32>, vector<16xi32>], vector<16xf32>,
        %mul3A_669 = arith.mulf %gather3A_634, %gather3A_668 : vector<16xf32>
        %add3A_670 = arith.addf %scan3A_622, %mul3A_669 : vector<16xf32>
        %add3A_671 = arith.constant 96 : i32
        %add3A_672 = vector.broadcast %add3A_671 : i32 to vector<16xi32>
        %add3A_673 = arith.addi %iota3A, %add3A_672 : vector<16xi32>
        %gather3A_674 = tpu.vector_load_idx %arg22[%broadcast_in_dim3A_633, %add3A_673] : memref<32x256xf32, #tpu.memory_space<vmem>>[vector<16xi32>, vector<16xi32>], vector<16xf32>,
        %mul3A_675 = arith.mulf %gather3A_634, %gather3A_674 : vector<16xf32>
        %add3A_676 = arith.addf %scan3A_623, %mul3A_675 : vector<16xf32>
        %add3A_677 = arith.constant 112 : i32
        %add3A_678 = vector.broadcast %add3A_677 : i32 to vector<16xi32>
        %add3A_679 = arith.addi %iota3A, %add3A_678 : vector<16xi32>
        %gather3A_680 = tpu.vector_load_idx %arg22[%broadcast_in_dim3A_633, %add3A_679] : memref<32x256xf32, #tpu.memory_space<vmem>>[vector<16xi32>, vector<16xi32>], vector<16xf32>,
        %mul3A_681 = arith.mulf %gather3A_634, %gather3A_680 : vector<16xf32>
        %add3A_682 = arith.addf %scan3A_624, %mul3A_681 : vector<16xf32>
        %add3A_683 = arith.constant 128 : i32
        %add3A_684 = vector.broadcast %add3A_683 : i32 to vector<16xi32>
        %add3A_685 = arith.addi %iota3A, %add3A_684 : vector<16xi32>
        %gather3A_686 = tpu.vector_load_idx %arg22[%broadcast_in_dim3A_633, %add3A_685] : memref<32x256xf32, #tpu.memory_space<vmem>>[vector<16xi32>, vector<16xi32>], vector<16xf32>,
        %mul3A_687 = arith.mulf %gather3A_634, %gather3A_686 : vector<16xf32>
        %add3A_688 = arith.addf %scan3A_625, %mul3A_687 : vector<16xf32>
        %add3A_689 = arith.constant 144 : i32
        %add3A_690 = vector.broadcast %add3A_689 : i32 to vector<16xi32>
        %add3A_691 = arith.addi %iota3A, %add3A_690 : vector<16xi32>
        %gather3A_692 = tpu.vector_load_idx %arg22[%broadcast_in_dim3A_633, %add3A_691] : memref<32x256xf32, #tpu.memory_space<vmem>>[vector<16xi32>, vector<16xi32>], vector<16xf32>,
        %mul3A_693 = arith.mulf %gather3A_634, %gather3A_692 : vector<16xf32>
        %add3A_694 = arith.addf %scan3A_626, %mul3A_693 : vector<16xf32>
        %add3A_695 = arith.constant 160 : i32
        %add3A_696 = vector.broadcast %add3A_695 : i32 to vector<16xi32>
        %add3A_697 = arith.addi %iota3A, %add3A_696 : vector<16xi32>
        %gather3A_698 = tpu.vector_load_idx %arg22[%broadcast_in_dim3A_633, %add3A_697] : memref<32x256xf32, #tpu.memory_space<vmem>>[vector<16xi32>, vector<16xi32>], vector<16xf32>,
        %mul3A_699 = arith.mulf %gather3A_634, %gather3A_698 : vector<16xf32>
        %add3A_700 = arith.addf %scan3A_627, %mul3A_699 : vector<16xf32>
        %add3A_701 = arith.constant 176 : i32
        %add3A_702 = vector.broadcast %add3A_701 : i32 to vector<16xi32>
        %add3A_703 = arith.addi %iota3A, %add3A_702 : vector<16xi32>
        %gather3A_704 = tpu.vector_load_idx %arg22[%broadcast_in_dim3A_633, %add3A_703] : memref<32x256xf32, #tpu.memory_space<vmem>>[vector<16xi32>, vector<16xi32>], vector<16xf32>,
        %mul3A_705 = arith.mulf %gather3A_634, %gather3A_704 : vector<16xf32>
        %add3A_706 = arith.addf %scan3A_628, %mul3A_705 : vector<16xf32>
        %add3A_707 = arith.constant 192 : i32
        %add3A_708 = vector.broadcast %add3A_707 : i32 to vector<16xi32>
        %add3A_709 = arith.addi %iota3A, %add3A_708 : vector<16xi32>
        %gather3A_710 = tpu.vector_load_idx %arg22[%broadcast_in_dim3A_633, %add3A_709] : memref<32x256xf32, #tpu.memory_space<vmem>>[vector<16xi32>, vector<16xi32>], vector<16xf32>,
        %mul3A_711 = arith.mulf %gather3A_634, %gather3A_710 : vector<16xf32>
        %add3A_712 = arith.addf %scan3A_629, %mul3A_711 : vector<16xf32>
        %add3A_713 = arith.constant 208 : i32
        %add3A_714 = vector.broadcast %add3A_713 : i32 to vector<16xi32>
        %add3A_715 = arith.addi %iota3A, %add3A_714 : vector<16xi32>
        %gather3A_716 = tpu.vector_load_idx %arg22[%broadcast_in_dim3A_633, %add3A_715] : memref<32x256xf32, #tpu.memory_space<vmem>>[vector<16xi32>, vector<16xi32>], vector<16xf32>,
        %mul3A_717 = arith.mulf %gather3A_634, %gather3A_716 : vector<16xf32>
        %add3A_718 = arith.addf %scan3A_630, %mul3A_717 : vector<16xf32>
        %add3A_719 = arith.constant 224 : i32
        %add3A_720 = vector.broadcast %add3A_719 : i32 to vector<16xi32>
        %add3A_721 = arith.addi %iota3A, %add3A_720 : vector<16xi32>
        %gather3A_722 = tpu.vector_load_idx %arg22[%broadcast_in_dim3A_633, %add3A_721] : memref<32x256xf32, #tpu.memory_space<vmem>>[vector<16xi32>, vector<16xi32>], vector<16xf32>,
        %mul3A_723 = arith.mulf %gather3A_634, %gather3A_722 : vector<16xf32>
        %add3A_724 = arith.addf %scan3A_631, %mul3A_723 : vector<16xf32>
        %add3A_725 = arith.constant 240 : i32
        %add3A_726 = vector.broadcast %add3A_725 : i32 to vector<16xi32>
        %add3A_727 = arith.addi %iota3A, %add3A_726 : vector<16xi32>
        %gather3A_728 = tpu.vector_load_idx %arg22[%broadcast_in_dim3A_633, %add3A_727] : memref<32x256xf32, #tpu.memory_space<vmem>>[vector<16xi32>, vector<16xi32>], vector<16xf32>,
        %mul3A_729 = arith.mulf %gather3A_634, %gather3A_728 : vector<16xf32>
        %add3A_730 = arith.addf %scan3A_632, %mul3A_729 : vector<16xf32>
        scf.yield %add3A_640, %add3A_646, %add3A_652, %add3A_658, %add3A_664, %add3A_670, %add3A_676, %add3A_682, %add3A_688, %add3A_694, %add3A_700, %add3A_706, %add3A_712, %add3A_718, %add3A_724, %add3A_730 : vector<16xf32>, vector<16xf32>, vector<16xf32>, vector<16xf32>, vector<16xf32>, vector<16xf32>, vector<16xf32>, vector<16xf32>, vector<16xf32>, vector<16xf32>, vector<16xf32>, vector<16xf32>, vector<16xf32>, vector<16xf32>, vector<16xf32>, vector<16xf32>
      }
      %scan3A_566 = arith.constant 32 : i32
      %add3A_567 = arith.constant 0 : i32
      %add3A_568 = vector.broadcast %add3A_567 : i32 to vector<16xi32>
      %add3A_569 = arith.addi %iota3A, %add3A_568 : vector<16xi32>
      tpu.vector_store_idx %arg24[%broadcast_in_dim3A_345, %add3A_569], %scan3A_565#0 : memref<16x256xf32, #tpu.memory_space<vmem>>[vector<16xi32>, vector<16xi32>], vector<16xf32>,
      %add3A_570 = arith.constant 16 : i32
      %add3A_571 = vector.broadcast %add3A_570 : i32 to vector<16xi32>
      %add3A_572 = arith.addi %iota3A, %add3A_571 : vector<16xi32>
      tpu.vector_store_idx %arg24[%broadcast_in_dim3A_345, %add3A_572], %scan3A_565#1 : memref<16x256xf32, #tpu.memory_space<vmem>>[vector<16xi32>, vector<16xi32>], vector<16xf32>,
      %add3A_573 = arith.constant 32 : i32
      %add3A_574 = vector.broadcast %add3A_573 : i32 to vector<16xi32>
      %add3A_575 = arith.addi %iota3A, %add3A_574 : vector<16xi32>
      tpu.vector_store_idx %arg24[%broadcast_in_dim3A_345, %add3A_575], %scan3A_565#2 : memref<16x256xf32, #tpu.memory_space<vmem>>[vector<16xi32>, vector<16xi32>], vector<16xf32>,
      %add3A_576 = arith.constant 48 : i32
      %add3A_577 = vector.broadcast %add3A_576 : i32 to vector<16xi32>
      %add3A_578 = arith.addi %iota3A, %add3A_577 : vector<16xi32>
      tpu.vector_store_idx %arg24[%broadcast_in_dim3A_345, %add3A_578], %scan3A_565#3 : memref<16x256xf32, #tpu.memory_space<vmem>>[vector<16xi32>, vector<16xi32>], vector<16xf32>,
      %add3A_579 = arith.constant 64 : i32
      %add3A_580 = vector.broadcast %add3A_579 : i32 to vector<16xi32>
      %add3A_581 = arith.addi %iota3A, %add3A_580 : vector<16xi32>
      tpu.vector_store_idx %arg24[%broadcast_in_dim3A_345, %add3A_581], %scan3A_565#4 : memref<16x256xf32, #tpu.memory_space<vmem>>[vector<16xi32>, vector<16xi32>], vector<16xf32>,
      %add3A_582 = arith.constant 80 : i32
      %add3A_583 = vector.broadcast %add3A_582 : i32 to vector<16xi32>
      %add3A_584 = arith.addi %iota3A, %add3A_583 : vector<16xi32>
      tpu.vector_store_idx %arg24[%broadcast_in_dim3A_345, %add3A_584], %scan3A_565#5 : memref<16x256xf32, #tpu.memory_space<vmem>>[vector<16xi32>, vector<16xi32>], vector<16xf32>,
      %add3A_585 = arith.constant 96 : i32
      %add3A_586 = vector.broadcast %add3A_585 : i32 to vector<16xi32>
      %add3A_587 = arith.addi %iota3A, %add3A_586 : vector<16xi32>
      tpu.vector_store_idx %arg24[%broadcast_in_dim3A_345, %add3A_587], %scan3A_565#6 : memref<16x256xf32, #tpu.memory_space<vmem>>[vector<16xi32>, vector<16xi32>], vector<16xf32>,
      %add3A_588 = arith.constant 112 : i32
      %add3A_589 = vector.broadcast %add3A_588 : i32 to vector<16xi32>
      %add3A_590 = arith.addi %iota3A, %add3A_589 : vector<16xi32>
      tpu.vector_store_idx %arg24[%broadcast_in_dim3A_345, %add3A_590], %scan3A_565#7 : memref<16x256xf32, #tpu.memory_space<vmem>>[vector<16xi32>, vector<16xi32>], vector<16xf32>,
      %add3A_591 = arith.constant 128 : i32
      %add3A_592 = vector.broadcast %add3A_591 : i32 to vector<16xi32>
      %add3A_593 = arith.addi %iota3A, %add3A_592 : vector<16xi32>
      tpu.vector_store_idx %arg24[%broadcast_in_dim3A_345, %add3A_593], %scan3A_565#8 : memref<16x256xf32, #tpu.memory_space<vmem>>[vector<16xi32>, vector<16xi32>], vector<16xf32>,
      %add3A_594 = arith.constant 144 : i32
      %add3A_595 = vector.broadcast %add3A_594 : i32 to vector<16xi32>
      %add3A_596 = arith.addi %iota3A, %add3A_595 : vector<16xi32>
      tpu.vector_store_idx %arg24[%broadcast_in_dim3A_345, %add3A_596], %scan3A_565#9 : memref<16x256xf32, #tpu.memory_space<vmem>>[vector<16xi32>, vector<16xi32>], vector<16xf32>,
      %add3A_597 = arith.constant 160 : i32
      %add3A_598 = vector.broadcast %add3A_597 : i32 to vector<16xi32>
      %add3A_599 = arith.addi %iota3A, %add3A_598 : vector<16xi32>
      tpu.vector_store_idx %arg24[%broadcast_in_dim3A_345, %add3A_599], %scan3A_565#10 : memref<16x256xf32, #tpu.memory_space<vmem>>[vector<16xi32>, vector<16xi32>], vector<16xf32>,
      %add3A_600 = arith.constant 176 : i32
      %add3A_601 = vector.broadcast %add3A_600 : i32 to vector<16xi32>
      %add3A_602 = arith.addi %iota3A, %add3A_601 : vector<16xi32>
      tpu.vector_store_idx %arg24[%broadcast_in_dim3A_345, %add3A_602], %scan3A_565#11 : memref<16x256xf32, #tpu.memory_space<vmem>>[vector<16xi32>, vector<16xi32>], vector<16xf32>,
      %add3A_603 = arith.constant 192 : i32
      %add3A_604 = vector.broadcast %add3A_603 : i32 to vector<16xi32>
      %add3A_605 = arith.addi %iota3A, %add3A_604 : vector<16xi32>
      tpu.vector_store_idx %arg24[%broadcast_in_dim3A_345, %add3A_605], %scan3A_565#12 : memref<16x256xf32, #tpu.memory_space<vmem>>[vector<16xi32>, vector<16xi32>], vector<16xf32>,
      %add3A_606 = arith.constant 208 : i32
      %add3A_607 = vector.broadcast %add3A_606 : i32 to vector<16xi32>
      %add3A_608 = arith.addi %iota3A, %add3A_607 : vector<16xi32>
      tpu.vector_store_idx %arg24[%broadcast_in_dim3A_345, %add3A_608], %scan3A_565#13 : memref<16x256xf32, #tpu.memory_space<vmem>>[vector<16xi32>, vector<16xi32>], vector<16xf32>,
      %add3A_609 = arith.constant 224 : i32
      %add3A_610 = vector.broadcast %add3A_609 : i32 to vector<16xi32>
      %add3A_611 = arith.addi %iota3A, %add3A_610 : vector<16xi32>
      tpu.vector_store_idx %arg24[%broadcast_in_dim3A_345, %add3A_611], %scan3A_565#14 : memref<16x256xf32, #tpu.memory_space<vmem>>[vector<16xi32>, vector<16xi32>], vector<16xf32>,
      %add3A_612 = arith.constant 240 : i32
      %add3A_613 = vector.broadcast %add3A_612 : i32 to vector<16xi32>
      %add3A_614 = arith.addi %iota3A, %add3A_613 : vector<16xi32>
      tpu.vector_store_idx %arg24[%broadcast_in_dim3A_345, %add3A_614], %scan3A_565#15 : memref<16x256xf32, #tpu.memory_space<vmem>>[vector<16xi32>, vector<16xi32>], vector<16xf32>,
      %scan3A_615 = arith.constant 0 : i32
      scf.yield %scan3A_615 : i32
    }
    %scan3A_27 = arith.constant 8 : i32
    %dma_wait3A = arith.constant 0 : i32
    %dma_wait3A_28 = arith.constant 0 : i32
    %dma_wait3A_29 = tpu.memref_slice %arg2[%dma_wait3A, %dma_wait3A_28] : memref<262144x128xf32, #tpu.memory_space<hbm>> -> memref<262144x128xf32, #tpu.memory_space<hbm>>
    tpu.wait_indirect_dma semaphore(%arg25 : memref<!tpu.dma_semaphore, #tpu.memory_space<semaphore_mem>>) src(%dma_wait3A_29 : memref<262144x128xf32, #tpu.memory_space<hbm>>) dst(%arg12 : memref<32x128xf32, #tpu.memory_space<vmem>>)
    "tpu.region"() ({
      %run_scoped3A = tpu.sem_alloc : memref<!tpu.dma_semaphore, #tpu.memory_space<semaphore_mem>>
      %dma_start3A_30 = arith.constant 0 : i32
      %dma_start3A_31 = tpu.memref_slice %arg7[%mul3A_2, %dma_start3A_30] : memref<512x256xf32, #tpu.memory_space<hbm>> -> memref<16x256xf32, #tpu.memory_space<hbm>>
      %dma_start3A_32 = arith.constant 0 : i32
      %dma_start3A_33 = tpu.memref_slice %arg7[%mul3A_2, %dma_start3A_32] : memref<512x256xf32, #tpu.memory_space<hbm>> -> memref<16x256xf32, #tpu.memory_space<hbm>>
      tpu.enqueue_dma source(%arg24 : memref<16x256xf32, #tpu.memory_space<vmem>>) target(%dma_start3A_33 : memref<16x256xf32, #tpu.memory_space<hbm>>) target_semaphore(%run_scoped3A : memref<!tpu.dma_semaphore, #tpu.memory_space<semaphore_mem>>)
      %dma_wait3A_34 = arith.constant 0 : i32
      %dma_wait3A_35 = tpu.memref_slice %arg7[%mul3A_2, %dma_wait3A_34] : memref<512x256xf32, #tpu.memory_space<hbm>> -> memref<16x256xf32, #tpu.memory_space<hbm>>
      %dma_wait3A_36 = arith.constant 0 : i32
      %dma_wait3A_37 = tpu.memref_slice %arg7[%mul3A_2, %dma_wait3A_36] : memref<512x256xf32, #tpu.memory_space<hbm>> -> memref<16x256xf32, #tpu.memory_space<hbm>>
      tpu.wait_dma2 semaphore(%run_scoped3A : memref<!tpu.dma_semaphore, #tpu.memory_space<semaphore_mem>>) src(%arg24 : memref<16x256xf32, #tpu.memory_space<vmem>>) dst(%dma_wait3A_37 : memref<16x256xf32, #tpu.memory_space<hbm>>)
      tpu.yield
    }) : () -> ()
    return
  }
}

module attributes {stable_mosaic.version = 14 : i64} {
  func.func @_k1a_body(%arg0: i32, %arg1: memref<512x256xf32, #tpu.memory_space<vmem>>, %arg2: memref<1024x256xf32, #tpu.memory_space<vmem>>, %arg3: memref<512x8x128xf32, #tpu.memory_space<vmem>>, %arg4: memref<1x512x8xf32, #tpu.memory_space<vmem>>) attributes {dimension_semantics = [#tpu.dimension_semantics<arbitrary>], iteration_bounds = array<i64: 64>, scalar_prefetch = 0 : i64, scratch_operands = 0 : i64, tpu.core_type = #tpu.core_type<tc>, window_params = [{pipeline_mode = #tpu.pipeline_mode<synchronous>, transform_indices = @transform_0, window_bounds = array<i64: 512, 256>}, {transform_indices = @transform_1, window_bounds = array<i64: 1024, 256>}, {transform_indices = @transform_2, window_bounds = array<i64: 512, 8, 128>}, {transform_indices = @transform_3, window_bounds = array<i64: 1, 512, 8>}]} {
    %get3A = arith.constant 0 : index
    %get3A_0 = arith.constant 0 : index
    %get3A_1 = vector.load %arg1[%get3A, %get3A_0] : memref<512x256xf32, #tpu.memory_space<vmem>>, vector<512x256xf32>
    %get3A_2 = arith.constant 0 : index
    %get3A_3 = arith.constant 0 : index
    %get3A_4 = vector.load %arg2[%get3A_2, %get3A_3] : memref<1024x256xf32, #tpu.memory_space<vmem>>, vector<1024x256xf32>
    %dot_general3A = arith.constant dense<0.000000e+00> : vector<512x1024xf32>
    %dot_general3A_5 = tpu.matmul %get3A_1, %get3A_4, %dot_general3A {dimension_numbers = #tpu.dot_dimension_numbers<[1], [1], [0], [0], [0, 0, 1, 0], [], []>, transpose_lhs_hint = false} : vector<512x256xf32>, vector<1024x256xf32>, vector<512x1024xf32> -> vector<512x1024xf32>
    %slice3A = vector.extract_strided_slice %dot_general3A_5 {offsets = [0, 0], sizes = [512, 128], strides = [1, 1]} : vector<512x1024xf32> to vector<512x128xf32>
    %swap3A = arith.constant 0 : index
    %swap3A_6 = arith.constant 0 : index
    %swap3A_7 = arith.constant 0 : index
    %swap3A_8 = vector.load %arg3[%swap3A, %swap3A_6, %swap3A_7] : memref<512x8x128xf32, #tpu.memory_space<vmem>>, vector<512x1x128xf32>
    %swap3A_9 = vector.shape_cast %swap3A_8 : vector<512x1x128xf32> to vector<512x128xf32>
    %swap3A_10 = vector.shape_cast %slice3A : vector<512x128xf32> to vector<512x1x128xf32>
    tpu.vector_store %arg3[%swap3A, %swap3A_6, %swap3A_7], %swap3A_10 {strides = array<i32>} : memref<512x8x128xf32, #tpu.memory_space<vmem>>, vector<512x1x128xf32>,
    %reduce_max3A = arith.constant dense<0xFF800000> : vector<512xf32>
    %reduce_max3A_11 = vector.multi_reduction <maximumf>, %slice3A, %reduce_max3A [1] : vector<512x128xf32> to vector<512xf32>
    %broadcast_in_dim3A = vector.shape_cast %reduce_max3A_11 : vector<512xf32> to vector<512x1xf32>
    %slice3A_12 = vector.extract_strided_slice %dot_general3A_5 {offsets = [0, 128], sizes = [512, 128], strides = [1, 1]} : vector<512x1024xf32> to vector<512x128xf32>
    %swap3A_13 = arith.constant 0 : index
    %swap3A_14 = arith.constant 1 : index
    %swap3A_15 = arith.constant 0 : index
    %swap3A_16 = vector.load %arg3[%swap3A_13, %swap3A_14, %swap3A_15] : memref<512x8x128xf32, #tpu.memory_space<vmem>>, vector<512x1x128xf32>
    %swap3A_17 = vector.shape_cast %swap3A_16 : vector<512x1x128xf32> to vector<512x128xf32>
    %swap3A_18 = vector.shape_cast %slice3A_12 : vector<512x128xf32> to vector<512x1x128xf32>
    tpu.vector_store %arg3[%swap3A_13, %swap3A_14, %swap3A_15], %swap3A_18 {strides = array<i32>} : memref<512x8x128xf32, #tpu.memory_space<vmem>>, vector<512x1x128xf32>,
    %reduce_max3A_19 = arith.constant dense<0xFF800000> : vector<512xf32>
    %reduce_max3A_20 = vector.multi_reduction <maximumf>, %slice3A_12, %reduce_max3A_19 [1] : vector<512x128xf32> to vector<512xf32>
    %broadcast_in_dim3A_21 = vector.shape_cast %reduce_max3A_20 : vector<512xf32> to vector<512x1xf32>
    %slice3A_22 = vector.extract_strided_slice %dot_general3A_5 {offsets = [0, 256], sizes = [512, 128], strides = [1, 1]} : vector<512x1024xf32> to vector<512x128xf32>
    %swap3A_23 = arith.constant 0 : index
    %swap3A_24 = arith.constant 2 : index
    %swap3A_25 = arith.constant 0 : index
    %swap3A_26 = vector.load %arg3[%swap3A_23, %swap3A_24, %swap3A_25] : memref<512x8x128xf32, #tpu.memory_space<vmem>>, vector<512x1x128xf32>
    %swap3A_27 = vector.shape_cast %swap3A_26 : vector<512x1x128xf32> to vector<512x128xf32>
    %swap3A_28 = vector.shape_cast %slice3A_22 : vector<512x128xf32> to vector<512x1x128xf32>
    tpu.vector_store %arg3[%swap3A_23, %swap3A_24, %swap3A_25], %swap3A_28 {strides = array<i32>} : memref<512x8x128xf32, #tpu.memory_space<vmem>>, vector<512x1x128xf32>,
    %reduce_max3A_29 = arith.constant dense<0xFF800000> : vector<512xf32>
    %reduce_max3A_30 = vector.multi_reduction <maximumf>, %slice3A_22, %reduce_max3A_29 [1] : vector<512x128xf32> to vector<512xf32>
    %broadcast_in_dim3A_31 = vector.shape_cast %reduce_max3A_30 : vector<512xf32> to vector<512x1xf32>
    %slice3A_32 = vector.extract_strided_slice %dot_general3A_5 {offsets = [0, 384], sizes = [512, 128], strides = [1, 1]} : vector<512x1024xf32> to vector<512x128xf32>
    %swap3A_33 = arith.constant 0 : index
    %swap3A_34 = arith.constant 3 : index
    %swap3A_35 = arith.constant 0 : index
    %swap3A_36 = vector.load %arg3[%swap3A_33, %swap3A_34, %swap3A_35] : memref<512x8x128xf32, #tpu.memory_space<vmem>>, vector<512x1x128xf32>
    %swap3A_37 = vector.shape_cast %swap3A_36 : vector<512x1x128xf32> to vector<512x128xf32>
    %swap3A_38 = vector.shape_cast %slice3A_32 : vector<512x128xf32> to vector<512x1x128xf32>
    tpu.vector_store %arg3[%swap3A_33, %swap3A_34, %swap3A_35], %swap3A_38 {strides = array<i32>} : memref<512x8x128xf32, #tpu.memory_space<vmem>>, vector<512x1x128xf32>,
    %reduce_max3A_39 = arith.constant dense<0xFF800000> : vector<512xf32>
    %reduce_max3A_40 = vector.multi_reduction <maximumf>, %slice3A_32, %reduce_max3A_39 [1] : vector<512x128xf32> to vector<512xf32>
    %broadcast_in_dim3A_41 = vector.shape_cast %reduce_max3A_40 : vector<512xf32> to vector<512x1xf32>
    %slice3A_42 = vector.extract_strided_slice %dot_general3A_5 {offsets = [0, 512], sizes = [512, 128], strides = [1, 1]} : vector<512x1024xf32> to vector<512x128xf32>
    %swap3A_43 = arith.constant 0 : index
    %swap3A_44 = arith.constant 4 : index
    %swap3A_45 = arith.constant 0 : index
    %swap3A_46 = vector.load %arg3[%swap3A_43, %swap3A_44, %swap3A_45] : memref<512x8x128xf32, #tpu.memory_space<vmem>>, vector<512x1x128xf32>
    %swap3A_47 = vector.shape_cast %swap3A_46 : vector<512x1x128xf32> to vector<512x128xf32>
    %swap3A_48 = vector.shape_cast %slice3A_42 : vector<512x128xf32> to vector<512x1x128xf32>
    tpu.vector_store %arg3[%swap3A_43, %swap3A_44, %swap3A_45], %swap3A_48 {strides = array<i32>} : memref<512x8x128xf32, #tpu.memory_space<vmem>>, vector<512x1x128xf32>,
    %reduce_max3A_49 = arith.constant dense<0xFF800000> : vector<512xf32>
    %reduce_max3A_50 = vector.multi_reduction <maximumf>, %slice3A_42, %reduce_max3A_49 [1] : vector<512x128xf32> to vector<512xf32>
    %broadcast_in_dim3A_51 = vector.shape_cast %reduce_max3A_50 : vector<512xf32> to vector<512x1xf32>
    %slice3A_52 = vector.extract_strided_slice %dot_general3A_5 {offsets = [0, 640], sizes = [512, 128], strides = [1, 1]} : vector<512x1024xf32> to vector<512x128xf32>
    %swap3A_53 = arith.constant 0 : index
    %swap3A_54 = arith.constant 5 : index
    %swap3A_55 = arith.constant 0 : index
    %swap3A_56 = vector.load %arg3[%swap3A_53, %swap3A_54, %swap3A_55] : memref<512x8x128xf32, #tpu.memory_space<vmem>>, vector<512x1x128xf32>
    %swap3A_57 = vector.shape_cast %swap3A_56 : vector<512x1x128xf32> to vector<512x128xf32>
    %swap3A_58 = vector.shape_cast %slice3A_52 : vector<512x128xf32> to vector<512x1x128xf32>
    tpu.vector_store %arg3[%swap3A_53, %swap3A_54, %swap3A_55], %swap3A_58 {strides = array<i32>} : memref<512x8x128xf32, #tpu.memory_space<vmem>>, vector<512x1x128xf32>,
    %reduce_max3A_59 = arith.constant dense<0xFF800000> : vector<512xf32>
    %reduce_max3A_60 = vector.multi_reduction <maximumf>, %slice3A_52, %reduce_max3A_59 [1] : vector<512x128xf32> to vector<512xf32>
    %broadcast_in_dim3A_61 = vector.shape_cast %reduce_max3A_60 : vector<512xf32> to vector<512x1xf32>
    %slice3A_62 = vector.extract_strided_slice %dot_general3A_5 {offsets = [0, 768], sizes = [512, 128], strides = [1, 1]} : vector<512x1024xf32> to vector<512x128xf32>
    %swap3A_63 = arith.constant 0 : index
    %swap3A_64 = arith.constant 6 : index
    %swap3A_65 = arith.constant 0 : index
    %swap3A_66 = vector.load %arg3[%swap3A_63, %swap3A_64, %swap3A_65] : memref<512x8x128xf32, #tpu.memory_space<vmem>>, vector<512x1x128xf32>
    %swap3A_67 = vector.shape_cast %swap3A_66 : vector<512x1x128xf32> to vector<512x128xf32>
    %swap3A_68 = vector.shape_cast %slice3A_62 : vector<512x128xf32> to vector<512x1x128xf32>
    tpu.vector_store %arg3[%swap3A_63, %swap3A_64, %swap3A_65], %swap3A_68 {strides = array<i32>} : memref<512x8x128xf32, #tpu.memory_space<vmem>>, vector<512x1x128xf32>,
    %reduce_max3A_69 = arith.constant dense<0xFF800000> : vector<512xf32>
    %reduce_max3A_70 = vector.multi_reduction <maximumf>, %slice3A_62, %reduce_max3A_69 [1] : vector<512x128xf32> to vector<512xf32>
    %broadcast_in_dim3A_71 = vector.shape_cast %reduce_max3A_70 : vector<512xf32> to vector<512x1xf32>
    %slice3A_72 = vector.extract_strided_slice %dot_general3A_5 {offsets = [0, 896], sizes = [512, 128], strides = [1, 1]} : vector<512x1024xf32> to vector<512x128xf32>
    %swap3A_73 = arith.constant 0 : index
    %swap3A_74 = arith.constant 7 : index
    %swap3A_75 = arith.constant 0 : index
    %swap3A_76 = vector.load %arg3[%swap3A_73, %swap3A_74, %swap3A_75] : memref<512x8x128xf32, #tpu.memory_space<vmem>>, vector<512x1x128xf32>
    %swap3A_77 = vector.shape_cast %swap3A_76 : vector<512x1x128xf32> to vector<512x128xf32>
    %swap3A_78 = vector.shape_cast %slice3A_72 : vector<512x128xf32> to vector<512x1x128xf32>
    tpu.vector_store %arg3[%swap3A_73, %swap3A_74, %swap3A_75], %swap3A_78 {strides = array<i32>} : memref<512x8x128xf32, #tpu.memory_space<vmem>>, vector<512x1x128xf32>,
    %reduce_max3A_79 = arith.constant dense<0xFF800000> : vector<512xf32>
    %reduce_max3A_80 = vector.multi_reduction <maximumf>, %slice3A_72, %reduce_max3A_79 [1] : vector<512x128xf32> to vector<512xf32>
    %broadcast_in_dim3A_81 = vector.shape_cast %reduce_max3A_80 : vector<512xf32> to vector<512x1xf32>
    %concatenate3A = tpu.concatenate %broadcast_in_dim3A, %broadcast_in_dim3A_21, %broadcast_in_dim3A_31, %broadcast_in_dim3A_41, %broadcast_in_dim3A_51, %broadcast_in_dim3A_61, %broadcast_in_dim3A_71, %broadcast_in_dim3A_81 in 1 : vector<512x1xf32>, vector<512x1xf32>, vector<512x1xf32>, vector<512x1xf32>, vector<512x1xf32>, vector<512x1xf32>, vector<512x1xf32>, vector<512x1xf32> -> vector<512x8xf32>
    %swap3A_82 = arith.constant 0 : index
    %swap3A_83 = arith.constant 0 : index
    %swap3A_84 = arith.constant 0 : index
    %swap3A_85 = vector.load %arg4[%swap3A_82, %swap3A_83, %swap3A_84] : memref<1x512x8xf32, #tpu.memory_space<vmem>>, vector<1x512x8xf32>
    %swap3A_86 = vector.shape_cast %swap3A_85 : vector<1x512x8xf32> to vector<512x8xf32>
    %swap3A_87 = vector.shape_cast %concatenate3A : vector<512x8xf32> to vector<1x512x8xf32>
    tpu.vector_store %arg4[%swap3A_82, %swap3A_83, %swap3A_84], %swap3A_87 {strides = array<i32>} : memref<1x512x8xf32, #tpu.memory_space<vmem>>, vector<1x512x8xf32>,
    return
  }
  func.func @transform_0(%arg0: i32) -> (i32, i32) {
    %c0_i32 = arith.constant 0 : i32
    %c0_i32_0 = arith.constant 0 : i32
    %c0_i32_1 = arith.constant 0 : i32
    return %c0_i32, %c0_i32_0 : i32, i32
  }
  func.func @transform_1(%arg0: i32) -> (i32, i32) {
    %c0_i32 = arith.constant 0 : i32
    %c0_i32_0 = arith.constant 0 : i32
    return %arg0, %c0_i32 : i32, i32
  }
  func.func @transform_2(%arg0: i32) -> (i32, i32, i32) {
    %c0_i32 = arith.constant 0 : i32
    %c0_i32_0 = arith.constant 0 : i32
    %c0_i32_1 = arith.constant 0 : i32
    return %c0_i32, %arg0, %c0_i32_0 : i32, i32, i32
  }
  func.func @transform_3(%arg0: i32) -> (i32, i32, i32) {
    %c0_i32 = arith.constant 0 : i32
    %c0_i32_0 = arith.constant 0 : i32
    %c0_i32_1 = arith.constant 0 : i32
    return %arg0, %c0_i32, %c0_i32_0 : i32, i32, i32
  }
}

module attributes {stable_mosaic.version = 14 : i64} {
  func.func @_k1c_body(%arg0: memref<512x512xf32, #tpu.memory_space<vmem>>, %arg1: memref<512x32xi32, #tpu.memory_space<vmem>>, %arg2: memref<512x32xf32, #tpu.memory_space<vmem>>, %arg3: memref<512x512xf32, #tpu.memory_space<vmem>>) attributes {dimension_semantics = [], scalar_prefetch = 0 : i64, scratch_operands = 1 : i64, tpu.core_type = #tpu.core_type<tc>} {
    %get3A = arith.constant 0 : index
    %get3A_0 = arith.constant 0 : index
    %get3A_1 = vector.load %arg0[%get3A, %get3A_0] : memref<512x512xf32, #tpu.memory_space<vmem>>, vector<512x512xf32>
    %swap3A = arith.constant 0 : index
    %swap3A_2 = arith.constant 0 : index
    %swap3A_3 = vector.load %arg3[%swap3A, %swap3A_2] : memref<512x512xf32, #tpu.memory_space<vmem>>, vector<512x512xf32>
    tpu.vector_store %arg3[%swap3A, %swap3A_2], %get3A_1 {strides = array<i32>} : memref<512x512xf32, #tpu.memory_space<vmem>>, vector<512x512xf32>,
    %iota3A = tpu.iota {dimensions = array<i32: 1>} : vector<512x512xi32>
    %iota3A_4 = tpu.iota {dimensions = array<i32: 1>} : vector<512x32xi32>
    %broadcast_in_dim3A = arith.constant 0 : i32
    %broadcast_in_dim3A_5 = vector.broadcast %broadcast_in_dim3A : i32 to vector<512x32xi32>
    %broadcast_in_dim3A_6 = arith.constant 0.000000e+00 : f32
    %broadcast_in_dim3A_7 = vector.broadcast %broadcast_in_dim3A_6 : f32 to vector<512x32xf32>
    %scan3A = arith.constant 0 : i32
    %scan3A_8 = arith.constant 32 : i32
    %scan3A_9 = arith.addi %scan3A, %scan3A_8 : i32
    %scan3A_10 = arith.constant 1 : i32
    %scan3A_11:2 = scf.for %scan3A_19 = %scan3A to %scan3A_9 step %scan3A_10 iter_args(%scan3A_20 = %broadcast_in_dim3A_5, %scan3A_21 = %broadcast_in_dim3A_7) -> (vector<512x32xi32>, vector<512x32xf32>)  : i32 {
      %get3A_22 = arith.constant 0 : index
      %get3A_23 = arith.constant 0 : index
      %get3A_24 = vector.load %arg3[%get3A_22, %get3A_23] : memref<512x512xf32, #tpu.memory_space<vmem>>, vector<512x512xf32>
      %reduce_max3A = arith.constant dense<0xFF800000> : vector<512xf32>
      %reduce_max3A_25 = vector.multi_reduction <maximumf>, %get3A_24, %reduce_max3A [1] : vector<512x512xf32> to vector<512xf32>
      %broadcast_in_dim3A_26 = vector.shape_cast %reduce_max3A_25 : vector<512xf32> to vector<512x1xf32>
      %eq3A = vector.broadcast %broadcast_in_dim3A_26 : vector<512x1xf32> to vector<512x512xf32>
      %eq3A_27 = arith.cmpf oeq, %get3A_24, %eq3A : vector<512x512xf32>
      %jit3A = arith.constant 512 : i32
      %broadcast_in_dim3A_28 = vector.broadcast %jit3A : i32 to vector<512x512xi32>
      %select_n3A = arith.select %eq3A_27, %iota3A, %broadcast_in_dim3A_28 : vector<512x512xi1>, vector<512x512xi32>
      %reduce_min3A = arith.constant dense<2147483647> : vector<512xi32>
      %reduce_min3A_29 = vector.multi_reduction <minsi>, %select_n3A, %reduce_min3A [1] : vector<512x512xi32> to vector<512xi32>
      %broadcast_in_dim3A_30 = vector.shape_cast %reduce_min3A_29 : vector<512xi32> to vector<512x1xi32>
      %eq3A_31 = vector.broadcast %scan3A_19 : i32 to vector<512x32xi32>
      %eq3A_32 = arith.cmpi eq, %iota3A_4, %eq3A_31 : vector<512x32xi32>
      %broadcast_in_dim3A_33 = vector.shape_cast %broadcast_in_dim3A_30 : vector<512x1xi32> to vector<512x1xi32>
      %broadcast_in_dim3A_34 = vector.broadcast %broadcast_in_dim3A_33 : vector<512x1xi32> to vector<512x32xi32>
      %select_n3A_35 = arith.select %eq3A_32, %broadcast_in_dim3A_34, %scan3A_20 : vector<512x32xi1>, vector<512x32xi32>
      %eq3A_36 = vector.broadcast %scan3A_19 : i32 to vector<512x32xi32>
      %eq3A_37 = arith.cmpi eq, %iota3A_4, %eq3A_36 : vector<512x32xi32>
      %broadcast_in_dim3A_38 = vector.shape_cast %broadcast_in_dim3A_26 : vector<512x1xf32> to vector<512x1xf32>
      %broadcast_in_dim3A_39 = vector.broadcast %broadcast_in_dim3A_38 : vector<512x1xf32> to vector<512x32xf32>
      %select_n3A_40 = arith.select %eq3A_37, %broadcast_in_dim3A_39, %scan3A_21 : vector<512x32xi1>, vector<512x32xf32>
      %eq3A_41 = vector.broadcast %broadcast_in_dim3A_30 : vector<512x1xi32> to vector<512x512xi32>
      %eq3A_42 = arith.cmpi eq, %iota3A, %eq3A_41 : vector<512x512xi32>
      %jit3A_43 = arith.constant -3.000000e+38 : f32
      %broadcast_in_dim3A_44 = vector.broadcast %jit3A_43 : f32 to vector<512x512xf32>
      %select_n3A_45 = arith.select %eq3A_42, %broadcast_in_dim3A_44, %get3A_24 : vector<512x512xi1>, vector<512x512xf32>
      %swap3A_46 = arith.constant 0 : index
      %swap3A_47 = arith.constant 0 : index
      %swap3A_48 = vector.load %arg3[%swap3A_46, %swap3A_47] : memref<512x512xf32, #tpu.memory_space<vmem>>, vector<512x512xf32>
      tpu.vector_store %arg3[%swap3A_46, %swap3A_47], %select_n3A_45 {strides = array<i32>} : memref<512x512xf32, #tpu.memory_space<vmem>>, vector<512x512xf32>,
      scf.yield %select_n3A_35, %select_n3A_40 : vector<512x32xi32>, vector<512x32xf32>
    }
    %scan3A_12 = arith.constant 32 : i32
    %swap3A_13 = arith.constant 0 : index
    %swap3A_14 = arith.constant 0 : index
    %swap3A_15 = vector.load %arg1[%swap3A_13, %swap3A_14] : memref<512x32xi32, #tpu.memory_space<vmem>>, vector<512x32xi32>
    tpu.vector_store %arg1[%swap3A_13, %swap3A_14], %scan3A_11#0 {strides = array<i32>} : memref<512x32xi32, #tpu.memory_space<vmem>>, vector<512x32xi32>,
    %swap3A_16 = arith.constant 0 : index
    %swap3A_17 = arith.constant 0 : index
    %swap3A_18 = vector.load %arg2[%swap3A_16, %swap3A_17] : memref<512x32xf32, #tpu.memory_space<vmem>>, vector<512x32xf32>
    tpu.vector_store %arg2[%swap3A_16, %swap3A_17], %scan3A_11#1 {strides = array<i32>} : memref<512x32xf32, #tpu.memory_space<vmem>>, vector<512x32xf32>,
    return
  }
}

</mosaic_0001>

<sc_bundles>
// kernel: kernel.11.cloned.1.call-start
scs
__scs_entry_jumppad:
0x0: {  	(pc) =	sbr.rel $0x88, $3  }
0x1: {  	(tag) =	ssettag $0x0;
	lr =	simm.s32 $0x1  }
0x2: {  	[smem:$0x3F9F] =	sst lr;
	_ =	strace $0xD0000000  }
0x3: {  	_ = 	snop  }
0x4: {  	_ = 	snop  }
0x5: {  	_ = 	snop  }
0x6: {  	_ = 	snop  }
0x7: {  	_ = 	snop  }
__scs_overlays_trampoline_lowered:
0x8: {  	[smem:$0x3FAE] =	sst s0  }
0x9: {  	[smem:$0x3FAF] =	sst s1  }
0xa: {  	[smem:$0x3FB0] =	sst s2  }
0xb: {  	[smem:$0x3FB1] =	sst s3  }
0xc: {  	[smem:$0x3FB2] =	sst s4  }
0xd: {  	[smem:$0x3FB3] =	sst s5  }
0xe: {  	[smem:$0x3FB4] =	sst s6  }
0xf: {  	[smem:$0x3FB5] =	sst s7  }
0x10: {  	[smem:$0x3FB6] =	sst s8  }
0x11: {  	[smem:$0x3FB7] =	sst s9;
	s0 =	simm.s32 @!p0 $0x0  }
0x12: {  	s1 =	sld [smem:$0x3F9D];
	s0 =	simm.s32 @p0 $0x1  }
0x13: {  	[smem:$0x3FB8] =	sst s0;
	s0 =	simm.s32 @!p1 $0x0  }
0x14: {  	s2 =	sld [smem:$0x3F9C];
	s0 =	simm.s32 @p1 $0x1  }
0x15: {  	[smem:$0x3FB9] =	sst s0;
	s0 =	simm.s32 @!p2 $0x0  }
0x16: {  	s3 =	sld [smem:$0x3FDB];
	s0 =	simm.s32 @p2 $0x1  }
0x17: {  	s4 =	simm.s32 $0x1BF5;
	[smem:$0x3FBB] =	sst s0  }
0x18: {  	s0 =	sld [smem:$0x3F9E];
	_ =	swait.ge [sflag:s4], $0x0  }
0x19: {  	s7 =	sld [smem:$0x3F9F]  }
0x1a: {  	s8 =	sadd.s32 $0xFFFFE003, lr  }
0x1b: {  	s9 =	sadd.s32 $0xFFFFFEF7, lr;
	s5 =	simm.s32 $0xFFFFFFFF;
	p2 =	slt.u32 s8, $0xFFFFF086  }
0x1c: {  	p1 =	slt.u32 s9, $0xF7A;
	s5 =	simm.s32 @!p2 $0x0  }
0x1d: {  	s5 =	simm.s32 @p1 $0x1;
	p0 =	seq.s32 s7, s2  }
0x1e: {  	s7 =	smul.u32 @!p0 $0xF7A, s2;
	p2 =	seq.s32 @!p0 s5, $0x0  }
0x1f: {  	s9 =	smul.u32 $0xF7A, s1;
	s8 =	simm.s32 @!p0 $0x1BF5;
	p2 =	por !p2, p0  }
0x20: {  	[sflag:s8] =	ssyncset.s32 @!p0 $0xFFFFF086;
	s6 =	sadd.s32 @!p0 s3, s7;
	s7 =	simm.s32 @!p0 $0x108  }
0x21: {  	s3 =	sadd.s32 s3, s9;
	s6 =	sadd.s32 @!p0 $0x88, s6;
	s7 =	simm.s32 @p2 $0x1082  }
0x22: {  	[simem:s7], [sflag:s8] =	dma.local @!p0 [hbm:s6], $0xF7A  }
0x23: {  	s9 =	sor.u32 $0xD0000000, s2;
	s6 =	simm.s32 $0x108;
	_ =	swait.ge @!p0 [sflag:s8], $0x0  }
0x24: {  	s3 =	sadd.s32 $0x88, s3;
	s6 =	simm.s32 @!p1 $0x1082;
	[sflag:s4] =	ssyncset.s32 $0xFFFFF086  }
0x25: {  	[simem:s6], [sflag:s4] =	dma.local [hbm:s3], $0xF7A  }
0x26: {  	[smem:$0x3F9F] =	sst s1;
	(tag) =	ssettag s2;
	_ =	strace s9  }
0x27: {  	s1 =	sld [smem:$0x3FAF]  }
0x28: {  	s2 =	sld [smem:$0x3FB0]  }
0x29: {  	s4 =	sld [smem:$0x3FB2]  }
0x2a: {  	p0 =	seq.s32 s5, $0x0;
	s5 =	sld [smem:$0x3FB3]  }
0x2b: {  	s6 =	sld [smem:$0x3FB4]  }
0x2c: {  	s7 =	sld [smem:$0x3FB5]  }
0x2d: {  	s3 =	simm.s32 $0x108;
	s8 =	sld [smem:$0x3FB6]  }
0x2e: {  	s3 =	simm.s32 @!p0 $0x1082;
	s9 =	sld [smem:$0x3FB7]  }
0x2f: {  	lr =	sadd.s32 s0, s3;
	s0 =	sld [smem:$0x3FAE]  }
0x30: {  	s3 =	sld [smem:$0x3FB1]  }
0x31: {  	[smem:$0x3FBA] =	sst s10  }
0x32: {  	s10 =	sld [smem:$0x3FB8];
	_ =	sdelay $0x3  }
0x33: {  	p0 =	seq.s32 s10, $0x1;
	s10 =	sld [smem:$0x3FBA];
	_ =	sdelay $0x3  }
0x34: {  	[smem:$0x3FBA] =	sst s10  }
0x35: {  	s10 =	sld [smem:$0x3FB9];
	_ =	sdelay $0x3  }
0x36: {  	p1 =	seq.s32 s10, $0x1;
	s10 =	sld [smem:$0x3FBA];
	_ =	sdelay $0x3  }
0x37: {  	[smem:$0x3FBA] =	sst s10  }
0x38: {  	s10 =	sld [smem:$0x3FBB]  }
0x39: {  	_ = 	snop;
	(pc) =	sbr.ind lr, $3  }
0x3a: {  	_ = 	snop  }
0x3b: {  	_ = 	snop  }
0x3c: {  	p2 =	seq.s32 s10, $0x1;
	s10 =	sld [smem:$0x3FBA]  }
0x3d: {  	_ =	shalt  }
0x3e: {  	_ =	shalt  }
0x3f: {  	_ =	shalt  }
0x40: {  	_ =	shalt  }
0x41: {  	_ =	shalt  }
0x42: {  	_ =	shalt  }
0x43: {  	_ =	shalt  }
0x44: {  	_ =	shalt  }
0x45: {  	_ =	shalt  }
0x46: {  	_ =	shalt  }
0x47: {  	_ =	shalt  }
0x48: {  	_ =	shalt  }
0x49: {  	_ =	shalt  }
0x4a: {  	_ =	shalt  }
0x4b: {  	_ =	shalt  }
0x4c: {  	_ =	shalt  }
0x4d: {  	_ =	shalt  }
0x4e: {  	_ =	shalt  }
0x4f: {  	_ =	shalt  }
0x50: {  	_ =	shalt  }
0x51: {  	_ =	shalt  }
0x52: {  	_ =	shalt  }
0x53: {  	_ =	shalt  }
0x54: {  	_ =	shalt  }
0x55: {  	_ =	shalt  }
0x56: {  	_ =	shalt  }
0x57: {  	_ =	shalt  }
0x58: {  	_ =	shalt  }
0x59: {  	_ =	shalt  }
0x5a: {  	_ =	shalt  }
0x5b: {  	_ =	shalt  }
0x5c: {  	_ =	shalt  }
0x5d: {  	_ =	shalt  }
0x5e: {  	_ =	shalt  }
0x5f: {  	_ =	shalt  }
0x60: {  	_ =	shalt  }
0x61: {  	_ =	shalt  }
0x62: {  	_ =	shalt  }
0x63: {  	_ =	shalt  }
0x64: {  	_ =	shalt  }
0x65: {  	_ =	shalt  }
0x66: {  	_ =	shalt  }
0x67: {  	_ =	shalt  }
0x68: {  	_ =	shalt  }
0x69: {  	_ =	shalt  }
0x6a: {  	_ =	shalt  }
0x6b: {  	_ =	shalt  }
0x6c: {  	_ =	shalt  }
0x6d: {  	_ =	shalt  }
0x6e: {  	_ =	shalt  }
0x6f: {  	_ =	shalt  }
0x70: {  	_ =	shalt  }
0x71: {  	_ =	shalt  }
0x72: {  	_ =	shalt  }
0x73: {  	_ =	shalt  }
0x74: {  	_ =	shalt  }
0x75: {  	_ =	shalt  }
0x76: {  	_ =	shalt  }
0x77: {  	_ =	shalt  }
0x78: {  	_ =	shalt  }
0x79: {  	_ =	shalt  }
0x7a: {  	_ =	shalt  }
0x7b: {  	_ =	shalt  }
0x7c: {  	_ =	shalt  }
0x7d: {  	_ =	shalt  }
0x7e: {  	_ =	shalt  }
0x7f: {  	_ =	shalt  }
0x80: {  	_ =	shalt  }
0x81: {  	_ =	shalt  }
0x82: {  	_ =	shalt  }
0x83: {  	_ =	shalt  }
0x84: {  	_ =	shalt  }
0x85: {  	_ =	shalt  }
0x86: {  	_ =	shalt  }
0x87: {  	_ =	shalt  }
.Lfunc_end0:
.L_simem_size_0:
called_computation.1_lowered:
.L_overlay_start_0:
0x88: {  	s2 =	sld [smem:$0x3FD9]  }
0x89: {  	s3 =	sld [smem:$0x3FFE];
	_ =	sdelay $0x1  }
0x8a: {  	s1 =	srdreg.scid  }
0x8b: {  	s0 =	sand.u32 $0x1, s1  }
0x8c: {  	s17 =	sshll.u32 s0, $0xA;
	s2 =	sadd.s32 s3, s2  }
0x8d: {  	s2 =	sadd.s32 s2, s17  }
0x8e: {  	[smem:$0x3FC6] =	sst s2  }
0x8f: {  	_ = 	snop  }
0x90: {  	s18 =	sld [smem:$0x3FC8]  }
0x91: {  	s4 =	sld [smem:$0x3FD0];
	(tm) =	ssettm $0x1  }
0x92: {  	s19 =	sld [smem:$0x3FFB];
	_ =	sdelay $0x3  }
0x93: {  	_ =	strace s19  }
0x94: {  	s2 =	sld [smem:$0x3FFC];
	_ =	sdelay $0x3  }
0x95: {  	_ =	strace s2  }
0x96: {  	s2 =	sld [smem:$0x3FFD];
	_ =	sdelay $0x3  }
0x97: {  	_ =	strace s2  }
0x98: {  	_ =	strace $0x8FFFFFFF  }
0x99: {  	s20 =	sld [smem:$0x3FDB];
	_ =	sdelay $0x1  }
0x9a: {  	s5 =	simm.s32 $_scs_section_size  }
0x9b: {  	s6 =	simm.s32 $_size__tile_overlayer_lowered;
	s7 =	simm.s32 $_tile_overlayer_lowered  }
0x9c: {  	s8 =	simm.s32 $0x1BFF;
	s21 =	sshll.u32 s7, $0x1;
	s5 =	sadd.s32 s5, s20  }
0x9d: {  	s22 =	simm.s32 $0x0;
	s6 =	sshll.u32 s6, $0x1;
	s7 =	sadd.s32 s21, s5  }
0x9e: {  	[timem:s22], [sflag:s8] =	dma.local [hbm:s7], s6  }
0x9f: {  	_ =	swait.ge [sflag:s8], s6  }
0xa0: {  	s6 =	ssub.s32 $0x0, s6;
	[sflag:s8] =	ssyncset.done $0x0  }
0xa1: {  	[sflag:s8] =	ssyncadd.s32 s6;
	_ =	sdelay $0x1  }
0xa2: {  	s23 =	simm.s32 $0x1B8B  }
0xa3: {  	_ =	swait.ge [sflag:s23], $0x1  }
0xa4: {  	[sflag:s23] =	ssyncset.done $0x0  }
0xa5: {  	[sflag:s23] =	ssyncadd.s32 $0xFFFFFFFF  }
0xa6: {  	s6 =	sld [smem:$0x0]  }
0xa7: {  	s7 =	sand.u32 $0xFFFFFFFE, s1  }
0xa8: {  	p0 =	sne.s32 s1, s7  }
0xa9: {  	s7 =	sshll.u32 @p0 s7, $0xE  }
0xaa: {  	s7 =	sadd.s32 @p0 $0x11B8D, s7;
	s8 =	sshll.u32 @p0 s6, $0x11  }
0xab: {  	s7 =	sor.u32 @p0 s8, s7  }
0xac: {  	[sflag:s7] =	ssyncadd.remote.s32 @p0 $0x1;
	_ =	sdelay $0x1  }
0xad: {  	s7 =	simm.s32 @p0 $0x1B8D  }
0xae: {  	_ =	swait.eq @p0 [sflag:s7], $0x1  }
0xaf: {  	[sflag:s7] =	ssyncadd.s32 @p0 $0xFFFFFFFF  }
0xb0: {  	s8 =	sshll.u32 @!p0 s1, $0xE  }
0xb1: {  	s8 =	sor.u32 @!p0 $0x4000, s8;
	s7 =	simm.s32 @!p0 $0x1B8D  }
0xb2: {  	s6 =	sshll.u32 @!p0 s6, $0x11;
	s8 =	sadd.s32 @!p0 $0x11B8D, s8;
	_ =	swait.eq @!p0 [sflag:s7], $0x1  }
0xb3: {  	s6 =	sor.u32 @!p0 s6, s8;
	[sflag:s7] =	ssyncadd.s32 @!p0 $0xFFFFFFFF  }
0xb4: {  	s25 =	simm.s32 $0x1B8E;
	s24 =	sld [smem:$0x3FFE];
	[sflag:s6] =	ssyncadd.remote.s32 @!p0 $0x1  }
0xb5: {  	s26 =	simm.s32 $execute0_lowered;
	[smem:$0x3FD2] =	sst s25  }
0xb6: {  	s7 =	sshll.u32 s26, $0x1;
	_ =	strace $0x80000049;
	[dreg:$0x1] =	wrdreg $0xFFFFFFFF  }
0xb7: {  	s28 =	simm.s32 $_size_execute0_lowered;
	s5 =	sadd.s32 s5, s7;
	[dreg:$0x0] =	wrdreg $0x0  }
0xb8: {  	s7 =	sshll.u32 s28, $0x1;
	[dreg:$0x2] =	wrdreg s5  }
0xb9: {  	[dreg:$0x3] =	wrdreg s7  }
0xba: {  	[dreg:$0x4] =	wrdreg $0xC0  }
0xbb: {  	_ =	task [dreg:s22], $0x5FFFF  }
0xbc: {  	[dreg:$0x1] =	wrdreg $0xFFFFFFFF  }
0xbd: {  	[dreg:$0x0] =	wrdreg $0x60  }
0xbe: {  	[dreg:$0x2] =	wrdreg s24  }
0xbf: {  	[dreg:$0x3] =	wrdreg s18  }
0xc0: {  	[dreg:$0x4] =	wrdreg s4  }
0xc1: {  	[dreg:$0x5] =	wrdreg $0xA  }
0xc2: {  	_ =	task.clear_ibuf [dreg:s22], $0x6FFFF;
	_ =	strace $0x90000049  }
0xc3: {  	s29 =	simm.s32 $0xA;
	_ =	strace $0x8000004B  }
0xc4: {  	_ =	swait.ge [sflag:s29], $0x1  }
0xc5: {  	[sflag:s29] =	ssyncadd.s32 $0xFFFFFFFF  }
0xc6: {  	_ =	strace $0x9000004B  }
0xc7: {  	_ =	sfence  }
0xc8: {  	s30 =	sld [smem:$0x0];
	_ =	sdelay $0x2  }
0xc9: {  	s31 =	sshll.u32 s1, $0xD;
	s1 =	sshrl.u32 s1, $0x2  }
0xca: {  	s4 =	sand.u32 $0x4000, s31;
	s1 =	sadd.s32 s1, s30  }
0xcb: {  	s0 =	sor.u32 s4, s0;
	s1 =	sshll.u32 s1, $0x11  }
0xcc: {  	s0 =	sor.u32 s1, s0  }
0xcd: {  	s0 =	sadd.s32 $0x8F2B, s0  }
0xce: {  	[sflag:s0] =	ssyncadd.remote.s32 $0x1  }
0xcf: {  	_ =	sfence.sel $0xFFFF  }
0xd0: {  	[dreg:$0x0] =	wrdreg $0xFFFFFFFF;
	(pc) =	sbr.abs _section_cstart, $3  }
0xd1: {  	[dreg:$0x1] =	wrdreg $0xFFFFFFFF  }
0xd2: {  	_ =	task.clear_ibuf [dreg:s22], $0x2FFFF;
	_ =	strace $0x9FFFFFFF  }
0xd3: {  	(tm) =	ssettm $0x7FFFFFFF  }
tec
execute0_lowered:
.L_overlay_start_1:
0x0: {  	(tag) =	ssettag $0x1  }
0x1: {  	s0 =	rddreg [dreg:$0x0]  }
0x2: {  	s1 =	rddreg [dreg:$0x1]  }
0x3: {  	s2 =	rddreg [dreg:$0x2]  }
0x4: {  	s9 =	simm.s32 $0x0;
	s3 =	srdreg.scid;
	s4 =	stileid.u32  }
0x5: {  	s12 =	simm.s32 $0x800;
	s13 =	simm.s32 $0x5500;
	s14 =	simm.s32 $0x20  }
0x6: {  	s15 =	simm.s32 $0x1000;
	s16 =	simm.s32 $0x1100;
	s18 =	simm.s32 $0x2100  }
0x7: {  	s19 =	simm.s32 $0x1;
	s20 =	simm.s32 $0x3100;
	s21 =	simm.s32 $0x3180  }
0x8: {  	s22 =	simm.s32 $0x3200;
	s23 =	simm.s32 $0x3280;
	s28 =	simm.s32 $0x3D00  }
0x9: {  	s29 =	simm.s32 $0x4500;
	s30 =	simm.s32 $0x4D00;
	s31 =	simm.s32 $0x3  }
0xa: {  	[smem:$0x7FF] =	sst s9;
	s3 =	sand.u32 $0x1, s3;
	s4 =	sshll.u32 s4, $0x1  }
0xb: {  	_ =	strace $0x8000004A;
	s6 =	sor.u32 s3, s4;
	s4 =	sadd.s32 $0x40DE00, s0  }
0xc: {  	s3 =	ssub.s32 $0x2, s3;
	s5 =	sshll.u32 s6, $0x8;
	s8 =	sshll.u32 s6, $0x9  }
0xd: {  	s24 =	sshrl.u32 s3, $0x1;
	s25 =	sshll.u32 s6, $0xD;
	s7 =	sadd.s32 s5, s0  }
0xe: {  	s0 =	sadd.s32 s8, s0;
	s3 =	ssub.s32 s3, s24;
	s2 =	sadd.s32 s2, s8  }
0xf: {  	s5 =	sshll.u32 s6, $0x4;
	s10 =	sadd.s32 $0x80DE00, s7;
	[dreg:$0x6] =	wrdreg s2  }
0x10: {  	v0 =	vlaneseq.u32;
	v3 =	vimm.f32 $-3.000000010e+38;
	v1 =	vmov s25;
	s24 =	simm.s32 $0x3300;
	s7 =	sadd.s32 $0x80FE00, s7;
	[dreg:$0x4] =	wrdreg s10  }
0x11: {  	v4 =	vimm.s32 $0x0;
	v2 =	vand.u32 $0x7, v0;
	s25 =	simm.s32 $0x3380;
	s0 =	sadd.s32 $0x811E00, s0;
	[tilespmem:$0x1FFC0] =	vst v1;
	v1 =	vshrl.u32 v0, $0x3;
	[dreg:$0x5] =	wrdreg s7  }
0x12: {  	vm0 =	vmmov $0xffff;
	v36 =	vor.u32 $0x20, v0;
	[tilespmem:$0x1FFD0] =	vst v2;
	s6 =	simm.s32 $0x2;
	s26 =	smax.u32 s3, $0x1;
	[dreg:$0x7] =	wrdreg s0;
	v1 =	vmul.u32 $0x8, v1  }
0x13: {  	v34 =	vor.u32 $0x10, v0;
	v6 =	vor.u32 $0x30, v0;
	v7 =	vor.u32 $0x40, v0;
	[tilespmem:$0x1FFF0] =	vst v36;
	s8 =	simm.s32 $0x0;
	s2 =	simm.s32 $0x6500;
	[dreg:$0x8] =	wrdreg s26  }
0x14: {  	v8 =	vor.u32 $0x50, v0;
	v9 =	vor.u32 $0x60, v0;
	v10 =	vor.u32 $0x70, v0;
	s7 =	simm.s32 $0x4;
	s26 =	simm.s32 $0x3500;
	s0 =	simm.s32 $0x3400;
	[tilespmem:$0x1FFE0] =	vst v1  }
.LBB2_1:
0x15: {  	[dreg:$0x9] =	wrdreg s8  }
0x16: {  	s3 =	rddreg [dreg:$0x4]  }
0x17: {  	[tilespmem:s9], [sflag:$0x4] =	stream.linear.gather [hbm4b:s3+s9], $0x800, $0x38;
	[tilespmem:$0x7500] =	vst v63  }
0x18: {  	_ =	swait.ge [sflag:s7], $0x800  }
0x19: {  	[sflag:s7] =	ssyncset.done $0x0  }
0x1a: {  	s11 =	rddreg [dreg:$0x5];
	[sflag:s7] =	ssyncadd.s32 $0xFFFFF800  }
0x1b: {  	[tilespmem:s12], [sflag:$0x4] =	stream.linear.gather [hbm4b:s11+s9], $0x800, $0x38;
	[tilespmem:$0x7500] =	vst v63  }
0x1c: {  	_ =	swait.ge [sflag:s7], $0x800  }
0x1d: {  	[sflag:s7] =	ssyncset.done $0x0  }
0x1e: {  	s17 =	rddreg [dreg:$0x6];
	[sflag:s7] =	ssyncadd.s32 $0xFFFFF800  }
0x1f: {  	[tilespmem:s13], [sflag:$0x4] =	stream.linear.gather [hbm4b:s17+s9], $0x1000, $0x38;
	[tilespmem:$0x7500] =	vst v63  }
0x20: {  	_ =	swait.ge [sflag:s7], $0x1000  }
0x21: {  	[sflag:s7] =	ssyncset.done $0x0  }
0x22: {  	v2 =	vld [tilespmem:$0x1FFC0];
	[sflag:s7] =	ssyncadd.s32 $0xFFFFF000  }
0x23: {  	v1 =	vld.idx.msk [tilespmem:v0+s9+$0x0], $0xffff;
	_ =	sdelay $0x4  }
0x24: {  	v1 =	vadd.s32 v2, v1  }
0x25: {  	[tilespmem:$0x1000] =	vst v1  }
0x26: {  	v1 =	vld.idx.msk [tilespmem:v34+s9+$0x0], $0xffff;
	_ =	sdelay $0x4  }
0x27: {  	v1 =	vadd.s32 v2, v1  }
0x28: {  	s8 =	simm.s32 $0x0;
	[tilespmem:$0x1010] =	vst v1  }
0x29: {  	[tilespmem:s16], [sflag:$0x1] =	stream.indirect.gather [hbm4b:s4+s14], $0x80, s15, s14, $0xb8;
	[tilespmem:$0x7500] =	vst v63  }
.LBB2_2:
0x2a: {  	s3 =	sshllo.u32 s8, $0x1  }
0x2b: {  	s7 =	sshll.u32 s3, $0x7  }
0x2c: {  	v1 =	vor.u32 s7, v0;
	_ =	sdelay $0x3  }
0x2d: {  	s10 =	simm.s32 $0x0  }
0x2e: {  	v1 =	vld.idx.msk [tilespmem:v1+s10+$0x0], $0xffff;
	_ =	sdelay $0x1  }
0x2f: {  	v11 =	vor.u32 s7, v34  }
0x30: {  	s11 =	sadd.s32 s5, s3  }
0x31: {  	s7 =	sshll.u32 s11, $0x9  }
0x32: {  	v1 =	vadd.s32 s7, v1  }
0x33: {  	[tilespmem:$0x1080] =	vst v1  }
0x34: {  	v1 =	vld.idx.msk [tilespmem:v11+s10+$0x0], $0xffff;
	_ =	sdelay $0x2  }
0x35: {  	s9 =	sshll.u32 s8, $0x1  }
0x36: {  	v14 =	vmov s9  }
0x37: {  	v15 =	vshll.u32 v14, $0x7;
	v1 =	vadd.s32 s7, v1  }
0x38: {  	s17 =	simm.s32 $0x1080;
	[tilespmem:$0x1090] =	vst v1;
	v1 =	vor.u32 $0x1F, v15  }
0x39: {  	[tilespmem:s18], [sflag:$0x2] =	stream.indirect.gather [hbm4b:s4+s14], $0x80, s17, s14, $0xb8;
	[tilespmem:$0x7500] =	vst v63  }
0x3a: {  	_ =	swait.ge [sflag:s19], $0x1000  }
0x3b: {  	[sflag:s19] =	ssyncset.done $0x0  }
0x3c: {  	[sflag:s19] =	ssyncadd.s32 $0xFFFFF000  }
0x3d: {  	v17 =	vld.idx.msk [tilespmem:v1+s12+$0x0], $0xffff  }
0x3e: {  	v16 =	vld.idx.msk [tilespmem:v15+s12+$0x0], $0xffff;
	[tilespmem:$0x3100] =	vst v3  }
0x3f: {  	[tilespmem:$0x3110] =	vst v3  }
0x40: {  	[tilespmem:$0x3120] =	vst v3  }
0x41: {  	[tilespmem:$0x3130] =	vst v3  }
0x42: {  	[tilespmem:$0x3140] =	vst v3  }
0x43: {  	[tilespmem:$0x3150] =	vst v3  }
0x44: {  	[tilespmem:$0x3160] =	vst v3  }
0x45: {  	v1 =	vmov s3;
	[tilespmem:$0x3170] =	vst v3  }
0x46: {  	[tilespmem:$0x1FFB0] =	vst v1;
	v1 =	vimm.s32 $0x0  }
.LBB2_3:
0x47: {  	s3 =	sshll.u32 s10, $0x7  }
0x48: {  	v11 =	vor.u32 s3, v0;
	_ =	sdelay $0x4  }
0x49: {  	v12 =	vld.idx.msk [tilespmem:v11+s16+$0x0], $0xffff;
	_ =	sdelay $0x4  }
0x4a: {  	vm1 =	vge.f32 v12, v17  }
0x4b: {  	v13 =	vsel vm1, $0x1, v4  }
0x4c: {  	(xrf0) =	vadd.scan.msk.s32 $0xffff, v13;
	_ =	sdelay $0x5  }
0x4d: {  	v13, _, _ =	vpop (xrf0)  }
0x4e: {  	v13 =	vadd.s32 v13, v1  }
0x4f: {  	v13 =	vadd.s32 $0xFFFFFFFF, v13  }
0x50: {  	vm2 =	vlt.s32 v13, $0x80  }
0x51: {  	vm2 =	vmand vm1, vm2;
	_ =	sdelay $0x2  }
0x52: {  	v18 =	vor.u32 s3, v34;
	_ =	sdelay $0x2  }
0x53: {  	[tilespmem:v13+s20+$0x0] =	vst.idx.msk vm2, v12  }
0x54: {  	[tilespmem:v13+s21+$0x0] =	vst.idx.msk vm2, v11  }
0x55: {  	v11 =	vld.idx.msk [tilespmem:v18+s16+$0x0], $0xffff;
	_ =	sdelay $0x4  }
0x56: {  	vm2 =	vge.f32 v11, v17  }
0x57: {  	v12 =	vsel vm2, $0x1, v4  }
0x58: {  	(xrf0) =	vadd.scan.msk.s32 $0xffff, v12;
	_ =	sdelay $0x1  }
0x59: {  	v12 =	vmpcnt.ones.xlane vm1;
	_ =	sdelay $0x3  }
0x5a: {  	v1 =	vadd.s32 v1, v12;
	v12, _, _ =	vpop (xrf0)  }
0x5b: {  	v12 =	vadd.s32 v12, v1  }
0x5c: {  	v12 =	vadd.s32 $0xFFFFFFFF, v12  }
0x5d: {  	vm1 =	vlt.s32 v12, $0x80  }
0x5e: {  	vm1 =	vmand vm2, vm1;
	_ =	sdelay $0x2  }
0x5f: {  	v13 =	vor.u32 s3, v36;
	_ =	sdelay $0x2  }
0x60: {  	[tilespmem:v12+s20+$0x0] =	vst.idx.msk vm1, v11  }
0x61: {  	[tilespmem:v12+s21+$0x0] =	vst.idx.msk vm1, v18  }
0x62: {  	v11 =	vld.idx.msk [tilespmem:v13+s16+$0x0], $0xffff;
	_ =	sdelay $0x4  }
0x63: {  	vm1 =	vge.f32 v11, v17  }
0x64: {  	v12 =	vsel vm1, $0x1, v4  }
0x65: {  	(xrf0) =	vadd.scan.msk.s32 $0xffff, v12;
	_ =	sdelay $0x1  }
0x66: {  	v12 =	vmpcnt.ones.xlane vm2;
	_ =	sdelay $0x3  }
0x67: {  	v1 =	vadd.s32 v1, v12;
	v12, _, _ =	vpop (xrf0)  }
0x68: {  	v12 =	vadd.s32 v12, v1  }
0x69: {  	v12 =	vadd.s32 $0xFFFFFFFF, v12  }
0x6a: {  	vm2 =	vlt.s32 v12, $0x80  }
0x6b: {  	vm2 =	vmand vm1, vm2;
	_ =	sdelay $0x2  }
0x6c: {  	v18 =	vor.u32 s3, v6;
	_ =	sdelay $0x2  }
0x6d: {  	[tilespmem:v12+s20+$0x0] =	vst.idx.msk vm2, v11  }
0x6e: {  	[tilespmem:v12+s21+$0x0] =	vst.idx.msk vm2, v13  }
0x6f: {  	v11 =	vld.idx.msk [tilespmem:v18+s16+$0x0], $0xffff;
	_ =	sdelay $0x4  }
0x70: {  	vm2 =	vge.f32 v11, v17  }
0x71: {  	v12 =	vsel vm2, $0x1, v4  }
0x72: {  	(xrf0) =	vadd.scan.msk.s32 $0xffff, v12;
	_ =	sdelay $0x1  }
0x73: {  	v12 =	vmpcnt.ones.xlane vm1;
	_ =	sdelay $0x3  }
0x74: {  	v1 =	vadd.s32 v1, v12;
	v12, _, _ =	vpop (xrf0)  }
0x75: {  	v12 =	vadd.s32 v12, v1  }
0x76: {  	v12 =	vadd.s32 $0xFFFFFFFF, v12  }
0x77: {  	vm1 =	vlt.s32 v12, $0x80  }
0x78: {  	vm1 =	vmand vm2, vm1;
	_ =	sdelay $0x2  }
0x79: {  	v13 =	vor.u32 s3, v7;
	_ =	sdelay $0x2  }
0x7a: {  	[tilespmem:v12+s20+$0x0] =	vst.idx.msk vm1, v11  }
0x7b: {  	[tilespmem:v12+s21+$0x0] =	vst.idx.msk vm1, v18  }
0x7c: {  	v11 =	vld.idx.msk [tilespmem:v13+s16+$0x0], $0xffff;
	_ =	sdelay $0x4  }
0x7d: {  	vm1 =	vge.f32 v11, v17  }
0x7e: {  	v12 =	vsel vm1, $0x1, v4  }
0x7f: {  	(xrf0) =	vadd.scan.msk.s32 $0xffff, v12;
	_ =	sdelay $0x1  }
0x80: {  	v12 =	vmpcnt.ones.xlane vm2;
	_ =	sdelay $0x3  }
0x81: {  	v1 =	vadd.s32 v1, v12;
	v12, _, _ =	vpop (xrf0)  }
0x82: {  	v12 =	vadd.s32 v12, v1  }
0x83: {  	v12 =	vadd.s32 $0xFFFFFFFF, v12  }
0x84: {  	vm2 =	vlt.s32 v12, $0x80  }
0x85: {  	vm2 =	vmand vm1, vm2;
	_ =	sdelay $0x2  }
0x86: {  	v18 =	vor.u32 s3, v8;
	_ =	sdelay $0x2  }
0x87: {  	[tilespmem:v12+s20+$0x0] =	vst.idx.msk vm2, v11  }
0x88: {  	[tilespmem:v12+s21+$0x0] =	vst.idx.msk vm2, v13  }
0x89: {  	v11 =	vld.idx.msk [tilespmem:v18+s16+$0x0], $0xffff;
	_ =	sdelay $0x4  }
0x8a: {  	vm2 =	vge.f32 v11, v17  }
0x8b: {  	v12 =	vsel vm2, $0x1, v4  }
0x8c: {  	(xrf0) =	vadd.scan.msk.s32 $0xffff, v12;
	_ =	sdelay $0x1  }
0x8d: {  	v12 =	vmpcnt.ones.xlane vm1;
	_ =	sdelay $0x3  }
0x8e: {  	v1 =	vadd.s32 v1, v12;
	v12, _, _ =	vpop (xrf0)  }
0x8f: {  	v12 =	vadd.s32 v12, v1  }
0x90: {  	v12 =	vadd.s32 $0xFFFFFFFF, v12  }
0x91: {  	vm1 =	vlt.s32 v12, $0x80  }
0x92: {  	vm1 =	vmand vm2, vm1;
	_ =	sdelay $0x2  }
0x93: {  	v13 =	vor.u32 s3, v9;
	_ =	sdelay $0x2  }
0x94: {  	[tilespmem:v12+s20+$0x0] =	vst.idx.msk vm1, v11  }
0x95: {  	[tilespmem:v12+s21+$0x0] =	vst.idx.msk vm1, v18  }
0x96: {  	v11 =	vld.idx.msk [tilespmem:v13+s16+$0x0], $0xffff;
	_ =	sdelay $0x4  }
0x97: {  	vm1 =	vge.f32 v11, v17  }
0x98: {  	v12 =	vsel vm1, $0x1, v4  }
0x99: {  	(xrf0) =	vadd.scan.msk.s32 $0xffff, v12;
	_ =	sdelay $0x1  }
0x9a: {  	v12 =	vmpcnt.ones.xlane vm2;
	_ =	sdelay $0x3  }
0x9b: {  	v1 =	vadd.s32 v1, v12;
	v12, _, _ =	vpop (xrf0)  }
0x9c: {  	v12 =	vadd.s32 v12, v1  }
0x9d: {  	v12 =	vadd.s32 $0xFFFFFFFF, v12  }
0x9e: {  	vm2 =	vlt.s32 v12, $0x80  }
0x9f: {  	vm2 =	vmand vm1, vm2;
	_ =	sdelay $0x2  }
0xa0: {  	v18 =	vor.u32 s3, v10;
	_ =	sdelay $0x2  }
0xa1: {  	[tilespmem:v12+s20+$0x0] =	vst.idx.msk vm2, v11  }
0xa2: {  	[tilespmem:v12+s21+$0x0] =	vst.idx.msk vm2, v13  }
0xa3: {  	v11 =	vld.idx.msk [tilespmem:v18+s16+$0x0], $0xffff;
	_ =	sdelay $0x4  }
0xa4: {  	vm2 =	vge.f32 v11, v17  }
0xa5: {  	v12 =	vsel vm2, $0x1, v4  }
0xa6: {  	(xrf0) =	vadd.scan.msk.s32 $0xffff, v12;
	_ =	sdelay $0x1  }
0xa7: {  	v12 =	vmpcnt.ones.xlane vm1;
	_ =	sdelay $0x3  }
0xa8: {  	v1 =	vadd.s32 v1, v12;
	v12, _, _ =	vpop (xrf0)  }
0xa9: {  	v12 =	vadd.s32 v12, v1  }
0xaa: {  	v12 =	vadd.s32 $0xFFFFFFFF, v12  }
0xab: {  	vm1 =	vlt.s32 v12, $0x80  }
0xac: {  	vm1 =	vmand vm2, vm1;
	_ =	sdelay $0x1  }
0xad: {  	p0 =	sne.s32 s10, $0x1F  }
.Ltmp0:
0xae: {  	_ = 	snop;
	(pc) =	sbr.rel @p0 .LBB2_3-.Ltmp0, $4  }
0xaf: {  	_ = 	snop  }
0xb0: {  	v13 =	vmpcnt.ones.xlane vm2  }
0xb1: {  	[tilespmem:v12+s20+$0x0] =	vst.idx.msk vm1, v11  }
0xb2: {  	s10 =	sadd.s32 $0x1, s10;
	v1 =	vadd.s32 v1, v13;
	[tilespmem:v12+s21+$0x0] =	vst.idx.msk vm1, v18  }
0xb3: {  	v1 =	vxor.u32 $0x80000000, v1  }
0xb4: {  	(xrf0) =	vmax.scan.msk.u32 $0xffff, v1;
	_ =	sdelay $0x5  }
0xb5: {  	v1, _, _ =	vpop (xrf0)  }
0xb6: {  	(v2sf) =	vpush v1, $0xF;
	_ =	sdelay $0xe  }
0xb7: {  	s3 =	spop (v2sf)  }
0xb8: {  	s3 =	sxor.u32 $0x80000000, s3  }
0xb9: {  	p0 =	slt.s32 s3, $0x80  }
0xba: {  	p1 =	slt.s32 s3, $0xFFFFFFF2;
	s3 =	simm.s32 @!p0 $0x80  }
0xbb: {  	s3 =	sadd.s32 $0xF, s3  }
0xbc: {  	s7 =	sand.u32 $0xF, s3  }
0xbd: {  	s10 =	sshra.s32 s3, $0x1F;
	p6 =	sne.s32 s7, $0x0  }
.Ltmp1:
0xbe: {  	s17 =	sshrl.u32 s10, $0x1C;
	p0 =	por !p1, !p6;
	(pc) =	sbr.rel .LBB2_5-.Ltmp1, $4  }
0xbf: {  	s7 =	simm.s32 $0x1;
	s3 =	sadd.s32 s17, s3;
	p0 =	por !p0, !p0  }
0xc0: {  	s3 =	sshra.s32 s3, $0x4;
	s7 =	simm.s32 @!p0 $0x0  }
0xc1: {  	s10 =	ssub.s32 s3, s7  }
0xc2: {  	s11 =	simm.s32 $0x0;
	s3 =	simm.s32 $0x0;
	p0 =	slt.s32 s10, $0x1  }
.LBB2_7:
0xc3: {  	v18 =	vimm.f32 $-3.000000010e+38;
	v21 =	vimm.s32 $0x0  }
.LBB2_12:
0xc4: {  	_ =	sdelay $0x3  }
0xc5: {  	v19 =	vld.idx.msk [tilespmem:v23+s21+$0x0], $0xffff;
	_ =	sdelay $0x2  }
0xc6: {  	v18 =	vsel @p1 vm1, v24, v18;
	v13 =	vadd.s32 @p1 v25, v13  }
0xc7: {  	v13 =	vsel @p1 vm1, v13, v21;
	v1 =	vpsel p1, v18, v1  }
0xc8: {  	vm1 =	vgt.f32 v17, v1;
	v11 =	vpsel p1, v13, v11;
	v12 =	vadd.s32 v12, v19  }
0xc9: {  	v1 =	vsel vm1, v17, v1;
	v11 =	vsel vm1, v12, v11  }
.LBB2_13:
0xca: {  	(xrf1) =	vsort.dscd.msk.f32 $0xffff, v1, v11;
	_ =	sdelay $0xd  }
0xcb: {  	v1, v11, _ =	vpop (xrf1)  }
0xcc: {  	[tilespmem:$0x3200] =	vst v1  }
0xcd: {  	[tilespmem:$0x3280] =	vst v11  }
0xce: {  	v1 =	vld.msk [tilespmem:s23+$0x0], $0xffff;
	_ =	sdelay $0x2  }
0xcf: {  	v12 =	vmov s11;
	v11 =	vld.msk [tilespmem:s22+$0x0], $0xffff  }
0xd0: {  	s11 =	sadd.s32 $0x1, s11  }
0xd1: {  	p1 =	sne.s32 s11, $0x20;
	v13 =	vshrl.u32 v1, $0xC  }
.Ltmp2:
0xd2: {  	_ = 	snop;
	(pc) =	sbr.rel @!p1 .LBB2_14-.Ltmp2, $4  }
0xd3: {  	_ = 	snop  }
0xd4: {  	v1 =	vand.u32 $0xFFF, v1;
	[tilespmem:v12+s24+$0x0] =	vst.idx.msk $0x1, v11  }
0xd5: {  	[tilespmem:v12+s25+$0x0] =	vst.idx.msk $0x1, v1  }
0xd6: {  	[tilespmem:v13+s20+$0x0] =	vst.idx.msk $0x1, v3  }
.LBB2_5:
.Ltmp3:
0xd7: {  	(pc) =	sbr.rel @p0 .LBB2_13-.Ltmp3, $2  }
0xd8: {  	_ =	sdelay $0x2  }
0xd9: {  	v1 =	vimm.f32 $-3.000000010e+38;
	v11 =	vimm.s32 $0x0  }
0xda: {  	v23 =	vor.u32 s3, v0;
	_ =	sdelay $0x3  }
0xdb: {  	p2 =	sne.s32 s10, $0x1  }
.Ltmp4:
0xdc: {  	v17 =	vld.idx.msk [tilespmem:v23+s20+$0x0], $0xffff;
	(pc) =	sbr.rel @!p2 .LBB2_7-.Ltmp4, $2  }
0xdd: {  	_ =	sdelay $0x2  }
0xde: {  	s7 =	sadd.s32 $0xFFFFFFFF, s10;
	s17 =	simm.s32 $0x10;
	p1 =	por $0x0, $0x0;
	v12 =	vshll.u32 v23, $0xC  }
0xdf: {  	_ =	sdelay $0x2  }
0xe0: {  	v20 =	vor.u32 s17, v0;
	p2 =	sne.s32 s7, $0x1  }
.Ltmp5:
0xe1: {  	v13 =	vld.idx.msk [tilespmem:v23+s21+$0x0], $0xffff;
	(pc) =	sbr.rel @!p2 .LBB2_9-.Ltmp5, $3  }
0xe2: {  	_ =	sdelay $0x1  }
0xe3: {  	vm1 =	vgt.f32 v17, v1  }
0xe4: {  	s7 =	sadd.s32 $0xFFFFFFFF, s7;
	s17 =	simm.s32 $0x20;
	p1 =	por $0x1, $0x1;
	v18 =	vimm.f32 $-3.000000010e+38;
	v21 =	vimm.s32 $0x0;
	v22 =	vshll.u32 v20, $0xC;
	v19 =	vld.idx.msk [tilespmem:v20+s20+$0x0], $0xffff  }
.LBB2_10:
0xe5: {  	p2 =	sne.s32 s7, $0x1;
	s7 =	sadd.s32 $0xFFFFFFFF, s7;
	v18 =	vsel vm1, v17, v18;
	v17 =	vadd.s32 v12, v13;
	v13 =	vld.idx.msk [tilespmem:v20+s21+$0x0], $0xffff;
	v20 =	vor.u32 s17, v0;
	v12 =	vmovc v22  }
.Ltmp6:
0xe6: {  	v22 =	vshll.u32 v20, $0xC;
	v21 =	vsel vm1, v17, v21;
	(pc) =	sbr.rel @p2 .LBB2_10-.Ltmp6, $2  }
0xe7: {  	_ =	sdelay $0x2  }
0xe8: {  	s17 =	sadd.s32 $0x10, s17;
	vm1 =	vgt.f32 v19, v18;
	v17 =	vmov v19;
	v19 =	vld.idx.msk [tilespmem:v20+s20+$0x0], $0xffff  }
.Ltmp7:
0xe9: {  	_ = 	snop;
	(pc) =	sbr.rel .LBB2_12-.Ltmp7, $2  }
0xea: {  	_ =	sdelay $0x2  }
0xeb: {  	v24 =	vmovc v17;
	v25 =	vmovc v12;
	v23 =	vmov v20;
	v12 =	vmov v22;
	v17 =	vmov v19  }
.LBB2_9:
.Ltmp8:
0xec: {  	_ = 	snop;
	(pc) =	sbr.rel .LBB2_12-.Ltmp8, $3  }
0xed: {  	_ =	sdelay $0x1  }
0xee: {  	v24 =	vmov v17;
	v25 =	vmov v12  }
0xef: {  	v23 =	vmovc v20;
	v18 =	vimm.f32 $-3.000000010e+38;
	v12 =	vmovc v22;
	v21 =	vimm.s32 $0x0;
	v17 =	vmov v19  }
.LBB2_14:
0xf0: {  	v1 =	vld [tilespmem:$0x3300]  }
0xf1: {  	v11 =	vld [tilespmem:$0x3310];
	_ =	sdelay $0x3  }
0xf2: {  	v1 =	vsub.f32 v1, v16  }
0xf3: {  	v11 =	vsub.f32 v11, v16  }
0xf4: {  	v1 =	vmul.f32 $1.442695020e+00, v1  }
0xf5: {  	v11 =	vmul.f32 $1.442695020e+00, v11  }
0xf6: {  	(erf) = vpow2.f32 v1  }
0xf7: {  	(erf) = vpow2.f32 v11;
	_ =	sdelay $0x7  }
0xf8: {  	v1 =	vpop (erf)  }
0xf9: {  	v11 =	vpop (erf)  }
0xfa: {  	v12 =	vadd.f32 v11, v1;
	_ =	sdelay $0x1  }
0xfb: {  	(xrf2) =	vadd.scan.msk.f32 $0xffff, v12;
	_ =	sdelay $0x6  }
0xfc: {  	v2 =	vimm.s32 $0xF;
	_ =	sdelay $0x2  }
0xfd: {  	v12, _, _ =	vpop (xrf2)  }
0xfe: {  	[tilespmem:$0x3200] =	vst v12  }
0xff: {  	v12 =	vld.idx.msk [tilespmem:v2+s22+$0x0], $0xffff;
	_ =	sdelay $0x4  }
0x100: {  	(erf) = vrcp.f32 v12;
	_ =	sdelay $0x2  }
0x101: {  	v12 =	vld [tilespmem:$0x3380];
	_ =	sdelay $0x4  }
0x102: {  	v13 =	vshrl.u32 v12, $0x7  }
0x103: {  	v17 =	vand.u32 $0x1FFFF80, v13;
	v16 =	vpop (erf)  }
0x104: {  	v13 =	vand.u32 $0x7F, v13;
	v17 =	vadd.s32 v15, v17;
	v16 =	vmul.f32 $5.000000000e-01, v16  }
0x105: {  	v13 =	vor.u32 v13, v17  }
0x106: {  	v17 =	vld [tilespmem:$0x3390];
	v1 =	vmul.f32 v16, v1  }
0x107: {  	v11 =	vmul.f32 v16, v11  }
0x108: {  	[tilespmem:$0x3400] =	vst v1  }
0x109: {  	s3 =	simm.s32 $0x0;
	[tilespmem:$0x3410] =	vst v11  }
0x10a: {  	v1 =	vld.idx.msk [tilespmem:v13+s3+$0x0], $0xffff  }
0x10b: {  	v11 =	vshrl.u32 v17, $0x7  }
0x10c: {  	v13 =	vand.u32 $0x1FFFF80, v11  }
0x10d: {  	v11 =	vand.u32 $0x7F, v11;
	v13 =	vadd.s32 v15, v13  }
0x10e: {  	v11 =	vor.u32 v11, v13  }
0x10f: {  	v2 =	vld [tilespmem:$0x1FFD0];
	v13 =	vand.u32 $0x7F, v12;
	v1 =	vshll.u32 v1, $0x7  }
0x110: {  	v1 =	vor.u32 v13, v1  }
0x111: {  	v3 =	vld [tilespmem:$0x1FFE0];
	v13 =	vshll.u32 v1, $0x1  }
0x112: {  	[tilespmem:$0x3480] =	vst v1;
	v1 =	vand.u32 $0x7, v12;
	v12 =	vand.u32 $0xFFFFFFF0, v13  }
0x113: {  	v11 =	vld.idx.msk [tilespmem:v11+s3+$0x0], $0xffff;
	v1 =	vor.u32 v1, v12  }
0x114: {  	v12 =	vperm.xlane v1, v2  }
0x115: {  	v4 =	vor.u32 $0x8, v0  }
0x116: {  	v1 =	vperm.xlane v1, v4;
	v12 =	vadd.s32 v3, v12;
	_ =	sdelay $0x1  }
0x117: {  	v13 =	vand.u32 $0x7F, v17;
	v1 =	vadd.s32 v3, v1;
	v11 =	vshll.u32 v11, $0x7  }
0x118: {  	v11 =	vor.u32 v13, v11  }
0x119: {  	[tilespmem:$0x3490] =	vst v11  }
0x11a: {  	[tilespmem:s26], [sflag:$0x3] =	stream.indirect_vreg.gather [hbm4b:s1+s3], $0x80, v12, vm0, $0xb8;
	[tilespmem:$0x7500] =	vst v63  }
0x11b: {  	_ = 	snop  }
0x11c: {  	[tilespmem:s28], [sflag:$0x3] =	stream.indirect_vreg.gather [hbm4b:s1+s3], $0x80, v1, vm0, $0xb8;
	[tilespmem:$0x7500] =	vst v63  }
0x11d: {  	v1 =	vld [tilespmem:$0x3490];
	_ =	sdelay $0x4  }
0x11e: {  	v11 =	vshll.u32 v1, $0x1  }
0x11f: {  	v1 =	vand.u32 $0x7, v1;
	v11 =	vand.u32 $0xFFFFFFF0, v11  }
0x120: {  	v1 =	vor.u32 v1, v11  }
0x121: {  	v11 =	vperm.xlane v1, v2;
	_ =	sdelay $0x1  }
0x122: {  	v1 =	vperm.xlane v1, v4;
	v11 =	vadd.s32 v3, v11;
	_ =	sdelay $0x1  }
0x123: {  	v1 =	vadd.s32 v3, v1  }
0x124: {  	v12 =	vshll.u32 v14, $0x8  }
0x125: {  	v13 =	vand.u32 $0x300, v15;
	v12 =	vand.u32 $0x800, v12  }
0x126: {  	[tilespmem:s29], [sflag:$0x3] =	stream.indirect_vreg.gather [hbm4b:s1+s3], $0x80, v11, vm0, $0xb8;
	v11 =	vor.u32 v13, v12;
	[tilespmem:$0x7500] =	vst v63  }
0x127: {  	[tilespmem:$0x1FEA0] =	vst v4;
	v4 =	vor.u32 v0, v11  }
0x128: {  	v2 =	vor.u32 v34, v11;
	[tilespmem:s30], [sflag:$0x3] =	stream.indirect_vreg.gather [hbm4b:s1+s3], $0x80, v1, vm0, $0xb8;
	[tilespmem:$0x7500] =	vst v63  }
0x129: {  	v3 =	vor.u32 v36, v11;
	_ =	swait.ge [sflag:s31], $0x2000  }
0x12a: {  	v14 =	vor.u32 v6, v11;
	[sflag:s31] =	ssyncset.done $0x0  }
0x12b: {  	v5 =	vor.u32 v7, v11;
	[sflag:s31] =	ssyncadd.s32 $0xFFFFE000  }
0x12c: {  	v20 =	vor.u32 $0x450, v0;
	[tilespmem:$0x1FEB0] =	vst v4;
	v1 =	vld.idx.msk [tilespmem:v4+s13+$0x0], $0xffff;
	v4 =	vor.u32 v8, v11  }
0x12d: {  	v30 =	vor.u32 v20, v11;
	[tilespmem:$0x1FEC0] =	vst v2;
	v12 =	vld.idx.msk [tilespmem:v2+s13+$0x0], $0xffff  }
0x12e: {  	[tilespmem:$0x1FED0] =	vst v3;
	v2 =	vor.u32 v9, v11;
	v13 =	vld.idx.msk [tilespmem:v3+s13+$0x0], $0xffff  }
0x12f: {  	v15 =	vor.u32 $0x400, v0;
	[tilespmem:$0x1FEE0] =	vst v14;
	v3 =	vor.u32 v10, v11;
	v40 =	vld.idx.msk [tilespmem:v14+s13+$0x0], $0xffff  }
0x130: {  	v17 =	vor.u32 $0x420, v0;
	[tilespmem:$0x1FEF0] =	vst v5;
	v14 =	vor.u32 v15, v11;
	v41 =	vld.idx.msk [tilespmem:v5+s13+$0x0], $0xffff  }
0x131: {  	v21 =	vor.u32 $0x460, v0;
	[tilespmem:$0x1FF00] =	vst v4;
	v22 =	vld.idx.msk [tilespmem:v4+s13+$0x0], $0xffff;
	v4 =	vor.u32 v17, v11  }
0x132: {  	v18 =	vor.u32 $0x430, v0;
	v32 =	vor.u32 v21, v11;
	[tilespmem:$0x1FF80] =	vst v30;
	v30 =	vld.idx.msk [tilespmem:v30+s13+$0x0], $0xffff  }
0x133: {  	v19 =	vor.u32 $0x440, v0;
	v24 =	vmov s3;
	v16 =	vor.u32 $0x410, v0;
	[tilespmem:$0x1FF10] =	vst v2;
	v42 =	vld.idx.msk [tilespmem:v2+s13+$0x0], $0xffff  }
0x134: {  	v26 =	vshll.u32 v24, $0x8;
	v27 =	vshll.u32 v24, $0x7;
	v5 =	vor.u32 v16, v11;
	[tilespmem:$0x1FF20] =	vst v3;
	v23 =	vld.idx.msk [tilespmem:v3+s13+$0x0], $0xffff  }
0x135: {  	[tilespmem:$0x1FF30] =	vst v14;
	v2 =	vor.u32 v18, v11;
	v3 =	vor.u32 v19, v11;
	v43 =	vld.idx.msk [tilespmem:v14+s13+$0x0], $0xffff;
	v14 =	vor.u32 $0x470, v0  }
0x136: {  	[tilespmem:$0x1FF50] =	vst v4;
	v28 =	vld.idx.msk [tilespmem:v4+s13+$0x0], $0xffff;
	v4 =	vor.u32 v14, v11;
	v11 =	vand.u32 $0x1800, v26;
	v26 =	vand.u32 $0x380, v27  }
0x137: {  	v50 =	vld.idx.msk [tilespmem:v32+s13+$0x0], $0xffff;
	v11 =	vor.u32 v26, v11  }
0x138: {  	v45 =	vld.idx.msk [tilespmem:v24+s0+$0x0], $0xffff;
	v29 =	vor.u32 v0, v11  }
0x139: {  	v25 =	vld.idx.msk [tilespmem:v5+s13+$0x0], $0xffff;
	v31 =	vor.u32 v34, v11  }
0x13a: {  	v27 =	vld.idx.msk [tilespmem:v2+s13+$0x0], $0xffff;
	v44 =	vor.u32 v36, v11  }
0x13b: {  	v26 =	vld.idx.msk [tilespmem:v3+s13+$0x0], $0xffff;
	v47 =	vor.u32 v10, v11  }
0x13c: {  	v24 =	vor.u32 v14, v11;
	v46 =	vld.idx.msk [tilespmem:v4+s13+$0x0], $0xffff  }
0x13d: {  	v48 =	vor.u32 v20, v11;
	v29 =	vld.idx.msk [tilespmem:v29+s26+$0x0], $0xffff  }
0x13e: {  	v49 =	vor.u32 v8, v11;
	v31 =	vld.idx.msk [tilespmem:v31+s26+$0x0], $0xffff  }
0x13f: {  	v54 =	vor.u32 v16, v11;
	v44 =	vld.idx.msk [tilespmem:v44+s26+$0x0], $0xffff  }
0x140: {  	v52 =	vor.u32 v7, v11;
	v47 =	vld.idx.msk [tilespmem:v47+s26+$0x0], $0xffff  }
0x141: {  	v51 =	vor.u32 v17, v11;
	v24 =	vld.idx.msk [tilespmem:v24+s26+$0x0], $0xffff  }
0x142: {  	[tilespmem:$0x1FF90] =	vst v32;
	v57 =	vor.u32 v18, v11;
	v55 =	vld.idx.msk [tilespmem:v48+s26+$0x0], $0xffff  }
0x143: {  	[tilespmem:$0x1FF40] =	vst v5;
	v53 =	vor.u32 v19, v11;
	v56 =	vor.u32 v6, v11;
	v49 =	vld.idx.msk [tilespmem:v49+s26+$0x0], $0xffff  }
0x144: {  	s17 =	simm.s32 $0x1;
	v58 =	vor.u32 v9, v11;
	v59 =	vor.u32 v21, v11;
	v11 =	vor.u32 v15, v11;
	v60 =	vld.idx.msk [tilespmem:v54+s26+$0x0], $0xffff  }
0x145: {  	v5 =	vmov v34;
	[tilespmem:$0x1FF60] =	vst v2;
	v32 =	vld.idx.msk [tilespmem:v52+s26+$0x0], $0xffff;
	v52 =	vmov s17;
	v29 =	vmul.f32 v29, v45  }
0x146: {  	[tilespmem:$0x1FFA0] =	vst v4;
	v51 =	vld.idx.msk [tilespmem:v51+s26+$0x0], $0xffff;
	v38 =	vshll.u32 v52, $0x7;
	v31 =	vmul.f32 v31, v45;
	v44 =	vmul.f32 v44, v45  }
0x147: {  	v4 =	vmovc v8;
	v61 =	vld.idx.msk [tilespmem:v57+s26+$0x0], $0xffff;
	v24 =	vmul.f32 v24, v45;
	v48 =	vadd.f32 v29, v1;
	v29 =	vshll.u32 v52, $0x8  }
0x148: {  	v8 =	vmovc v7;
	v7 =	vmovc v6;
	v47 =	vmul.f32 v47, v45;
	v1 =	vld.idx.msk [tilespmem:v53+s26+$0x0], $0xffff;
	v53 =	vand.u32 $0x380, v38;
	v29 =	vand.u32 $0x1800, v29  }
0x149: {  	v62 =	vld.idx.msk [tilespmem:v11+s26+$0x0], $0xffff;
	v35 =	vmul.f32 v49, v45;
	v11 =	vmul.f32 v60, v45;
	v33 =	vor.u32 v53, v29  }
0x14a: {  	v6 =	vmovc v36;
	v54 =	vadd.f32 v31, v12;
	v49 =	vadd.f32 v47, v23;
	v57 =	vor.u32 v0, v33  }
0x14b: {  	v36 =	vld.idx.msk [tilespmem:v58+s26+$0x0], $0xffff;
	v47 =	vadd.f32 v11, v25;
	v11 =	vmul.f32 v51, v45;
	v34 =	vor.u32 v34, v33  }
0x14c: {  	v12 =	vld.idx.msk [tilespmem:v56+s26+$0x0], $0xffff;
	v23 =	vmul.f32 v61, v45;
	v29 =	vmul.f32 v55, v45;
	v37 =	vor.u32 v6, v33  }
0x14d: {  	v56 =	vld.idx.msk [tilespmem:v52+s0+$0x0], $0xffff;
	v55 =	vadd.f32 v44, v13;
	v44 =	vadd.f32 v24, v46;
	v13 =	vor.u32 v10, v33  }
0x14e: {  	v53 =	vld.idx.msk [tilespmem:v59+s26+$0x0], $0xffff;
	v51 =	vadd.f32 v11, v28;
	v52 =	vadd.f32 v23, v27;
	v24 =	vor.u32 v14, v33  }
0x14f: {  	[tilespmem:$0x1FF70] =	vst v3;
	v6 =	vmov v7;
	v58 =	vor.u32 v7, v33;
	v31 =	vor.u32 v4, v33;
	v38 =	vld.idx.msk [tilespmem:v57+s26+$0x0], $0xffff  }
0x150: {  	v63 =	vor.u32 v8, v33;
	v25 =	vor.u32 v20, v33;
	v46 =	vadd.f32 v29, v30;
	v30 =	vld.idx.msk [tilespmem:v34+s26+$0x0], $0xffff  }
0x151: {  	v7 =	vmovc v8;
	v8 =	vmov v4;
	v39 =	vor.u32 v17, v33;
	v57 =	vadd.f32 v35, v22;
	v22 =	vld.idx.msk [tilespmem:v37+s26+$0x0], $0xffff  }
0x152: {  	v59 =	vor.u32 v16, v33;
	v11 =	vor.u32 v9, v33;
	v1 =	vmul.f32 v1, v45;
	v61 =	vld.idx.msk [tilespmem:v13+s26+$0x0], $0xffff  }
0x153: {  	v23 =	vor.u32 v21, v33;
	v27 =	vor.u32 v19, v33;
	v28 =	vmul.f32 v53, v45;
	v60 =	vld.idx.msk [tilespmem:v24+s26+$0x0], $0xffff  }
0x154: {  	v53 =	vadd.f32 v1, v26;
	v13 =	vmul.f32 v36, v45;
	v24 =	vld.idx.msk [tilespmem:v31+s26+$0x0], $0xffff;
	v31 =	vmul.f32 v12, v45  }
0x155: {  	v1 =	vld.idx.msk [tilespmem:v25+s26+$0x0], $0xffff;
	v25 =	vor.u32 v15, v33;
	v50 =	vadd.f32 v28, v50;
	v29 =	vmul.f32 v38, v56  }
0x156: {  	s3 =	simm.s32 $0x2;
	v12 =	vld.idx.msk [tilespmem:v39+s26+$0x0], $0xffff;
	v28 =	vor.u32 v18, v33;
	v26 =	vmul.f32 v30, v56;
	v30 =	vmul.f32 v32, v45  }
.LBB2_15:
0x157: {  	_ = 	snop  }
0x158: {  	v48 =	vadd.f32 v29, v48  }
0x159: {  	v32 =	vld.idx.msk [tilespmem:v63+s26+$0x0], $0xffff;
	s7 =	smov.u32 s3;
	v40 =	vadd.f32 v31, v40;
	v29 =	vmul.f32 v62, v45;
	v41 =	vadd.f32 v30, v41  }
0x15a: {  	v2 =	vld [tilespmem:$0x1FFF0];
	v31 =	vmov s7;
	v42 =	vadd.f32 v13, v42;
	v54 =	vadd.f32 v26, v54  }
0x15b: {  	v27 =	vld.idx.msk [tilespmem:v27+s26+$0x0], $0xffff;
	v30 =	vshll.u32 v31, $0x8;
	v33 =	vshll.u32 v31, $0x7;
	v43 =	vadd.f32 v29, v43  }
0x15c: {  	v28 =	vld.idx.msk [tilespmem:v28+s26+$0x0], $0xffff;
	v45 =	vmovc v56;
	v29 =	vand.u32 $0x1800, v30;
	v30 =	vand.u32 $0x380, v33;
	v22 =	vmul.f32 v22, v56  }
0x15d: {  	v35 =	vld.idx.msk [tilespmem:v59+s26+$0x0], $0xffff;
	v30 =	vor.u32 v30, v29;
	v1 =	vmul.f32 v1, v45;
	v29 =	vmul.f32 v60, v45  }
0x15e: {  	v13 =	vld.idx.msk [tilespmem:v11+s26+$0x0], $0xffff;
	v24 =	vmul.f32 v24, v45;
	v37 =	vmul.f32 v61, v45;
	v11 =	vor.u32 v0, v30  }
0x15f: {  	v62 =	vld.idx.msk [tilespmem:v25+s26+$0x0], $0xffff;
	v12 =	vmul.f32 v12, v45;
	v34 =	vor.u32 v5, v30;
	v36 =	vor.u32 v2, v30  }
0x160: {  	v33 =	vld.idx.msk [tilespmem:v23+s26+$0x0], $0xffff;
	v23 =	vor.u32 v6, v30;
	v63 =	vor.u32 v7, v30;
	v25 =	vor.u32 v8, v30  }
0x161: {  	v26 =	vld.idx.msk [tilespmem:v58+s26+$0x0], $0xffff;
	v38 =	vor.u32 v10, v30;
	v59 =	vor.u32 v16, v30;
	v60 =	vor.u32 v14, v30  }
0x162: {  	v39 =	vmul.f32 v27, v45;
	v4 =	vor.u32 v17, v30;
	v35 =	vmul.f32 v35, v45;
	v56 =	vld.idx.msk [tilespmem:v31+s0+$0x0], $0xffff  }
0x163: {  	v2 =	vmul.f32 v28, v45;
	v27 =	vor.u32 v19, v30;
	v28 =	vor.u32 v18, v30;
	v3 =	vld.idx.msk [tilespmem:v11+s26+$0x0], $0xffff  }
0x164: {  	v31 =	vor.u32 v20, v30;
	v55 =	vadd.f32 v22, v55;
	v49 =	vadd.f32 v37, v49;
	v34 =	vld.idx.msk [tilespmem:v34+s26+$0x0], $0xffff  }
0x165: {  	p0 =	sne.s32 s3, $0x1F;
	v58 =	vmov v23;
	v44 =	vadd.f32 v29, v44;
	v46 =	vadd.f32 v1, v46;
	v22 =	vld.idx.msk [tilespmem:v36+s26+$0x0], $0xffff  }
.Ltmp9:
0x166: {  	v23 =	vor.u32 v21, v30;
	v57 =	vadd.f32 v24, v57;
	v51 =	vadd.f32 v12, v51;
	v61 =	vld.idx.msk [tilespmem:v38+s26+$0x0], $0xffff;
	(pc) =	sbr.rel @p0 .LBB2_15-.Ltmp9, $4  }
0x167: {  	v13 =	vmul.f32 v13, v45;
	v47 =	vadd.f32 v35, v47;
	v52 =	vadd.f32 v2, v52;
	v60 =	vld.idx.msk [tilespmem:v60+s26+$0x0], $0xffff  }
0x168: {  	v53 =	vadd.f32 v39, v53;
	v2 =	vmul.f32 v33, v45;
	v11 =	vor.u32 v9, v30;
	v24 =	vld.idx.msk [tilespmem:v25+s26+$0x0], $0xffff  }
0x169: {  	v25 =	vor.u32 v15, v30;
	v30 =	vmul.f32 v32, v45;
	v1 =	vld.idx.msk [tilespmem:v31+s26+$0x0], $0xffff;
	v31 =	vmul.f32 v26, v45  }
0x16a: {  	s3 =	sadd.s32 $0x1, s3;
	v12 =	vld.idx.msk [tilespmem:v4+s26+$0x0], $0xffff;
	v50 =	vadd.f32 v2, v50;
	v29 =	vmul.f32 v3, v56;
	v26 =	vmul.f32 v34, v56  }
0x16b: {  	_ =	sdelay $0x3  }
0x16c: {  	v2 =	vld.idx.msk [tilespmem:v63+s26+$0x0], $0xffff  }
0x16d: {  	[tilespmem:$0x1FE60] =	vst v14;
	v14 =	vld [tilespmem:$0x1FEB0]  }
0x16e: {  	v3 =	vld.idx.msk [tilespmem:v27+s26+$0x0], $0xffff  }
0x16f: {  	v4 =	vld.idx.msk [tilespmem:v58+s26+$0x0], $0xffff  }
0x170: {  	v27 =	vld.idx.msk [tilespmem:v28+s26+$0x0], $0xffff  }
0x171: {  	v23 =	vld.idx.msk [tilespmem:v23+s26+$0x0], $0xffff  }
0x172: {  	v11 =	vld.idx.msk [tilespmem:v11+s26+$0x0], $0xffff  }
0x173: {  	v32 =	vld.idx.msk [tilespmem:v59+s26+$0x0], $0xffff;
	v29 =	vadd.f32 v29, v48  }
0x174: {  	v25 =	vld.idx.msk [tilespmem:v25+s26+$0x0], $0xffff  }
0x175: {  	[tilespmem:v14+s2+$0x0] =	vst.idx.msk $0xffff, v29;
	v14 =	vld [tilespmem:$0x1FEC0];
	_ =	sdelay $0x5  }
0x176: {  	v26 =	vadd.f32 v26, v54;
	_ =	sdelay $0x1  }
0x177: {  	[tilespmem:v14+s2+$0x0] =	vst.idx.msk $0xffff, v26;
	v14 =	vld [tilespmem:$0x1FED0];
	_ =	sdelay $0x3  }
0x178: {  	v22 =	vmul.f32 v22, v56;
	_ =	sdelay $0x1  }
0x179: {  	v22 =	vadd.f32 v22, v55;
	_ =	sdelay $0x1  }
0x17a: {  	[tilespmem:v14+s2+$0x0] =	vst.idx.msk $0xffff, v22;
	v14 =	vld [tilespmem:$0x1FEE0];
	_ =	sdelay $0x3  }
0x17b: {  	v31 =	vadd.f32 v31, v40;
	v4 =	vmul.f32 v4, v56  }
0x17c: {  	v13 =	vadd.f32 v13, v42;
	v11 =	vmul.f32 v11, v56  }
0x17d: {  	v4 =	vadd.f32 v4, v31  }
0x17e: {  	v11 =	vadd.f32 v11, v13;
	v13 =	vld [tilespmem:$0x1FEF0]  }
0x17f: {  	[tilespmem:v14+s2+$0x0] =	vst.idx.msk $0xffff, v4;
	v14 =	vld [tilespmem:$0x1FF00];
	_ =	sdelay $0x2  }
0x180: {  	v30 =	vadd.f32 v30, v41;
	v2 =	vmul.f32 v2, v56  }
0x181: {  	v24 =	vmul.f32 v24, v56  }
0x182: {  	v2 =	vadd.f32 v2, v30  }
0x183: {  	v24 =	vadd.f32 v24, v57  }
0x184: {  	[tilespmem:v13+s2+$0x0] =	vst.idx.msk $0xffff, v2  }
0x185: {  	[tilespmem:v14+s2+$0x0] =	vst.idx.msk $0xffff, v24;
	v14 =	vld [tilespmem:$0x1FF10];
	_ =	sdelay $0x7  }
0x186: {  	[tilespmem:v14+s2+$0x0] =	vst.idx.msk $0xffff, v11;
	v14 =	vld [tilespmem:$0x1FF20];
	_ =	sdelay $0x3  }
0x187: {  	v22 =	vmul.f32 v61, v56;
	_ =	sdelay $0x1  }
0x188: {  	v13 =	vadd.f32 v22, v49;
	_ =	sdelay $0x1  }
0x189: {  	[tilespmem:v14+s2+$0x0] =	vst.idx.msk $0xffff, v13;
	v13 =	vld [tilespmem:$0x1FF30];
	_ =	sdelay $0x1  }
0x18a: {  	v63 =	vmul.f32 v62, v45;
	_ =	sdelay $0x1  }
0x18b: {  	v28 =	vadd.f32 v63, v43;
	v4 =	vmul.f32 v25, v56;
	_ =	sdelay $0x1  }
0x18c: {  	v4 =	vadd.f32 v4, v28;
	v11 =	vmul.f32 v27, v56;
	_ =	sdelay $0x1  }
0x18d: {  	[tilespmem:v13+s2+$0x0] =	vst.idx.msk $0xffff, v4;
	v4 =	vadd.f32 v11, v52;
	v11 =	vld [tilespmem:$0x1FF40];
	_ =	sdelay $0x3  }
0x18e: {  	v2 =	vmul.f32 v32, v56;
	_ =	sdelay $0x1  }
0x18f: {  	v2 =	vadd.f32 v2, v47;
	_ =	sdelay $0x1  }
0x190: {  	[tilespmem:v11+s2+$0x0] =	vst.idx.msk $0xffff, v2;
	v11 =	vld [tilespmem:$0x1FF50];
	_ =	sdelay $0x3  }
0x191: {  	v12 =	vmul.f32 v12, v56;
	_ =	sdelay $0x1  }
0x192: {  	v12 =	vadd.f32 v12, v51;
	_ =	sdelay $0x1  }
0x193: {  	[tilespmem:v11+s2+$0x0] =	vst.idx.msk $0xffff, v12;
	v12 =	vld [tilespmem:$0x1FF60];
	_ =	sdelay $0x7  }
0x194: {  	[tilespmem:v12+s2+$0x0] =	vst.idx.msk $0xffff, v4;
	v12 =	vld [tilespmem:$0x1FF70];
	_ =	sdelay $0x3  }
0x195: {  	v3 =	vmul.f32 v3, v56;
	_ =	sdelay $0x1  }
0x196: {  	v2 =	vadd.f32 v3, v53;
	v11 =	vmul.f32 v60, v56;
	_ =	sdelay $0x1  }
0x197: {  	[tilespmem:v12+s2+$0x0] =	vst.idx.msk $0xffff, v2;
	v2 =	vadd.f32 v11, v44;
	v11 =	vld [tilespmem:$0x1FF80];
	_ =	sdelay $0x3  }
0x198: {  	v1 =	vmul.f32 v1, v56;
	_ =	sdelay $0x1  }
0x199: {  	v1 =	vadd.f32 v1, v46;
	_ =	sdelay $0x1  }
0x19a: {  	[tilespmem:v11+s2+$0x0] =	vst.idx.msk $0xffff, v1;
	v1 =	vld [tilespmem:$0x1FF90];
	_ =	sdelay $0x3  }
0x19b: {  	v3 =	vmul.f32 v23, v56;
	_ =	sdelay $0x1  }
0x19c: {  	v3 =	vadd.f32 v3, v50;
	_ =	sdelay $0x1  }
0x19d: {  	[tilespmem:v1+s2+$0x0] =	vst.idx.msk $0xffff, v3;
	v1 =	vld [tilespmem:$0x1FFA0]  }
0x19e: {  	s3 =	smin.u32 s9, $0xD  }
0x19f: {  	s3 =	sadd.s32 $0x2, s3  }
0x1a0: {  	s7 =	sshll.u32 s3, $0x7  }
0x1a1: {  	v4 =	vor.u32 s7, v0;
	_ =	sdelay $0x3  }
0x1a2: {  	s9 =	simm.s32 $0x0;
	[tilespmem:v1+s2+$0x0] =	vst.idx.msk $0xffff, v2  }
0x1a3: {  	v1 =	vld.idx.msk [tilespmem:v4+s9+$0x0], $0xffff;
	_ =	sdelay $0x1  }
0x1a4: {  	v2 =	vor.u32 s7, v5  }
0x1a5: {  	s3 =	sadd.s32 s5, s3  }
0x1a6: {  	s3 =	sshll.u32 s3, $0x9  }
0x1a7: {  	v1 =	vadd.s32 s3, v1  }
0x1a8: {  	[tilespmem:$0x1000] =	vst v1  }
0x1a9: {  	v1 =	vld.idx.msk [tilespmem:v2+s9+$0x0], $0xffff  }
0x1aa: {  	v2 =	vld [tilespmem:$0x1FFB0];
	_ =	sdelay $0x3  }
0x1ab: {  	[tilespmem:$0x1FE70] =	vst v21  }
0x1ac: {  	[tilespmem:$0x1FE80] =	vst v20;
	v23 =	vbroadcast v2, $0x0  }
0x1ad: {  	[tilespmem:$0x1FE90] =	vst v19;
	v1 =	vadd.s32 s3, v1  }
0x1ae: {  	[tilespmem:$0x1010] =	vst v1;
	v24 =	vshll.u32 v23, $0x7  }
0x1af: {  	[tilespmem:s16], [sflag:$0x1] =	stream.indirect.gather [hbm4b:s4+s14], $0x80, s15, s14, $0xb8;
	v1 =	vor.u32 $0x1F, v24;
	[tilespmem:$0x7500] =	vst v63  }
0x1b0: {  	_ =	swait.ge [sflag:s6], $0x1000  }
0x1b1: {  	[sflag:s6] =	ssyncset.done $0x0  }
0x1b2: {  	[sflag:s6] =	ssyncadd.s32 $0xFFFFF000  }
0x1b3: {  	v35 =	vimm.f32 $-3.000000010e+38;
	v25 =	vld.idx.msk [tilespmem:v24+s12+$0x0], $0xffff  }
0x1b4: {  	v26 =	vld.idx.msk [tilespmem:v1+s12+$0x0], $0xffff;
	[tilespmem:$0x3100] =	vst v35  }
0x1b5: {  	[tilespmem:$0x3110] =	vst v35  }
0x1b6: {  	[tilespmem:$0x3120] =	vst v35  }
0x1b7: {  	[tilespmem:$0x3130] =	vst v35  }
0x1b8: {  	[tilespmem:$0x3140] =	vst v35  }
0x1b9: {  	[tilespmem:$0x3150] =	vst v35  }
0x1ba: {  	[tilespmem:$0x3160] =	vst v35  }
0x1bb: {  	v37 =	vmovc v15;
	v34 =	vmov v5;
	v12 =	vimm.s32 $0x0;
	v36 =	vld [tilespmem:$0x1FFF0];
	[tilespmem:$0x3170] =	vst v35;
	v1 =	vimm.s32 $0x0  }
.LBB2_17:
0x1bc: {  	s3 =	sshll.u32 s9, $0x7  }
0x1bd: {  	v2 =	vor.u32 s3, v0;
	_ =	sdelay $0x4  }
0x1be: {  	v3 =	vld.idx.msk [tilespmem:v2+s18+$0x0], $0xffff;
	_ =	sdelay $0x4  }
0x1bf: {  	vm1 =	vge.f32 v3, v26  }
0x1c0: {  	v4 =	vsel vm1, $0x1, v12  }
0x1c1: {  	(xrf0) =	vadd.scan.msk.s32 $0xffff, v4;
	_ =	sdelay $0x5  }
0x1c2: {  	v4, _, _ =	vpop (xrf0)  }
0x1c3: {  	v4 =	vadd.s32 v4, v1  }
0x1c4: {  	v4 =	vadd.s32 $0xFFFFFFFF, v4  }
0x1c5: {  	vm2 =	vlt.s32 v4, $0x80  }
0x1c6: {  	vm2 =	vmand vm1, vm2;
	_ =	sdelay $0x2  }
0x1c7: {  	v11 =	vor.u32 s3, v34;
	_ =	sdelay $0x2  }
0x1c8: {  	[tilespmem:v4+s20+$0x0] =	vst.idx.msk vm2, v3  }
0x1c9: {  	[tilespmem:v4+s21+$0x0] =	vst.idx.msk vm2, v2  }
0x1ca: {  	v2 =	vld.idx.msk [tilespmem:v11+s18+$0x0], $0xffff;
	_ =	sdelay $0x4  }
0x1cb: {  	vm2 =	vge.f32 v2, v26  }
0x1cc: {  	v3 =	vsel vm2, $0x1, v12  }
0x1cd: {  	(xrf0) =	vadd.scan.msk.s32 $0xffff, v3;
	_ =	sdelay $0x1  }
0x1ce: {  	v3 =	vmpcnt.ones.xlane vm1;
	_ =	sdelay $0x3  }
0x1cf: {  	v1 =	vadd.s32 v1, v3;
	v3, _, _ =	vpop (xrf0)  }
0x1d0: {  	v3 =	vadd.s32 v3, v1  }
0x1d1: {  	v3 =	vadd.s32 $0xFFFFFFFF, v3  }
0x1d2: {  	vm1 =	vlt.s32 v3, $0x80  }
0x1d3: {  	vm1 =	vmand vm2, vm1;
	_ =	sdelay $0x2  }
0x1d4: {  	v4 =	vor.u32 s3, v36;
	_ =	sdelay $0x2  }
0x1d5: {  	[tilespmem:v3+s20+$0x0] =	vst.idx.msk vm1, v2  }
0x1d6: {  	[tilespmem:v3+s21+$0x0] =	vst.idx.msk vm1, v11  }
0x1d7: {  	v2 =	vld.idx.msk [tilespmem:v4+s18+$0x0], $0xffff;
	_ =	sdelay $0x4  }
0x1d8: {  	vm1 =	vge.f32 v2, v26  }
0x1d9: {  	v3 =	vsel vm1, $0x1, v12  }
0x1da: {  	(xrf0) =	vadd.scan.msk.s32 $0xffff, v3;
	_ =	sdelay $0x1  }
0x1db: {  	v3 =	vmpcnt.ones.xlane vm2;
	_ =	sdelay $0x3  }
0x1dc: {  	v1 =	vadd.s32 v1, v3;
	v3, _, _ =	vpop (xrf0)  }
0x1dd: {  	v3 =	vadd.s32 v3, v1  }
0x1de: {  	v3 =	vadd.s32 $0xFFFFFFFF, v3  }
0x1df: {  	vm2 =	vlt.s32 v3, $0x80  }
0x1e0: {  	vm2 =	vmand vm1, vm2;
	_ =	sdelay $0x2  }
0x1e1: {  	v11 =	vor.u32 s3, v6;
	_ =	sdelay $0x2  }
0x1e2: {  	[tilespmem:v3+s20+$0x0] =	vst.idx.msk vm2, v2  }
0x1e3: {  	[tilespmem:v3+s21+$0x0] =	vst.idx.msk vm2, v4  }
0x1e4: {  	v2 =	vld.idx.msk [tilespmem:v11+s18+$0x0], $0xffff;
	_ =	sdelay $0x4  }
0x1e5: {  	vm2 =	vge.f32 v2, v26  }
0x1e6: {  	v3 =	vsel vm2, $0x1, v12  }
0x1e7: {  	(xrf0) =	vadd.scan.msk.s32 $0xffff, v3;
	_ =	sdelay $0x1  }
0x1e8: {  	v3 =	vmpcnt.ones.xlane vm1;
	_ =	sdelay $0x3  }
0x1e9: {  	v1 =	vadd.s32 v1, v3;
	v3, _, _ =	vpop (xrf0)  }
0x1ea: {  	v3 =	vadd.s32 v3, v1  }
0x1eb: {  	v3 =	vadd.s32 $0xFFFFFFFF, v3  }
0x1ec: {  	vm1 =	vlt.s32 v3, $0x80  }
0x1ed: {  	vm1 =	vmand vm2, vm1;
	_ =	sdelay $0x2  }
0x1ee: {  	v4 =	vor.u32 s3, v7;
	_ =	sdelay $0x2  }
0x1ef: {  	[tilespmem:v3+s20+$0x0] =	vst.idx.msk vm1, v2  }
0x1f0: {  	[tilespmem:v3+s21+$0x0] =	vst.idx.msk vm1, v11  }
0x1f1: {  	v2 =	vld.idx.msk [tilespmem:v4+s18+$0x0], $0xffff;
	_ =	sdelay $0x4  }
0x1f2: {  	vm1 =	vge.f32 v2, v26  }
0x1f3: {  	v3 =	vsel vm1, $0x1, v12  }
0x1f4: {  	(xrf0) =	vadd.scan.msk.s32 $0xffff, v3;
	_ =	sdelay $0x1  }
0x1f5: {  	v3 =	vmpcnt.ones.xlane vm2;
	_ =	sdelay $0x3  }
0x1f6: {  	v1 =	vadd.s32 v1, v3;
	v3, _, _ =	vpop (xrf0)  }
0x1f7: {  	v3 =	vadd.s32 v3, v1  }
0x1f8: {  	v3 =	vadd.s32 $0xFFFFFFFF, v3  }
0x1f9: {  	vm2 =	vlt.s32 v3, $0x80  }
0x1fa: {  	vm2 =	vmand vm1, vm2;
	_ =	sdelay $0x2  }
0x1fb: {  	v11 =	vor.u32 s3, v8;
	_ =	sdelay $0x2  }
0x1fc: {  	[tilespmem:v3+s20+$0x0] =	vst.idx.msk vm2, v2  }
0x1fd: {  	[tilespmem:v3+s21+$0x0] =	vst.idx.msk vm2, v4  }
0x1fe: {  	v2 =	vld.idx.msk [tilespmem:v11+s18+$0x0], $0xffff;
	_ =	sdelay $0x4  }
0x1ff: {  	vm2 =	vge.f32 v2, v26  }
0x200: {  	v3 =	vsel vm2, $0x1, v12  }
0x201: {  	(xrf0) =	vadd.scan.msk.s32 $0xffff, v3;
	_ =	sdelay $0x1  }
0x202: {  	v3 =	vmpcnt.ones.xlane vm1;
	_ =	sdelay $0x3  }
0x203: {  	v1 =	vadd.s32 v1, v3;
	v3, _, _ =	vpop (xrf0)  }
0x204: {  	v3 =	vadd.s32 v3, v1  }
0x205: {  	v3 =	vadd.s32 $0xFFFFFFFF, v3  }
0x206: {  	vm1 =	vlt.s32 v3, $0x80  }
0x207: {  	vm1 =	vmand vm2, vm1;
	_ =	sdelay $0x2  }
0x208: {  	v4 =	vor.u32 s3, v9;
	_ =	sdelay $0x2  }
0x209: {  	[tilespmem:v3+s20+$0x0] =	vst.idx.msk vm1, v2  }
0x20a: {  	[tilespmem:v3+s21+$0x0] =	vst.idx.msk vm1, v11  }
0x20b: {  	v2 =	vld.idx.msk [tilespmem:v4+s18+$0x0], $0xffff;
	_ =	sdelay $0x4  }
0x20c: {  	vm1 =	vge.f32 v2, v26  }
0x20d: {  	v3 =	vsel vm1, $0x1, v12  }
0x20e: {  	(xrf0) =	vadd.scan.msk.s32 $0xffff, v3;
	_ =	sdelay $0x1  }
0x20f: {  	v3 =	vmpcnt.ones.xlane vm2;
	_ =	sdelay $0x3  }
0x210: {  	v1 =	vadd.s32 v1, v3;
	v3, _, _ =	vpop (xrf0)  }
0x211: {  	v3 =	vadd.s32 v3, v1  }
0x212: {  	v3 =	vadd.s32 $0xFFFFFFFF, v3  }
0x213: {  	vm2 =	vlt.s32 v3, $0x80  }
0x214: {  	vm2 =	vmand vm1, vm2;
	_ =	sdelay $0x2  }
0x215: {  	v11 =	vor.u32 s3, v10;
	_ =	sdelay $0x2  }
0x216: {  	[tilespmem:v3+s20+$0x0] =	vst.idx.msk vm2, v2  }
0x217: {  	[tilespmem:v3+s21+$0x0] =	vst.idx.msk vm2, v4  }
0x218: {  	v2 =	vld.idx.msk [tilespmem:v11+s18+$0x0], $0xffff;
	_ =	sdelay $0x4  }
0x219: {  	vm2 =	vge.f32 v2, v26  }
0x21a: {  	v3 =	vsel vm2, $0x1, v12  }
0x21b: {  	(xrf0) =	vadd.scan.msk.s32 $0xffff, v3;
	_ =	sdelay $0x1  }
0x21c: {  	v3 =	vmpcnt.ones.xlane vm1;
	_ =	sdelay $0x3  }
0x21d: {  	v1 =	vadd.s32 v1, v3;
	v3, _, _ =	vpop (xrf0)  }
0x21e: {  	v3 =	vadd.s32 v3, v1  }
0x21f: {  	v3 =	vadd.s32 $0xFFFFFFFF, v3  }
0x220: {  	vm1 =	vlt.s32 v3, $0x80  }
0x221: {  	vm1 =	vmand vm2, vm1;
	_ =	sdelay $0x1  }
0x222: {  	p0 =	sne.s32 s9, $0x1F  }
.Ltmp10:
0x223: {  	_ = 	snop;
	(pc) =	sbr.rel @p0 .LBB2_17-.Ltmp10, $4  }
0x224: {  	_ = 	snop  }
0x225: {  	v4 =	vmpcnt.ones.xlane vm2  }
0x226: {  	[tilespmem:v3+s20+$0x0] =	vst.idx.msk vm1, v2  }
0x227: {  	s9 =	sadd.s32 $0x1, s9;
	v1 =	vadd.s32 v1, v4;
	[tilespmem:v3+s21+$0x0] =	vst.idx.msk vm1, v11  }
0x228: {  	v1 =	vxor.u32 $0x80000000, v1  }
0x229: {  	(xrf0) =	vmax.scan.msk.u32 $0xffff, v1;
	_ =	sdelay $0x5  }
0x22a: {  	v1, _, _ =	vpop (xrf0)  }
0x22b: {  	(v2sf) =	vpush v1, $0xF;
	_ =	sdelay $0xe  }
0x22c: {  	s3 =	spop (v2sf)  }
0x22d: {  	s3 =	sxor.u32 $0x80000000, s3  }
0x22e: {  	p0 =	slt.s32 s3, $0x80  }
0x22f: {  	p1 =	slt.s32 s3, $0xFFFFFFF2;
	s3 =	simm.s32 @!p0 $0x80  }
0x230: {  	s3 =	sadd.s32 $0xF, s3  }
0x231: {  	s7 =	sand.u32 $0xF, s3  }
0x232: {  	s9 =	sshra.s32 s3, $0x1F;
	p6 =	sne.s32 s7, $0x0  }
.Ltmp11:
0x233: {  	s17 =	sshrl.u32 s9, $0x1C;
	p0 =	por !p1, !p6;
	(pc) =	sbr.rel .LBB2_19-.Ltmp11, $4  }
0x234: {  	v15 =	vmov v16;
	v16 =	vmov v17;
	v17 =	vmov v18;
	v18 =	vld [tilespmem:$0x1FE90];
	s7 =	simm.s32 $0x1;
	s3 =	sadd.s32 s17, s3;
	p0 =	por !p0, !p0  }
0x235: {  	v19 =	vld [tilespmem:$0x1FE80];
	s3 =	sshra.s32 s3, $0x4;
	s7 =	simm.s32 @!p0 $0x0  }
0x236: {  	v20 =	vld [tilespmem:$0x1FE70];
	s9 =	ssub.s32 s3, s7  }
0x237: {  	s10 =	simm.s32 $0x0;
	v21 =	vld [tilespmem:$0x1FE60];
	s3 =	simm.s32 $0x0;
	p0 =	slt.s32 s9, $0x1  }
.LBB2_21:
0x238: {  	v26 =	vimm.f32 $-3.000000010e+38;
	v29 =	vimm.s32 $0x0  }
.LBB2_26:
0x239: {  	_ =	sdelay $0x3  }
0x23a: {  	v2 =	vld.idx.msk [tilespmem:v31+s21+$0x0], $0xffff;
	_ =	sdelay $0x2  }
0x23b: {  	v3 =	vsel @p1 vm1, v32, v26;
	v4 =	vadd.s32 @p1 v33, v13  }
0x23c: {  	v4 =	vsel @p1 vm1, v4, v29;
	v1 =	vpsel p1, v3, v1  }
0x23d: {  	vm1 =	vgt.f32 v22, v1;
	v3 =	vpsel p1, v4, v11;
	v2 =	vadd.s32 v12, v2  }
0x23e: {  	v1 =	vsel vm1, v22, v1;
	v11 =	vsel vm1, v2, v3  }
.LBB2_27:
0x23f: {  	(xrf1) =	vsort.dscd.msk.f32 $0xffff, v1, v11;
	_ =	sdelay $0xd  }
0x240: {  	v1, v2, _ =	vpop (xrf1)  }
0x241: {  	[tilespmem:$0x3200] =	vst v1  }
0x242: {  	[tilespmem:$0x3280] =	vst v2  }
0x243: {  	v1 =	vld.msk [tilespmem:s23+$0x0], $0xffff;
	_ =	sdelay $0x2  }
0x244: {  	v3 =	vmov s10;
	v2 =	vld.msk [tilespmem:s22+$0x0], $0xffff  }
0x245: {  	s10 =	sadd.s32 $0x1, s10  }
0x246: {  	p1 =	sne.s32 s10, $0x20;
	v4 =	vshrl.u32 v1, $0xC  }
.Ltmp12:
0x247: {  	_ = 	snop;
	(pc) =	sbr.rel @!p1 .LBB2_28-.Ltmp12, $4  }
0x248: {  	_ = 	snop  }
0x249: {  	v1 =	vand.u32 $0xFFF, v1;
	[tilespmem:v3+s24+$0x0] =	vst.idx.msk $0x1, v2  }
0x24a: {  	[tilespmem:v3+s25+$0x0] =	vst.idx.msk $0x1, v1  }
0x24b: {  	[tilespmem:v4+s20+$0x0] =	vst.idx.msk $0x1, v35  }
.LBB2_19:
.Ltmp13:
0x24c: {  	(pc) =	sbr.rel @p0 .LBB2_27-.Ltmp13, $2  }
0x24d: {  	_ =	sdelay $0x2  }
0x24e: {  	v1 =	vimm.f32 $-3.000000010e+38;
	v11 =	vimm.s32 $0x0  }
0x24f: {  	v31 =	vor.u32 s3, v0;
	_ =	sdelay $0x3  }
0x250: {  	p2 =	sne.s32 s9, $0x1  }
.Ltmp14:
0x251: {  	v22 =	vld.idx.msk [tilespmem:v31+s20+$0x0], $0xffff;
	(pc) =	sbr.rel @!p2 .LBB2_21-.Ltmp14, $2  }
0x252: {  	_ =	sdelay $0x2  }
0x253: {  	s7 =	sadd.s32 $0xFFFFFFFF, s9;
	s11 =	simm.s32 $0x10;
	p1 =	por $0x0, $0x0;
	v12 =	vshll.u32 v31, $0xC  }
0x254: {  	_ =	sdelay $0x2  }
0x255: {  	v28 =	vor.u32 s11, v0;
	p2 =	sne.s32 s7, $0x1  }
.Ltmp15:
0x256: {  	v13 =	vld.idx.msk [tilespmem:v31+s21+$0x0], $0xffff;
	(pc) =	sbr.rel @!p2 .LBB2_23-.Ltmp15, $3  }
0x257: {  	_ =	sdelay $0x1  }
0x258: {  	vm1 =	vgt.f32 v22, v1  }
0x259: {  	s7 =	sadd.s32 $0xFFFFFFFF, s7;
	s11 =	simm.s32 $0x20;
	p1 =	por $0x1, $0x1;
	v26 =	vimm.f32 $-3.000000010e+38;
	v29 =	vimm.s32 $0x0;
	v30 =	vshll.u32 v28, $0xC;
	v27 =	vld.idx.msk [tilespmem:v28+s20+$0x0], $0xffff  }
.LBB2_24:
0x25a: {  	p2 =	sne.s32 s7, $0x1;
	s7 =	sadd.s32 $0xFFFFFFFF, s7;
	v26 =	vsel vm1, v22, v26;
	v2 =	vadd.s32 v12, v13;
	v13 =	vld.idx.msk [tilespmem:v28+s21+$0x0], $0xffff;
	v28 =	vor.u32 s11, v0;
	v12 =	vmovc v30  }
.Ltmp16:
0x25b: {  	v30 =	vshll.u32 v28, $0xC;
	v29 =	vsel vm1, v2, v29;
	(pc) =	sbr.rel @p2 .LBB2_24-.Ltmp16, $2  }
0x25c: {  	_ =	sdelay $0x2  }
0x25d: {  	s11 =	sadd.s32 $0x10, s11;
	vm1 =	vgt.f32 v27, v26;
	v22 =	vmov v27;
	v27 =	vld.idx.msk [tilespmem:v28+s20+$0x0], $0xffff  }
.Ltmp17:
0x25e: {  	_ = 	snop;
	(pc) =	sbr.rel .LBB2_26-.Ltmp17, $2  }
0x25f: {  	_ =	sdelay $0x2  }
0x260: {  	v32 =	vmovc v22;
	v33 =	vmovc v12;
	v31 =	vmov v28;
	v12 =	vmov v30;
	v22 =	vmov v27  }
.LBB2_23:
.Ltmp18:
0x261: {  	_ = 	snop;
	(pc) =	sbr.rel .LBB2_26-.Ltmp18, $3  }
0x262: {  	_ =	sdelay $0x1  }
0x263: {  	v32 =	vmov v22;
	v33 =	vmov v12  }
0x264: {  	v31 =	vmovc v28;
	v26 =	vimm.f32 $-3.000000010e+38;
	v12 =	vmovc v30;
	v29 =	vimm.s32 $0x0;
	v22 =	vmov v27  }
.LBB2_28:
0x265: {  	v1 =	vld [tilespmem:$0x3300]  }
0x266: {  	v2 =	vld [tilespmem:$0x3310];
	_ =	sdelay $0x3  }
0x267: {  	v1 =	vsub.f32 v1, v25  }
0x268: {  	v2 =	vsub.f32 v2, v25  }
0x269: {  	v1 =	vmul.f32 $1.442695020e+00, v1  }
0x26a: {  	v2 =	vmul.f32 $1.442695020e+00, v2  }
0x26b: {  	(erf) = vpow2.f32 v1  }
0x26c: {  	(erf) = vpow2.f32 v2;
	_ =	sdelay $0x7  }
0x26d: {  	v1 =	vpop (erf)  }
0x26e: {  	v2 =	vpop (erf)  }
0x26f: {  	v3 =	vadd.f32 v2, v1;
	_ =	sdelay $0x1  }
0x270: {  	(xrf2) =	vadd.scan.msk.f32 $0xffff, v3;
	_ =	sdelay $0x9  }
0x271: {  	v3, _, _ =	vpop (xrf2)  }
0x272: {  	[tilespmem:$0x3200] =	vst v3;
	v3 =	vimm.s32 $0xF;
	_ =	sdelay $0x4  }
0x273: {  	v3 =	vld.idx.msk [tilespmem:v3+s22+$0x0], $0xffff;
	_ =	sdelay $0x4  }
0x274: {  	(erf) = vrcp.f32 v3;
	_ =	sdelay $0x2  }
0x275: {  	v3 =	vld [tilespmem:$0x3380];
	_ =	sdelay $0x4  }
0x276: {  	v4 =	vshrl.u32 v3, $0x7  }
0x277: {  	v12 =	vand.u32 $0x1FFFF80, v4;
	v11 =	vpop (erf)  }
0x278: {  	v4 =	vand.u32 $0x7F, v4;
	v12 =	vadd.s32 v24, v12;
	v11 =	vmul.f32 $5.000000000e-01, v11  }
0x279: {  	v4 =	vor.u32 v4, v12  }
0x27a: {  	v12 =	vld [tilespmem:$0x3390];
	v1 =	vmul.f32 v11, v1  }
0x27b: {  	v2 =	vmul.f32 v11, v2  }
0x27c: {  	[tilespmem:$0x3400] =	vst v1  }
0x27d: {  	s3 =	simm.s32 $0x0;
	[tilespmem:$0x3410] =	vst v2  }
0x27e: {  	v1 =	vld.idx.msk [tilespmem:v4+s3+$0x0], $0xffff  }
0x27f: {  	v2 =	vshrl.u32 v12, $0x7  }
0x280: {  	v4 =	vand.u32 $0x1FFFF80, v2  }
0x281: {  	v2 =	vand.u32 $0x7F, v2;
	v4 =	vadd.s32 v24, v4  }
0x282: {  	v2 =	vor.u32 v2, v4  }
0x283: {  	v5 =	vld [tilespmem:$0x1FFD0];
	v4 =	vand.u32 $0x7F, v3;
	v1 =	vshll.u32 v1, $0x7  }
0x284: {  	v13 =	vld [tilespmem:$0x1FEA0];
	v1 =	vor.u32 v4, v1  }
0x285: {  	v11 =	vld [tilespmem:$0x1FFE0];
	v4 =	vshll.u32 v1, $0x1  }
0x286: {  	[tilespmem:$0x3480] =	vst v1;
	v1 =	vand.u32 $0x7, v3;
	v3 =	vand.u32 $0xFFFFFFF0, v4  }
0x287: {  	v2 =	vld.idx.msk [tilespmem:v2+s3+$0x0], $0xffff;
	v1 =	vor.u32 v1, v3  }
0x288: {  	v3 =	vperm.xlane v1, v5;
	_ =	sdelay $0x1  }
0x289: {  	v1 =	vperm.xlane v1, v13;
	v3 =	vadd.s32 v11, v3;
	_ =	sdelay $0x1  }
0x28a: {  	v4 =	vand.u32 $0x7F, v12;
	v1 =	vadd.s32 v11, v1;
	v2 =	vshll.u32 v2, $0x7  }
0x28b: {  	v2 =	vor.u32 v4, v2  }
0x28c: {  	[tilespmem:$0x3490] =	vst v2  }
0x28d: {  	[tilespmem:s26], [sflag:$0x3] =	stream.indirect_vreg.gather [hbm4b:s1+s3], $0x80, v3, vm0, $0xb8;
	[tilespmem:$0x7500] =	vst v63  }
0x28e: {  	_ = 	snop  }
0x28f: {  	[tilespmem:s28], [sflag:$0x3] =	stream.indirect_vreg.gather [hbm4b:s1+s3], $0x80, v1, vm0, $0xb8;
	[tilespmem:$0x7500] =	vst v63  }
0x290: {  	v1 =	vld [tilespmem:$0x3490];
	_ =	sdelay $0x4  }
0x291: {  	v2 =	vshll.u32 v1, $0x1  }
0x292: {  	v1 =	vand.u32 $0x7, v1;
	v2 =	vand.u32 $0xFFFFFFF0, v2  }
0x293: {  	v1 =	vor.u32 v1, v2  }
0x294: {  	v2 =	vperm.xlane v1, v5;
	_ =	sdelay $0x1  }
0x295: {  	v1 =	vperm.xlane v1, v13;
	v2 =	vadd.s32 v11, v2;
	_ =	sdelay $0x1  }
0x296: {  	v1 =	vadd.s32 v11, v1  }
0x297: {  	v3 =	vshll.u32 v23, $0x8  }
0x298: {  	v4 =	vand.u32 $0x380, v24;
	v3 =	vand.u32 $0x800, v3  }
0x299: {  	[tilespmem:s29], [sflag:$0x3] =	stream.indirect_vreg.gather [hbm4b:s1+s3], $0x80, v2, vm0, $0xb8;
	v2 =	vor.u32 v4, v3;
	[tilespmem:$0x7500] =	vst v63  }
0x29a: {  	v11 =	vor.u32 v0, v2  }
0x29b: {  	v3 =	vor.u32 v34, v2;
	[tilespmem:s30], [sflag:$0x3] =	stream.indirect_vreg.gather [hbm4b:s1+s3], $0x80, v1, vm0, $0xb8;
	[tilespmem:$0x7500] =	vst v63  }
0x29c: {  	v4 =	vor.u32 v36, v2;
	_ =	swait.ge [sflag:s31], $0x2000  }
0x29d: {  	v5 =	vor.u32 v6, v2;
	[sflag:s31] =	ssyncset.done $0x0  }
0x29e: {  	v22 =	vor.u32 v7, v2;
	[sflag:s31] =	ssyncadd.s32 $0xFFFFE000  }
0x29f: {  	v14 =	vor.u32 v9, v2;
	v1 =	vld.idx.msk [tilespmem:v11+s13+$0x0], $0xffff  }
0x2a0: {  	v12 =	vor.u32 v10, v2;
	[tilespmem:$0x1FD70] =	vst v3;
	v3 =	vld.idx.msk [tilespmem:v3+s13+$0x0], $0xffff  }
0x2a1: {  	v13 =	vor.u32 v37, v2;
	[tilespmem:$0x1FD80] =	vst v4;
	v4 =	vld.idx.msk [tilespmem:v4+s13+$0x0], $0xffff  }
0x2a2: {  	v25 =	vor.u32 v16, v2;
	[tilespmem:$0x1FD60] =	vst v11;
	v39 =	vld.idx.msk [tilespmem:v5+s13+$0x0], $0xffff  }
0x2a3: {  	v27 =	vor.u32 v19, v2;
	[tilespmem:$0x1FDA0] =	vst v22;
	v38 =	vld.idx.msk [tilespmem:v22+s13+$0x0], $0xffff  }
0x2a4: {  	v29 =	vor.u32 v20, v2;
	[tilespmem:$0x1FDC0] =	vst v14;
	v40 =	vld.idx.msk [tilespmem:v14+s13+$0x0], $0xffff  }
0x2a5: {  	v30 =	vor.u32 v21, v2;
	[tilespmem:$0x1FDD0] =	vst v12;
	v12 =	vld.idx.msk [tilespmem:v12+s13+$0x0], $0xffff  }
0x2a6: {  	v26 =	vor.u32 v18, v2;
	[tilespmem:$0x1FDE0] =	vst v13;
	v41 =	vld.idx.msk [tilespmem:v13+s13+$0x0], $0xffff  }
0x2a7: {  	[tilespmem:$0x1FE00] =	vst v25;
	v11 =	vor.u32 v8, v2;
	v13 =	vmov s3;
	v25 =	vld.idx.msk [tilespmem:v25+s13+$0x0], $0xffff  }
0x2a8: {  	[tilespmem:$0x1FE30] =	vst v27;
	v22 =	vor.u32 v15, v2;
	v27 =	vld.idx.msk [tilespmem:v27+s13+$0x0], $0xffff;
	v23 =	vshll.u32 v13, $0x8;
	v24 =	vshll.u32 v13, $0x7  }
0x2a9: {  	[tilespmem:$0x1FE40] =	vst v29;
	v14 =	vor.u32 v17, v2;
	v29 =	vld.idx.msk [tilespmem:v29+s13+$0x0], $0xffff;
	v2 =	vand.u32 $0x1800, v23;
	v23 =	vand.u32 $0x380, v24  }
0x2aa: {  	v44 =	vld.idx.msk [tilespmem:v30+s13+$0x0], $0xffff;
	v2 =	vor.u32 v23, v2  }
0x2ab: {  	[tilespmem:$0x1FE20] =	vst v26;
	v23 =	vld.idx.msk [tilespmem:v26+s13+$0x0], $0xffff;
	v26 =	vor.u32 v0, v2  }
0x2ac: {  	[tilespmem:$0x1FDB0] =	vst v11;
	v28 =	vor.u32 v34, v2;
	v11 =	vld.idx.msk [tilespmem:v11+s13+$0x0], $0xffff  }
0x2ad: {  	[tilespmem:$0x1FDF0] =	vst v22;
	v42 =	vor.u32 v36, v2;
	v22 =	vld.idx.msk [tilespmem:v22+s13+$0x0], $0xffff  }
0x2ae: {  	v45 =	vor.u32 v10, v2;
	v24 =	vld.idx.msk [tilespmem:v14+s13+$0x0], $0xffff  }
0x2af: {  	v46 =	vor.u32 v19, v2;
	v43 =	vld.idx.msk [tilespmem:v13+s0+$0x0], $0xffff  }
0x2b0: {  	v47 =	vor.u32 v8, v2;
	v26 =	vld.idx.msk [tilespmem:v26+s26+$0x0], $0xffff  }
0x2b1: {  	v49 =	vor.u32 v7, v2;
	v28 =	vld.idx.msk [tilespmem:v28+s26+$0x0], $0xffff  }
0x2b2: {  	v13 =	vor.u32 v21, v2;
	v42 =	vld.idx.msk [tilespmem:v42+s26+$0x0], $0xffff  }
0x2b3: {  	v51 =	vor.u32 v15, v2;
	v45 =	vld.idx.msk [tilespmem:v45+s26+$0x0], $0xffff  }
0x2b4: {  	v48 =	vor.u32 v16, v2;
	v52 =	vld.idx.msk [tilespmem:v46+s26+$0x0], $0xffff  }
0x2b5: {  	v50 =	vor.u32 v18, v2;
	v47 =	vld.idx.msk [tilespmem:v47+s26+$0x0], $0xffff  }
0x2b6: {  	s17 =	simm.s32 $0x1;
	[tilespmem:$0x1FE50] =	vst v30;
	v54 =	vor.u32 v6, v2;
	v53 =	vor.u32 v17, v2;
	v30 =	vld.idx.msk [tilespmem:v49+s26+$0x0], $0xffff  }
0x2b7: {  	v55 =	vor.u32 v9, v2;
	v49 =	vmov s17;
	v13 =	vld.idx.msk [tilespmem:v13+s26+$0x0], $0xffff;
	v26 =	vmul.f32 v26, v43  }
0x2b8: {  	v56 =	vor.u32 v20, v2;
	v2 =	vor.u32 v37, v2;
	v51 =	vld.idx.msk [tilespmem:v51+s26+$0x0], $0xffff;
	v63 =	vshll.u32 v49, $0x7  }
0x2b9: {  	[tilespmem:$0x1FD90] =	vst v5;
	v48 =	vld.idx.msk [tilespmem:v48+s26+$0x0], $0xffff;
	v28 =	vmul.f32 v28, v43;
	v46 =	vadd.f32 v26, v1;
	v26 =	vshll.u32 v49, $0x8  }
0x2ba: {  	[tilespmem:$0x1FE10] =	vst v14;
	v42 =	vmul.f32 v42, v43;
	v1 =	vld.idx.msk [tilespmem:v50+s26+$0x0], $0xffff;
	v50 =	vand.u32 $0x380, v63;
	v26 =	vand.u32 $0x1800, v26  }
0x2bb: {  	v58 =	vld.idx.msk [tilespmem:v53+s26+$0x0], $0xffff;
	v62 =	vmul.f32 v47, v43;
	v45 =	vmul.f32 v45, v43;
	v31 =	vor.u32 v50, v26  }
0x2bc: {  	v32 =	vld.idx.msk [tilespmem:v55+s26+$0x0], $0xffff;
	v13 =	vmul.f32 v13, v43;
	v53 =	vadd.f32 v42, v4;
	v57 =	vor.u32 v0, v31  }
0x2bd: {  	v60 =	vld.idx.msk [tilespmem:v2+s26+$0x0], $0xffff;
	v4 =	vmul.f32 v51, v43;
	v47 =	vadd.f32 v45, v12;
	v59 =	vor.u32 v34, v31  }
0x2be: {  	v2 =	vld.idx.msk [tilespmem:v54+s26+$0x0], $0xffff;
	v54 =	vadd.f32 v62, v11;
	v42 =	vadd.f32 v13, v44;
	v63 =	vor.u32 v36, v31  }
0x2bf: {  	v55 =	vld.idx.msk [tilespmem:v49+s0+$0x0], $0xffff;
	v26 =	vmul.f32 v52, v43;
	v52 =	vadd.f32 v28, v3;
	v3 =	vor.u32 v10, v31  }
0x2c0: {  	v50 =	vld.idx.msk [tilespmem:v56+s26+$0x0], $0xffff;
	v45 =	vadd.f32 v4, v22;
	v56 =	vor.u32 v6, v31;
	v13 =	vor.u32 v21, v31  }
0x2c1: {  	v61 =	vor.u32 v7, v31;
	v12 =	vor.u32 v8, v31;
	v4 =	vor.u32 v19, v31;
	v22 =	vld.idx.msk [tilespmem:v57+s26+$0x0], $0xffff  }
0x2c2: {  	v33 =	vor.u32 v16, v31;
	v44 =	vadd.f32 v26, v27;
	v26 =	vmul.f32 v48, v43;
	v28 =	vld.idx.msk [tilespmem:v59+s26+$0x0], $0xffff  }
0x2c3: {  	v11 =	vor.u32 v9, v31;
	v62 =	vor.u32 v20, v31;
	v1 =	vmul.f32 v1, v43;
	v63 =	vld.idx.msk [tilespmem:v63+s26+$0x0], $0xffff  }
0x2c4: {  	v27 =	vmul.f32 v58, v43;
	v48 =	vadd.f32 v26, v25;
	v25 =	vor.u32 v18, v31;
	v58 =	vld.idx.msk [tilespmem:v3+s26+$0x0], $0xffff  }
0x2c5: {  	v26 =	vor.u32 v17, v31;
	v51 =	vadd.f32 v1, v23;
	v3 =	vmul.f32 v50, v43;
	v59 =	vld.idx.msk [tilespmem:v13+s26+$0x0], $0xffff  }
0x2c6: {  	v23 =	vor.u32 v37, v31;
	v50 =	vadd.f32 v27, v24;
	v13 =	vmul.f32 v32, v43;
	v1 =	vld.idx.msk [tilespmem:v4+s26+$0x0], $0xffff  }
0x2c7: {  	v49 =	vadd.f32 v3, v29;
	v29 =	vmul.f32 v2, v43;
	v27 =	vmul.f32 v22, v55;
	v22 =	vld.idx.msk [tilespmem:v12+s26+$0x0], $0xffff  }
0x2c8: {  	s3 =	simm.s32 $0x2;
	v57 =	vor.u32 v15, v31;
	v24 =	vmul.f32 v28, v55;
	v12 =	vld.idx.msk [tilespmem:v33+s26+$0x0], $0xffff;
	v28 =	vmul.f32 v30, v43  }
.LBB2_29:
0x2c9: {  	v46 =	vadd.f32 v27, v46  }
0x2ca: {  	v39 =	vadd.f32 v29, v39;
	v3 =	vmul.f32 v60, v43;
	s7 =	smov.u32 s3;
	v27 =	vmul.f32 v63, v55  }
0x2cb: {  	p0 =	sne.s32 s3, $0x1F;
	v2 =	vld.idx.msk [tilespmem:v61+s26+$0x0], $0xffff;
	s3 =	sadd.s32 $0x1, s3;
	v43 =	vmovc v55;
	v40 =	vadd.f32 v13, v40;
	v4 =	vmov s7;
	v38 =	vadd.f32 v28, v38  }
0x2cc: {  	v25 =	vld.idx.msk [tilespmem:v25+s26+$0x0], $0xffff;
	v52 =	vadd.f32 v24, v52;
	v58 =	vmul.f32 v58, v43;
	v28 =	vshll.u32 v4, $0x8  }
0x2cd: {  	v29 =	vshll.u32 v4, $0x7;
	v26 =	vld.idx.msk [tilespmem:v26+s26+$0x0], $0xffff;
	v41 =	vadd.f32 v3, v41;
	v1 =	vmul.f32 v1, v43  }
0x2ce: {  	v5 =	vmovc v34;
	v53 =	vadd.f32 v27, v53;
	v3 =	vand.u32 $0x1800, v28;
	v28 =	vand.u32 $0x380, v29;
	v29 =	vld.idx.msk [tilespmem:v62+s26+$0x0], $0xffff  }
0x2cf: {  	v22 =	vmul.f32 v22, v43;
	v3 =	vor.u32 v28, v3;
	v13 =	vld.idx.msk [tilespmem:v11+s26+$0x0], $0xffff;
	v28 =	vmul.f32 v59, v43  }
0x2d0: {  	v47 =	vadd.f32 v58, v47;
	v11 =	vor.u32 v0, v3;
	v30 =	vor.u32 v34, v3;
	v31 =	vld.idx.msk [tilespmem:v57+s26+$0x0], $0xffff  }
0x2d1: {  	v12 =	vmul.f32 v12, v43;
	v32 =	vor.u32 v36, v3;
	v33 =	vor.u32 v6, v3;
	v60 =	vld.idx.msk [tilespmem:v23+s26+$0x0], $0xffff  }
0x2d2: {  	v61 =	vor.u32 v7, v3;
	v59 =	vor.u32 v10, v3;
	v23 =	vor.u32 v8, v3;
	v24 =	vld.idx.msk [tilespmem:v56+s26+$0x0], $0xffff  }
0x2d3: {  	v14 =	vmovc v10;
	v57 =	vor.u32 v15, v3;
	v62 =	vor.u32 v20, v3;
	v10 =	vmovc v9;
	v56 =	vmov v33  }
0x2d4: {  	v34 =	vmul.f32 v25, v43;
	v33 =	vor.u32 v21, v3;
	v55 =	vld.idx.msk [tilespmem:v4+s0+$0x0], $0xffff;
	v4 =	vor.u32 v19, v3  }
0x2d5: {  	v35 =	vld.idx.msk [tilespmem:v11+s26+$0x0], $0xffff;
	v11 =	vor.u32 v9, v3;
	v9 =	vmovc v8;
	v8 =	vmovc v7;
	v7 =	vmov v6;
	v6 =	vmov v36  }
0x2d6: {  	v36 =	vor.u32 v16, v3;
	v27 =	vmul.f32 v31, v43;
	v31 =	vmul.f32 v26, v43;
	v30 =	vld.idx.msk [tilespmem:v30+s26+$0x0], $0xffff  }
0x2d7: {  	v44 =	vadd.f32 v1, v44;
	v25 =	vor.u32 v18, v3;
	v42 =	vadd.f32 v28, v42;
	v63 =	vld.idx.msk [tilespmem:v32+s26+$0x0], $0xffff  }
0x2d8: {  	v54 =	vadd.f32 v22, v54;
	v13 =	vmul.f32 v13, v43;
	v45 =	vadd.f32 v27, v45;
	v58 =	vld.idx.msk [tilespmem:v59+s26+$0x0], $0xffff  }
.Ltmp19:
0x2d9: {  	v48 =	vadd.f32 v12, v48;
	v51 =	vadd.f32 v34, v51;
	v26 =	vor.u32 v17, v3;
	v59 =	vld.idx.msk [tilespmem:v33+s26+$0x0], $0xffff;
	(pc) =	sbr.rel @p0 .LBB2_29-.Ltmp19, $4  }
0x2da: {  	v34 =	vmov v5;
	v50 =	vadd.f32 v31, v50;
	v1 =	vld.idx.msk [tilespmem:v4+s26+$0x0], $0xffff;
	v4 =	vmul.f32 v29, v43  }
0x2db: {  	v27 =	vmul.f32 v35, v55;
	v29 =	vmul.f32 v24, v43;
	v22 =	vld.idx.msk [tilespmem:v23+s26+$0x0], $0xffff;
	v23 =	vor.u32 v37, v3  }
0x2dc: {  	v28 =	vmul.f32 v2, v43;
	v24 =	vmul.f32 v30, v55;
	v12 =	vld.idx.msk [tilespmem:v36+s26+$0x0], $0xffff;
	v36 =	vmovc v6;
	v6 =	vmov v7  }
0x2dd: {  	v7 =	vmovc v8;
	v8 =	vmovc v9;
	v9 =	vmov v10;
	v10 =	vmov v14;
	v49 =	vadd.f32 v4, v49  }
0x2de: {  	_ =	sdelay $0x3  }
0x2df: {  	v2 =	vld.idx.msk [tilespmem:v61+s26+$0x0], $0xffff  }
0x2e0: {  	v5 =	vld [tilespmem:$0x1FD60]  }
0x2e1: {  	v3 =	vld.idx.msk [tilespmem:v25+s26+$0x0], $0xffff  }
0x2e2: {  	v4 =	vld.idx.msk [tilespmem:v56+s26+$0x0], $0xffff  }
0x2e3: {  	v14 =	vld.idx.msk [tilespmem:v26+s26+$0x0], $0xffff  }
0x2e4: {  	v16 =	vld.idx.msk [tilespmem:v62+s26+$0x0], $0xffff  }
0x2e5: {  	v11 =	vld.idx.msk [tilespmem:v11+s26+$0x0], $0xffff  }
0x2e6: {  	v17 =	vadd.f32 v27, v46;
	v21 =	vld.idx.msk [tilespmem:v57+s26+$0x0], $0xffff  }
0x2e7: {  	v23 =	vld.idx.msk [tilespmem:v23+s26+$0x0], $0xffff  }
0x2e8: {  	[tilespmem:v5+s2+$0x0] =	vst.idx.msk $0xffff, v17;
	v5 =	vld [tilespmem:$0x1FD70];
	_ =	sdelay $0x5  }
0x2e9: {  	v24 =	vadd.f32 v24, v52;
	_ =	sdelay $0x1  }
0x2ea: {  	[tilespmem:v5+s2+$0x0] =	vst.idx.msk $0xffff, v24;
	v5 =	vld [tilespmem:$0x1FD80];
	_ =	sdelay $0x3  }
0x2eb: {  	v19 =	vmul.f32 v63, v55;
	_ =	sdelay $0x1  }
0x2ec: {  	v19 =	vadd.f32 v19, v53;
	_ =	sdelay $0x1  }
0x2ed: {  	[tilespmem:v5+s2+$0x0] =	vst.idx.msk $0xffff, v19;
	v5 =	vld [tilespmem:$0x1FD90];
	_ =	sdelay $0x3  }
0x2ee: {  	v18 =	vadd.f32 v29, v39;
	v4 =	vmul.f32 v4, v55;
	_ =	sdelay $0x1  }
0x2ef: {  	v4 =	vadd.f32 v4, v18;
	_ =	sdelay $0x1  }
0x2f0: {  	[tilespmem:v5+s2+$0x0] =	vst.idx.msk $0xffff, v4;
	v5 =	vld [tilespmem:$0x1FDA0];
	_ =	sdelay $0x3  }
0x2f1: {  	v20 =	vadd.f32 v28, v38;
	v2 =	vmul.f32 v2, v55;
	_ =	sdelay $0x1  }
0x2f2: {  	v2 =	vadd.f32 v2, v20;
	_ =	sdelay $0x1  }
0x2f3: {  	[tilespmem:v5+s2+$0x0] =	vst.idx.msk $0xffff, v2;
	v5 =	vld [tilespmem:$0x1FDB0];
	_ =	sdelay $0x3  }
0x2f4: {  	v61 =	vmul.f32 v22, v55;
	_ =	sdelay $0x1  }
0x2f5: {  	v17 =	vadd.f32 v61, v54;
	_ =	sdelay $0x1  }
0x2f6: {  	[tilespmem:v5+s2+$0x0] =	vst.idx.msk $0xffff, v17;
	v5 =	vld [tilespmem:$0x1FDC0];
	_ =	sdelay $0x3  }
0x2f7: {  	v13 =	vadd.f32 v13, v40;
	v11 =	vmul.f32 v11, v55;
	_ =	sdelay $0x1  }
0x2f8: {  	v11 =	vadd.f32 v11, v13;
	_ =	sdelay $0x1  }
0x2f9: {  	[tilespmem:v5+s2+$0x0] =	vst.idx.msk $0xffff, v11;
	v5 =	vld [tilespmem:$0x1FDD0];
	_ =	sdelay $0x3  }
0x2fa: {  	v62 =	vmul.f32 v58, v55;
	_ =	sdelay $0x1  }
0x2fb: {  	v63 =	vadd.f32 v62, v47;
	_ =	sdelay $0x1  }
0x2fc: {  	[tilespmem:v5+s2+$0x0] =	vst.idx.msk $0xffff, v63;
	v5 =	vld [tilespmem:$0x1FDE0];
	_ =	sdelay $0x1  }
0x2fd: {  	v15 =	vmul.f32 v60, v43;
	_ =	sdelay $0x1  }
0x2fe: {  	v15 =	vadd.f32 v15, v41;
	v4 =	vmul.f32 v23, v55;
	_ =	sdelay $0x1  }
0x2ff: {  	v4 =	vadd.f32 v4, v15;
	_ =	sdelay $0x1  }
0x300: {  	[tilespmem:v5+s2+$0x0] =	vst.idx.msk $0xffff, v4;
	v5 =	vld [tilespmem:$0x1FDF0];
	_ =	sdelay $0x3  }
0x301: {  	v2 =	vmul.f32 v21, v55;
	_ =	sdelay $0x1  }
0x302: {  	v2 =	vadd.f32 v2, v45;
	_ =	sdelay $0x1  }
0x303: {  	[tilespmem:v5+s2+$0x0] =	vst.idx.msk $0xffff, v2;
	v5 =	vld [tilespmem:$0x1FE00];
	_ =	sdelay $0x3  }
0x304: {  	v12 =	vmul.f32 v12, v55;
	_ =	sdelay $0x1  }
0x305: {  	v12 =	vadd.f32 v12, v48;
	_ =	sdelay $0x1  }
0x306: {  	[tilespmem:v5+s2+$0x0] =	vst.idx.msk $0xffff, v12;
	v5 =	vld [tilespmem:$0x1FE10];
	_ =	sdelay $0x3  }
0x307: {  	v11 =	vmul.f32 v14, v55;
	_ =	sdelay $0x1  }
0x308: {  	v4 =	vadd.f32 v11, v50;
	_ =	sdelay $0x1  }
0x309: {  	[tilespmem:v5+s2+$0x0] =	vst.idx.msk $0xffff, v4;
	v4 =	vld [tilespmem:$0x1FE20];
	_ =	sdelay $0x3  }
0x30a: {  	v3 =	vmul.f32 v3, v55;
	_ =	sdelay $0x1  }
0x30b: {  	v2 =	vadd.f32 v3, v51;
	_ =	sdelay $0x1  }
0x30c: {  	[tilespmem:v4+s2+$0x0] =	vst.idx.msk $0xffff, v2;
	v4 =	vld [tilespmem:$0x1FE30];
	_ =	sdelay $0x3  }
0x30d: {  	v1 =	vmul.f32 v1, v55;
	_ =	sdelay $0x1  }
0x30e: {  	v1 =	vadd.f32 v1, v44;
	_ =	sdelay $0x1  }
0x30f: {  	[tilespmem:v4+s2+$0x0] =	vst.idx.msk $0xffff, v1;
	v1 =	vld [tilespmem:$0x1FE40];
	_ =	sdelay $0x3  }
0x310: {  	v3 =	vmul.f32 v16, v55;
	_ =	sdelay $0x1  }
0x311: {  	v3 =	vadd.f32 v3, v49;
	_ =	sdelay $0x1  }
0x312: {  	[tilespmem:v1+s2+$0x0] =	vst.idx.msk $0xffff, v3;
	v1 =	vld [tilespmem:$0x1FE50];
	_ =	sdelay $0x1  }
0x313: {  	s8 =	sadd.s32 $0x1, s8  }
0x314: {  	p0 =	sne.s32 s8, $0x8  }
.Ltmp20:
0x315: {  	v11 =	vmul.f32 v59, v55;
	(pc) =	sbr.rel @p0 .LBB2_2-.Ltmp20, $3  }
0x316: {  	_ = 	snop  }
0x317: {  	v2 =	vadd.f32 v11, v42;
	_ =	sdelay $0x1  }
0x318: {  	v4 =	vimm.s32 $0x0;
	v3 =	vimm.f32 $-3.000000010e+38;
	[tilespmem:v1+s2+$0x0] =	vst.idx.msk $0xffff, v2  }
0x319: {  	_ =	swait.ge [sflag:s19], $0x1000  }
0x31a: {  	s9 =	simm.s32 $0x0;
	[sflag:s19] =	ssyncset.done $0x0  }
0x31b: {  	s7 =	simm.s32 $0x4;
	s3 =	rddreg [dreg:$0x7];
	[sflag:s19] =	ssyncadd.s32 $0xFFFFF000  }
0x31c: {  	[hbm4b:s3+s9] =	stream.linear.scatter [tilespmem:s2], [sflag:$0x4], $0x1000, $0x38;
	[tilespmem:$0x7500] =	vst v63  }
0x31d: {  	_ =	swait.ge [sflag:s7], $0x1000  }
0x31e: {  	s8 =	rddreg [dreg:$0x9]  }
0x31f: {  	s17 =	rddreg [dreg:$0x8];
	s8 =	sadd.s32 $0x1, s8  }
0x320: {  	p0 =	sne.s32 s8, s17  }
.Ltmp21:
0x321: {  	_ = 	snop;
	(pc) =	sbr.rel @p0 .LBB2_1-.Ltmp21, $3  }
0x322: {  	_ =	sdelay $0x1  }
0x323: {  	[sflag:s7] =	ssyncset.done $0x0  }
0x324: {  	[sflag:s7] =	ssyncadd.s32 $0xFFFFF000  }
0x325: {  	_ =	sfence.sel $0x180000  }
0x326: {  	[bflag:$0x0] =	sbarrier.arrive $0xFFFF  }
0x327: {  	_ =	strace $0x9000004A  }
0x328: {  	s0 =	stileid.u32;
	[bflag:$0x2] =	sbarrier.arrive $0xFFFF  }
0x329: {  	p0 =	sne.s32 s0, $0x0;
	s0 =	rddreg [dreg:$0x3]  }
0x32a: {  	s0 =	sadd.s32 @!p0 $0x100000, s0  }
0x32b: {  	[sflag:s0] =	ssyncadd.tile.s32 @!p0 $0x1;
	_ =	shalt  }
.Lfunc_end2:
_tile_overlayer_lowered:
.L_overlay_start_2:
0x32c: {  	(tag) =	ssettag $0x2  }
0x32d: {  	s0 =	rddreg [dreg:$0x0];
	s2 =	stileid.u32  }
0x32e: {  	s1 =	rddreg [dreg:$0x1];
	p0 =	sne.s32 s2, $0x0  }
0x32f: {  	s3 =	rddreg [dreg:$0x2];
	[bflag:$0x3] =	sbarrier.arrive $0xFFFF;
	s2 =	simm.s32 @!p0 $0x1C04  }
0x330: {  	[timem:s3], [sflag:s2] =	dma.local @!p0 [hbm:s0], s1  }
0x331: {  	s0 =	simm.s32 @!p0 $0x4  }
0x332: {  	_ =	swait.ge @!p0 [sflag:s0], s1  }
0x333: {  	s1 =	ssub.s32 @!p0 $0x0, s1;
	[sflag:s0] =	ssyncset.done @!p0 $0x0  }
0x334: {  	[sflag:s0] =	ssyncadd.s32 @!p0 s1  }
0x335: {  	[bflag:$0x3] =	sbarrier.arrive $0xFFFF  }
0x336: {  	_ =	shalt  }

// kernel: kernel.8.cloned.1.call-start
scs
__scs_entry_jumppad:
0x0: {  	(pc) =	sbr.rel $0x88, $3  }
0x1: {  	(tag) =	ssettag $0x0;
	lr =	simm.s32 $0x1  }
0x2: {  	[smem:$0x3F9F] =	sst lr;
	_ =	strace $0xD0000000  }
0x3: {  	_ = 	snop  }
0x4: {  	_ = 	snop  }
0x5: {  	_ = 	snop  }
0x6: {  	_ = 	snop  }
0x7: {  	_ = 	snop  }
__scs_overlays_trampoline_lowered:
0x8: {  	[smem:$0x3FAE] =	sst s0  }
0x9: {  	[smem:$0x3FAF] =	sst s1  }
0xa: {  	[smem:$0x3FB0] =	sst s2  }
0xb: {  	[smem:$0x3FB1] =	sst s3  }
0xc: {  	[smem:$0x3FB2] =	sst s4  }
0xd: {  	[smem:$0x3FB3] =	sst s5  }
0xe: {  	[smem:$0x3FB4] =	sst s6  }
0xf: {  	[smem:$0x3FB5] =	sst s7  }
0x10: {  	[smem:$0x3FB6] =	sst s8  }
0x11: {  	[smem:$0x3FB7] =	sst s9;
	s0 =	simm.s32 @!p0 $0x0  }
0x12: {  	s1 =	sld [smem:$0x3F9D];
	s0 =	simm.s32 @p0 $0x1  }
0x13: {  	[smem:$0x3FB8] =	sst s0;
	s0 =	simm.s32 @!p1 $0x0  }
0x14: {  	s2 =	sld [smem:$0x3F9C];
	s0 =	simm.s32 @p1 $0x1  }
0x15: {  	[smem:$0x3FB9] =	sst s0;
	s0 =	simm.s32 @!p2 $0x0  }
0x16: {  	s3 =	sld [smem:$0x3FDB];
	s0 =	simm.s32 @p2 $0x1  }
0x17: {  	s4 =	simm.s32 $0x1BF5;
	[smem:$0x3FBB] =	sst s0  }
0x18: {  	s0 =	sld [smem:$0x3F9E];
	_ =	swait.ge [sflag:s4], $0x0  }
0x19: {  	s7 =	sld [smem:$0x3F9F]  }
0x1a: {  	s8 =	sadd.s32 $0xFFFFE003, lr  }
0x1b: {  	s9 =	sadd.s32 $0xFFFFFEF7, lr;
	s5 =	simm.s32 $0xFFFFFFFF;
	p2 =	slt.u32 s8, $0xFFFFF086  }
0x1c: {  	p1 =	slt.u32 s9, $0xF7A;
	s5 =	simm.s32 @!p2 $0x0  }
0x1d: {  	s5 =	simm.s32 @p1 $0x1;
	p0 =	seq.s32 s7, s2  }
0x1e: {  	s7 =	smul.u32 @!p0 $0xF7A, s2;
	p2 =	seq.s32 @!p0 s5, $0x0  }
0x1f: {  	s9 =	smul.u32 $0xF7A, s1;
	s8 =	simm.s32 @!p0 $0x1BF5;
	p2 =	por !p2, p0  }
0x20: {  	[sflag:s8] =	ssyncset.s32 @!p0 $0xFFFFF086;
	s6 =	sadd.s32 @!p0 s3, s7;
	s7 =	simm.s32 @!p0 $0x108  }
0x21: {  	s3 =	sadd.s32 s3, s9;
	s6 =	sadd.s32 @!p0 $0x88, s6;
	s7 =	simm.s32 @p2 $0x1082  }
0x22: {  	[simem:s7], [sflag:s8] =	dma.local @!p0 [hbm:s6], $0xF7A  }
0x23: {  	s9 =	sor.u32 $0xD0000000, s2;
	s6 =	simm.s32 $0x108;
	_ =	swait.ge @!p0 [sflag:s8], $0x0  }
0x24: {  	s3 =	sadd.s32 $0x88, s3;
	s6 =	simm.s32 @!p1 $0x1082;
	[sflag:s4] =	ssyncset.s32 $0xFFFFF086  }
0x25: {  	[simem:s6], [sflag:s4] =	dma.local [hbm:s3], $0xF7A  }
0x26: {  	[smem:$0x3F9F] =	sst s1;
	(tag) =	ssettag s2;
	_ =	strace s9  }
0x27: {  	s1 =	sld [smem:$0x3FAF]  }
0x28: {  	s2 =	sld [smem:$0x3FB0]  }
0x29: {  	s4 =	sld [smem:$0x3FB2]  }
0x2a: {  	p0 =	seq.s32 s5, $0x0;
	s5 =	sld [smem:$0x3FB3]  }
0x2b: {  	s6 =	sld [smem:$0x3FB4]  }
0x2c: {  	s7 =	sld [smem:$0x3FB5]  }
0x2d: {  	s3 =	simm.s32 $0x108;
	s8 =	sld [smem:$0x3FB6]  }
0x2e: {  	s3 =	simm.s32 @!p0 $0x1082;
	s9 =	sld [smem:$0x3FB7]  }
0x2f: {  	lr =	sadd.s32 s0, s3;
	s0 =	sld [smem:$0x3FAE]  }
0x30: {  	s3 =	sld [smem:$0x3FB1]  }
0x31: {  	[smem:$0x3FBA] =	sst s10  }
0x32: {  	s10 =	sld [smem:$0x3FB8];
	_ =	sdelay $0x3  }
0x33: {  	p0 =	seq.s32 s10, $0x1;
	s10 =	sld [smem:$0x3FBA];
	_ =	sdelay $0x3  }
0x34: {  	[smem:$0x3FBA] =	sst s10  }
0x35: {  	s10 =	sld [smem:$0x3FB9];
	_ =	sdelay $0x3  }
0x36: {  	p1 =	seq.s32 s10, $0x1;
	s10 =	sld [smem:$0x3FBA];
	_ =	sdelay $0x3  }
0x37: {  	[smem:$0x3FBA] =	sst s10  }
0x38: {  	s10 =	sld [smem:$0x3FBB]  }
0x39: {  	_ = 	snop;
	(pc) =	sbr.ind lr, $3  }
0x3a: {  	_ = 	snop  }
0x3b: {  	_ = 	snop  }
0x3c: {  	p2 =	seq.s32 s10, $0x1;
	s10 =	sld [smem:$0x3FBA]  }
0x3d: {  	_ =	shalt  }
0x3e: {  	_ =	shalt  }
0x3f: {  	_ =	shalt  }
0x40: {  	_ =	shalt  }
0x41: {  	_ =	shalt  }
0x42: {  	_ =	shalt  }
0x43: {  	_ =	shalt  }
0x44: {  	_ =	shalt  }
0x45: {  	_ =	shalt  }
0x46: {  	_ =	shalt  }
0x47: {  	_ =	shalt  }
0x48: {  	_ =	shalt  }
0x49: {  	_ =	shalt  }
0x4a: {  	_ =	shalt  }
0x4b: {  	_ =	shalt  }
0x4c: {  	_ =	shalt  }
0x4d: {  	_ =	shalt  }
0x4e: {  	_ =	shalt  }
0x4f: {  	_ =	shalt  }
0x50: {  	_ =	shalt  }
0x51: {  	_ =	shalt  }
0x52: {  	_ =	shalt  }
0x53: {  	_ =	shalt  }
0x54: {  	_ =	shalt  }
0x55: {  	_ =	shalt  }
0x56: {  	_ =	shalt  }
0x57: {  	_ =	shalt  }
0x58: {  	_ =	shalt  }
0x59: {  	_ =	shalt  }
0x5a: {  	_ =	shalt  }
0x5b: {  	_ =	shalt  }
0x5c: {  	_ =	shalt  }
0x5d: {  	_ =	shalt  }
0x5e: {  	_ =	shalt  }
0x5f: {  	_ =	shalt  }
0x60: {  	_ =	shalt  }
0x61: {  	_ =	shalt  }
0x62: {  	_ =	shalt  }
0x63: {  	_ =	shalt  }
0x64: {  	_ =	shalt  }
0x65: {  	_ =	shalt  }
0x66: {  	_ =	shalt  }
0x67: {  	_ =	shalt  }
0x68: {  	_ =	shalt  }
0x69: {  	_ =	shalt  }
0x6a: {  	_ =	shalt  }
0x6b: {  	_ =	shalt  }
0x6c: {  	_ =	shalt  }
0x6d: {  	_ =	shalt  }
0x6e: {  	_ =	shalt  }
0x6f: {  	_ =	shalt  }
0x70: {  	_ =	shalt  }
0x71: {  	_ =	shalt  }
0x72: {  	_ =	shalt  }
0x73: {  	_ =	shalt  }
0x74: {  	_ =	shalt  }
0x75: {  	_ =	shalt  }
0x76: {  	_ =	shalt  }
0x77: {  	_ =	shalt  }
0x78: {  	_ =	shalt  }
0x79: {  	_ =	shalt  }
0x7a: {  	_ =	shalt  }
0x7b: {  	_ =	shalt  }
0x7c: {  	_ =	shalt  }
0x7d: {  	_ =	shalt  }
0x7e: {  	_ =	shalt  }
0x7f: {  	_ =	shalt  }
0x80: {  	_ =	shalt  }
0x81: {  	_ =	shalt  }
0x82: {  	_ =	shalt  }
0x83: {  	_ =	shalt  }
0x84: {  	_ =	shalt  }
0x85: {  	_ =	shalt  }
0x86: {  	_ =	shalt  }
0x87: {  	_ =	shalt  }
.Lfunc_end0:
.L_simem_size_0:
called_computation_lowered:
.L_overlay_start_0:
0x88: {  	s2 =	sld [smem:$0x3FD9]  }
0x89: {  	s3 =	sld [smem:$0x3FFE];
	_ =	sdelay $0x1  }
0x8a: {  	s1 =	srdreg.scid  }
0x8b: {  	s0 =	sand.u32 $0x1, s1  }
0x8c: {  	s17 =	sshll.u32 s0, $0xA;
	s2 =	sadd.s32 s3, s2  }
0x8d: {  	s2 =	sadd.s32 s2, s17  }
0x8e: {  	[smem:$0x3FC6] =	sst s2  }
0x8f: {  	_ = 	snop  }
0x90: {  	s2 =	sld [smem:$0x3FC8];
	(tm) =	ssettm $0x1  }
0x91: {  	s18 =	sld [smem:$0x3FFB];
	_ =	sdelay $0x3  }
0x92: {  	_ =	strace s18  }
0x93: {  	s3 =	sld [smem:$0x3FFC];
	_ =	sdelay $0x3  }
0x94: {  	_ =	strace s3  }
0x95: {  	s3 =	sld [smem:$0x3FFD];
	_ =	sdelay $0x3  }
0x96: {  	_ =	strace s3  }
0x97: {  	_ =	strace $0x8FFFFFFF  }
0x98: {  	s19 =	sld [smem:$0x3FDB];
	_ =	sdelay $0x1  }
0x99: {  	s4 =	simm.s32 $_scs_section_size  }
0x9a: {  	s5 =	simm.s32 $_size__tile_overlayer_lowered;
	s6 =	simm.s32 $_tile_overlayer_lowered  }
0x9b: {  	s22 =	simm.s32 $0x1BFF;
	s21 =	sshll.u32 s6, $0x1;
	s3 =	sadd.s32 s4, s19  }
0x9c: {  	s7 =	simm.s32 $0x0;
	s20 =	sshll.u32 s5, $0x1;
	s5 =	sadd.s32 s21, s3  }
0x9d: {  	[timem:s7], [sflag:s22] =	dma.local [hbm:s5], s20  }
0x9e: {  	_ =	swait.ge [sflag:s22], s20  }
0x9f: {  	s4 =	ssub.s32 $0x0, s20;
	[sflag:s22] =	ssyncset.done $0x0  }
0xa0: {  	[sflag:s22] =	ssyncadd.s32 s4;
	_ =	sdelay $0x1  }
0xa1: {  	s23 =	simm.s32 $0x1B8B  }
0xa2: {  	_ =	swait.ge [sflag:s23], $0x1  }
0xa3: {  	[sflag:s23] =	ssyncset.done $0x0  }
0xa4: {  	s25 =	simm.s32 $0x1B8E;
	s24 =	sld [smem:$0x3FFE];
	[sflag:s23] =	ssyncadd.s32 $0xFFFFFFFF  }
0xa5: {  	s26 =	simm.s32 $execute0_lowered;
	[smem:$0x3FD2] =	sst s25  }
0xa6: {  	s5 =	sshll.u32 s26, $0x1;
	_ =	strace $0x80000046;
	[dreg:$0x1] =	wrdreg $0xFFFFFFFF  }
0xa7: {  	s28 =	simm.s32 $_size_execute0_lowered;
	s3 =	sadd.s32 s3, s5;
	[dreg:$0x0] =	wrdreg $0x0  }
0xa8: {  	s5 =	sshll.u32 s28, $0x1;
	[dreg:$0x2] =	wrdreg s3  }
0xa9: {  	[dreg:$0x3] =	wrdreg s5  }
0xaa: {  	[dreg:$0x4] =	wrdreg $0xC0  }
0xab: {  	_ =	task [dreg:s7], $0x5FFFF  }
0xac: {  	[dreg:$0x1] =	wrdreg $0xFFFFFFFF  }
0xad: {  	[dreg:$0x0] =	wrdreg $0x60  }
0xae: {  	[dreg:$0x2] =	wrdreg s24  }
0xaf: {  	[dreg:$0x3] =	wrdreg s2  }
0xb0: {  	[dreg:$0x4] =	wrdreg $0x9  }
0xb1: {  	_ =	task.clear_ibuf [dreg:s7], $0x5FFFF;
	_ =	strace $0x90000046  }
0xb2: {  	s29 =	simm.s32 $0x9;
	_ =	strace $0x80000048  }
0xb3: {  	_ =	swait.ge [sflag:s29], $0x1  }
0xb4: {  	[sflag:s29] =	ssyncadd.s32 $0xFFFFFFFF  }
0xb5: {  	_ =	strace $0x90000048  }
0xb6: {  	_ =	sfence  }
0xb7: {  	s30 =	sld [smem:$0x0];
	_ =	sdelay $0x2  }
0xb8: {  	s31 =	sshll.u32 s1, $0xD;
	s1 =	sshrl.u32 s1, $0x2  }
0xb9: {  	s3 =	sand.u32 $0x4000, s31;
	s1 =	sadd.s32 s1, s30  }
0xba: {  	s0 =	sor.u32 s3, s0;
	s1 =	sshll.u32 s1, $0x11  }
0xbb: {  	s0 =	sor.u32 s1, s0  }
0xbc: {  	s0 =	sadd.s32 $0x8F2B, s0  }
0xbd: {  	[sflag:s0] =	ssyncadd.remote.s32 $0x1  }
0xbe: {  	_ =	sfence.sel $0xFFFF  }
0xbf: {  	[dreg:$0x0] =	wrdreg $0xFFFFFFFF;
	(pc) =	sbr.abs _section_cstart, $3  }
0xc0: {  	[dreg:$0x1] =	wrdreg $0xFFFFFFFF  }
0xc1: {  	_ =	task.clear_ibuf [dreg:s7], $0x2FFFF;
	_ =	strace $0x9FFFFFFF  }
0xc2: {  	(tm) =	ssettm $0x7FFFFFFF  }
0xc3: {  	_ =	shalt  }
tec
execute0_lowered:
.L_overlay_start_1:
0x0: {  	(tag) =	ssettag $0x1  }
0x1: {  	s0 =	rddreg [dreg:$0x0]  }
0x2: {  	s2 =	rddreg [dreg:$0x1]  }
0x3: {  	s8 =	simm.s32 $0x0;
	s1 =	srdreg.scid;
	s3 =	stileid.u32  }
0x4: {  	s12 =	simm.s32 $0x800;
	s13 =	simm.s32 $0x5500;
	s14 =	simm.s32 $0x20  }
0x5: {  	s15 =	simm.s32 $0x1000;
	s16 =	simm.s32 $0x1100;
	s18 =	simm.s32 $0x2100  }
0x6: {  	s19 =	simm.s32 $0x1;
	s20 =	simm.s32 $0x3100;
	s21 =	simm.s32 $0x3180  }
0x7: {  	s22 =	simm.s32 $0x3200;
	s23 =	simm.s32 $0x3280;
	s28 =	simm.s32 $0x3D00  }
0x8: {  	s29 =	simm.s32 $0x4500;
	s30 =	simm.s32 $0x4D00;
	s31 =	simm.s32 $0x3  }
0x9: {  	s9 =	simm.s32 $0x0;
	s1 =	sand.u32 $0x1, s1;
	s3 =	sshll.u32 s3, $0x1  }
0xa: {  	[smem:$0x7FF] =	sst s8;
	s4 =	sadd.s32 $0x5E00, s0;
	s3 =	sor.u32 s1, s3  }
0xb: {  	_ =	strace $0x80000047;
	s1 =	ssub.s32 $0x2, s1;
	s5 =	sshll.u32 s3, $0x8  }
0xc: {  	s6 =	sshll.u32 s3, $0x9;
	s7 =	sshrl.u32 s1, $0x1;
	s5 =	sadd.s32 s5, s0  }
0xd: {  	s0 =	sadd.s32 s6, s0;
	s6 =	sshll.u32 s3, $0x4;
	s24 =	sadd.s32 $0x405E00, s5  }
0xe: {  	s3 =	sshll.u32 s3, $0xD;
	s5 =	sadd.s32 $0x407E00, s5;
	[dreg:$0x3] =	wrdreg s24  }
0xf: {  	v0 =	vlaneseq.u32;
	v3 =	vimm.f32 $-3.000000010e+38;
	s1 =	ssub.s32 s1, s7;
	s25 =	sadd.s32 $0x1E00, s0;
	v1 =	vmov s3;
	[dreg:$0x4] =	wrdreg s5  }
0x10: {  	v4 =	vimm.s32 $0x0;
	v2 =	vand.u32 $0x7, v0;
	s7 =	simm.s32 $0x4;
	s0 =	sadd.s32 $0x409E00, s0;
	[dreg:$0x5] =	wrdreg s25;
	[tilespmem:$0x1FFC0] =	vst v1;
	v1 =	vshrl.u32 v0, $0x3  }
0x11: {  	vm0 =	vmmov $0xffff;
	v36 =	vor.u32 $0x20, v0;
	[tilespmem:$0x1FFD0] =	vst v2;
	s26 =	smax.u32 s1, $0x1;
	s1 =	simm.s32 $0x6500;
	[dreg:$0x6] =	wrdreg s0;
	v1 =	vmul.u32 $0x8, v1  }
0x12: {  	v34 =	vor.u32 $0x10, v0;
	v6 =	vor.u32 $0x30, v0;
	v7 =	vor.u32 $0x40, v0;
	[tilespmem:$0x1FFF0] =	vst v36;
	[dreg:$0x7] =	wrdreg s26;
	s24 =	simm.s32 $0x3300;
	s25 =	simm.s32 $0x3380  }
0x13: {  	v8 =	vor.u32 $0x50, v0;
	v9 =	vor.u32 $0x60, v0;
	v10 =	vor.u32 $0x70, v0;
	s26 =	simm.s32 $0x3500;
	s0 =	simm.s32 $0x3400;
	s5 =	simm.s32 $0x2;
	[tilespmem:$0x1FFE0] =	vst v1  }
.LBB2_1:
0x14: {  	[dreg:$0x8] =	wrdreg s9  }
0x15: {  	s3 =	rddreg [dreg:$0x3]  }
0x16: {  	[tilespmem:s8], [sflag:$0x4] =	stream.linear.gather [hbm4b:s3+s8], $0x800, $0x38;
	[tilespmem:$0x7500] =	vst v63  }
0x17: {  	_ =	swait.ge [sflag:s7], $0x800  }
0x18: {  	[sflag:s7] =	ssyncset.done $0x0  }
0x19: {  	s11 =	rddreg [dreg:$0x4];
	[sflag:s7] =	ssyncadd.s32 $0xFFFFF800  }
0x1a: {  	[tilespmem:s12], [sflag:$0x4] =	stream.linear.gather [hbm4b:s11+s8], $0x800, $0x38;
	[tilespmem:$0x7500] =	vst v63  }
0x1b: {  	_ =	swait.ge [sflag:s7], $0x800  }
0x1c: {  	[sflag:s7] =	ssyncset.done $0x0  }
0x1d: {  	s17 =	rddreg [dreg:$0x5];
	[sflag:s7] =	ssyncadd.s32 $0xFFFFF800  }
0x1e: {  	[tilespmem:s13], [sflag:$0x4] =	stream.linear.gather [hbm4b:s17+s8], $0x1000, $0x38;
	[tilespmem:$0x7500] =	vst v63  }
0x1f: {  	_ =	swait.ge [sflag:s7], $0x1000  }
0x20: {  	[sflag:s7] =	ssyncset.done $0x0  }
0x21: {  	v2 =	vld [tilespmem:$0x1FFC0];
	[sflag:s7] =	ssyncadd.s32 $0xFFFFF000  }
0x22: {  	v1 =	vld.idx.msk [tilespmem:v0+s8+$0x0], $0xffff;
	_ =	sdelay $0x4  }
0x23: {  	v1 =	vadd.s32 v2, v1  }
0x24: {  	[tilespmem:$0x1000] =	vst v1  }
0x25: {  	v1 =	vld.idx.msk [tilespmem:v34+s8+$0x0], $0xffff;
	_ =	sdelay $0x4  }
0x26: {  	v1 =	vadd.s32 v2, v1  }
0x27: {  	s8 =	simm.s32 $0x0;
	[tilespmem:$0x1010] =	vst v1  }
0x28: {  	[tilespmem:s16], [sflag:$0x1] =	stream.indirect.gather [hbm4b:s4+s14], $0x80, s15, s14, $0xb8;
	[tilespmem:$0x7500] =	vst v63  }
.LBB2_2:
0x29: {  	s3 =	sshllo.u32 s8, $0x1  }
0x2a: {  	s7 =	sshll.u32 s3, $0x7  }
0x2b: {  	v1 =	vor.u32 s7, v0;
	_ =	sdelay $0x3  }
0x2c: {  	s10 =	simm.s32 $0x0  }
0x2d: {  	v1 =	vld.idx.msk [tilespmem:v1+s10+$0x0], $0xffff;
	_ =	sdelay $0x1  }
0x2e: {  	v11 =	vor.u32 s7, v34  }
0x2f: {  	s11 =	sadd.s32 s6, s3  }
0x30: {  	s7 =	sshll.u32 s11, $0x9  }
0x31: {  	v1 =	vadd.s32 s7, v1  }
0x32: {  	[tilespmem:$0x1080] =	vst v1  }
0x33: {  	v1 =	vld.idx.msk [tilespmem:v11+s10+$0x0], $0xffff;
	_ =	sdelay $0x2  }
0x34: {  	s9 =	sshll.u32 s8, $0x1  }
0x35: {  	v14 =	vmov s9  }
0x36: {  	v15 =	vshll.u32 v14, $0x7;
	v1 =	vadd.s32 s7, v1  }
0x37: {  	s17 =	simm.s32 $0x1080;
	[tilespmem:$0x1090] =	vst v1;
	v1 =	vor.u32 $0x1F, v15  }
0x38: {  	[tilespmem:s18], [sflag:$0x2] =	stream.indirect.gather [hbm4b:s4+s14], $0x80, s17, s14, $0xb8;
	[tilespmem:$0x7500] =	vst v63  }
0x39: {  	_ =	swait.ge [sflag:s19], $0x1000  }
0x3a: {  	[sflag:s19] =	ssyncset.done $0x0  }
0x3b: {  	[sflag:s19] =	ssyncadd.s32 $0xFFFFF000  }
0x3c: {  	v17 =	vld.idx.msk [tilespmem:v1+s12+$0x0], $0xffff  }
0x3d: {  	v16 =	vld.idx.msk [tilespmem:v15+s12+$0x0], $0xffff;
	[tilespmem:$0x3100] =	vst v3  }
0x3e: {  	[tilespmem:$0x3110] =	vst v3  }
0x3f: {  	[tilespmem:$0x3120] =	vst v3  }
0x40: {  	[tilespmem:$0x3130] =	vst v3  }
0x41: {  	[tilespmem:$0x3140] =	vst v3  }
0x42: {  	[tilespmem:$0x3150] =	vst v3  }
0x43: {  	[tilespmem:$0x3160] =	vst v3  }
0x44: {  	v1 =	vmov s3;
	[tilespmem:$0x3170] =	vst v3  }
0x45: {  	[tilespmem:$0x1FFB0] =	vst v1;
	v1 =	vimm.s32 $0x0  }
.LBB2_3:
0x46: {  	s3 =	sshll.u32 s10, $0x7  }
0x47: {  	v11 =	vor.u32 s3, v0;
	_ =	sdelay $0x4  }
0x48: {  	v12 =	vld.idx.msk [tilespmem:v11+s16+$0x0], $0xffff;
	_ =	sdelay $0x4  }
0x49: {  	vm1 =	vge.f32 v12, v17  }
0x4a: {  	v13 =	vsel vm1, $0x1, v4  }
0x4b: {  	(xrf0) =	vadd.scan.msk.s32 $0xffff, v13;
	_ =	sdelay $0x5  }
0x4c: {  	v13, _, _ =	vpop (xrf0)  }
0x4d: {  	v13 =	vadd.s32 v13, v1  }
0x4e: {  	v13 =	vadd.s32 $0xFFFFFFFF, v13  }
0x4f: {  	vm2 =	vlt.s32 v13, $0x80  }
0x50: {  	vm2 =	vmand vm1, vm2;
	_ =	sdelay $0x2  }
0x51: {  	v18 =	vor.u32 s3, v34;
	_ =	sdelay $0x2  }
0x52: {  	[tilespmem:v13+s20+$0x0] =	vst.idx.msk vm2, v12  }
0x53: {  	[tilespmem:v13+s21+$0x0] =	vst.idx.msk vm2, v11  }
0x54: {  	v11 =	vld.idx.msk [tilespmem:v18+s16+$0x0], $0xffff;
	_ =	sdelay $0x4  }
0x55: {  	vm2 =	vge.f32 v11, v17  }
0x56: {  	v12 =	vsel vm2, $0x1, v4  }
0x57: {  	(xrf0) =	vadd.scan.msk.s32 $0xffff, v12;
	_ =	sdelay $0x1  }
0x58: {  	v12 =	vmpcnt.ones.xlane vm1;
	_ =	sdelay $0x3  }
0x59: {  	v1 =	vadd.s32 v1, v12;
	v12, _, _ =	vpop (xrf0)  }
0x5a: {  	v12 =	vadd.s32 v12, v1  }
0x5b: {  	v12 =	vadd.s32 $0xFFFFFFFF, v12  }
0x5c: {  	vm1 =	vlt.s32 v12, $0x80  }
0x5d: {  	vm1 =	vmand vm2, vm1;
	_ =	sdelay $0x2  }
0x5e: {  	v13 =	vor.u32 s3, v36;
	_ =	sdelay $0x2  }
0x5f: {  	[tilespmem:v12+s20+$0x0] =	vst.idx.msk vm1, v11  }
0x60: {  	[tilespmem:v12+s21+$0x0] =	vst.idx.msk vm1, v18  }
0x61: {  	v11 =	vld.idx.msk [tilespmem:v13+s16+$0x0], $0xffff;
	_ =	sdelay $0x4  }
0x62: {  	vm1 =	vge.f32 v11, v17  }
0x63: {  	v12 =	vsel vm1, $0x1, v4  }
0x64: {  	(xrf0) =	vadd.scan.msk.s32 $0xffff, v12;
	_ =	sdelay $0x1  }
0x65: {  	v12 =	vmpcnt.ones.xlane vm2;
	_ =	sdelay $0x3  }
0x66: {  	v1 =	vadd.s32 v1, v12;
	v12, _, _ =	vpop (xrf0)  }
0x67: {  	v12 =	vadd.s32 v12, v1  }
0x68: {  	v12 =	vadd.s32 $0xFFFFFFFF, v12  }
0x69: {  	vm2 =	vlt.s32 v12, $0x80  }
0x6a: {  	vm2 =	vmand vm1, vm2;
	_ =	sdelay $0x2  }
0x6b: {  	v18 =	vor.u32 s3, v6;
	_ =	sdelay $0x2  }
0x6c: {  	[tilespmem:v12+s20+$0x0] =	vst.idx.msk vm2, v11  }
0x6d: {  	[tilespmem:v12+s21+$0x0] =	vst.idx.msk vm2, v13  }
0x6e: {  	v11 =	vld.idx.msk [tilespmem:v18+s16+$0x0], $0xffff;
	_ =	sdelay $0x4  }
0x6f: {  	vm2 =	vge.f32 v11, v17  }
0x70: {  	v12 =	vsel vm2, $0x1, v4  }
0x71: {  	(xrf0) =	vadd.scan.msk.s32 $0xffff, v12;
	_ =	sdelay $0x1  }
0x72: {  	v12 =	vmpcnt.ones.xlane vm1;
	_ =	sdelay $0x3  }
0x73: {  	v1 =	vadd.s32 v1, v12;
	v12, _, _ =	vpop (xrf0)  }
0x74: {  	v12 =	vadd.s32 v12, v1  }
0x75: {  	v12 =	vadd.s32 $0xFFFFFFFF, v12  }
0x76: {  	vm1 =	vlt.s32 v12, $0x80  }
0x77: {  	vm1 =	vmand vm2, vm1;
	_ =	sdelay $0x2  }
0x78: {  	v13 =	vor.u32 s3, v7;
	_ =	sdelay $0x2  }
0x79: {  	[tilespmem:v12+s20+$0x0] =	vst.idx.msk vm1, v11  }
0x7a: {  	[tilespmem:v12+s21+$0x0] =	vst.idx.msk vm1, v18  }
0x7b: {  	v11 =	vld.idx.msk [tilespmem:v13+s16+$0x0], $0xffff;
	_ =	sdelay $0x4  }
0x7c: {  	vm1 =	vge.f32 v11, v17  }
0x7d: {  	v12 =	vsel vm1, $0x1, v4  }
0x7e: {  	(xrf0) =	vadd.scan.msk.s32 $0xffff, v12;
	_ =	sdelay $0x1  }
0x7f: {  	v12 =	vmpcnt.ones.xlane vm2;
	_ =	sdelay $0x3  }
0x80: {  	v1 =	vadd.s32 v1, v12;
	v12, _, _ =	vpop (xrf0)  }
0x81: {  	v12 =	vadd.s32 v12, v1  }
0x82: {  	v12 =	vadd.s32 $0xFFFFFFFF, v12  }
0x83: {  	vm2 =	vlt.s32 v12, $0x80  }
0x84: {  	vm2 =	vmand vm1, vm2;
	_ =	sdelay $0x2  }
0x85: {  	v18 =	vor.u32 s3, v8;
	_ =	sdelay $0x2  }
0x86: {  	[tilespmem:v12+s20+$0x0] =	vst.idx.msk vm2, v11  }
0x87: {  	[tilespmem:v12+s21+$0x0] =	vst.idx.msk vm2, v13  }
0x88: {  	v11 =	vld.idx.msk [tilespmem:v18+s16+$0x0], $0xffff;
	_ =	sdelay $0x4  }
0x89: {  	vm2 =	vge.f32 v11, v17  }
0x8a: {  	v12 =	vsel vm2, $0x1, v4  }
0x8b: {  	(xrf0) =	vadd.scan.msk.s32 $0xffff, v12;
	_ =	sdelay $0x1  }
0x8c: {  	v12 =	vmpcnt.ones.xlane vm1;
	_ =	sdelay $0x3  }
0x8d: {  	v1 =	vadd.s32 v1, v12;
	v12, _, _ =	vpop (xrf0)  }
0x8e: {  	v12 =	vadd.s32 v12, v1  }
0x8f: {  	v12 =	vadd.s32 $0xFFFFFFFF, v12  }
0x90: {  	vm1 =	vlt.s32 v12, $0x80  }
0x91: {  	vm1 =	vmand vm2, vm1;
	_ =	sdelay $0x2  }
0x92: {  	v13 =	vor.u32 s3, v9;
	_ =	sdelay $0x2  }
0x93: {  	[tilespmem:v12+s20+$0x0] =	vst.idx.msk vm1, v11  }
0x94: {  	[tilespmem:v12+s21+$0x0] =	vst.idx.msk vm1, v18  }
0x95: {  	v11 =	vld.idx.msk [tilespmem:v13+s16+$0x0], $0xffff;
	_ =	sdelay $0x4  }
0x96: {  	vm1 =	vge.f32 v11, v17  }
0x97: {  	v12 =	vsel vm1, $0x1, v4  }
0x98: {  	(xrf0) =	vadd.scan.msk.s32 $0xffff, v12;
	_ =	sdelay $0x1  }
0x99: {  	v12 =	vmpcnt.ones.xlane vm2;
	_ =	sdelay $0x3  }
0x9a: {  	v1 =	vadd.s32 v1, v12;
	v12, _, _ =	vpop (xrf0)  }
0x9b: {  	v12 =	vadd.s32 v12, v1  }
0x9c: {  	v12 =	vadd.s32 $0xFFFFFFFF, v12  }
0x9d: {  	vm2 =	vlt.s32 v12, $0x80  }
0x9e: {  	vm2 =	vmand vm1, vm2;
	_ =	sdelay $0x2  }
0x9f: {  	v18 =	vor.u32 s3, v10;
	_ =	sdelay $0x2  }
0xa0: {  	[tilespmem:v12+s20+$0x0] =	vst.idx.msk vm2, v11  }
0xa1: {  	[tilespmem:v12+s21+$0x0] =	vst.idx.msk vm2, v13  }
0xa2: {  	v11 =	vld.idx.msk [tilespmem:v18+s16+$0x0], $0xffff;
	_ =	sdelay $0x4  }
0xa3: {  	vm2 =	vge.f32 v11, v17  }
0xa4: {  	v12 =	vsel vm2, $0x1, v4  }
0xa5: {  	(xrf0) =	vadd.scan.msk.s32 $0xffff, v12;
	_ =	sdelay $0x1  }
0xa6: {  	v12 =	vmpcnt.ones.xlane vm1;
	_ =	sdelay $0x3  }
0xa7: {  	v1 =	vadd.s32 v1, v12;
	v12, _, _ =	vpop (xrf0)  }
0xa8: {  	v12 =	vadd.s32 v12, v1  }
0xa9: {  	v12 =	vadd.s32 $0xFFFFFFFF, v12  }
0xaa: {  	vm1 =	vlt.s32 v12, $0x80  }
0xab: {  	vm1 =	vmand vm2, vm1;
	_ =	sdelay $0x1  }
0xac: {  	p0 =	sne.s32 s10, $0x1F  }
.Ltmp0:
0xad: {  	_ = 	snop;
	(pc) =	sbr.rel @p0 .LBB2_3-.Ltmp0, $4  }
0xae: {  	_ = 	snop  }
0xaf: {  	v13 =	vmpcnt.ones.xlane vm2  }
0xb0: {  	[tilespmem:v12+s20+$0x0] =	vst.idx.msk vm1, v11  }
0xb1: {  	s10 =	sadd.s32 $0x1, s10;
	v1 =	vadd.s32 v1, v13;
	[tilespmem:v12+s21+$0x0] =	vst.idx.msk vm1, v18  }
0xb2: {  	v1 =	vxor.u32 $0x80000000, v1  }
0xb3: {  	(xrf0) =	vmax.scan.msk.u32 $0xffff, v1;
	_ =	sdelay $0x5  }
0xb4: {  	v1, _, _ =	vpop (xrf0)  }
0xb5: {  	(v2sf) =	vpush v1, $0xF;
	_ =	sdelay $0xe  }
0xb6: {  	s3 =	spop (v2sf)  }
0xb7: {  	s3 =	sxor.u32 $0x80000000, s3  }
0xb8: {  	p0 =	slt.s32 s3, $0x80  }
0xb9: {  	p1 =	slt.s32 s3, $0xFFFFFFF2;
	s3 =	simm.s32 @!p0 $0x80  }
0xba: {  	s3 =	sadd.s32 $0xF, s3  }
0xbb: {  	s7 =	sand.u32 $0xF, s3  }
0xbc: {  	s10 =	sshra.s32 s3, $0x1F;
	p6 =	sne.s32 s7, $0x0  }
.Ltmp1:
0xbd: {  	s17 =	sshrl.u32 s10, $0x1C;
	p0 =	por !p1, !p6;
	(pc) =	sbr.rel .LBB2_5-.Ltmp1, $4  }
0xbe: {  	s7 =	simm.s32 $0x1;
	s3 =	sadd.s32 s17, s3;
	p0 =	por !p0, !p0  }
0xbf: {  	s3 =	sshra.s32 s3, $0x4;
	s7 =	simm.s32 @!p0 $0x0  }
0xc0: {  	s10 =	ssub.s32 s3, s7  }
0xc1: {  	s11 =	simm.s32 $0x0;
	s3 =	simm.s32 $0x0;
	p0 =	slt.s32 s10, $0x1  }
.LBB2_7:
0xc2: {  	v18 =	vimm.f32 $-3.000000010e+38;
	v21 =	vimm.s32 $0x0  }
.LBB2_12:
0xc3: {  	_ =	sdelay $0x3  }
0xc4: {  	v19 =	vld.idx.msk [tilespmem:v23+s21+$0x0], $0xffff;
	_ =	sdelay $0x2  }
0xc5: {  	v18 =	vsel @p1 vm1, v24, v18;
	v13 =	vadd.s32 @p1 v25, v13  }
0xc6: {  	v13 =	vsel @p1 vm1, v13, v21;
	v1 =	vpsel p1, v18, v1  }
0xc7: {  	vm1 =	vgt.f32 v17, v1;
	v11 =	vpsel p1, v13, v11;
	v12 =	vadd.s32 v12, v19  }
0xc8: {  	v1 =	vsel vm1, v17, v1;
	v11 =	vsel vm1, v12, v11  }
.LBB2_13:
0xc9: {  	(xrf1) =	vsort.dscd.msk.f32 $0xffff, v1, v11;
	_ =	sdelay $0xd  }
0xca: {  	v1, v11, _ =	vpop (xrf1)  }
0xcb: {  	[tilespmem:$0x3200] =	vst v1  }
0xcc: {  	[tilespmem:$0x3280] =	vst v11  }
0xcd: {  	v1 =	vld.msk [tilespmem:s23+$0x0], $0xffff;
	_ =	sdelay $0x2  }
0xce: {  	v12 =	vmov s11;
	v11 =	vld.msk [tilespmem:s22+$0x0], $0xffff  }
0xcf: {  	s11 =	sadd.s32 $0x1, s11  }
0xd0: {  	p1 =	sne.s32 s11, $0x20;
	v13 =	vshrl.u32 v1, $0xC  }
.Ltmp2:
0xd1: {  	_ = 	snop;
	(pc) =	sbr.rel @!p1 .LBB2_14-.Ltmp2, $4  }
0xd2: {  	_ = 	snop  }
0xd3: {  	v1 =	vand.u32 $0xFFF, v1;
	[tilespmem:v12+s24+$0x0] =	vst.idx.msk $0x1, v11  }
0xd4: {  	[tilespmem:v12+s25+$0x0] =	vst.idx.msk $0x1, v1  }
0xd5: {  	[tilespmem:v13+s20+$0x0] =	vst.idx.msk $0x1, v3  }
.LBB2_5:
.Ltmp3:
0xd6: {  	(pc) =	sbr.rel @p0 .LBB2_13-.Ltmp3, $2  }
0xd7: {  	_ =	sdelay $0x2  }
0xd8: {  	v1 =	vimm.f32 $-3.000000010e+38;
	v11 =	vimm.s32 $0x0  }
0xd9: {  	v23 =	vor.u32 s3, v0;
	_ =	sdelay $0x3  }
0xda: {  	p2 =	sne.s32 s10, $0x1  }
.Ltmp4:
0xdb: {  	v17 =	vld.idx.msk [tilespmem:v23+s20+$0x0], $0xffff;
	(pc) =	sbr.rel @!p2 .LBB2_7-.Ltmp4, $2  }
0xdc: {  	_ =	sdelay $0x2  }
0xdd: {  	s7 =	sadd.s32 $0xFFFFFFFF, s10;
	s17 =	simm.s32 $0x10;
	p1 =	por $0x0, $0x0;
	v12 =	vshll.u32 v23, $0xC  }
0xde: {  	_ =	sdelay $0x2  }
0xdf: {  	v20 =	vor.u32 s17, v0;
	p2 =	sne.s32 s7, $0x1  }
.Ltmp5:
0xe0: {  	v13 =	vld.idx.msk [tilespmem:v23+s21+$0x0], $0xffff;
	(pc) =	sbr.rel @!p2 .LBB2_9-.Ltmp5, $3  }
0xe1: {  	_ =	sdelay $0x1  }
0xe2: {  	vm1 =	vgt.f32 v17, v1  }
0xe3: {  	s7 =	sadd.s32 $0xFFFFFFFF, s7;
	s17 =	simm.s32 $0x20;
	p1 =	por $0x1, $0x1;
	v18 =	vimm.f32 $-3.000000010e+38;
	v21 =	vimm.s32 $0x0;
	v22 =	vshll.u32 v20, $0xC;
	v19 =	vld.idx.msk [tilespmem:v20+s20+$0x0], $0xffff  }
.LBB2_10:
0xe4: {  	p2 =	sne.s32 s7, $0x1;
	s7 =	sadd.s32 $0xFFFFFFFF, s7;
	v18 =	vsel vm1, v17, v18;
	v17 =	vadd.s32 v12, v13;
	v13 =	vld.idx.msk [tilespmem:v20+s21+$0x0], $0xffff;
	v20 =	vor.u32 s17, v0;
	v12 =	vmovc v22  }
.Ltmp6:
0xe5: {  	v22 =	vshll.u32 v20, $0xC;
	v21 =	vsel vm1, v17, v21;
	(pc) =	sbr.rel @p2 .LBB2_10-.Ltmp6, $2  }
0xe6: {  	_ =	sdelay $0x2  }
0xe7: {  	s17 =	sadd.s32 $0x10, s17;
	vm1 =	vgt.f32 v19, v18;
	v17 =	vmov v19;
	v19 =	vld.idx.msk [tilespmem:v20+s20+$0x0], $0xffff  }
.Ltmp7:
0xe8: {  	_ = 	snop;
	(pc) =	sbr.rel .LBB2_12-.Ltmp7, $2  }
0xe9: {  	_ =	sdelay $0x2  }
0xea: {  	v24 =	vmovc v17;
	v25 =	vmovc v12;
	v23 =	vmov v20;
	v12 =	vmov v22;
	v17 =	vmov v19  }
.LBB2_9:
.Ltmp8:
0xeb: {  	_ = 	snop;
	(pc) =	sbr.rel .LBB2_12-.Ltmp8, $3  }
0xec: {  	_ =	sdelay $0x1  }
0xed: {  	v24 =	vmov v17;
	v25 =	vmov v12  }
0xee: {  	v23 =	vmovc v20;
	v18 =	vimm.f32 $-3.000000010e+38;
	v12 =	vmovc v22;
	v21 =	vimm.s32 $0x0;
	v17 =	vmov v19  }
.LBB2_14:
0xef: {  	v1 =	vld [tilespmem:$0x3300]  }
0xf0: {  	v11 =	vld [tilespmem:$0x3310];
	_ =	sdelay $0x3  }
0xf1: {  	v1 =	vsub.f32 v1, v16  }
0xf2: {  	v11 =	vsub.f32 v11, v16  }
0xf3: {  	v1 =	vmul.f32 $1.442695020e+00, v1  }
0xf4: {  	v11 =	vmul.f32 $1.442695020e+00, v11  }
0xf5: {  	(erf) = vpow2.f32 v1  }
0xf6: {  	(erf) = vpow2.f32 v11;
	_ =	sdelay $0x7  }
0xf7: {  	v1 =	vpop (erf)  }
0xf8: {  	v11 =	vpop (erf)  }
0xf9: {  	v12 =	vadd.f32 v11, v1;
	_ =	sdelay $0x1  }
0xfa: {  	(xrf2) =	vadd.scan.msk.f32 $0xffff, v12;
	_ =	sdelay $0x6  }
0xfb: {  	v2 =	vimm.s32 $0xF;
	_ =	sdelay $0x2  }
0xfc: {  	v12, _, _ =	vpop (xrf2)  }
0xfd: {  	[tilespmem:$0x3200] =	vst v12  }
0xfe: {  	v12 =	vld.idx.msk [tilespmem:v2+s22+$0x0], $0xffff;
	_ =	sdelay $0x4  }
0xff: {  	(erf) = vrcp.f32 v12;
	_ =	sdelay $0x2  }
0x100: {  	v12 =	vld [tilespmem:$0x3380];
	_ =	sdelay $0x4  }
0x101: {  	v13 =	vshrl.u32 v12, $0x7  }
0x102: {  	v17 =	vand.u32 $0x1FFFF80, v13;
	v16 =	vpop (erf)  }
0x103: {  	v13 =	vand.u32 $0x7F, v13;
	v17 =	vadd.s32 v15, v17;
	v16 =	vmul.f32 $5.000000000e-01, v16  }
0x104: {  	v13 =	vor.u32 v13, v17  }
0x105: {  	v17 =	vld [tilespmem:$0x3390];
	v1 =	vmul.f32 v16, v1  }
0x106: {  	v11 =	vmul.f32 v16, v11  }
0x107: {  	[tilespmem:$0x3400] =	vst v1  }
0x108: {  	s3 =	simm.s32 $0x0;
	[tilespmem:$0x3410] =	vst v11  }
0x109: {  	v1 =	vld.idx.msk [tilespmem:v13+s3+$0x0], $0xffff  }
0x10a: {  	v11 =	vshrl.u32 v17, $0x7  }
0x10b: {  	v13 =	vand.u32 $0x1FFFF80, v11  }
0x10c: {  	v11 =	vand.u32 $0x7F, v11;
	v13 =	vadd.s32 v15, v13  }
0x10d: {  	v11 =	vor.u32 v11, v13  }
0x10e: {  	v2 =	vld [tilespmem:$0x1FFD0];
	v13 =	vand.u32 $0x7F, v12;
	v1 =	vshll.u32 v1, $0x7  }
0x10f: {  	v1 =	vor.u32 v13, v1  }
0x110: {  	v3 =	vld [tilespmem:$0x1FFE0];
	v13 =	vshll.u32 v1, $0x1  }
0x111: {  	[tilespmem:$0x3480] =	vst v1;
	v1 =	vand.u32 $0x7, v12;
	v12 =	vand.u32 $0xFFFFFFF0, v13  }
0x112: {  	v11 =	vld.idx.msk [tilespmem:v11+s3+$0x0], $0xffff;
	v1 =	vor.u32 v1, v12  }
0x113: {  	v12 =	vperm.xlane v1, v2  }
0x114: {  	v4 =	vor.u32 $0x8, v0  }
0x115: {  	v1 =	vperm.xlane v1, v4;
	v12 =	vadd.s32 v3, v12;
	_ =	sdelay $0x1  }
0x116: {  	v13 =	vand.u32 $0x7F, v17;
	v1 =	vadd.s32 v3, v1;
	v11 =	vshll.u32 v11, $0x7  }
0x117: {  	v11 =	vor.u32 v13, v11  }
0x118: {  	[tilespmem:$0x3490] =	vst v11  }
0x119: {  	[tilespmem:s26], [sflag:$0x3] =	stream.indirect_vreg.gather [hbm4b:s2+s3], $0x80, v12, vm0, $0xb8;
	[tilespmem:$0x7500] =	vst v63  }
0x11a: {  	_ = 	snop  }
0x11b: {  	[tilespmem:s28], [sflag:$0x3] =	stream.indirect_vreg.gather [hbm4b:s2+s3], $0x80, v1, vm0, $0xb8;
	[tilespmem:$0x7500] =	vst v63  }
0x11c: {  	v1 =	vld [tilespmem:$0x3490];
	_ =	sdelay $0x4  }
0x11d: {  	v11 =	vshll.u32 v1, $0x1  }
0x11e: {  	v1 =	vand.u32 $0x7, v1;
	v11 =	vand.u32 $0xFFFFFFF0, v11  }
0x11f: {  	v1 =	vor.u32 v1, v11  }
0x120: {  	v11 =	vperm.xlane v1, v2;
	_ =	sdelay $0x1  }
0x121: {  	v1 =	vperm.xlane v1, v4;
	v11 =	vadd.s32 v3, v11;
	_ =	sdelay $0x1  }
0x122: {  	v1 =	vadd.s32 v3, v1  }
0x123: {  	v12 =	vshll.u32 v14, $0x8  }
0x124: {  	v13 =	vand.u32 $0x300, v15;
	v12 =	vand.u32 $0x800, v12  }
0x125: {  	[tilespmem:s29], [sflag:$0x3] =	stream.indirect_vreg.gather [hbm4b:s2+s3], $0x80, v11, vm0, $0xb8;
	v11 =	vor.u32 v13, v12;
	[tilespmem:$0x7500] =	vst v63  }
0x126: {  	[tilespmem:$0x1FEA0] =	vst v4;
	v4 =	vor.u32 v0, v11  }
0x127: {  	v2 =	vor.u32 v34, v11;
	[tilespmem:s30], [sflag:$0x3] =	stream.indirect_vreg.gather [hbm4b:s2+s3], $0x80, v1, vm0, $0xb8;
	[tilespmem:$0x7500] =	vst v63  }
0x128: {  	v3 =	vor.u32 v36, v11;
	_ =	swait.ge [sflag:s31], $0x2000  }
0x129: {  	v14 =	vor.u32 v6, v11;
	[sflag:s31] =	ssyncset.done $0x0  }
0x12a: {  	v5 =	vor.u32 v7, v11;
	[sflag:s31] =	ssyncadd.s32 $0xFFFFE000  }
0x12b: {  	v20 =	vor.u32 $0x450, v0;
	[tilespmem:$0x1FEB0] =	vst v4;
	v1 =	vld.idx.msk [tilespmem:v4+s13+$0x0], $0xffff;
	v4 =	vor.u32 v8, v11  }
0x12c: {  	v30 =	vor.u32 v20, v11;
	[tilespmem:$0x1FEC0] =	vst v2;
	v12 =	vld.idx.msk [tilespmem:v2+s13+$0x0], $0xffff  }
0x12d: {  	[tilespmem:$0x1FED0] =	vst v3;
	v2 =	vor.u32 v9, v11;
	v13 =	vld.idx.msk [tilespmem:v3+s13+$0x0], $0xffff  }
0x12e: {  	v15 =	vor.u32 $0x400, v0;
	[tilespmem:$0x1FEE0] =	vst v14;
	v3 =	vor.u32 v10, v11;
	v40 =	vld.idx.msk [tilespmem:v14+s13+$0x0], $0xffff  }
0x12f: {  	v17 =	vor.u32 $0x420, v0;
	[tilespmem:$0x1FEF0] =	vst v5;
	v14 =	vor.u32 v15, v11;
	v41 =	vld.idx.msk [tilespmem:v5+s13+$0x0], $0xffff  }
0x130: {  	v21 =	vor.u32 $0x460, v0;
	[tilespmem:$0x1FF00] =	vst v4;
	v22 =	vld.idx.msk [tilespmem:v4+s13+$0x0], $0xffff;
	v4 =	vor.u32 v17, v11  }
0x131: {  	v18 =	vor.u32 $0x430, v0;
	v32 =	vor.u32 v21, v11;
	[tilespmem:$0x1FF80] =	vst v30;
	v30 =	vld.idx.msk [tilespmem:v30+s13+$0x0], $0xffff  }
0x132: {  	v19 =	vor.u32 $0x440, v0;
	v24 =	vmov s3;
	v16 =	vor.u32 $0x410, v0;
	[tilespmem:$0x1FF10] =	vst v2;
	v42 =	vld.idx.msk [tilespmem:v2+s13+$0x0], $0xffff  }
0x133: {  	v26 =	vshll.u32 v24, $0x8;
	v27 =	vshll.u32 v24, $0x7;
	v5 =	vor.u32 v16, v11;
	[tilespmem:$0x1FF20] =	vst v3;
	v23 =	vld.idx.msk [tilespmem:v3+s13+$0x0], $0xffff  }
0x134: {  	[tilespmem:$0x1FF30] =	vst v14;
	v2 =	vor.u32 v18, v11;
	v3 =	vor.u32 v19, v11;
	v43 =	vld.idx.msk [tilespmem:v14+s13+$0x0], $0xffff;
	v14 =	vor.u32 $0x470, v0  }
0x135: {  	[tilespmem:$0x1FF50] =	vst v4;
	v28 =	vld.idx.msk [tilespmem:v4+s13+$0x0], $0xffff;
	v4 =	vor.u32 v14, v11;
	v11 =	vand.u32 $0x1800, v26;
	v26 =	vand.u32 $0x380, v27  }
0x136: {  	v50 =	vld.idx.msk [tilespmem:v32+s13+$0x0], $0xffff;
	v11 =	vor.u32 v26, v11  }
0x137: {  	v45 =	vld.idx.msk [tilespmem:v24+s0+$0x0], $0xffff;
	v29 =	vor.u32 v0, v11  }
0x138: {  	v25 =	vld.idx.msk [tilespmem:v5+s13+$0x0], $0xffff;
	v31 =	vor.u32 v34, v11  }
0x139: {  	v27 =	vld.idx.msk [tilespmem:v2+s13+$0x0], $0xffff;
	v44 =	vor.u32 v36, v11  }
0x13a: {  	v26 =	vld.idx.msk [tilespmem:v3+s13+$0x0], $0xffff;
	v47 =	vor.u32 v10, v11  }
0x13b: {  	v24 =	vor.u32 v14, v11;
	v46 =	vld.idx.msk [tilespmem:v4+s13+$0x0], $0xffff  }
0x13c: {  	v48 =	vor.u32 v20, v11;
	v29 =	vld.idx.msk [tilespmem:v29+s26+$0x0], $0xffff  }
0x13d: {  	v49 =	vor.u32 v8, v11;
	v31 =	vld.idx.msk [tilespmem:v31+s26+$0x0], $0xffff  }
0x13e: {  	v54 =	vor.u32 v16, v11;
	v44 =	vld.idx.msk [tilespmem:v44+s26+$0x0], $0xffff  }
0x13f: {  	v52 =	vor.u32 v7, v11;
	v47 =	vld.idx.msk [tilespmem:v47+s26+$0x0], $0xffff  }
0x140: {  	v51 =	vor.u32 v17, v11;
	v24 =	vld.idx.msk [tilespmem:v24+s26+$0x0], $0xffff  }
0x141: {  	[tilespmem:$0x1FF90] =	vst v32;
	v57 =	vor.u32 v18, v11;
	v55 =	vld.idx.msk [tilespmem:v48+s26+$0x0], $0xffff  }
0x142: {  	[tilespmem:$0x1FF40] =	vst v5;
	v53 =	vor.u32 v19, v11;
	v56 =	vor.u32 v6, v11;
	v49 =	vld.idx.msk [tilespmem:v49+s26+$0x0], $0xffff  }
0x143: {  	s17 =	simm.s32 $0x1;
	v58 =	vor.u32 v9, v11;
	v59 =	vor.u32 v21, v11;
	v11 =	vor.u32 v15, v11;
	v60 =	vld.idx.msk [tilespmem:v54+s26+$0x0], $0xffff  }
0x144: {  	v5 =	vmov v34;
	[tilespmem:$0x1FF60] =	vst v2;
	v32 =	vld.idx.msk [tilespmem:v52+s26+$0x0], $0xffff;
	v52 =	vmov s17;
	v29 =	vmul.f32 v29, v45  }
0x145: {  	[tilespmem:$0x1FFA0] =	vst v4;
	v51 =	vld.idx.msk [tilespmem:v51+s26+$0x0], $0xffff;
	v38 =	vshll.u32 v52, $0x7;
	v31 =	vmul.f32 v31, v45;
	v44 =	vmul.f32 v44, v45  }
0x146: {  	v4 =	vmovc v8;
	v61 =	vld.idx.msk [tilespmem:v57+s26+$0x0], $0xffff;
	v24 =	vmul.f32 v24, v45;
	v48 =	vadd.f32 v29, v1;
	v29 =	vshll.u32 v52, $0x8  }
0x147: {  	v8 =	vmovc v7;
	v7 =	vmovc v6;
	v47 =	vmul.f32 v47, v45;
	v1 =	vld.idx.msk [tilespmem:v53+s26+$0x0], $0xffff;
	v53 =	vand.u32 $0x380, v38;
	v29 =	vand.u32 $0x1800, v29  }
0x148: {  	v62 =	vld.idx.msk [tilespmem:v11+s26+$0x0], $0xffff;
	v35 =	vmul.f32 v49, v45;
	v11 =	vmul.f32 v60, v45;
	v33 =	vor.u32 v53, v29  }
0x149: {  	v6 =	vmovc v36;
	v54 =	vadd.f32 v31, v12;
	v49 =	vadd.f32 v47, v23;
	v57 =	vor.u32 v0, v33  }
0x14a: {  	v36 =	vld.idx.msk [tilespmem:v58+s26+$0x0], $0xffff;
	v47 =	vadd.f32 v11, v25;
	v11 =	vmul.f32 v51, v45;
	v34 =	vor.u32 v34, v33  }
0x14b: {  	v12 =	vld.idx.msk [tilespmem:v56+s26+$0x0], $0xffff;
	v23 =	vmul.f32 v61, v45;
	v29 =	vmul.f32 v55, v45;
	v37 =	vor.u32 v6, v33  }
0x14c: {  	v56 =	vld.idx.msk [tilespmem:v52+s0+$0x0], $0xffff;
	v55 =	vadd.f32 v44, v13;
	v44 =	vadd.f32 v24, v46;
	v13 =	vor.u32 v10, v33  }
0x14d: {  	v53 =	vld.idx.msk [tilespmem:v59+s26+$0x0], $0xffff;
	v51 =	vadd.f32 v11, v28;
	v52 =	vadd.f32 v23, v27;
	v24 =	vor.u32 v14, v33  }
0x14e: {  	[tilespmem:$0x1FF70] =	vst v3;
	v6 =	vmov v7;
	v58 =	vor.u32 v7, v33;
	v31 =	vor.u32 v4, v33;
	v38 =	vld.idx.msk [tilespmem:v57+s26+$0x0], $0xffff  }
0x14f: {  	v63 =	vor.u32 v8, v33;
	v25 =	vor.u32 v20, v33;
	v46 =	vadd.f32 v29, v30;
	v30 =	vld.idx.msk [tilespmem:v34+s26+$0x0], $0xffff  }
0x150: {  	v7 =	vmovc v8;
	v8 =	vmov v4;
	v39 =	vor.u32 v17, v33;
	v57 =	vadd.f32 v35, v22;
	v22 =	vld.idx.msk [tilespmem:v37+s26+$0x0], $0xffff  }
0x151: {  	v59 =	vor.u32 v16, v33;
	v11 =	vor.u32 v9, v33;
	v1 =	vmul.f32 v1, v45;
	v61 =	vld.idx.msk [tilespmem:v13+s26+$0x0], $0xffff  }
0x152: {  	v23 =	vor.u32 v21, v33;
	v27 =	vor.u32 v19, v33;
	v28 =	vmul.f32 v53, v45;
	v60 =	vld.idx.msk [tilespmem:v24+s26+$0x0], $0xffff  }
0x153: {  	v53 =	vadd.f32 v1, v26;
	v13 =	vmul.f32 v36, v45;
	v24 =	vld.idx.msk [tilespmem:v31+s26+$0x0], $0xffff;
	v31 =	vmul.f32 v12, v45  }
0x154: {  	v1 =	vld.idx.msk [tilespmem:v25+s26+$0x0], $0xffff;
	v25 =	vor.u32 v15, v33;
	v50 =	vadd.f32 v28, v50;
	v29 =	vmul.f32 v38, v56  }
0x155: {  	s3 =	simm.s32 $0x2;
	v12 =	vld.idx.msk [tilespmem:v39+s26+$0x0], $0xffff;
	v28 =	vor.u32 v18, v33;
	v26 =	vmul.f32 v30, v56;
	v30 =	vmul.f32 v32, v45  }
.LBB2_15:
0x156: {  	_ = 	snop  }
0x157: {  	v48 =	vadd.f32 v29, v48  }
0x158: {  	v32 =	vld.idx.msk [tilespmem:v63+s26+$0x0], $0xffff;
	s7 =	smov.u32 s3;
	v40 =	vadd.f32 v31, v40;
	v29 =	vmul.f32 v62, v45;
	v41 =	vadd.f32 v30, v41  }
0x159: {  	v2 =	vld [tilespmem:$0x1FFF0];
	v31 =	vmov s7;
	v42 =	vadd.f32 v13, v42;
	v54 =	vadd.f32 v26, v54  }
0x15a: {  	v27 =	vld.idx.msk [tilespmem:v27+s26+$0x0], $0xffff;
	v30 =	vshll.u32 v31, $0x8;
	v33 =	vshll.u32 v31, $0x7;
	v43 =	vadd.f32 v29, v43  }
0x15b: {  	v28 =	vld.idx.msk [tilespmem:v28+s26+$0x0], $0xffff;
	v45 =	vmovc v56;
	v29 =	vand.u32 $0x1800, v30;
	v30 =	vand.u32 $0x380, v33;
	v22 =	vmul.f32 v22, v56  }
0x15c: {  	v35 =	vld.idx.msk [tilespmem:v59+s26+$0x0], $0xffff;
	v30 =	vor.u32 v30, v29;
	v1 =	vmul.f32 v1, v45;
	v29 =	vmul.f32 v60, v45  }
0x15d: {  	v13 =	vld.idx.msk [tilespmem:v11+s26+$0x0], $0xffff;
	v24 =	vmul.f32 v24, v45;
	v37 =	vmul.f32 v61, v45;
	v11 =	vor.u32 v0, v30  }
0x15e: {  	v62 =	vld.idx.msk [tilespmem:v25+s26+$0x0], $0xffff;
	v12 =	vmul.f32 v12, v45;
	v34 =	vor.u32 v5, v30;
	v36 =	vor.u32 v2, v30  }
0x15f: {  	v33 =	vld.idx.msk [tilespmem:v23+s26+$0x0], $0xffff;
	v23 =	vor.u32 v6, v30;
	v63 =	vor.u32 v7, v30;
	v25 =	vor.u32 v8, v30  }
0x160: {  	v26 =	vld.idx.msk [tilespmem:v58+s26+$0x0], $0xffff;
	v38 =	vor.u32 v10, v30;
	v59 =	vor.u32 v16, v30;
	v60 =	vor.u32 v14, v30  }
0x161: {  	v39 =	vmul.f32 v27, v45;
	v4 =	vor.u32 v17, v30;
	v35 =	vmul.f32 v35, v45;
	v56 =	vld.idx.msk [tilespmem:v31+s0+$0x0], $0xffff  }
0x162: {  	v2 =	vmul.f32 v28, v45;
	v27 =	vor.u32 v19, v30;
	v28 =	vor.u32 v18, v30;
	v3 =	vld.idx.msk [tilespmem:v11+s26+$0x0], $0xffff  }
0x163: {  	v31 =	vor.u32 v20, v30;
	v55 =	vadd.f32 v22, v55;
	v49 =	vadd.f32 v37, v49;
	v34 =	vld.idx.msk [tilespmem:v34+s26+$0x0], $0xffff  }
0x164: {  	p0 =	sne.s32 s3, $0x1F;
	v58 =	vmov v23;
	v44 =	vadd.f32 v29, v44;
	v46 =	vadd.f32 v1, v46;
	v22 =	vld.idx.msk [tilespmem:v36+s26+$0x0], $0xffff  }
.Ltmp9:
0x165: {  	v23 =	vor.u32 v21, v30;
	v57 =	vadd.f32 v24, v57;
	v51 =	vadd.f32 v12, v51;
	v61 =	vld.idx.msk [tilespmem:v38+s26+$0x0], $0xffff;
	(pc) =	sbr.rel @p0 .LBB2_15-.Ltmp9, $4  }
0x166: {  	v13 =	vmul.f32 v13, v45;
	v47 =	vadd.f32 v35, v47;
	v52 =	vadd.f32 v2, v52;
	v60 =	vld.idx.msk [tilespmem:v60+s26+$0x0], $0xffff  }
0x167: {  	v53 =	vadd.f32 v39, v53;
	v2 =	vmul.f32 v33, v45;
	v11 =	vor.u32 v9, v30;
	v24 =	vld.idx.msk [tilespmem:v25+s26+$0x0], $0xffff  }
0x168: {  	v25 =	vor.u32 v15, v30;
	v30 =	vmul.f32 v32, v45;
	v1 =	vld.idx.msk [tilespmem:v31+s26+$0x0], $0xffff;
	v31 =	vmul.f32 v26, v45  }
0x169: {  	s3 =	sadd.s32 $0x1, s3;
	v12 =	vld.idx.msk [tilespmem:v4+s26+$0x0], $0xffff;
	v50 =	vadd.f32 v2, v50;
	v29 =	vmul.f32 v3, v56;
	v26 =	vmul.f32 v34, v56  }
0x16a: {  	_ =	sdelay $0x3  }
0x16b: {  	v2 =	vld.idx.msk [tilespmem:v63+s26+$0x0], $0xffff  }
0x16c: {  	[tilespmem:$0x1FE60] =	vst v14;
	v14 =	vld [tilespmem:$0x1FEB0]  }
0x16d: {  	v3 =	vld.idx.msk [tilespmem:v27+s26+$0x0], $0xffff  }
0x16e: {  	v4 =	vld.idx.msk [tilespmem:v58+s26+$0x0], $0xffff  }
0x16f: {  	v27 =	vld.idx.msk [tilespmem:v28+s26+$0x0], $0xffff  }
0x170: {  	v23 =	vld.idx.msk [tilespmem:v23+s26+$0x0], $0xffff  }
0x171: {  	v11 =	vld.idx.msk [tilespmem:v11+s26+$0x0], $0xffff  }
0x172: {  	v32 =	vld.idx.msk [tilespmem:v59+s26+$0x0], $0xffff;
	v29 =	vadd.f32 v29, v48  }
0x173: {  	v25 =	vld.idx.msk [tilespmem:v25+s26+$0x0], $0xffff  }
0x174: {  	[tilespmem:v14+s1+$0x0] =	vst.idx.msk $0xffff, v29;
	v14 =	vld [tilespmem:$0x1FEC0];
	_ =	sdelay $0x5  }
0x175: {  	v26 =	vadd.f32 v26, v54;
	_ =	sdelay $0x1  }
0x176: {  	[tilespmem:v14+s1+$0x0] =	vst.idx.msk $0xffff, v26;
	v14 =	vld [tilespmem:$0x1FED0];
	_ =	sdelay $0x3  }
0x177: {  	v22 =	vmul.f32 v22, v56;
	_ =	sdelay $0x1  }
0x178: {  	v22 =	vadd.f32 v22, v55;
	_ =	sdelay $0x1  }
0x179: {  	[tilespmem:v14+s1+$0x0] =	vst.idx.msk $0xffff, v22;
	v14 =	vld [tilespmem:$0x1FEE0];
	_ =	sdelay $0x3  }
0x17a: {  	v31 =	vadd.f32 v31, v40;
	v4 =	vmul.f32 v4, v56  }
0x17b: {  	v13 =	vadd.f32 v13, v42;
	v11 =	vmul.f32 v11, v56  }
0x17c: {  	v4 =	vadd.f32 v4, v31  }
0x17d: {  	v11 =	vadd.f32 v11, v13;
	v13 =	vld [tilespmem:$0x1FEF0]  }
0x17e: {  	[tilespmem:v14+s1+$0x0] =	vst.idx.msk $0xffff, v4;
	v14 =	vld [tilespmem:$0x1FF00];
	_ =	sdelay $0x2  }
0x17f: {  	v30 =	vadd.f32 v30, v41;
	v2 =	vmul.f32 v2, v56  }
0x180: {  	v24 =	vmul.f32 v24, v56  }
0x181: {  	v2 =	vadd.f32 v2, v30  }
0x182: {  	v24 =	vadd.f32 v24, v57  }
0x183: {  	[tilespmem:v13+s1+$0x0] =	vst.idx.msk $0xffff, v2  }
0x184: {  	[tilespmem:v14+s1+$0x0] =	vst.idx.msk $0xffff, v24;
	v14 =	vld [tilespmem:$0x1FF10];
	_ =	sdelay $0x7  }
0x185: {  	[tilespmem:v14+s1+$0x0] =	vst.idx.msk $0xffff, v11;
	v14 =	vld [tilespmem:$0x1FF20];
	_ =	sdelay $0x3  }
0x186: {  	v22 =	vmul.f32 v61, v56;
	_ =	sdelay $0x1  }
0x187: {  	v13 =	vadd.f32 v22, v49;
	_ =	sdelay $0x1  }
0x188: {  	[tilespmem:v14+s1+$0x0] =	vst.idx.msk $0xffff, v13;
	v13 =	vld [tilespmem:$0x1FF30];
	_ =	sdelay $0x1  }
0x189: {  	v63 =	vmul.f32 v62, v45;
	_ =	sdelay $0x1  }
0x18a: {  	v28 =	vadd.f32 v63, v43;
	v4 =	vmul.f32 v25, v56;
	_ =	sdelay $0x1  }
0x18b: {  	v4 =	vadd.f32 v4, v28;
	v11 =	vmul.f32 v27, v56;
	_ =	sdelay $0x1  }
0x18c: {  	[tilespmem:v13+s1+$0x0] =	vst.idx.msk $0xffff, v4;
	v4 =	vadd.f32 v11, v52;
	v11 =	vld [tilespmem:$0x1FF40];
	_ =	sdelay $0x3  }
0x18d: {  	v2 =	vmul.f32 v32, v56;
	_ =	sdelay $0x1  }
0x18e: {  	v2 =	vadd.f32 v2, v47;
	_ =	sdelay $0x1  }
0x18f: {  	[tilespmem:v11+s1+$0x0] =	vst.idx.msk $0xffff, v2;
	v11 =	vld [tilespmem:$0x1FF50];
	_ =	sdelay $0x3  }
0x190: {  	v12 =	vmul.f32 v12, v56;
	_ =	sdelay $0x1  }
0x191: {  	v12 =	vadd.f32 v12, v51;
	_ =	sdelay $0x1  }
0x192: {  	[tilespmem:v11+s1+$0x0] =	vst.idx.msk $0xffff, v12;
	v12 =	vld [tilespmem:$0x1FF60];
	_ =	sdelay $0x7  }
0x193: {  	[tilespmem:v12+s1+$0x0] =	vst.idx.msk $0xffff, v4;
	v12 =	vld [tilespmem:$0x1FF70];
	_ =	sdelay $0x3  }
0x194: {  	v3 =	vmul.f32 v3, v56;
	_ =	sdelay $0x1  }
0x195: {  	v2 =	vadd.f32 v3, v53;
	v11 =	vmul.f32 v60, v56;
	_ =	sdelay $0x1  }
0x196: {  	[tilespmem:v12+s1+$0x0] =	vst.idx.msk $0xffff, v2;
	v2 =	vadd.f32 v11, v44;
	v11 =	vld [tilespmem:$0x1FF80];
	_ =	sdelay $0x3  }
0x197: {  	v1 =	vmul.f32 v1, v56;
	_ =	sdelay $0x1  }
0x198: {  	v1 =	vadd.f32 v1, v46;
	_ =	sdelay $0x1  }
0x199: {  	[tilespmem:v11+s1+$0x0] =	vst.idx.msk $0xffff, v1;
	v1 =	vld [tilespmem:$0x1FF90];
	_ =	sdelay $0x3  }
0x19a: {  	v3 =	vmul.f32 v23, v56;
	_ =	sdelay $0x1  }
0x19b: {  	v3 =	vadd.f32 v3, v50;
	_ =	sdelay $0x1  }
0x19c: {  	[tilespmem:v1+s1+$0x0] =	vst.idx.msk $0xffff, v3;
	v1 =	vld [tilespmem:$0x1FFA0]  }
0x19d: {  	s3 =	smin.u32 s9, $0xD  }
0x19e: {  	s3 =	sadd.s32 $0x2, s3  }
0x19f: {  	s7 =	sshll.u32 s3, $0x7  }
0x1a0: {  	v4 =	vor.u32 s7, v0;
	_ =	sdelay $0x3  }
0x1a1: {  	s9 =	simm.s32 $0x0;
	[tilespmem:v1+s1+$0x0] =	vst.idx.msk $0xffff, v2  }
0x1a2: {  	v1 =	vld.idx.msk [tilespmem:v4+s9+$0x0], $0xffff;
	_ =	sdelay $0x1  }
0x1a3: {  	v2 =	vor.u32 s7, v5  }
0x1a4: {  	s3 =	sadd.s32 s6, s3  }
0x1a5: {  	s3 =	sshll.u32 s3, $0x9  }
0x1a6: {  	v1 =	vadd.s32 s3, v1  }
0x1a7: {  	[tilespmem:$0x1000] =	vst v1  }
0x1a8: {  	v1 =	vld.idx.msk [tilespmem:v2+s9+$0x0], $0xffff  }
0x1a9: {  	v2 =	vld [tilespmem:$0x1FFB0];
	_ =	sdelay $0x3  }
0x1aa: {  	[tilespmem:$0x1FE70] =	vst v21  }
0x1ab: {  	[tilespmem:$0x1FE80] =	vst v20;
	v23 =	vbroadcast v2, $0x0  }
0x1ac: {  	[tilespmem:$0x1FE90] =	vst v19;
	v1 =	vadd.s32 s3, v1  }
0x1ad: {  	[tilespmem:$0x1010] =	vst v1;
	v24 =	vshll.u32 v23, $0x7  }
0x1ae: {  	[tilespmem:s16], [sflag:$0x1] =	stream.indirect.gather [hbm4b:s4+s14], $0x80, s15, s14, $0xb8;
	v1 =	vor.u32 $0x1F, v24;
	[tilespmem:$0x7500] =	vst v63  }
0x1af: {  	_ =	swait.ge [sflag:s5], $0x1000  }
0x1b0: {  	[sflag:s5] =	ssyncset.done $0x0  }
0x1b1: {  	[sflag:s5] =	ssyncadd.s32 $0xFFFFF000  }
0x1b2: {  	v35 =	vimm.f32 $-3.000000010e+38;
	v25 =	vld.idx.msk [tilespmem:v24+s12+$0x0], $0xffff  }
0x1b3: {  	v26 =	vld.idx.msk [tilespmem:v1+s12+$0x0], $0xffff;
	[tilespmem:$0x3100] =	vst v35  }
0x1b4: {  	[tilespmem:$0x3110] =	vst v35  }
0x1b5: {  	[tilespmem:$0x3120] =	vst v35  }
0x1b6: {  	[tilespmem:$0x3130] =	vst v35  }
0x1b7: {  	[tilespmem:$0x3140] =	vst v35  }
0x1b8: {  	[tilespmem:$0x3150] =	vst v35  }
0x1b9: {  	[tilespmem:$0x3160] =	vst v35  }
0x1ba: {  	v37 =	vmovc v15;
	v34 =	vmov v5;
	v12 =	vimm.s32 $0x0;
	v36 =	vld [tilespmem:$0x1FFF0];
	[tilespmem:$0x3170] =	vst v35;
	v1 =	vimm.s32 $0x0  }
.LBB2_17:
0x1bb: {  	s3 =	sshll.u32 s9, $0x7  }
0x1bc: {  	v2 =	vor.u32 s3, v0;
	_ =	sdelay $0x4  }
0x1bd: {  	v3 =	vld.idx.msk [tilespmem:v2+s18+$0x0], $0xffff;
	_ =	sdelay $0x4  }
0x1be: {  	vm1 =	vge.f32 v3, v26  }
0x1bf: {  	v4 =	vsel vm1, $0x1, v12  }
0x1c0: {  	(xrf0) =	vadd.scan.msk.s32 $0xffff, v4;
	_ =	sdelay $0x5  }
0x1c1: {  	v4, _, _ =	vpop (xrf0)  }
0x1c2: {  	v4 =	vadd.s32 v4, v1  }
0x1c3: {  	v4 =	vadd.s32 $0xFFFFFFFF, v4  }
0x1c4: {  	vm2 =	vlt.s32 v4, $0x80  }
0x1c5: {  	vm2 =	vmand vm1, vm2;
	_ =	sdelay $0x2  }
0x1c6: {  	v11 =	vor.u32 s3, v34;
	_ =	sdelay $0x2  }
0x1c7: {  	[tilespmem:v4+s20+$0x0] =	vst.idx.msk vm2, v3  }
0x1c8: {  	[tilespmem:v4+s21+$0x0] =	vst.idx.msk vm2, v2  }
0x1c9: {  	v2 =	vld.idx.msk [tilespmem:v11+s18+$0x0], $0xffff;
	_ =	sdelay $0x4  }
0x1ca: {  	vm2 =	vge.f32 v2, v26  }
0x1cb: {  	v3 =	vsel vm2, $0x1, v12  }
0x1cc: {  	(xrf0) =	vadd.scan.msk.s32 $0xffff, v3;
	_ =	sdelay $0x1  }
0x1cd: {  	v3 =	vmpcnt.ones.xlane vm1;
	_ =	sdelay $0x3  }
0x1ce: {  	v1 =	vadd.s32 v1, v3;
	v3, _, _ =	vpop (xrf0)  }
0x1cf: {  	v3 =	vadd.s32 v3, v1  }
0x1d0: {  	v3 =	vadd.s32 $0xFFFFFFFF, v3  }
0x1d1: {  	vm1 =	vlt.s32 v3, $0x80  }
0x1d2: {  	vm1 =	vmand vm2, vm1;
	_ =	sdelay $0x2  }
0x1d3: {  	v4 =	vor.u32 s3, v36;
	_ =	sdelay $0x2  }
0x1d4: {  	[tilespmem:v3+s20+$0x0] =	vst.idx.msk vm1, v2  }
0x1d5: {  	[tilespmem:v3+s21+$0x0] =	vst.idx.msk vm1, v11  }
0x1d6: {  	v2 =	vld.idx.msk [tilespmem:v4+s18+$0x0], $0xffff;
	_ =	sdelay $0x4  }
0x1d7: {  	vm1 =	vge.f32 v2, v26  }
0x1d8: {  	v3 =	vsel vm1, $0x1, v12  }
0x1d9: {  	(xrf0) =	vadd.scan.msk.s32 $0xffff, v3;
	_ =	sdelay $0x1  }
0x1da: {  	v3 =	vmpcnt.ones.xlane vm2;
	_ =	sdelay $0x3  }
0x1db: {  	v1 =	vadd.s32 v1, v3;
	v3, _, _ =	vpop (xrf0)  }
0x1dc: {  	v3 =	vadd.s32 v3, v1  }
0x1dd: {  	v3 =	vadd.s32 $0xFFFFFFFF, v3  }
0x1de: {  	vm2 =	vlt.s32 v3, $0x80  }
0x1df: {  	vm2 =	vmand vm1, vm2;
	_ =	sdelay $0x2  }
0x1e0: {  	v11 =	vor.u32 s3, v6;
	_ =	sdelay $0x2  }
0x1e1: {  	[tilespmem:v3+s20+$0x0] =	vst.idx.msk vm2, v2  }
0x1e2: {  	[tilespmem:v3+s21+$0x0] =	vst.idx.msk vm2, v4  }
0x1e3: {  	v2 =	vld.idx.msk [tilespmem:v11+s18+$0x0], $0xffff;
	_ =	sdelay $0x4  }
0x1e4: {  	vm2 =	vge.f32 v2, v26  }
0x1e5: {  	v3 =	vsel vm2, $0x1, v12  }
0x1e6: {  	(xrf0) =	vadd.scan.msk.s32 $0xffff, v3;
	_ =	sdelay $0x1  }
0x1e7: {  	v3 =	vmpcnt.ones.xlane vm1;
	_ =	sdelay $0x3  }
0x1e8: {  	v1 =	vadd.s32 v1, v3;
	v3, _, _ =	vpop (xrf0)  }
0x1e9: {  	v3 =	vadd.s32 v3, v1  }
0x1ea: {  	v3 =	vadd.s32 $0xFFFFFFFF, v3  }
0x1eb: {  	vm1 =	vlt.s32 v3, $0x80  }
0x1ec: {  	vm1 =	vmand vm2, vm1;
	_ =	sdelay $0x2  }
0x1ed: {  	v4 =	vor.u32 s3, v7;
	_ =	sdelay $0x2  }
0x1ee: {  	[tilespmem:v3+s20+$0x0] =	vst.idx.msk vm1, v2  }
0x1ef: {  	[tilespmem:v3+s21+$0x0] =	vst.idx.msk vm1, v11  }
0x1f0: {  	v2 =	vld.idx.msk [tilespmem:v4+s18+$0x0], $0xffff;
	_ =	sdelay $0x4  }
0x1f1: {  	vm1 =	vge.f32 v2, v26  }
0x1f2: {  	v3 =	vsel vm1, $0x1, v12  }
0x1f3: {  	(xrf0) =	vadd.scan.msk.s32 $0xffff, v3;
	_ =	sdelay $0x1  }
0x1f4: {  	v3 =	vmpcnt.ones.xlane vm2;
	_ =	sdelay $0x3  }
0x1f5: {  	v1 =	vadd.s32 v1, v3;
	v3, _, _ =	vpop (xrf0)  }
0x1f6: {  	v3 =	vadd.s32 v3, v1  }
0x1f7: {  	v3 =	vadd.s32 $0xFFFFFFFF, v3  }
0x1f8: {  	vm2 =	vlt.s32 v3, $0x80  }
0x1f9: {  	vm2 =	vmand vm1, vm2;
	_ =	sdelay $0x2  }
0x1fa: {  	v11 =	vor.u32 s3, v8;
	_ =	sdelay $0x2  }
0x1fb: {  	[tilespmem:v3+s20+$0x0] =	vst.idx.msk vm2, v2  }
0x1fc: {  	[tilespmem:v3+s21+$0x0] =	vst.idx.msk vm2, v4  }
0x1fd: {  	v2 =	vld.idx.msk [tilespmem:v11+s18+$0x0], $0xffff;
	_ =	sdelay $0x4  }
0x1fe: {  	vm2 =	vge.f32 v2, v26  }
0x1ff: {  	v3 =	vsel vm2, $0x1, v12  }
0x200: {  	(xrf0) =	vadd.scan.msk.s32 $0xffff, v3;
	_ =	sdelay $0x1  }
0x201: {  	v3 =	vmpcnt.ones.xlane vm1;
	_ =	sdelay $0x3  }
0x202: {  	v1 =	vadd.s32 v1, v3;
	v3, _, _ =	vpop (xrf0)  }
0x203: {  	v3 =	vadd.s32 v3, v1  }
0x204: {  	v3 =	vadd.s32 $0xFFFFFFFF, v3  }
0x205: {  	vm1 =	vlt.s32 v3, $0x80  }
0x206: {  	vm1 =	vmand vm2, vm1;
	_ =	sdelay $0x2  }
0x207: {  	v4 =	vor.u32 s3, v9;
	_ =	sdelay $0x2  }
0x208: {  	[tilespmem:v3+s20+$0x0] =	vst.idx.msk vm1, v2  }
0x209: {  	[tilespmem:v3+s21+$0x0] =	vst.idx.msk vm1, v11  }
0x20a: {  	v2 =	vld.idx.msk [tilespmem:v4+s18+$0x0], $0xffff;
	_ =	sdelay $0x4  }
0x20b: {  	vm1 =	vge.f32 v2, v26  }
0x20c: {  	v3 =	vsel vm1, $0x1, v12  }
0x20d: {  	(xrf0) =	vadd.scan.msk.s32 $0xffff, v3;
	_ =	sdelay $0x1  }
0x20e: {  	v3 =	vmpcnt.ones.xlane vm2;
	_ =	sdelay $0x3  }
0x20f: {  	v1 =	vadd.s32 v1, v3;
	v3, _, _ =	vpop (xrf0)  }
0x210: {  	v3 =	vadd.s32 v3, v1  }
0x211: {  	v3 =	vadd.s32 $0xFFFFFFFF, v3  }
0x212: {  	vm2 =	vlt.s32 v3, $0x80  }
0x213: {  	vm2 =	vmand vm1, vm2;
	_ =	sdelay $0x2  }
0x214: {  	v11 =	vor.u32 s3, v10;
	_ =	sdelay $0x2  }
0x215: {  	[tilespmem:v3+s20+$0x0] =	vst.idx.msk vm2, v2  }
0x216: {  	[tilespmem:v3+s21+$0x0] =	vst.idx.msk vm2, v4  }
0x217: {  	v2 =	vld.idx.msk [tilespmem:v11+s18+$0x0], $0xffff;
	_ =	sdelay $0x4  }
0x218: {  	vm2 =	vge.f32 v2, v26  }
0x219: {  	v3 =	vsel vm2, $0x1, v12  }
0x21a: {  	(xrf0) =	vadd.scan.msk.s32 $0xffff, v3;
	_ =	sdelay $0x1  }
0x21b: {  	v3 =	vmpcnt.ones.xlane vm1;
	_ =	sdelay $0x3  }
0x21c: {  	v1 =	vadd.s32 v1, v3;
	v3, _, _ =	vpop (xrf0)  }
0x21d: {  	v3 =	vadd.s32 v3, v1  }
0x21e: {  	v3 =	vadd.s32 $0xFFFFFFFF, v3  }
0x21f: {  	vm1 =	vlt.s32 v3, $0x80  }
0x220: {  	vm1 =	vmand vm2, vm1;
	_ =	sdelay $0x1  }
0x221: {  	p0 =	sne.s32 s9, $0x1F  }
.Ltmp10:
0x222: {  	_ = 	snop;
	(pc) =	sbr.rel @p0 .LBB2_17-.Ltmp10, $4  }
0x223: {  	_ = 	snop  }
0x224: {  	v4 =	vmpcnt.ones.xlane vm2  }
0x225: {  	[tilespmem:v3+s20+$0x0] =	vst.idx.msk vm1, v2  }
0x226: {  	s9 =	sadd.s32 $0x1, s9;
	v1 =	vadd.s32 v1, v4;
	[tilespmem:v3+s21+$0x0] =	vst.idx.msk vm1, v11  }
0x227: {  	v1 =	vxor.u32 $0x80000000, v1  }
0x228: {  	(xrf0) =	vmax.scan.msk.u32 $0xffff, v1;
	_ =	sdelay $0x5  }
0x229: {  	v1, _, _ =	vpop (xrf0)  }
0x22a: {  	(v2sf) =	vpush v1, $0xF;
	_ =	sdelay $0xe  }
0x22b: {  	s3 =	spop (v2sf)  }
0x22c: {  	s3 =	sxor.u32 $0x80000000, s3  }
0x22d: {  	p0 =	slt.s32 s3, $0x80  }
0x22e: {  	p1 =	slt.s32 s3, $0xFFFFFFF2;
	s3 =	simm.s32 @!p0 $0x80  }
0x22f: {  	s3 =	sadd.s32 $0xF, s3  }
0x230: {  	s7 =	sand.u32 $0xF, s3  }
0x231: {  	s9 =	sshra.s32 s3, $0x1F;
	p6 =	sne.s32 s7, $0x0  }
.Ltmp11:
0x232: {  	s17 =	sshrl.u32 s9, $0x1C;
	p0 =	por !p1, !p6;
	(pc) =	sbr.rel .LBB2_19-.Ltmp11, $4  }
0x233: {  	v15 =	vmov v16;
	v16 =	vmov v17;
	v17 =	vmov v18;
	v18 =	vld [tilespmem:$0x1FE90];
	s7 =	simm.s32 $0x1;
	s3 =	sadd.s32 s17, s3;
	p0 =	por !p0, !p0  }
0x234: {  	v19 =	vld [tilespmem:$0x1FE80];
	s3 =	sshra.s32 s3, $0x4;
	s7 =	simm.s32 @!p0 $0x0  }
0x235: {  	v20 =	vld [tilespmem:$0x1FE70];
	s9 =	ssub.s32 s3, s7  }
0x236: {  	s10 =	simm.s32 $0x0;
	v21 =	vld [tilespmem:$0x1FE60];
	s3 =	simm.s32 $0x0;
	p0 =	slt.s32 s9, $0x1  }
.LBB2_21:
0x237: {  	v26 =	vimm.f32 $-3.000000010e+38;
	v29 =	vimm.s32 $0x0  }
.LBB2_26:
0x238: {  	_ =	sdelay $0x3  }
0x239: {  	v2 =	vld.idx.msk [tilespmem:v31+s21+$0x0], $0xffff;
	_ =	sdelay $0x2  }
0x23a: {  	v3 =	vsel @p1 vm1, v32, v26;
	v4 =	vadd.s32 @p1 v33, v13  }
0x23b: {  	v4 =	vsel @p1 vm1, v4, v29;
	v1 =	vpsel p1, v3, v1  }
0x23c: {  	vm1 =	vgt.f32 v22, v1;
	v3 =	vpsel p1, v4, v11;
	v2 =	vadd.s32 v12, v2  }
0x23d: {  	v1 =	vsel vm1, v22, v1;
	v11 =	vsel vm1, v2, v3  }
.LBB2_27:
0x23e: {  	(xrf1) =	vsort.dscd.msk.f32 $0xffff, v1, v11;
	_ =	sdelay $0xd  }
0x23f: {  	v1, v2, _ =	vpop (xrf1)  }
0x240: {  	[tilespmem:$0x3200] =	vst v1  }
0x241: {  	[tilespmem:$0x3280] =	vst v2  }
0x242: {  	v1 =	vld.msk [tilespmem:s23+$0x0], $0xffff;
	_ =	sdelay $0x2  }
0x243: {  	v3 =	vmov s10;
	v2 =	vld.msk [tilespmem:s22+$0x0], $0xffff  }
0x244: {  	s10 =	sadd.s32 $0x1, s10  }
0x245: {  	p1 =	sne.s32 s10, $0x20;
	v4 =	vshrl.u32 v1, $0xC  }
.Ltmp12:
0x246: {  	_ = 	snop;
	(pc) =	sbr.rel @!p1 .LBB2_28-.Ltmp12, $4  }
0x247: {  	_ = 	snop  }
0x248: {  	v1 =	vand.u32 $0xFFF, v1;
	[tilespmem:v3+s24+$0x0] =	vst.idx.msk $0x1, v2  }
0x249: {  	[tilespmem:v3+s25+$0x0] =	vst.idx.msk $0x1, v1  }
0x24a: {  	[tilespmem:v4+s20+$0x0] =	vst.idx.msk $0x1, v35  }
.LBB2_19:
.Ltmp13:
0x24b: {  	(pc) =	sbr.rel @p0 .LBB2_27-.Ltmp13, $2  }
0x24c: {  	_ =	sdelay $0x2  }
0x24d: {  	v1 =	vimm.f32 $-3.000000010e+38;
	v11 =	vimm.s32 $0x0  }
0x24e: {  	v31 =	vor.u32 s3, v0;
	_ =	sdelay $0x3  }
0x24f: {  	p2 =	sne.s32 s9, $0x1  }
.Ltmp14:
0x250: {  	v22 =	vld.idx.msk [tilespmem:v31+s20+$0x0], $0xffff;
	(pc) =	sbr.rel @!p2 .LBB2_21-.Ltmp14, $2  }
0x251: {  	_ =	sdelay $0x2  }
0x252: {  	s7 =	sadd.s32 $0xFFFFFFFF, s9;
	s11 =	simm.s32 $0x10;
	p1 =	por $0x0, $0x0;
	v12 =	vshll.u32 v31, $0xC  }
0x253: {  	_ =	sdelay $0x2  }
0x254: {  	v28 =	vor.u32 s11, v0;
	p2 =	sne.s32 s7, $0x1  }
.Ltmp15:
0x255: {  	v13 =	vld.idx.msk [tilespmem:v31+s21+$0x0], $0xffff;
	(pc) =	sbr.rel @!p2 .LBB2_23-.Ltmp15, $3  }
0x256: {  	_ =	sdelay $0x1  }
0x257: {  	vm1 =	vgt.f32 v22, v1  }
0x258: {  	s7 =	sadd.s32 $0xFFFFFFFF, s7;
	s11 =	simm.s32 $0x20;
	p1 =	por $0x1, $0x1;
	v26 =	vimm.f32 $-3.000000010e+38;
	v29 =	vimm.s32 $0x0;
	v30 =	vshll.u32 v28, $0xC;
	v27 =	vld.idx.msk [tilespmem:v28+s20+$0x0], $0xffff  }
.LBB2_24:
0x259: {  	p2 =	sne.s32 s7, $0x1;
	s7 =	sadd.s32 $0xFFFFFFFF, s7;
	v26 =	vsel vm1, v22, v26;
	v2 =	vadd.s32 v12, v13;
	v13 =	vld.idx.msk [tilespmem:v28+s21+$0x0], $0xffff;
	v28 =	vor.u32 s11, v0;
	v12 =	vmovc v30  }
.Ltmp16:
0x25a: {  	v30 =	vshll.u32 v28, $0xC;
	v29 =	vsel vm1, v2, v29;
	(pc) =	sbr.rel @p2 .LBB2_24-.Ltmp16, $2  }
0x25b: {  	_ =	sdelay $0x2  }
0x25c: {  	s11 =	sadd.s32 $0x10, s11;
	vm1 =	vgt.f32 v27, v26;
	v22 =	vmov v27;
	v27 =	vld.idx.msk [tilespmem:v28+s20+$0x0], $0xffff  }
.Ltmp17:
0x25d: {  	_ = 	snop;
	(pc) =	sbr.rel .LBB2_26-.Ltmp17, $2  }
0x25e: {  	_ =	sdelay $0x2  }
0x25f: {  	v32 =	vmovc v22;
	v33 =	vmovc v12;
	v31 =	vmov v28;
	v12 =	vmov v30;
	v22 =	vmov v27  }
.LBB2_23:
.Ltmp18:
0x260: {  	_ = 	snop;
	(pc) =	sbr.rel .LBB2_26-.Ltmp18, $3  }
0x261: {  	_ =	sdelay $0x1  }
0x262: {  	v32 =	vmov v22;
	v33 =	vmov v12  }
0x263: {  	v31 =	vmovc v28;
	v26 =	vimm.f32 $-3.000000010e+38;
	v12 =	vmovc v30;
	v29 =	vimm.s32 $0x0;
	v22 =	vmov v27  }
.LBB2_28:
0x264: {  	v1 =	vld [tilespmem:$0x3300]  }
0x265: {  	v2 =	vld [tilespmem:$0x3310];
	_ =	sdelay $0x3  }
0x266: {  	v1 =	vsub.f32 v1, v25  }
0x267: {  	v2 =	vsub.f32 v2, v25  }
0x268: {  	v1 =	vmul.f32 $1.442695020e+00, v1  }
0x269: {  	v2 =	vmul.f32 $1.442695020e+00, v2  }
0x26a: {  	(erf) = vpow2.f32 v1  }
0x26b: {  	(erf) = vpow2.f32 v2;
	_ =	sdelay $0x7  }
0x26c: {  	v1 =	vpop (erf)  }
0x26d: {  	v2 =	vpop (erf)  }
0x26e: {  	v3 =	vadd.f32 v2, v1;
	_ =	sdelay $0x1  }
0x26f: {  	(xrf2) =	vadd.scan.msk.f32 $0xffff, v3;
	_ =	sdelay $0x9  }
0x270: {  	v3, _, _ =	vpop (xrf2)  }
0x271: {  	[tilespmem:$0x3200] =	vst v3;
	v3 =	vimm.s32 $0xF;
	_ =	sdelay $0x4  }
0x272: {  	v3 =	vld.idx.msk [tilespmem:v3+s22+$0x0], $0xffff;
	_ =	sdelay $0x4  }
0x273: {  	(erf) = vrcp.f32 v3;
	_ =	sdelay $0x2  }
0x274: {  	v3 =	vld [tilespmem:$0x3380];
	_ =	sdelay $0x4  }
0x275: {  	v4 =	vshrl.u32 v3, $0x7  }
0x276: {  	v12 =	vand.u32 $0x1FFFF80, v4;
	v11 =	vpop (erf)  }
0x277: {  	v4 =	vand.u32 $0x7F, v4;
	v12 =	vadd.s32 v24, v12;
	v11 =	vmul.f32 $5.000000000e-01, v11  }
0x278: {  	v4 =	vor.u32 v4, v12  }
0x279: {  	v12 =	vld [tilespmem:$0x3390];
	v1 =	vmul.f32 v11, v1  }
0x27a: {  	v2 =	vmul.f32 v11, v2  }
0x27b: {  	[tilespmem:$0x3400] =	vst v1  }
0x27c: {  	s3 =	simm.s32 $0x0;
	[tilespmem:$0x3410] =	vst v2  }
0x27d: {  	v1 =	vld.idx.msk [tilespmem:v4+s3+$0x0], $0xffff  }
0x27e: {  	v2 =	vshrl.u32 v12, $0x7  }
0x27f: {  	v4 =	vand.u32 $0x1FFFF80, v2  }
0x280: {  	v2 =	vand.u32 $0x7F, v2;
	v4 =	vadd.s32 v24, v4  }
0x281: {  	v2 =	vor.u32 v2, v4  }
0x282: {  	v5 =	vld [tilespmem:$0x1FFD0];
	v4 =	vand.u32 $0x7F, v3;
	v1 =	vshll.u32 v1, $0x7  }
0x283: {  	v13 =	vld [tilespmem:$0x1FEA0];
	v1 =	vor.u32 v4, v1  }
0x284: {  	v11 =	vld [tilespmem:$0x1FFE0];
	v4 =	vshll.u32 v1, $0x1  }
0x285: {  	[tilespmem:$0x3480] =	vst v1;
	v1 =	vand.u32 $0x7, v3;
	v3 =	vand.u32 $0xFFFFFFF0, v4  }
0x286: {  	v2 =	vld.idx.msk [tilespmem:v2+s3+$0x0], $0xffff;
	v1 =	vor.u32 v1, v3  }
0x287: {  	v3 =	vperm.xlane v1, v5;
	_ =	sdelay $0x1  }
0x288: {  	v1 =	vperm.xlane v1, v13;
	v3 =	vadd.s32 v11, v3;
	_ =	sdelay $0x1  }
0x289: {  	v4 =	vand.u32 $0x7F, v12;
	v1 =	vadd.s32 v11, v1;
	v2 =	vshll.u32 v2, $0x7  }
0x28a: {  	v2 =	vor.u32 v4, v2  }
0x28b: {  	[tilespmem:$0x3490] =	vst v2  }
0x28c: {  	[tilespmem:s26], [sflag:$0x3] =	stream.indirect_vreg.gather [hbm4b:s2+s3], $0x80, v3, vm0, $0xb8;
	[tilespmem:$0x7500] =	vst v63  }
0x28d: {  	_ = 	snop  }
0x28e: {  	[tilespmem:s28], [sflag:$0x3] =	stream.indirect_vreg.gather [hbm4b:s2+s3], $0x80, v1, vm0, $0xb8;
	[tilespmem:$0x7500] =	vst v63  }
0x28f: {  	v1 =	vld [tilespmem:$0x3490];
	_ =	sdelay $0x4  }
0x290: {  	v2 =	vshll.u32 v1, $0x1  }
0x291: {  	v1 =	vand.u32 $0x7, v1;
	v2 =	vand.u32 $0xFFFFFFF0, v2  }
0x292: {  	v1 =	vor.u32 v1, v2  }
0x293: {  	v2 =	vperm.xlane v1, v5;
	_ =	sdelay $0x1  }
0x294: {  	v1 =	vperm.xlane v1, v13;
	v2 =	vadd.s32 v11, v2;
	_ =	sdelay $0x1  }
0x295: {  	v1 =	vadd.s32 v11, v1  }
0x296: {  	v3 =	vshll.u32 v23, $0x8  }
0x297: {  	v4 =	vand.u32 $0x380, v24;
	v3 =	vand.u32 $0x800, v3  }
0x298: {  	[tilespmem:s29], [sflag:$0x3] =	stream.indirect_vreg.gather [hbm4b:s2+s3], $0x80, v2, vm0, $0xb8;
	v2 =	vor.u32 v4, v3;
	[tilespmem:$0x7500] =	vst v63  }
0x299: {  	v11 =	vor.u32 v0, v2  }
0x29a: {  	v3 =	vor.u32 v34, v2;
	[tilespmem:s30], [sflag:$0x3] =	stream.indirect_vreg.gather [hbm4b:s2+s3], $0x80, v1, vm0, $0xb8;
	[tilespmem:$0x7500] =	vst v63  }
0x29b: {  	v4 =	vor.u32 v36, v2;
	_ =	swait.ge [sflag:s31], $0x2000  }
0x29c: {  	v5 =	vor.u32 v6, v2;
	[sflag:s31] =	ssyncset.done $0x0  }
0x29d: {  	v22 =	vor.u32 v7, v2;
	[sflag:s31] =	ssyncadd.s32 $0xFFFFE000  }
0x29e: {  	v14 =	vor.u32 v9, v2;
	v1 =	vld.idx.msk [tilespmem:v11+s13+$0x0], $0xffff  }
0x29f: {  	v12 =	vor.u32 v10, v2;
	[tilespmem:$0x1FD70] =	vst v3;
	v3 =	vld.idx.msk [tilespmem:v3+s13+$0x0], $0xffff  }
0x2a0: {  	v13 =	vor.u32 v37, v2;
	[tilespmem:$0x1FD80] =	vst v4;
	v4 =	vld.idx.msk [tilespmem:v4+s13+$0x0], $0xffff  }
0x2a1: {  	v25 =	vor.u32 v16, v2;
	[tilespmem:$0x1FD60] =	vst v11;
	v39 =	vld.idx.msk [tilespmem:v5+s13+$0x0], $0xffff  }
0x2a2: {  	v27 =	vor.u32 v19, v2;
	[tilespmem:$0x1FDA0] =	vst v22;
	v38 =	vld.idx.msk [tilespmem:v22+s13+$0x0], $0xffff  }
0x2a3: {  	v29 =	vor.u32 v20, v2;
	[tilespmem:$0x1FDC0] =	vst v14;
	v40 =	vld.idx.msk [tilespmem:v14+s13+$0x0], $0xffff  }
0x2a4: {  	v30 =	vor.u32 v21, v2;
	[tilespmem:$0x1FDD0] =	vst v12;
	v12 =	vld.idx.msk [tilespmem:v12+s13+$0x0], $0xffff  }
0x2a5: {  	v26 =	vor.u32 v18, v2;
	[tilespmem:$0x1FDE0] =	vst v13;
	v41 =	vld.idx.msk [tilespmem:v13+s13+$0x0], $0xffff  }
0x2a6: {  	[tilespmem:$0x1FE00] =	vst v25;
	v11 =	vor.u32 v8, v2;
	v13 =	vmov s3;
	v25 =	vld.idx.msk [tilespmem:v25+s13+$0x0], $0xffff  }
0x2a7: {  	[tilespmem:$0x1FE30] =	vst v27;
	v22 =	vor.u32 v15, v2;
	v27 =	vld.idx.msk [tilespmem:v27+s13+$0x0], $0xffff;
	v23 =	vshll.u32 v13, $0x8;
	v24 =	vshll.u32 v13, $0x7  }
0x2a8: {  	[tilespmem:$0x1FE40] =	vst v29;
	v14 =	vor.u32 v17, v2;
	v29 =	vld.idx.msk [tilespmem:v29+s13+$0x0], $0xffff;
	v2 =	vand.u32 $0x1800, v23;
	v23 =	vand.u32 $0x380, v24  }
0x2a9: {  	v44 =	vld.idx.msk [tilespmem:v30+s13+$0x0], $0xffff;
	v2 =	vor.u32 v23, v2  }
0x2aa: {  	[tilespmem:$0x1FE20] =	vst v26;
	v23 =	vld.idx.msk [tilespmem:v26+s13+$0x0], $0xffff;
	v26 =	vor.u32 v0, v2  }
0x2ab: {  	[tilespmem:$0x1FDB0] =	vst v11;
	v28 =	vor.u32 v34, v2;
	v11 =	vld.idx.msk [tilespmem:v11+s13+$0x0], $0xffff  }
0x2ac: {  	[tilespmem:$0x1FDF0] =	vst v22;
	v42 =	vor.u32 v36, v2;
	v22 =	vld.idx.msk [tilespmem:v22+s13+$0x0], $0xffff  }
0x2ad: {  	v45 =	vor.u32 v10, v2;
	v24 =	vld.idx.msk [tilespmem:v14+s13+$0x0], $0xffff  }
0x2ae: {  	v46 =	vor.u32 v19, v2;
	v43 =	vld.idx.msk [tilespmem:v13+s0+$0x0], $0xffff  }
0x2af: {  	v47 =	vor.u32 v8, v2;
	v26 =	vld.idx.msk [tilespmem:v26+s26+$0x0], $0xffff  }
0x2b0: {  	v49 =	vor.u32 v7, v2;
	v28 =	vld.idx.msk [tilespmem:v28+s26+$0x0], $0xffff  }
0x2b1: {  	v13 =	vor.u32 v21, v2;
	v42 =	vld.idx.msk [tilespmem:v42+s26+$0x0], $0xffff  }
0x2b2: {  	v51 =	vor.u32 v15, v2;
	v45 =	vld.idx.msk [tilespmem:v45+s26+$0x0], $0xffff  }
0x2b3: {  	v48 =	vor.u32 v16, v2;
	v52 =	vld.idx.msk [tilespmem:v46+s26+$0x0], $0xffff  }
0x2b4: {  	v50 =	vor.u32 v18, v2;
	v47 =	vld.idx.msk [tilespmem:v47+s26+$0x0], $0xffff  }
0x2b5: {  	s17 =	simm.s32 $0x1;
	[tilespmem:$0x1FE50] =	vst v30;
	v54 =	vor.u32 v6, v2;
	v53 =	vor.u32 v17, v2;
	v30 =	vld.idx.msk [tilespmem:v49+s26+$0x0], $0xffff  }
0x2b6: {  	v55 =	vor.u32 v9, v2;
	v49 =	vmov s17;
	v13 =	vld.idx.msk [tilespmem:v13+s26+$0x0], $0xffff;
	v26 =	vmul.f32 v26, v43  }
0x2b7: {  	v56 =	vor.u32 v20, v2;
	v2 =	vor.u32 v37, v2;
	v51 =	vld.idx.msk [tilespmem:v51+s26+$0x0], $0xffff;
	v63 =	vshll.u32 v49, $0x7  }
0x2b8: {  	[tilespmem:$0x1FD90] =	vst v5;
	v48 =	vld.idx.msk [tilespmem:v48+s26+$0x0], $0xffff;
	v28 =	vmul.f32 v28, v43;
	v46 =	vadd.f32 v26, v1;
	v26 =	vshll.u32 v49, $0x8  }
0x2b9: {  	[tilespmem:$0x1FE10] =	vst v14;
	v42 =	vmul.f32 v42, v43;
	v1 =	vld.idx.msk [tilespmem:v50+s26+$0x0], $0xffff;
	v50 =	vand.u32 $0x380, v63;
	v26 =	vand.u32 $0x1800, v26  }
0x2ba: {  	v58 =	vld.idx.msk [tilespmem:v53+s26+$0x0], $0xffff;
	v62 =	vmul.f32 v47, v43;
	v45 =	vmul.f32 v45, v43;
	v31 =	vor.u32 v50, v26  }
0x2bb: {  	v32 =	vld.idx.msk [tilespmem:v55+s26+$0x0], $0xffff;
	v13 =	vmul.f32 v13, v43;
	v53 =	vadd.f32 v42, v4;
	v57 =	vor.u32 v0, v31  }
0x2bc: {  	v60 =	vld.idx.msk [tilespmem:v2+s26+$0x0], $0xffff;
	v4 =	vmul.f32 v51, v43;
	v47 =	vadd.f32 v45, v12;
	v59 =	vor.u32 v34, v31  }
0x2bd: {  	v2 =	vld.idx.msk [tilespmem:v54+s26+$0x0], $0xffff;
	v54 =	vadd.f32 v62, v11;
	v42 =	vadd.f32 v13, v44;
	v63 =	vor.u32 v36, v31  }
0x2be: {  	v55 =	vld.idx.msk [tilespmem:v49+s0+$0x0], $0xffff;
	v26 =	vmul.f32 v52, v43;
	v52 =	vadd.f32 v28, v3;
	v3 =	vor.u32 v10, v31  }
0x2bf: {  	v50 =	vld.idx.msk [tilespmem:v56+s26+$0x0], $0xffff;
	v45 =	vadd.f32 v4, v22;
	v56 =	vor.u32 v6, v31;
	v13 =	vor.u32 v21, v31  }
0x2c0: {  	v61 =	vor.u32 v7, v31;
	v12 =	vor.u32 v8, v31;
	v4 =	vor.u32 v19, v31;
	v22 =	vld.idx.msk [tilespmem:v57+s26+$0x0], $0xffff  }
0x2c1: {  	v33 =	vor.u32 v16, v31;
	v44 =	vadd.f32 v26, v27;
	v26 =	vmul.f32 v48, v43;
	v28 =	vld.idx.msk [tilespmem:v59+s26+$0x0], $0xffff  }
0x2c2: {  	v11 =	vor.u32 v9, v31;
	v62 =	vor.u32 v20, v31;
	v1 =	vmul.f32 v1, v43;
	v63 =	vld.idx.msk [tilespmem:v63+s26+$0x0], $0xffff  }
0x2c3: {  	v27 =	vmul.f32 v58, v43;
	v48 =	vadd.f32 v26, v25;
	v25 =	vor.u32 v18, v31;
	v58 =	vld.idx.msk [tilespmem:v3+s26+$0x0], $0xffff  }
0x2c4: {  	v26 =	vor.u32 v17, v31;
	v51 =	vadd.f32 v1, v23;
	v3 =	vmul.f32 v50, v43;
	v59 =	vld.idx.msk [tilespmem:v13+s26+$0x0], $0xffff  }
0x2c5: {  	v23 =	vor.u32 v37, v31;
	v50 =	vadd.f32 v27, v24;
	v13 =	vmul.f32 v32, v43;
	v1 =	vld.idx.msk [tilespmem:v4+s26+$0x0], $0xffff  }
0x2c6: {  	v49 =	vadd.f32 v3, v29;
	v29 =	vmul.f32 v2, v43;
	v27 =	vmul.f32 v22, v55;
	v22 =	vld.idx.msk [tilespmem:v12+s26+$0x0], $0xffff  }
0x2c7: {  	s3 =	simm.s32 $0x2;
	v57 =	vor.u32 v15, v31;
	v24 =	vmul.f32 v28, v55;
	v12 =	vld.idx.msk [tilespmem:v33+s26+$0x0], $0xffff;
	v28 =	vmul.f32 v30, v43  }
.LBB2_29:
0x2c8: {  	v46 =	vadd.f32 v27, v46  }
0x2c9: {  	v39 =	vadd.f32 v29, v39;
	v3 =	vmul.f32 v60, v43;
	s7 =	smov.u32 s3;
	v27 =	vmul.f32 v63, v55  }
0x2ca: {  	p0 =	sne.s32 s3, $0x1F;
	v2 =	vld.idx.msk [tilespmem:v61+s26+$0x0], $0xffff;
	s3 =	sadd.s32 $0x1, s3;
	v43 =	vmovc v55;
	v40 =	vadd.f32 v13, v40;
	v4 =	vmov s7;
	v38 =	vadd.f32 v28, v38  }
0x2cb: {  	v25 =	vld.idx.msk [tilespmem:v25+s26+$0x0], $0xffff;
	v52 =	vadd.f32 v24, v52;
	v58 =	vmul.f32 v58, v43;
	v28 =	vshll.u32 v4, $0x8  }
0x2cc: {  	v29 =	vshll.u32 v4, $0x7;
	v26 =	vld.idx.msk [tilespmem:v26+s26+$0x0], $0xffff;
	v41 =	vadd.f32 v3, v41;
	v1 =	vmul.f32 v1, v43  }
0x2cd: {  	v5 =	vmovc v34;
	v53 =	vadd.f32 v27, v53;
	v3 =	vand.u32 $0x1800, v28;
	v28 =	vand.u32 $0x380, v29;
	v29 =	vld.idx.msk [tilespmem:v62+s26+$0x0], $0xffff  }
0x2ce: {  	v22 =	vmul.f32 v22, v43;
	v3 =	vor.u32 v28, v3;
	v13 =	vld.idx.msk [tilespmem:v11+s26+$0x0], $0xffff;
	v28 =	vmul.f32 v59, v43  }
0x2cf: {  	v47 =	vadd.f32 v58, v47;
	v11 =	vor.u32 v0, v3;
	v30 =	vor.u32 v34, v3;
	v31 =	vld.idx.msk [tilespmem:v57+s26+$0x0], $0xffff  }
0x2d0: {  	v12 =	vmul.f32 v12, v43;
	v32 =	vor.u32 v36, v3;
	v33 =	vor.u32 v6, v3;
	v60 =	vld.idx.msk [tilespmem:v23+s26+$0x0], $0xffff  }
0x2d1: {  	v61 =	vor.u32 v7, v3;
	v59 =	vor.u32 v10, v3;
	v23 =	vor.u32 v8, v3;
	v24 =	vld.idx.msk [tilespmem:v56+s26+$0x0], $0xffff  }
0x2d2: {  	v14 =	vmovc v10;
	v57 =	vor.u32 v15, v3;
	v62 =	vor.u32 v20, v3;
	v10 =	vmovc v9;
	v56 =	vmov v33  }
0x2d3: {  	v34 =	vmul.f32 v25, v43;
	v33 =	vor.u32 v21, v3;
	v55 =	vld.idx.msk [tilespmem:v4+s0+$0x0], $0xffff;
	v4 =	vor.u32 v19, v3  }
0x2d4: {  	v35 =	vld.idx.msk [tilespmem:v11+s26+$0x0], $0xffff;
	v11 =	vor.u32 v9, v3;
	v9 =	vmovc v8;
	v8 =	vmovc v7;
	v7 =	vmov v6;
	v6 =	vmov v36  }
0x2d5: {  	v36 =	vor.u32 v16, v3;
	v27 =	vmul.f32 v31, v43;
	v31 =	vmul.f32 v26, v43;
	v30 =	vld.idx.msk [tilespmem:v30+s26+$0x0], $0xffff  }
0x2d6: {  	v44 =	vadd.f32 v1, v44;
	v25 =	vor.u32 v18, v3;
	v42 =	vadd.f32 v28, v42;
	v63 =	vld.idx.msk [tilespmem:v32+s26+$0x0], $0xffff  }
0x2d7: {  	v54 =	vadd.f32 v22, v54;
	v13 =	vmul.f32 v13, v43;
	v45 =	vadd.f32 v27, v45;
	v58 =	vld.idx.msk [tilespmem:v59+s26+$0x0], $0xffff  }
.Ltmp19:
0x2d8: {  	v48 =	vadd.f32 v12, v48;
	v51 =	vadd.f32 v34, v51;
	v26 =	vor.u32 v17, v3;
	v59 =	vld.idx.msk [tilespmem:v33+s26+$0x0], $0xffff;
	(pc) =	sbr.rel @p0 .LBB2_29-.Ltmp19, $4  }
0x2d9: {  	v34 =	vmov v5;
	v50 =	vadd.f32 v31, v50;
	v1 =	vld.idx.msk [tilespmem:v4+s26+$0x0], $0xffff;
	v4 =	vmul.f32 v29, v43  }
0x2da: {  	v27 =	vmul.f32 v35, v55;
	v29 =	vmul.f32 v24, v43;
	v22 =	vld.idx.msk [tilespmem:v23+s26+$0x0], $0xffff;
	v23 =	vor.u32 v37, v3  }
0x2db: {  	v28 =	vmul.f32 v2, v43;
	v24 =	vmul.f32 v30, v55;
	v12 =	vld.idx.msk [tilespmem:v36+s26+$0x0], $0xffff;
	v36 =	vmovc v6;
	v6 =	vmov v7  }
0x2dc: {  	v7 =	vmovc v8;
	v8 =	vmovc v9;
	v9 =	vmov v10;
	v10 =	vmov v14;
	v49 =	vadd.f32 v4, v49  }
0x2dd: {  	_ =	sdelay $0x3  }
0x2de: {  	v2 =	vld.idx.msk [tilespmem:v61+s26+$0x0], $0xffff  }
0x2df: {  	v5 =	vld [tilespmem:$0x1FD60]  }
0x2e0: {  	v3 =	vld.idx.msk [tilespmem:v25+s26+$0x0], $0xffff  }
0x2e1: {  	v4 =	vld.idx.msk [tilespmem:v56+s26+$0x0], $0xffff  }
0x2e2: {  	v14 =	vld.idx.msk [tilespmem:v26+s26+$0x0], $0xffff  }
0x2e3: {  	v16 =	vld.idx.msk [tilespmem:v62+s26+$0x0], $0xffff  }
0x2e4: {  	v11 =	vld.idx.msk [tilespmem:v11+s26+$0x0], $0xffff  }
0x2e5: {  	v17 =	vadd.f32 v27, v46;
	v21 =	vld.idx.msk [tilespmem:v57+s26+$0x0], $0xffff  }
0x2e6: {  	v23 =	vld.idx.msk [tilespmem:v23+s26+$0x0], $0xffff  }
0x2e7: {  	[tilespmem:v5+s1+$0x0] =	vst.idx.msk $0xffff, v17;
	v5 =	vld [tilespmem:$0x1FD70];
	_ =	sdelay $0x5  }
0x2e8: {  	v24 =	vadd.f32 v24, v52;
	_ =	sdelay $0x1  }
0x2e9: {  	[tilespmem:v5+s1+$0x0] =	vst.idx.msk $0xffff, v24;
	v5 =	vld [tilespmem:$0x1FD80];
	_ =	sdelay $0x3  }
0x2ea: {  	v19 =	vmul.f32 v63, v55;
	_ =	sdelay $0x1  }
0x2eb: {  	v19 =	vadd.f32 v19, v53;
	_ =	sdelay $0x1  }
0x2ec: {  	[tilespmem:v5+s1+$0x0] =	vst.idx.msk $0xffff, v19;
	v5 =	vld [tilespmem:$0x1FD90];
	_ =	sdelay $0x3  }
0x2ed: {  	v18 =	vadd.f32 v29, v39;
	v4 =	vmul.f32 v4, v55;
	_ =	sdelay $0x1  }
0x2ee: {  	v4 =	vadd.f32 v4, v18;
	_ =	sdelay $0x1  }
0x2ef: {  	[tilespmem:v5+s1+$0x0] =	vst.idx.msk $0xffff, v4;
	v5 =	vld [tilespmem:$0x1FDA0];
	_ =	sdelay $0x3  }
0x2f0: {  	v20 =	vadd.f32 v28, v38;
	v2 =	vmul.f32 v2, v55;
	_ =	sdelay $0x1  }
0x2f1: {  	v2 =	vadd.f32 v2, v20;
	_ =	sdelay $0x1  }
0x2f2: {  	[tilespmem:v5+s1+$0x0] =	vst.idx.msk $0xffff, v2;
	v5 =	vld [tilespmem:$0x1FDB0];
	_ =	sdelay $0x3  }
0x2f3: {  	v61 =	vmul.f32 v22, v55;
	_ =	sdelay $0x1  }
0x2f4: {  	v17 =	vadd.f32 v61, v54;
	_ =	sdelay $0x1  }
0x2f5: {  	[tilespmem:v5+s1+$0x0] =	vst.idx.msk $0xffff, v17;
	v5 =	vld [tilespmem:$0x1FDC0];
	_ =	sdelay $0x3  }
0x2f6: {  	v13 =	vadd.f32 v13, v40;
	v11 =	vmul.f32 v11, v55;
	_ =	sdelay $0x1  }
0x2f7: {  	v11 =	vadd.f32 v11, v13;
	_ =	sdelay $0x1  }
0x2f8: {  	[tilespmem:v5+s1+$0x0] =	vst.idx.msk $0xffff, v11;
	v5 =	vld [tilespmem:$0x1FDD0];
	_ =	sdelay $0x3  }
0x2f9: {  	v62 =	vmul.f32 v58, v55;
	_ =	sdelay $0x1  }
0x2fa: {  	v63 =	vadd.f32 v62, v47;
	_ =	sdelay $0x1  }
0x2fb: {  	[tilespmem:v5+s1+$0x0] =	vst.idx.msk $0xffff, v63;
	v5 =	vld [tilespmem:$0x1FDE0];
	_ =	sdelay $0x1  }
0x2fc: {  	v15 =	vmul.f32 v60, v43;
	_ =	sdelay $0x1  }
0x2fd: {  	v15 =	vadd.f32 v15, v41;
	v4 =	vmul.f32 v23, v55;
	_ =	sdelay $0x1  }
0x2fe: {  	v4 =	vadd.f32 v4, v15;
	_ =	sdelay $0x1  }
0x2ff: {  	[tilespmem:v5+s1+$0x0] =	vst.idx.msk $0xffff, v4;
	v5 =	vld [tilespmem:$0x1FDF0];
	_ =	sdelay $0x3  }
0x300: {  	v2 =	vmul.f32 v21, v55;
	_ =	sdelay $0x1  }
0x301: {  	v2 =	vadd.f32 v2, v45;
	_ =	sdelay $0x1  }
0x302: {  	[tilespmem:v5+s1+$0x0] =	vst.idx.msk $0xffff, v2;
	v5 =	vld [tilespmem:$0x1FE00];
	_ =	sdelay $0x3  }
0x303: {  	v12 =	vmul.f32 v12, v55;
	_ =	sdelay $0x1  }
0x304: {  	v12 =	vadd.f32 v12, v48;
	_ =	sdelay $0x1  }
0x305: {  	[tilespmem:v5+s1+$0x0] =	vst.idx.msk $0xffff, v12;
	v5 =	vld [tilespmem:$0x1FE10];
	_ =	sdelay $0x3  }
0x306: {  	v11 =	vmul.f32 v14, v55;
	_ =	sdelay $0x1  }
0x307: {  	v4 =	vadd.f32 v11, v50;
	_ =	sdelay $0x1  }
0x308: {  	[tilespmem:v5+s1+$0x0] =	vst.idx.msk $0xffff, v4;
	v4 =	vld [tilespmem:$0x1FE20];
	_ =	sdelay $0x3  }
0x309: {  	v3 =	vmul.f32 v3, v55;
	_ =	sdelay $0x1  }
0x30a: {  	v2 =	vadd.f32 v3, v51;
	_ =	sdelay $0x1  }
0x30b: {  	[tilespmem:v4+s1+$0x0] =	vst.idx.msk $0xffff, v2;
	v4 =	vld [tilespmem:$0x1FE30];
	_ =	sdelay $0x3  }
0x30c: {  	v1 =	vmul.f32 v1, v55;
	_ =	sdelay $0x1  }
0x30d: {  	v1 =	vadd.f32 v1, v44;
	_ =	sdelay $0x1  }
0x30e: {  	[tilespmem:v4+s1+$0x0] =	vst.idx.msk $0xffff, v1;
	v1 =	vld [tilespmem:$0x1FE40];
	_ =	sdelay $0x3  }
0x30f: {  	v3 =	vmul.f32 v16, v55;
	_ =	sdelay $0x1  }
0x310: {  	v3 =	vadd.f32 v3, v49;
	_ =	sdelay $0x1  }
0x311: {  	[tilespmem:v1+s1+$0x0] =	vst.idx.msk $0xffff, v3;
	v1 =	vld [tilespmem:$0x1FE50];
	_ =	sdelay $0x1  }
0x312: {  	s8 =	sadd.s32 $0x1, s8  }
0x313: {  	p0 =	sne.s32 s8, $0x8  }
.Ltmp20:
0x314: {  	v11 =	vmul.f32 v59, v55;
	(pc) =	sbr.rel @p0 .LBB2_2-.Ltmp20, $3  }
0x315: {  	_ = 	snop  }
0x316: {  	v2 =	vadd.f32 v11, v42;
	_ =	sdelay $0x1  }
0x317: {  	v4 =	vimm.s32 $0x0;
	v3 =	vimm.f32 $-3.000000010e+38;
	[tilespmem:v1+s1+$0x0] =	vst.idx.msk $0xffff, v2  }
0x318: {  	_ =	swait.ge [sflag:s19], $0x1000  }
0x319: {  	s8 =	simm.s32 $0x0;
	[sflag:s19] =	ssyncset.done $0x0  }
0x31a: {  	s7 =	simm.s32 $0x4;
	s3 =	rddreg [dreg:$0x6];
	[sflag:s19] =	ssyncadd.s32 $0xFFFFF000  }
0x31b: {  	[hbm4b:s3+s8] =	stream.linear.scatter [tilespmem:s1], [sflag:$0x4], $0x1000, $0x38;
	[tilespmem:$0x7500] =	vst v63  }
0x31c: {  	_ =	swait.ge [sflag:s7], $0x1000  }
0x31d: {  	s9 =	rddreg [dreg:$0x8]  }
0x31e: {  	s17 =	rddreg [dreg:$0x7];
	s9 =	sadd.s32 $0x1, s9  }
0x31f: {  	p0 =	sne.s32 s9, s17  }
.Ltmp21:
0x320: {  	_ = 	snop;
	(pc) =	sbr.rel @p0 .LBB2_1-.Ltmp21, $3  }
0x321: {  	_ =	sdelay $0x1  }
0x322: {  	[sflag:s7] =	ssyncset.done $0x0  }
0x323: {  	[sflag:s7] =	ssyncadd.s32 $0xFFFFF000  }
0x324: {  	_ =	sfence.sel $0x180000  }
0x325: {  	[bflag:$0x0] =	sbarrier.arrive $0xFFFF  }
0x326: {  	_ =	strace $0x90000047  }
0x327: {  	s0 =	stileid.u32;
	[bflag:$0x2] =	sbarrier.arrive $0xFFFF  }
0x328: {  	p0 =	sne.s32 s0, $0x0;
	s0 =	rddreg [dreg:$0x2]  }
0x329: {  	s0 =	sadd.s32 @!p0 $0x100000, s0  }
0x32a: {  	[sflag:s0] =	ssyncadd.tile.s32 @!p0 $0x1;
	_ =	shalt  }
.Lfunc_end2:
_tile_overlayer_lowered:
.L_overlay_start_2:
0x32b: {  	(tag) =	ssettag $0x2  }
0x32c: {  	s0 =	rddreg [dreg:$0x0];
	s2 =	stileid.u32  }
0x32d: {  	s1 =	rddreg [dreg:$0x1];
	p0 =	sne.s32 s2, $0x0  }
0x32e: {  	s3 =	rddreg [dreg:$0x2];
	[bflag:$0x3] =	sbarrier.arrive $0xFFFF;
	s2 =	simm.s32 @!p0 $0x1C04  }
0x32f: {  	[timem:s3], [sflag:s2] =	dma.local @!p0 [hbm:s0], s1  }
0x330: {  	s0 =	simm.s32 @!p0 $0x4  }
0x331: {  	_ =	swait.ge @!p0 [sflag:s0], s1  }
0x332: {  	s1 =	ssub.s32 @!p0 $0x0, s1;
	[sflag:s0] =	ssyncset.done @!p0 $0x0  }
0x333: {  	[sflag:s0] =	ssyncadd.s32 @!p0 s1  }
0x334: {  	[bflag:$0x3] =	sbarrier.arrive $0xFFFF  }
0x335: {  	_ =	shalt  }

</sc_bundles>
